<compile_context>
chip_gen: v7x
topology: tpu7x:2x2x1
jax: 0.10.2.dev20260603
libtpu: 0.0.44.dev20260713+nightly
codegen_flags: <defaults>
</compile_context>

<pallas_src>
import jax
import jax.numpy as jnp
from jax import lax
from jax.experimental import pallas as pl
from jax.experimental.pallas import tpu as pltpu
from jax.experimental.pallas import tpu_sc as plsc

_NC = 2
_NS = 16
_NW = _NC * _NS
_H = 16


def _emb_body(ids_hbm, wte_hbm, wpe_hbm, out_hbm,
              idx_all, wpe_v, gbuf0, gbuf1, obuf0, obuf1,
              gs0, gs1, ws0, ws1, isem):
    B, _ = ids_hbm.shape
    P, D = wpe_v.shape
    wid = lax.axis_index("s") * _NC + lax.axis_index("c")
    p0 = wid * P
    idx_copies = [
        pltpu.make_async_copy(ids_hbm.at[b, pl.ds(p0, P)], idx_all.at[b], isem)
        for b in range(B)
    ]
    for c in idx_copies:
        c.start()
    pltpu.sync_copy(wpe_hbm.at[pl.ds(p0, P)], wpe_v)
    for c in idx_copies:
        c.wait()

    gbufs = (gbuf0, gbuf1)
    obufs = (obuf0, obuf1)
    gsems = (gs0, gs1)
    wsems = (ws0, ws1)

    def gather(k, r):
        idx = idx_all.at[k, pl.ds(r * _H, _H)]
        return pltpu.make_async_copy(wte_hbm.at[idx], gbufs[r], gsems[r])

    def write(k, r):
        dst = out_hbm.at[k, pl.ds(p0 + r * _H, _H)]
        return pltpu.make_async_copy(obufs[r], dst, wsems[r])

    def add_rows(r):
        g, o = gbufs[r], obufs[r]

        def row_body(i, c):
            for j in range(D // 16):
                sl = pl.ds(j * 16, 16)
                o[i, sl] = g[i, sl] + wpe_v[r * _H + i, sl]
            return c

        lax.fori_loop(0, _H, row_body, 0)

    gather(0, 0).start()
    gather(0, 1).start()

    def batch_body(k, carry):
        for r in range(2):
            gather(k, r).wait()

            @pl.when(k > 0)
            def _():
                write(k - 1, r).wait()

            add_rows(r)
            write(k, r).start()

            @pl.when(k < B - 1)
            def _():
                gather(k + 1, r).start()

        return carry

    lax.fori_loop(0, B, batch_body, 0)
    write(B - 1, 0).wait()
    write(B - 1, 1).wait()


def kernel(input_ids, wte, wpe):
    B, S = input_ids.shape
    V, D = wte.shape
    P = S // _NW
    mesh = plsc.VectorSubcoreMesh(
        core_axis_name="c", subcore_axis_name="s",
        num_cores=_NC, num_subcores=_NS,
    )
    f = pl.kernel(
        _emb_body,
        out_type=jax.ShapeDtypeStruct((B, S, D), jnp.float32),
        mesh=mesh,
        scratch_types=[
            pltpu.VMEM((B, P), jnp.int32),
            pltpu.VMEM((P, D), jnp.float32),
            pltpu.VMEM((_H, D), jnp.float32),
            pltpu.VMEM((_H, D), jnp.float32),
            pltpu.VMEM((_H, D), jnp.float32),
            pltpu.VMEM((_H, D), jnp.float32),
            pltpu.SemaphoreType.DMA,
            pltpu.SemaphoreType.DMA,
            pltpu.SemaphoreType.DMA,
            pltpu.SemaphoreType.DMA,
            pltpu.SemaphoreType.DMA,
        ],
    )
    return f(input_ids.astype(jnp.int32), wte, wpe)

# --- scband reference (transcript-rebuilt; emitter-appended) ---
"""Pipeline reference for scband-gpt2-embeddings-26980984554195 (READ-ONLY COPY).

The authoritative reference and input builder live on the scoring server;
editing this copy changes nothing except your own understanding.
"""

import jax, jax.numpy as jnp
import numpy as np

VOCAB = 50257
N_POS = 1024
N_EMBD = 1280
BATCH = 32
SEQ = 1024

def setup_inputs(seed: int = 0) -> dict:
    key = jax.random.key(seed)
    k1, k2, k3 = jax.random.split(key, 3)
    input_ids = jax.random.randint(k1, (BATCH, SEQ), 0, VOCAB, dtype=jnp.int64 if jax.config.jax_enable_x64 else jnp.int32)
    wte = jax.random.normal(k2, (VOCAB, N_EMBD), dtype=jnp.float32) * 0.02
    wpe = jax.random.normal(k3, (N_POS, N_EMBD), dtype=jnp.float32) * 0.02
    return {"input_ids": input_ids, "wte": wte, "wpe": wpe}

def reference(input_ids, wte, wpe):
    batch, seq = input_ids.shape
    position_ids = jnp.arange(seq)[None, :]  # [1, seq]
    inputs_embeds = jnp.take(wte, input_ids, axis=0)          # [B, S, D]
    position_embeds = jnp.take(wpe, position_ids, axis=0)     # [1, S, D]
    hidden_states = inputs_embeds + position_embeds
    # dropout is identity in eval mode
    return hidden_states

if __name__ == "__main__":
    import jax
    _d = setup_inputs()
    print(jax.jit(kernel)(*tuple(_d.values())))

</pallas_src>

<mosaic_0001>
#map = affine_map<(d0, d1) -> (0, 0)>
#map1 = affine_map<(d0, d1) -> (0, 0, 0)>
module attributes {stable_mosaic.version = 14 : i64} {
  func.func @_emb_body(%arg0: i32, %arg1: i32, %arg2: memref<32x1024xi32, #tpu.memory_space<hbm>>, %arg3: memref<50257x1280xf32, #tpu.memory_space<hbm>>, %arg4: memref<1024x1280xf32, #tpu.memory_space<hbm>>, %arg5: memref<32x1024x1280xf32, #tpu.memory_space<hbm>>, %arg6: memref<32x32xi32, #tpu.memory_space<vmem>>, %arg7: memref<32x1280xf32, #tpu.memory_space<vmem>>, %arg8: memref<16x1280xf32, #tpu.memory_space<vmem>>, %arg9: memref<16x1280xf32, #tpu.memory_space<vmem>>, %arg10: memref<16x1280xf32, #tpu.memory_space<vmem>>, %arg11: memref<16x1280xf32, #tpu.memory_space<vmem>>, %arg12: memref<!tpu.dma_semaphore, #tpu.memory_space<semaphore_mem>>, %arg13: memref<!tpu.dma_semaphore, #tpu.memory_space<semaphore_mem>>, %arg14: memref<!tpu.dma_semaphore, #tpu.memory_space<semaphore_mem>>, %arg15: memref<!tpu.dma_semaphore, #tpu.memory_space<semaphore_mem>>, %arg16: memref<!tpu.dma_semaphore, #tpu.memory_space<semaphore_mem>>) attributes {dimension_semantics = [#tpu.dimension_semantics<core_parallel>, #tpu.dimension_semantics<subcore_parallel>], iteration_bounds = array<i64: 2, 16>, scalar_prefetch = 0 : i64, scratch_operands = 11 : i64, tpu.core_type = #tpu.core_type<sc_vector_subcore>, window_params = [{transform_indices = #map}, {transform_indices = #map}, {transform_indices = #map}, {transform_indices = #map1}]} {
    %mul3A = arith.constant 2 : i32
    %mul3A_0 = arith.muli %arg1, %mul3A : i32
    %add3A = arith.addi %mul3A_0, %arg0 : i32
    %mul3A_1 = arith.constant 32 : i32
    %mul3A_2 = arith.muli %add3A, %mul3A_1 : i32
    %dma_start3A = arith.constant 0 : i32
    %dma_start3A_3 = arith.constant 0 : i32
    %dma_start3A_4 = arith.constant 0 : i32
    %dma_start3A_5 = tpu.memref_slice %arg6[%dma_start3A_3, %dma_start3A_4] : memref<32x32xi32, #tpu.memory_space<vmem>> -> memref<1x32xi32, #tpu.memory_space<vmem>>
    %dma_start3A_6 = tpu.memref_squeeze %dma_start3A_5 : memref<1x32xi32, #tpu.memory_space<vmem>> -> memref<32xi32, #tpu.memory_space<vmem>>
    %dma_start3A_7 = tpu.memref_slice %arg2[%dma_start3A, %mul3A_2] : memref<32x1024xi32, #tpu.memory_space<hbm>> -> memref<1x32xi32, #tpu.memory_space<hbm>>
    %dma_start3A_8 = tpu.memref_squeeze %dma_start3A_7 : memref<1x32xi32, #tpu.memory_space<hbm>> -> memref<32xi32, #tpu.memory_space<hbm>>
    %dma_start3A_9 = arith.constant 0 : i32
    %dma_start3A_10 = tpu.memref_slice %arg6[%dma_start3A_3, %dma_start3A_9] : memref<32x32xi32, #tpu.memory_space<vmem>> -> memref<1x32xi32, #tpu.memory_space<vmem>>
    %dma_start3A_11 = tpu.memref_squeeze %dma_start3A_10 : memref<1x32xi32, #tpu.memory_space<vmem>> -> memref<32xi32, #tpu.memory_space<vmem>>
    %dma_start3A_12 = tpu.memref_slice %arg2[%dma_start3A, %mul3A_2] : memref<32x1024xi32, #tpu.memory_space<hbm>> -> memref<1x32xi32, #tpu.memory_space<hbm>>
    %dma_start3A_13 = tpu.memref_squeeze %dma_start3A_12 : memref<1x32xi32, #tpu.memory_space<hbm>> -> memref<32xi32, #tpu.memory_space<hbm>>
    tpu.enqueue_dma source(%dma_start3A_13 : memref<32xi32, #tpu.memory_space<hbm>>) target(%dma_start3A_11 : memref<32xi32, #tpu.memory_space<vmem>>) target_semaphore(%arg16 : memref<!tpu.dma_semaphore, #tpu.memory_space<semaphore_mem>>)
    %dma_start3A_14 = arith.constant 1 : i32
    %dma_start3A_15 = arith.constant 1 : i32
    %dma_start3A_16 = arith.constant 0 : i32
    %dma_start3A_17 = tpu.memref_slice %arg6[%dma_start3A_15, %dma_start3A_16] : memref<32x32xi32, #tpu.memory_space<vmem>> -> memref<1x32xi32, #tpu.memory_space<vmem>>
    %dma_start3A_18 = tpu.memref_squeeze %dma_start3A_17 : memref<1x32xi32, #tpu.memory_space<vmem>> -> memref<32xi32, #tpu.memory_space<vmem>>
    %dma_start3A_19 = tpu.memref_slice %arg2[%dma_start3A_14, %mul3A_2] : memref<32x1024xi32, #tpu.memory_space<hbm>> -> memref<1x32xi32, #tpu.memory_space<hbm>>
    %dma_start3A_20 = tpu.memref_squeeze %dma_start3A_19 : memref<1x32xi32, #tpu.memory_space<hbm>> -> memref<32xi32, #tpu.memory_space<hbm>>
    %dma_start3A_21 = arith.constant 0 : i32
    %dma_start3A_22 = tpu.memref_slice %arg6[%dma_start3A_15, %dma_start3A_21] : memref<32x32xi32, #tpu.memory_space<vmem>> -> memref<1x32xi32, #tpu.memory_space<vmem>>
    %dma_start3A_23 = tpu.memref_squeeze %dma_start3A_22 : memref<1x32xi32, #tpu.memory_space<vmem>> -> memref<32xi32, #tpu.memory_space<vmem>>
    %dma_start3A_24 = tpu.memref_slice %arg2[%dma_start3A_14, %mul3A_2] : memref<32x1024xi32, #tpu.memory_space<hbm>> -> memref<1x32xi32, #tpu.memory_space<hbm>>
    %dma_start3A_25 = tpu.memref_squeeze %dma_start3A_24 : memref<1x32xi32, #tpu.memory_space<hbm>> -> memref<32xi32, #tpu.memory_space<hbm>>
    tpu.enqueue_dma source(%dma_start3A_25 : memref<32xi32, #tpu.memory_space<hbm>>) target(%dma_start3A_23 : memref<32xi32, #tpu.memory_space<vmem>>) target_semaphore(%arg16 : memref<!tpu.dma_semaphore, #tpu.memory_space<semaphore_mem>>)
    %dma_start3A_26 = arith.constant 2 : i32
    %dma_start3A_27 = arith.constant 2 : i32
    %dma_start3A_28 = arith.constant 0 : i32
    %dma_start3A_29 = tpu.memref_slice %arg6[%dma_start3A_27, %dma_start3A_28] : memref<32x32xi32, #tpu.memory_space<vmem>> -> memref<1x32xi32, #tpu.memory_space<vmem>>
    %dma_start3A_30 = tpu.memref_squeeze %dma_start3A_29 : memref<1x32xi32, #tpu.memory_space<vmem>> -> memref<32xi32, #tpu.memory_space<vmem>>
    %dma_start3A_31 = tpu.memref_slice %arg2[%dma_start3A_26, %mul3A_2] : memref<32x1024xi32, #tpu.memory_space<hbm>> -> memref<1x32xi32, #tpu.memory_space<hbm>>
    %dma_start3A_32 = tpu.memref_squeeze %dma_start3A_31 : memref<1x32xi32, #tpu.memory_space<hbm>> -> memref<32xi32, #tpu.memory_space<hbm>>
    %dma_start3A_33 = arith.constant 0 : i32
    %dma_start3A_34 = tpu.memref_slice %arg6[%dma_start3A_27, %dma_start3A_33] : memref<32x32xi32, #tpu.memory_space<vmem>> -> memref<1x32xi32, #tpu.memory_space<vmem>>
    %dma_start3A_35 = tpu.memref_squeeze %dma_start3A_34 : memref<1x32xi32, #tpu.memory_space<vmem>> -> memref<32xi32, #tpu.memory_space<vmem>>
    %dma_start3A_36 = tpu.memref_slice %arg2[%dma_start3A_26, %mul3A_2] : memref<32x1024xi32, #tpu.memory_space<hbm>> -> memref<1x32xi32, #tpu.memory_space<hbm>>
    %dma_start3A_37 = tpu.memref_squeeze %dma_start3A_36 : memref<1x32xi32, #tpu.memory_space<hbm>> -> memref<32xi32, #tpu.memory_space<hbm>>
    tpu.enqueue_dma source(%dma_start3A_37 : memref<32xi32, #tpu.memory_space<hbm>>) target(%dma_start3A_35 : memref<32xi32, #tpu.memory_space<vmem>>) target_semaphore(%arg16 : memref<!tpu.dma_semaphore, #tpu.memory_space<semaphore_mem>>)
    %dma_start3A_38 = arith.constant 3 : i32
    %dma_start3A_39 = arith.constant 3 : i32
    %dma_start3A_40 = arith.constant 0 : i32
    %dma_start3A_41 = tpu.memref_slice %arg6[%dma_start3A_39, %dma_start3A_40] : memref<32x32xi32, #tpu.memory_space<vmem>> -> memref<1x32xi32, #tpu.memory_space<vmem>>
    %dma_start3A_42 = tpu.memref_squeeze %dma_start3A_41 : memref<1x32xi32, #tpu.memory_space<vmem>> -> memref<32xi32, #tpu.memory_space<vmem>>
    %dma_start3A_43 = tpu.memref_slice %arg2[%dma_start3A_38, %mul3A_2] : memref<32x1024xi32, #tpu.memory_space<hbm>> -> memref<1x32xi32, #tpu.memory_space<hbm>>
    %dma_start3A_44 = tpu.memref_squeeze %dma_start3A_43 : memref<1x32xi32, #tpu.memory_space<hbm>> -> memref<32xi32, #tpu.memory_space<hbm>>
    %dma_start3A_45 = arith.constant 0 : i32
    %dma_start3A_46 = tpu.memref_slice %arg6[%dma_start3A_39, %dma_start3A_45] : memref<32x32xi32, #tpu.memory_space<vmem>> -> memref<1x32xi32, #tpu.memory_space<vmem>>
    %dma_start3A_47 = tpu.memref_squeeze %dma_start3A_46 : memref<1x32xi32, #tpu.memory_space<vmem>> -> memref<32xi32, #tpu.memory_space<vmem>>
    %dma_start3A_48 = tpu.memref_slice %arg2[%dma_start3A_38, %mul3A_2] : memref<32x1024xi32, #tpu.memory_space<hbm>> -> memref<1x32xi32, #tpu.memory_space<hbm>>
    %dma_start3A_49 = tpu.memref_squeeze %dma_start3A_48 : memref<1x32xi32, #tpu.memory_space<hbm>> -> memref<32xi32, #tpu.memory_space<hbm>>
    tpu.enqueue_dma source(%dma_start3A_49 : memref<32xi32, #tpu.memory_space<hbm>>) target(%dma_start3A_47 : memref<32xi32, #tpu.memory_space<vmem>>) target_semaphore(%arg16 : memref<!tpu.dma_semaphore, #tpu.memory_space<semaphore_mem>>)
    %dma_start3A_50 = arith.constant 4 : i32
    %dma_start3A_51 = arith.constant 4 : i32
    %dma_start3A_52 = arith.constant 0 : i32
    %dma_start3A_53 = tpu.memref_slice %arg6[%dma_start3A_51, %dma_start3A_52] : memref<32x32xi32, #tpu.memory_space<vmem>> -> memref<1x32xi32, #tpu.memory_space<vmem>>
    %dma_start3A_54 = tpu.memref_squeeze %dma_start3A_53 : memref<1x32xi32, #tpu.memory_space<vmem>> -> memref<32xi32, #tpu.memory_space<vmem>>
    %dma_start3A_55 = tpu.memref_slice %arg2[%dma_start3A_50, %mul3A_2] : memref<32x1024xi32, #tpu.memory_space<hbm>> -> memref<1x32xi32, #tpu.memory_space<hbm>>
    %dma_start3A_56 = tpu.memref_squeeze %dma_start3A_55 : memref<1x32xi32, #tpu.memory_space<hbm>> -> memref<32xi32, #tpu.memory_space<hbm>>
    %dma_start3A_57 = arith.constant 0 : i32
    %dma_start3A_58 = tpu.memref_slice %arg6[%dma_start3A_51, %dma_start3A_57] : memref<32x32xi32, #tpu.memory_space<vmem>> -> memref<1x32xi32, #tpu.memory_space<vmem>>
    %dma_start3A_59 = tpu.memref_squeeze %dma_start3A_58 : memref<1x32xi32, #tpu.memory_space<vmem>> -> memref<32xi32, #tpu.memory_space<vmem>>
    %dma_start3A_60 = tpu.memref_slice %arg2[%dma_start3A_50, %mul3A_2] : memref<32x1024xi32, #tpu.memory_space<hbm>> -> memref<1x32xi32, #tpu.memory_space<hbm>>
    %dma_start3A_61 = tpu.memref_squeeze %dma_start3A_60 : memref<1x32xi32, #tpu.memory_space<hbm>> -> memref<32xi32, #tpu.memory_space<hbm>>
    tpu.enqueue_dma source(%dma_start3A_61 : memref<32xi32, #tpu.memory_space<hbm>>) target(%dma_start3A_59 : memref<32xi32, #tpu.memory_space<vmem>>) target_semaphore(%arg16 : memref<!tpu.dma_semaphore, #tpu.memory_space<semaphore_mem>>)
    %dma_start3A_62 = arith.constant 5 : i32
    %dma_start3A_63 = arith.constant 5 : i32
    %dma_start3A_64 = arith.constant 0 : i32
    %dma_start3A_65 = tpu.memref_slice %arg6[%dma_start3A_63, %dma_start3A_64] : memref<32x32xi32, #tpu.memory_space<vmem>> -> memref<1x32xi32, #tpu.memory_space<vmem>>
    %dma_start3A_66 = tpu.memref_squeeze %dma_start3A_65 : memref<1x32xi32, #tpu.memory_space<vmem>> -> memref<32xi32, #tpu.memory_space<vmem>>
    %dma_start3A_67 = tpu.memref_slice %arg2[%dma_start3A_62, %mul3A_2] : memref<32x1024xi32, #tpu.memory_space<hbm>> -> memref<1x32xi32, #tpu.memory_space<hbm>>
    %dma_start3A_68 = tpu.memref_squeeze %dma_start3A_67 : memref<1x32xi32, #tpu.memory_space<hbm>> -> memref<32xi32, #tpu.memory_space<hbm>>
    %dma_start3A_69 = arith.constant 0 : i32
    %dma_start3A_70 = tpu.memref_slice %arg6[%dma_start3A_63, %dma_start3A_69] : memref<32x32xi32, #tpu.memory_space<vmem>> -> memref<1x32xi32, #tpu.memory_space<vmem>>
    %dma_start3A_71 = tpu.memref_squeeze %dma_start3A_70 : memref<1x32xi32, #tpu.memory_space<vmem>> -> memref<32xi32, #tpu.memory_space<vmem>>
    %dma_start3A_72 = tpu.memref_slice %arg2[%dma_start3A_62, %mul3A_2] : memref<32x1024xi32, #tpu.memory_space<hbm>> -> memref<1x32xi32, #tpu.memory_space<hbm>>
    %dma_start3A_73 = tpu.memref_squeeze %dma_start3A_72 : memref<1x32xi32, #tpu.memory_space<hbm>> -> memref<32xi32, #tpu.memory_space<hbm>>
    tpu.enqueue_dma source(%dma_start3A_73 : memref<32xi32, #tpu.memory_space<hbm>>) target(%dma_start3A_71 : memref<32xi32, #tpu.memory_space<vmem>>) target_semaphore(%arg16 : memref<!tpu.dma_semaphore, #tpu.memory_space<semaphore_mem>>)
    %dma_start3A_74 = arith.constant 6 : i32
    %dma_start3A_75 = arith.constant 6 : i32
    %dma_start3A_76 = arith.constant 0 : i32
    %dma_start3A_77 = tpu.memref_slice %arg6[%dma_start3A_75, %dma_start3A_76] : memref<32x32xi32, #tpu.memory_space<vmem>> -> memref<1x32xi32, #tpu.memory_space<vmem>>
    %dma_start3A_78 = tpu.memref_squeeze %dma_start3A_77 : memref<1x32xi32, #tpu.memory_space<vmem>> -> memref<32xi32, #tpu.memory_space<vmem>>
    %dma_start3A_79 = tpu.memref_slice %arg2[%dma_start3A_74, %mul3A_2] : memref<32x1024xi32, #tpu.memory_space<hbm>> -> memref<1x32xi32, #tpu.memory_space<hbm>>
    %dma_start3A_80 = tpu.memref_squeeze %dma_start3A_79 : memref<1x32xi32, #tpu.memory_space<hbm>> -> memref<32xi32, #tpu.memory_space<hbm>>
    %dma_start3A_81 = arith.constant 0 : i32
    %dma_start3A_82 = tpu.memref_slice %arg6[%dma_start3A_75, %dma_start3A_81] : memref<32x32xi32, #tpu.memory_space<vmem>> -> memref<1x32xi32, #tpu.memory_space<vmem>>
    %dma_start3A_83 = tpu.memref_squeeze %dma_start3A_82 : memref<1x32xi32, #tpu.memory_space<vmem>> -> memref<32xi32, #tpu.memory_space<vmem>>
    %dma_start3A_84 = tpu.memref_slice %arg2[%dma_start3A_74, %mul3A_2] : memref<32x1024xi32, #tpu.memory_space<hbm>> -> memref<1x32xi32, #tpu.memory_space<hbm>>
    %dma_start3A_85 = tpu.memref_squeeze %dma_start3A_84 : memref<1x32xi32, #tpu.memory_space<hbm>> -> memref<32xi32, #tpu.memory_space<hbm>>
    tpu.enqueue_dma source(%dma_start3A_85 : memref<32xi32, #tpu.memory_space<hbm>>) target(%dma_start3A_83 : memref<32xi32, #tpu.memory_space<vmem>>) target_semaphore(%arg16 : memref<!tpu.dma_semaphore, #tpu.memory_space<semaphore_mem>>)
    %dma_start3A_86 = arith.constant 7 : i32
    %dma_start3A_87 = arith.constant 7 : i32
    %dma_start3A_88 = arith.constant 0 : i32
    %dma_start3A_89 = tpu.memref_slice %arg6[%dma_start3A_87, %dma_start3A_88] : memref<32x32xi32, #tpu.memory_space<vmem>> -> memref<1x32xi32, #tpu.memory_space<vmem>>
    %dma_start3A_90 = tpu.memref_squeeze %dma_start3A_89 : memref<1x32xi32, #tpu.memory_space<vmem>> -> memref<32xi32, #tpu.memory_space<vmem>>
    %dma_start3A_91 = tpu.memref_slice %arg2[%dma_start3A_86, %mul3A_2] : memref<32x1024xi32, #tpu.memory_space<hbm>> -> memref<1x32xi32, #tpu.memory_space<hbm>>
    %dma_start3A_92 = tpu.memref_squeeze %dma_start3A_91 : memref<1x32xi32, #tpu.memory_space<hbm>> -> memref<32xi32, #tpu.memory_space<hbm>>
    %dma_start3A_93 = arith.constant 0 : i32
    %dma_start3A_94 = tpu.memref_slice %arg6[%dma_start3A_87, %dma_start3A_93] : memref<32x32xi32, #tpu.memory_space<vmem>> -> memref<1x32xi32, #tpu.memory_space<vmem>>
    %dma_start3A_95 = tpu.memref_squeeze %dma_start3A_94 : memref<1x32xi32, #tpu.memory_space<vmem>> -> memref<32xi32, #tpu.memory_space<vmem>>
    %dma_start3A_96 = tpu.memref_slice %arg2[%dma_start3A_86, %mul3A_2] : memref<32x1024xi32, #tpu.memory_space<hbm>> -> memref<1x32xi32, #tpu.memory_space<hbm>>
    %dma_start3A_97 = tpu.memref_squeeze %dma_start3A_96 : memref<1x32xi32, #tpu.memory_space<hbm>> -> memref<32xi32, #tpu.memory_space<hbm>>
    tpu.enqueue_dma source(%dma_start3A_97 : memref<32xi32, #tpu.memory_space<hbm>>) target(%dma_start3A_95 : memref<32xi32, #tpu.memory_space<vmem>>) target_semaphore(%arg16 : memref<!tpu.dma_semaphore, #tpu.memory_space<semaphore_mem>>)
    %dma_start3A_98 = arith.constant 8 : i32
    %dma_start3A_99 = arith.constant 8 : i32
    %dma_start3A_100 = arith.constant 0 : i32
    %dma_start3A_101 = tpu.memref_slice %arg6[%dma_start3A_99, %dma_start3A_100] : memref<32x32xi32, #tpu.memory_space<vmem>> -> memref<1x32xi32, #tpu.memory_space<vmem>>
    %dma_start3A_102 = tpu.memref_squeeze %dma_start3A_101 : memref<1x32xi32, #tpu.memory_space<vmem>> -> memref<32xi32, #tpu.memory_space<vmem>>
    %dma_start3A_103 = tpu.memref_slice %arg2[%dma_start3A_98, %mul3A_2] : memref<32x1024xi32, #tpu.memory_space<hbm>> -> memref<1x32xi32, #tpu.memory_space<hbm>>
    %dma_start3A_104 = tpu.memref_squeeze %dma_start3A_103 : memref<1x32xi32, #tpu.memory_space<hbm>> -> memref<32xi32, #tpu.memory_space<hbm>>
    %dma_start3A_105 = arith.constant 0 : i32
    %dma_start3A_106 = tpu.memref_slice %arg6[%dma_start3A_99, %dma_start3A_105] : memref<32x32xi32, #tpu.memory_space<vmem>> -> memref<1x32xi32, #tpu.memory_space<vmem>>
    %dma_start3A_107 = tpu.memref_squeeze %dma_start3A_106 : memref<1x32xi32, #tpu.memory_space<vmem>> -> memref<32xi32, #tpu.memory_space<vmem>>
    %dma_start3A_108 = tpu.memref_slice %arg2[%dma_start3A_98, %mul3A_2] : memref<32x1024xi32, #tpu.memory_space<hbm>> -> memref<1x32xi32, #tpu.memory_space<hbm>>
    %dma_start3A_109 = tpu.memref_squeeze %dma_start3A_108 : memref<1x32xi32, #tpu.memory_space<hbm>> -> memref<32xi32, #tpu.memory_space<hbm>>
    tpu.enqueue_dma source(%dma_start3A_109 : memref<32xi32, #tpu.memory_space<hbm>>) target(%dma_start3A_107 : memref<32xi32, #tpu.memory_space<vmem>>) target_semaphore(%arg16 : memref<!tpu.dma_semaphore, #tpu.memory_space<semaphore_mem>>)
    %dma_start3A_110 = arith.constant 9 : i32
    %dma_start3A_111 = arith.constant 9 : i32
    %dma_start3A_112 = arith.constant 0 : i32
    %dma_start3A_113 = tpu.memref_slice %arg6[%dma_start3A_111, %dma_start3A_112] : memref<32x32xi32, #tpu.memory_space<vmem>> -> memref<1x32xi32, #tpu.memory_space<vmem>>
    %dma_start3A_114 = tpu.memref_squeeze %dma_start3A_113 : memref<1x32xi32, #tpu.memory_space<vmem>> -> memref<32xi32, #tpu.memory_space<vmem>>
    %dma_start3A_115 = tpu.memref_slice %arg2[%dma_start3A_110, %mul3A_2] : memref<32x1024xi32, #tpu.memory_space<hbm>> -> memref<1x32xi32, #tpu.memory_space<hbm>>
    %dma_start3A_116 = tpu.memref_squeeze %dma_start3A_115 : memref<1x32xi32, #tpu.memory_space<hbm>> -> memref<32xi32, #tpu.memory_space<hbm>>
    %dma_start3A_117 = arith.constant 0 : i32
    %dma_start3A_118 = tpu.memref_slice %arg6[%dma_start3A_111, %dma_start3A_117] : memref<32x32xi32, #tpu.memory_space<vmem>> -> memref<1x32xi32, #tpu.memory_space<vmem>>
    %dma_start3A_119 = tpu.memref_squeeze %dma_start3A_118 : memref<1x32xi32, #tpu.memory_space<vmem>> -> memref<32xi32, #tpu.memory_space<vmem>>
    %dma_start3A_120 = tpu.memref_slice %arg2[%dma_start3A_110, %mul3A_2] : memref<32x1024xi32, #tpu.memory_space<hbm>> -> memref<1x32xi32, #tpu.memory_space<hbm>>
    %dma_start3A_121 = tpu.memref_squeeze %dma_start3A_120 : memref<1x32xi32, #tpu.memory_space<hbm>> -> memref<32xi32, #tpu.memory_space<hbm>>
    tpu.enqueue_dma source(%dma_start3A_121 : memref<32xi32, #tpu.memory_space<hbm>>) target(%dma_start3A_119 : memref<32xi32, #tpu.memory_space<vmem>>) target_semaphore(%arg16 : memref<!tpu.dma_semaphore, #tpu.memory_space<semaphore_mem>>)
    %dma_start3A_122 = arith.constant 10 : i32
    %dma_start3A_123 = arith.constant 10 : i32
    %dma_start3A_124 = arith.constant 0 : i32
    %dma_start3A_125 = tpu.memref_slice %arg6[%dma_start3A_123, %dma_start3A_124] : memref<32x32xi32, #tpu.memory_space<vmem>> -> memref<1x32xi32, #tpu.memory_space<vmem>>
    %dma_start3A_126 = tpu.memref_squeeze %dma_start3A_125 : memref<1x32xi32, #tpu.memory_space<vmem>> -> memref<32xi32, #tpu.memory_space<vmem>>
    %dma_start3A_127 = tpu.memref_slice %arg2[%dma_start3A_122, %mul3A_2] : memref<32x1024xi32, #tpu.memory_space<hbm>> -> memref<1x32xi32, #tpu.memory_space<hbm>>
    %dma_start3A_128 = tpu.memref_squeeze %dma_start3A_127 : memref<1x32xi32, #tpu.memory_space<hbm>> -> memref<32xi32, #tpu.memory_space<hbm>>
    %dma_start3A_129 = arith.constant 0 : i32
    %dma_start3A_130 = tpu.memref_slice %arg6[%dma_start3A_123, %dma_start3A_129] : memref<32x32xi32, #tpu.memory_space<vmem>> -> memref<1x32xi32, #tpu.memory_space<vmem>>
    %dma_start3A_131 = tpu.memref_squeeze %dma_start3A_130 : memref<1x32xi32, #tpu.memory_space<vmem>> -> memref<32xi32, #tpu.memory_space<vmem>>
    %dma_start3A_132 = tpu.memref_slice %arg2[%dma_start3A_122, %mul3A_2] : memref<32x1024xi32, #tpu.memory_space<hbm>> -> memref<1x32xi32, #tpu.memory_space<hbm>>
    %dma_start3A_133 = tpu.memref_squeeze %dma_start3A_132 : memref<1x32xi32, #tpu.memory_space<hbm>> -> memref<32xi32, #tpu.memory_space<hbm>>
    tpu.enqueue_dma source(%dma_start3A_133 : memref<32xi32, #tpu.memory_space<hbm>>) target(%dma_start3A_131 : memref<32xi32, #tpu.memory_space<vmem>>) target_semaphore(%arg16 : memref<!tpu.dma_semaphore, #tpu.memory_space<semaphore_mem>>)
    %dma_start3A_134 = arith.constant 11 : i32
    %dma_start3A_135 = arith.constant 11 : i32
    %dma_start3A_136 = arith.constant 0 : i32
    %dma_start3A_137 = tpu.memref_slice %arg6[%dma_start3A_135, %dma_start3A_136] : memref<32x32xi32, #tpu.memory_space<vmem>> -> memref<1x32xi32, #tpu.memory_space<vmem>>
    %dma_start3A_138 = tpu.memref_squeeze %dma_start3A_137 : memref<1x32xi32, #tpu.memory_space<vmem>> -> memref<32xi32, #tpu.memory_space<vmem>>
    %dma_start3A_139 = tpu.memref_slice %arg2[%dma_start3A_134, %mul3A_2] : memref<32x1024xi32, #tpu.memory_space<hbm>> -> memref<1x32xi32, #tpu.memory_space<hbm>>
    %dma_start3A_140 = tpu.memref_squeeze %dma_start3A_139 : memref<1x32xi32, #tpu.memory_space<hbm>> -> memref<32xi32, #tpu.memory_space<hbm>>
    %dma_start3A_141 = arith.constant 0 : i32
    %dma_start3A_142 = tpu.memref_slice %arg6[%dma_start3A_135, %dma_start3A_141] : memref<32x32xi32, #tpu.memory_space<vmem>> -> memref<1x32xi32, #tpu.memory_space<vmem>>
    %dma_start3A_143 = tpu.memref_squeeze %dma_start3A_142 : memref<1x32xi32, #tpu.memory_space<vmem>> -> memref<32xi32, #tpu.memory_space<vmem>>
    %dma_start3A_144 = tpu.memref_slice %arg2[%dma_start3A_134, %mul3A_2] : memref<32x1024xi32, #tpu.memory_space<hbm>> -> memref<1x32xi32, #tpu.memory_space<hbm>>
    %dma_start3A_145 = tpu.memref_squeeze %dma_start3A_144 : memref<1x32xi32, #tpu.memory_space<hbm>> -> memref<32xi32, #tpu.memory_space<hbm>>
    tpu.enqueue_dma source(%dma_start3A_145 : memref<32xi32, #tpu.memory_space<hbm>>) target(%dma_start3A_143 : memref<32xi32, #tpu.memory_space<vmem>>) target_semaphore(%arg16 : memref<!tpu.dma_semaphore, #tpu.memory_space<semaphore_mem>>)
    %dma_start3A_146 = arith.constant 12 : i32
    %dma_start3A_147 = arith.constant 12 : i32
    %dma_start3A_148 = arith.constant 0 : i32
    %dma_start3A_149 = tpu.memref_slice %arg6[%dma_start3A_147, %dma_start3A_148] : memref<32x32xi32, #tpu.memory_space<vmem>> -> memref<1x32xi32, #tpu.memory_space<vmem>>
    %dma_start3A_150 = tpu.memref_squeeze %dma_start3A_149 : memref<1x32xi32, #tpu.memory_space<vmem>> -> memref<32xi32, #tpu.memory_space<vmem>>
    %dma_start3A_151 = tpu.memref_slice %arg2[%dma_start3A_146, %mul3A_2] : memref<32x1024xi32, #tpu.memory_space<hbm>> -> memref<1x32xi32, #tpu.memory_space<hbm>>
    %dma_start3A_152 = tpu.memref_squeeze %dma_start3A_151 : memref<1x32xi32, #tpu.memory_space<hbm>> -> memref<32xi32, #tpu.memory_space<hbm>>
    %dma_start3A_153 = arith.constant 0 : i32
    %dma_start3A_154 = tpu.memref_slice %arg6[%dma_start3A_147, %dma_start3A_153] : memref<32x32xi32, #tpu.memory_space<vmem>> -> memref<1x32xi32, #tpu.memory_space<vmem>>
    %dma_start3A_155 = tpu.memref_squeeze %dma_start3A_154 : memref<1x32xi32, #tpu.memory_space<vmem>> -> memref<32xi32, #tpu.memory_space<vmem>>
    %dma_start3A_156 = tpu.memref_slice %arg2[%dma_start3A_146, %mul3A_2] : memref<32x1024xi32, #tpu.memory_space<hbm>> -> memref<1x32xi32, #tpu.memory_space<hbm>>
    %dma_start3A_157 = tpu.memref_squeeze %dma_start3A_156 : memref<1x32xi32, #tpu.memory_space<hbm>> -> memref<32xi32, #tpu.memory_space<hbm>>
    tpu.enqueue_dma source(%dma_start3A_157 : memref<32xi32, #tpu.memory_space<hbm>>) target(%dma_start3A_155 : memref<32xi32, #tpu.memory_space<vmem>>) target_semaphore(%arg16 : memref<!tpu.dma_semaphore, #tpu.memory_space<semaphore_mem>>)
    %dma_start3A_158 = arith.constant 13 : i32
    %dma_start3A_159 = arith.constant 13 : i32
    %dma_start3A_160 = arith.constant 0 : i32
    %dma_start3A_161 = tpu.memref_slice %arg6[%dma_start3A_159, %dma_start3A_160] : memref<32x32xi32, #tpu.memory_space<vmem>> -> memref<1x32xi32, #tpu.memory_space<vmem>>
    %dma_start3A_162 = tpu.memref_squeeze %dma_start3A_161 : memref<1x32xi32, #tpu.memory_space<vmem>> -> memref<32xi32, #tpu.memory_space<vmem>>
    %dma_start3A_163 = tpu.memref_slice %arg2[%dma_start3A_158, %mul3A_2] : memref<32x1024xi32, #tpu.memory_space<hbm>> -> memref<1x32xi32, #tpu.memory_space<hbm>>
    %dma_start3A_164 = tpu.memref_squeeze %dma_start3A_163 : memref<1x32xi32, #tpu.memory_space<hbm>> -> memref<32xi32, #tpu.memory_space<hbm>>
    %dma_start3A_165 = arith.constant 0 : i32
    %dma_start3A_166 = tpu.memref_slice %arg6[%dma_start3A_159, %dma_start3A_165] : memref<32x32xi32, #tpu.memory_space<vmem>> -> memref<1x32xi32, #tpu.memory_space<vmem>>
    %dma_start3A_167 = tpu.memref_squeeze %dma_start3A_166 : memref<1x32xi32, #tpu.memory_space<vmem>> -> memref<32xi32, #tpu.memory_space<vmem>>
    %dma_start3A_168 = tpu.memref_slice %arg2[%dma_start3A_158, %mul3A_2] : memref<32x1024xi32, #tpu.memory_space<hbm>> -> memref<1x32xi32, #tpu.memory_space<hbm>>
    %dma_start3A_169 = tpu.memref_squeeze %dma_start3A_168 : memref<1x32xi32, #tpu.memory_space<hbm>> -> memref<32xi32, #tpu.memory_space<hbm>>
    tpu.enqueue_dma source(%dma_start3A_169 : memref<32xi32, #tpu.memory_space<hbm>>) target(%dma_start3A_167 : memref<32xi32, #tpu.memory_space<vmem>>) target_semaphore(%arg16 : memref<!tpu.dma_semaphore, #tpu.memory_space<semaphore_mem>>)
    %dma_start3A_170 = arith.constant 14 : i32
    %dma_start3A_171 = arith.constant 14 : i32
    %dma_start3A_172 = arith.constant 0 : i32
    %dma_start3A_173 = tpu.memref_slice %arg6[%dma_start3A_171, %dma_start3A_172] : memref<32x32xi32, #tpu.memory_space<vmem>> -> memref<1x32xi32, #tpu.memory_space<vmem>>
    %dma_start3A_174 = tpu.memref_squeeze %dma_start3A_173 : memref<1x32xi32, #tpu.memory_space<vmem>> -> memref<32xi32, #tpu.memory_space<vmem>>
    %dma_start3A_175 = tpu.memref_slice %arg2[%dma_start3A_170, %mul3A_2] : memref<32x1024xi32, #tpu.memory_space<hbm>> -> memref<1x32xi32, #tpu.memory_space<hbm>>
    %dma_start3A_176 = tpu.memref_squeeze %dma_start3A_175 : memref<1x32xi32, #tpu.memory_space<hbm>> -> memref<32xi32, #tpu.memory_space<hbm>>
    %dma_start3A_177 = arith.constant 0 : i32
    %dma_start3A_178 = tpu.memref_slice %arg6[%dma_start3A_171, %dma_start3A_177] : memref<32x32xi32, #tpu.memory_space<vmem>> -> memref<1x32xi32, #tpu.memory_space<vmem>>
    %dma_start3A_179 = tpu.memref_squeeze %dma_start3A_178 : memref<1x32xi32, #tpu.memory_space<vmem>> -> memref<32xi32, #tpu.memory_space<vmem>>
    %dma_start3A_180 = tpu.memref_slice %arg2[%dma_start3A_170, %mul3A_2] : memref<32x1024xi32, #tpu.memory_space<hbm>> -> memref<1x32xi32, #tpu.memory_space<hbm>>
    %dma_start3A_181 = tpu.memref_squeeze %dma_start3A_180 : memref<1x32xi32, #tpu.memory_space<hbm>> -> memref<32xi32, #tpu.memory_space<hbm>>
    tpu.enqueue_dma source(%dma_start3A_181 : memref<32xi32, #tpu.memory_space<hbm>>) target(%dma_start3A_179 : memref<32xi32, #tpu.memory_space<vmem>>) target_semaphore(%arg16 : memref<!tpu.dma_semaphore, #tpu.memory_space<semaphore_mem>>)
    %dma_start3A_182 = arith.constant 15 : i32
    %dma_start3A_183 = arith.constant 15 : i32
    %dma_start3A_184 = arith.constant 0 : i32
    %dma_start3A_185 = tpu.memref_slice %arg6[%dma_start3A_183, %dma_start3A_184] : memref<32x32xi32, #tpu.memory_space<vmem>> -> memref<1x32xi32, #tpu.memory_space<vmem>>
    %dma_start3A_186 = tpu.memref_squeeze %dma_start3A_185 : memref<1x32xi32, #tpu.memory_space<vmem>> -> memref<32xi32, #tpu.memory_space<vmem>>
    %dma_start3A_187 = tpu.memref_slice %arg2[%dma_start3A_182, %mul3A_2] : memref<32x1024xi32, #tpu.memory_space<hbm>> -> memref<1x32xi32, #tpu.memory_space<hbm>>
    %dma_start3A_188 = tpu.memref_squeeze %dma_start3A_187 : memref<1x32xi32, #tpu.memory_space<hbm>> -> memref<32xi32, #tpu.memory_space<hbm>>
    %dma_start3A_189 = arith.constant 0 : i32
    %dma_start3A_190 = tpu.memref_slice %arg6[%dma_start3A_183, %dma_start3A_189] : memref<32x32xi32, #tpu.memory_space<vmem>> -> memref<1x32xi32, #tpu.memory_space<vmem>>
    %dma_start3A_191 = tpu.memref_squeeze %dma_start3A_190 : memref<1x32xi32, #tpu.memory_space<vmem>> -> memref<32xi32, #tpu.memory_space<vmem>>
    %dma_start3A_192 = tpu.memref_slice %arg2[%dma_start3A_182, %mul3A_2] : memref<32x1024xi32, #tpu.memory_space<hbm>> -> memref<1x32xi32, #tpu.memory_space<hbm>>
    %dma_start3A_193 = tpu.memref_squeeze %dma_start3A_192 : memref<1x32xi32, #tpu.memory_space<hbm>> -> memref<32xi32, #tpu.memory_space<hbm>>
    tpu.enqueue_dma source(%dma_start3A_193 : memref<32xi32, #tpu.memory_space<hbm>>) target(%dma_start3A_191 : memref<32xi32, #tpu.memory_space<vmem>>) target_semaphore(%arg16 : memref<!tpu.dma_semaphore, #tpu.memory_space<semaphore_mem>>)
    %dma_start3A_194 = arith.constant 16 : i32
    %dma_start3A_195 = arith.constant 16 : i32
    %dma_start3A_196 = arith.constant 0 : i32
    %dma_start3A_197 = tpu.memref_slice %arg6[%dma_start3A_195, %dma_start3A_196] : memref<32x32xi32, #tpu.memory_space<vmem>> -> memref<1x32xi32, #tpu.memory_space<vmem>>
    %dma_start3A_198 = tpu.memref_squeeze %dma_start3A_197 : memref<1x32xi32, #tpu.memory_space<vmem>> -> memref<32xi32, #tpu.memory_space<vmem>>
    %dma_start3A_199 = tpu.memref_slice %arg2[%dma_start3A_194, %mul3A_2] : memref<32x1024xi32, #tpu.memory_space<hbm>> -> memref<1x32xi32, #tpu.memory_space<hbm>>
    %dma_start3A_200 = tpu.memref_squeeze %dma_start3A_199 : memref<1x32xi32, #tpu.memory_space<hbm>> -> memref<32xi32, #tpu.memory_space<hbm>>
    %dma_start3A_201 = arith.constant 0 : i32
    %dma_start3A_202 = tpu.memref_slice %arg6[%dma_start3A_195, %dma_start3A_201] : memref<32x32xi32, #tpu.memory_space<vmem>> -> memref<1x32xi32, #tpu.memory_space<vmem>>
    %dma_start3A_203 = tpu.memref_squeeze %dma_start3A_202 : memref<1x32xi32, #tpu.memory_space<vmem>> -> memref<32xi32, #tpu.memory_space<vmem>>
    %dma_start3A_204 = tpu.memref_slice %arg2[%dma_start3A_194, %mul3A_2] : memref<32x1024xi32, #tpu.memory_space<hbm>> -> memref<1x32xi32, #tpu.memory_space<hbm>>
    %dma_start3A_205 = tpu.memref_squeeze %dma_start3A_204 : memref<1x32xi32, #tpu.memory_space<hbm>> -> memref<32xi32, #tpu.memory_space<hbm>>
    tpu.enqueue_dma source(%dma_start3A_205 : memref<32xi32, #tpu.memory_space<hbm>>) target(%dma_start3A_203 : memref<32xi32, #tpu.memory_space<vmem>>) target_semaphore(%arg16 : memref<!tpu.dma_semaphore, #tpu.memory_space<semaphore_mem>>)
    %dma_start3A_206 = arith.constant 17 : i32
    %dma_start3A_207 = arith.constant 17 : i32
    %dma_start3A_208 = arith.constant 0 : i32
    %dma_start3A_209 = tpu.memref_slice %arg6[%dma_start3A_207, %dma_start3A_208] : memref<32x32xi32, #tpu.memory_space<vmem>> -> memref<1x32xi32, #tpu.memory_space<vmem>>
    %dma_start3A_210 = tpu.memref_squeeze %dma_start3A_209 : memref<1x32xi32, #tpu.memory_space<vmem>> -> memref<32xi32, #tpu.memory_space<vmem>>
    %dma_start3A_211 = tpu.memref_slice %arg2[%dma_start3A_206, %mul3A_2] : memref<32x1024xi32, #tpu.memory_space<hbm>> -> memref<1x32xi32, #tpu.memory_space<hbm>>
    %dma_start3A_212 = tpu.memref_squeeze %dma_start3A_211 : memref<1x32xi32, #tpu.memory_space<hbm>> -> memref<32xi32, #tpu.memory_space<hbm>>
    %dma_start3A_213 = arith.constant 0 : i32
    %dma_start3A_214 = tpu.memref_slice %arg6[%dma_start3A_207, %dma_start3A_213] : memref<32x32xi32, #tpu.memory_space<vmem>> -> memref<1x32xi32, #tpu.memory_space<vmem>>
    %dma_start3A_215 = tpu.memref_squeeze %dma_start3A_214 : memref<1x32xi32, #tpu.memory_space<vmem>> -> memref<32xi32, #tpu.memory_space<vmem>>
    %dma_start3A_216 = tpu.memref_slice %arg2[%dma_start3A_206, %mul3A_2] : memref<32x1024xi32, #tpu.memory_space<hbm>> -> memref<1x32xi32, #tpu.memory_space<hbm>>
    %dma_start3A_217 = tpu.memref_squeeze %dma_start3A_216 : memref<1x32xi32, #tpu.memory_space<hbm>> -> memref<32xi32, #tpu.memory_space<hbm>>
    tpu.enqueue_dma source(%dma_start3A_217 : memref<32xi32, #tpu.memory_space<hbm>>) target(%dma_start3A_215 : memref<32xi32, #tpu.memory_space<vmem>>) target_semaphore(%arg16 : memref<!tpu.dma_semaphore, #tpu.memory_space<semaphore_mem>>)
    %dma_start3A_218 = arith.constant 18 : i32
    %dma_start3A_219 = arith.constant 18 : i32
    %dma_start3A_220 = arith.constant 0 : i32
    %dma_start3A_221 = tpu.memref_slice %arg6[%dma_start3A_219, %dma_start3A_220] : memref<32x32xi32, #tpu.memory_space<vmem>> -> memref<1x32xi32, #tpu.memory_space<vmem>>
    %dma_start3A_222 = tpu.memref_squeeze %dma_start3A_221 : memref<1x32xi32, #tpu.memory_space<vmem>> -> memref<32xi32, #tpu.memory_space<vmem>>
    %dma_start3A_223 = tpu.memref_slice %arg2[%dma_start3A_218, %mul3A_2] : memref<32x1024xi32, #tpu.memory_space<hbm>> -> memref<1x32xi32, #tpu.memory_space<hbm>>
    %dma_start3A_224 = tpu.memref_squeeze %dma_start3A_223 : memref<1x32xi32, #tpu.memory_space<hbm>> -> memref<32xi32, #tpu.memory_space<hbm>>
    %dma_start3A_225 = arith.constant 0 : i32
    %dma_start3A_226 = tpu.memref_slice %arg6[%dma_start3A_219, %dma_start3A_225] : memref<32x32xi32, #tpu.memory_space<vmem>> -> memref<1x32xi32, #tpu.memory_space<vmem>>
    %dma_start3A_227 = tpu.memref_squeeze %dma_start3A_226 : memref<1x32xi32, #tpu.memory_space<vmem>> -> memref<32xi32, #tpu.memory_space<vmem>>
    %dma_start3A_228 = tpu.memref_slice %arg2[%dma_start3A_218, %mul3A_2] : memref<32x1024xi32, #tpu.memory_space<hbm>> -> memref<1x32xi32, #tpu.memory_space<hbm>>
    %dma_start3A_229 = tpu.memref_squeeze %dma_start3A_228 : memref<1x32xi32, #tpu.memory_space<hbm>> -> memref<32xi32, #tpu.memory_space<hbm>>
    tpu.enqueue_dma source(%dma_start3A_229 : memref<32xi32, #tpu.memory_space<hbm>>) target(%dma_start3A_227 : memref<32xi32, #tpu.memory_space<vmem>>) target_semaphore(%arg16 : memref<!tpu.dma_semaphore, #tpu.memory_space<semaphore_mem>>)
    %dma_start3A_230 = arith.constant 19 : i32
    %dma_start3A_231 = arith.constant 19 : i32
    %dma_start3A_232 = arith.constant 0 : i32
    %dma_start3A_233 = tpu.memref_slice %arg6[%dma_start3A_231, %dma_start3A_232] : memref<32x32xi32, #tpu.memory_space<vmem>> -> memref<1x32xi32, #tpu.memory_space<vmem>>
    %dma_start3A_234 = tpu.memref_squeeze %dma_start3A_233 : memref<1x32xi32, #tpu.memory_space<vmem>> -> memref<32xi32, #tpu.memory_space<vmem>>
    %dma_start3A_235 = tpu.memref_slice %arg2[%dma_start3A_230, %mul3A_2] : memref<32x1024xi32, #tpu.memory_space<hbm>> -> memref<1x32xi32, #tpu.memory_space<hbm>>
    %dma_start3A_236 = tpu.memref_squeeze %dma_start3A_235 : memref<1x32xi32, #tpu.memory_space<hbm>> -> memref<32xi32, #tpu.memory_space<hbm>>
    %dma_start3A_237 = arith.constant 0 : i32
    %dma_start3A_238 = tpu.memref_slice %arg6[%dma_start3A_231, %dma_start3A_237] : memref<32x32xi32, #tpu.memory_space<vmem>> -> memref<1x32xi32, #tpu.memory_space<vmem>>
    %dma_start3A_239 = tpu.memref_squeeze %dma_start3A_238 : memref<1x32xi32, #tpu.memory_space<vmem>> -> memref<32xi32, #tpu.memory_space<vmem>>
    %dma_start3A_240 = tpu.memref_slice %arg2[%dma_start3A_230, %mul3A_2] : memref<32x1024xi32, #tpu.memory_space<hbm>> -> memref<1x32xi32, #tpu.memory_space<hbm>>
    %dma_start3A_241 = tpu.memref_squeeze %dma_start3A_240 : memref<1x32xi32, #tpu.memory_space<hbm>> -> memref<32xi32, #tpu.memory_space<hbm>>
    tpu.enqueue_dma source(%dma_start3A_241 : memref<32xi32, #tpu.memory_space<hbm>>) target(%dma_start3A_239 : memref<32xi32, #tpu.memory_space<vmem>>) target_semaphore(%arg16 : memref<!tpu.dma_semaphore, #tpu.memory_space<semaphore_mem>>)
    %dma_start3A_242 = arith.constant 20 : i32
    %dma_start3A_243 = arith.constant 20 : i32
    %dma_start3A_244 = arith.constant 0 : i32
    %dma_start3A_245 = tpu.memref_slice %arg6[%dma_start3A_243, %dma_start3A_244] : memref<32x32xi32, #tpu.memory_space<vmem>> -> memref<1x32xi32, #tpu.memory_space<vmem>>
    %dma_start3A_246 = tpu.memref_squeeze %dma_start3A_245 : memref<1x32xi32, #tpu.memory_space<vmem>> -> memref<32xi32, #tpu.memory_space<vmem>>
    %dma_start3A_247 = tpu.memref_slice %arg2[%dma_start3A_242, %mul3A_2] : memref<32x1024xi32, #tpu.memory_space<hbm>> -> memref<1x32xi32, #tpu.memory_space<hbm>>
    %dma_start3A_248 = tpu.memref_squeeze %dma_start3A_247 : memref<1x32xi32, #tpu.memory_space<hbm>> -> memref<32xi32, #tpu.memory_space<hbm>>
    %dma_start3A_249 = arith.constant 0 : i32
    %dma_start3A_250 = tpu.memref_slice %arg6[%dma_start3A_243, %dma_start3A_249] : memref<32x32xi32, #tpu.memory_space<vmem>> -> memref<1x32xi32, #tpu.memory_space<vmem>>
    %dma_start3A_251 = tpu.memref_squeeze %dma_start3A_250 : memref<1x32xi32, #tpu.memory_space<vmem>> -> memref<32xi32, #tpu.memory_space<vmem>>
    %dma_start3A_252 = tpu.memref_slice %arg2[%dma_start3A_242, %mul3A_2] : memref<32x1024xi32, #tpu.memory_space<hbm>> -> memref<1x32xi32, #tpu.memory_space<hbm>>
    %dma_start3A_253 = tpu.memref_squeeze %dma_start3A_252 : memref<1x32xi32, #tpu.memory_space<hbm>> -> memref<32xi32, #tpu.memory_space<hbm>>
    tpu.enqueue_dma source(%dma_start3A_253 : memref<32xi32, #tpu.memory_space<hbm>>) target(%dma_start3A_251 : memref<32xi32, #tpu.memory_space<vmem>>) target_semaphore(%arg16 : memref<!tpu.dma_semaphore, #tpu.memory_space<semaphore_mem>>)
    %dma_start3A_254 = arith.constant 21 : i32
    %dma_start3A_255 = arith.constant 21 : i32
    %dma_start3A_256 = arith.constant 0 : i32
    %dma_start3A_257 = tpu.memref_slice %arg6[%dma_start3A_255, %dma_start3A_256] : memref<32x32xi32, #tpu.memory_space<vmem>> -> memref<1x32xi32, #tpu.memory_space<vmem>>
    %dma_start3A_258 = tpu.memref_squeeze %dma_start3A_257 : memref<1x32xi32, #tpu.memory_space<vmem>> -> memref<32xi32, #tpu.memory_space<vmem>>
    %dma_start3A_259 = tpu.memref_slice %arg2[%dma_start3A_254, %mul3A_2] : memref<32x1024xi32, #tpu.memory_space<hbm>> -> memref<1x32xi32, #tpu.memory_space<hbm>>
    %dma_start3A_260 = tpu.memref_squeeze %dma_start3A_259 : memref<1x32xi32, #tpu.memory_space<hbm>> -> memref<32xi32, #tpu.memory_space<hbm>>
    %dma_start3A_261 = arith.constant 0 : i32
    %dma_start3A_262 = tpu.memref_slice %arg6[%dma_start3A_255, %dma_start3A_261] : memref<32x32xi32, #tpu.memory_space<vmem>> -> memref<1x32xi32, #tpu.memory_space<vmem>>
    %dma_start3A_263 = tpu.memref_squeeze %dma_start3A_262 : memref<1x32xi32, #tpu.memory_space<vmem>> -> memref<32xi32, #tpu.memory_space<vmem>>
    %dma_start3A_264 = tpu.memref_slice %arg2[%dma_start3A_254, %mul3A_2] : memref<32x1024xi32, #tpu.memory_space<hbm>> -> memref<1x32xi32, #tpu.memory_space<hbm>>
    %dma_start3A_265 = tpu.memref_squeeze %dma_start3A_264 : memref<1x32xi32, #tpu.memory_space<hbm>> -> memref<32xi32, #tpu.memory_space<hbm>>
    tpu.enqueue_dma source(%dma_start3A_265 : memref<32xi32, #tpu.memory_space<hbm>>) target(%dma_start3A_263 : memref<32xi32, #tpu.memory_space<vmem>>) target_semaphore(%arg16 : memref<!tpu.dma_semaphore, #tpu.memory_space<semaphore_mem>>)
    %dma_start3A_266 = arith.constant 22 : i32
    %dma_start3A_267 = arith.constant 22 : i32
    %dma_start3A_268 = arith.constant 0 : i32
    %dma_start3A_269 = tpu.memref_slice %arg6[%dma_start3A_267, %dma_start3A_268] : memref<32x32xi32, #tpu.memory_space<vmem>> -> memref<1x32xi32, #tpu.memory_space<vmem>>
    %dma_start3A_270 = tpu.memref_squeeze %dma_start3A_269 : memref<1x32xi32, #tpu.memory_space<vmem>> -> memref<32xi32, #tpu.memory_space<vmem>>
    %dma_start3A_271 = tpu.memref_slice %arg2[%dma_start3A_266, %mul3A_2] : memref<32x1024xi32, #tpu.memory_space<hbm>> -> memref<1x32xi32, #tpu.memory_space<hbm>>
    %dma_start3A_272 = tpu.memref_squeeze %dma_start3A_271 : memref<1x32xi32, #tpu.memory_space<hbm>> -> memref<32xi32, #tpu.memory_space<hbm>>
    %dma_start3A_273 = arith.constant 0 : i32
    %dma_start3A_274 = tpu.memref_slice %arg6[%dma_start3A_267, %dma_start3A_273] : memref<32x32xi32, #tpu.memory_space<vmem>> -> memref<1x32xi32, #tpu.memory_space<vmem>>
    %dma_start3A_275 = tpu.memref_squeeze %dma_start3A_274 : memref<1x32xi32, #tpu.memory_space<vmem>> -> memref<32xi32, #tpu.memory_space<vmem>>
    %dma_start3A_276 = tpu.memref_slice %arg2[%dma_start3A_266, %mul3A_2] : memref<32x1024xi32, #tpu.memory_space<hbm>> -> memref<1x32xi32, #tpu.memory_space<hbm>>
    %dma_start3A_277 = tpu.memref_squeeze %dma_start3A_276 : memref<1x32xi32, #tpu.memory_space<hbm>> -> memref<32xi32, #tpu.memory_space<hbm>>
    tpu.enqueue_dma source(%dma_start3A_277 : memref<32xi32, #tpu.memory_space<hbm>>) target(%dma_start3A_275 : memref<32xi32, #tpu.memory_space<vmem>>) target_semaphore(%arg16 : memref<!tpu.dma_semaphore, #tpu.memory_space<semaphore_mem>>)
    %dma_start3A_278 = arith.constant 23 : i32
    %dma_start3A_279 = arith.constant 23 : i32
    %dma_start3A_280 = arith.constant 0 : i32
    %dma_start3A_281 = tpu.memref_slice %arg6[%dma_start3A_279, %dma_start3A_280] : memref<32x32xi32, #tpu.memory_space<vmem>> -> memref<1x32xi32, #tpu.memory_space<vmem>>
    %dma_start3A_282 = tpu.memref_squeeze %dma_start3A_281 : memref<1x32xi32, #tpu.memory_space<vmem>> -> memref<32xi32, #tpu.memory_space<vmem>>
    %dma_start3A_283 = tpu.memref_slice %arg2[%dma_start3A_278, %mul3A_2] : memref<32x1024xi32, #tpu.memory_space<hbm>> -> memref<1x32xi32, #tpu.memory_space<hbm>>
    %dma_start3A_284 = tpu.memref_squeeze %dma_start3A_283 : memref<1x32xi32, #tpu.memory_space<hbm>> -> memref<32xi32, #tpu.memory_space<hbm>>
    %dma_start3A_285 = arith.constant 0 : i32
    %dma_start3A_286 = tpu.memref_slice %arg6[%dma_start3A_279, %dma_start3A_285] : memref<32x32xi32, #tpu.memory_space<vmem>> -> memref<1x32xi32, #tpu.memory_space<vmem>>
    %dma_start3A_287 = tpu.memref_squeeze %dma_start3A_286 : memref<1x32xi32, #tpu.memory_space<vmem>> -> memref<32xi32, #tpu.memory_space<vmem>>
    %dma_start3A_288 = tpu.memref_slice %arg2[%dma_start3A_278, %mul3A_2] : memref<32x1024xi32, #tpu.memory_space<hbm>> -> memref<1x32xi32, #tpu.memory_space<hbm>>
    %dma_start3A_289 = tpu.memref_squeeze %dma_start3A_288 : memref<1x32xi32, #tpu.memory_space<hbm>> -> memref<32xi32, #tpu.memory_space<hbm>>
    tpu.enqueue_dma source(%dma_start3A_289 : memref<32xi32, #tpu.memory_space<hbm>>) target(%dma_start3A_287 : memref<32xi32, #tpu.memory_space<vmem>>) target_semaphore(%arg16 : memref<!tpu.dma_semaphore, #tpu.memory_space<semaphore_mem>>)
    %dma_start3A_290 = arith.constant 24 : i32
    %dma_start3A_291 = arith.constant 24 : i32
    %dma_start3A_292 = arith.constant 0 : i32
    %dma_start3A_293 = tpu.memref_slice %arg6[%dma_start3A_291, %dma_start3A_292] : memref<32x32xi32, #tpu.memory_space<vmem>> -> memref<1x32xi32, #tpu.memory_space<vmem>>
    %dma_start3A_294 = tpu.memref_squeeze %dma_start3A_293 : memref<1x32xi32, #tpu.memory_space<vmem>> -> memref<32xi32, #tpu.memory_space<vmem>>
    %dma_start3A_295 = tpu.memref_slice %arg2[%dma_start3A_290, %mul3A_2] : memref<32x1024xi32, #tpu.memory_space<hbm>> -> memref<1x32xi32, #tpu.memory_space<hbm>>
    %dma_start3A_296 = tpu.memref_squeeze %dma_start3A_295 : memref<1x32xi32, #tpu.memory_space<hbm>> -> memref<32xi32, #tpu.memory_space<hbm>>
    %dma_start3A_297 = arith.constant 0 : i32
    %dma_start3A_298 = tpu.memref_slice %arg6[%dma_start3A_291, %dma_start3A_297] : memref<32x32xi32, #tpu.memory_space<vmem>> -> memref<1x32xi32, #tpu.memory_space<vmem>>
    %dma_start3A_299 = tpu.memref_squeeze %dma_start3A_298 : memref<1x32xi32, #tpu.memory_space<vmem>> -> memref<32xi32, #tpu.memory_space<vmem>>
    %dma_start3A_300 = tpu.memref_slice %arg2[%dma_start3A_290, %mul3A_2] : memref<32x1024xi32, #tpu.memory_space<hbm>> -> memref<1x32xi32, #tpu.memory_space<hbm>>
    %dma_start3A_301 = tpu.memref_squeeze %dma_start3A_300 : memref<1x32xi32, #tpu.memory_space<hbm>> -> memref<32xi32, #tpu.memory_space<hbm>>
    tpu.enqueue_dma source(%dma_start3A_301 : memref<32xi32, #tpu.memory_space<hbm>>) target(%dma_start3A_299 : memref<32xi32, #tpu.memory_space<vmem>>) target_semaphore(%arg16 : memref<!tpu.dma_semaphore, #tpu.memory_space<semaphore_mem>>)
    %dma_start3A_302 = arith.constant 25 : i32
    %dma_start3A_303 = arith.constant 25 : i32
    %dma_start3A_304 = arith.constant 0 : i32
    %dma_start3A_305 = tpu.memref_slice %arg6[%dma_start3A_303, %dma_start3A_304] : memref<32x32xi32, #tpu.memory_space<vmem>> -> memref<1x32xi32, #tpu.memory_space<vmem>>
    %dma_start3A_306 = tpu.memref_squeeze %dma_start3A_305 : memref<1x32xi32, #tpu.memory_space<vmem>> -> memref<32xi32, #tpu.memory_space<vmem>>
    %dma_start3A_307 = tpu.memref_slice %arg2[%dma_start3A_302, %mul3A_2] : memref<32x1024xi32, #tpu.memory_space<hbm>> -> memref<1x32xi32, #tpu.memory_space<hbm>>
    %dma_start3A_308 = tpu.memref_squeeze %dma_start3A_307 : memref<1x32xi32, #tpu.memory_space<hbm>> -> memref<32xi32, #tpu.memory_space<hbm>>
    %dma_start3A_309 = arith.constant 0 : i32
    %dma_start3A_310 = tpu.memref_slice %arg6[%dma_start3A_303, %dma_start3A_309] : memref<32x32xi32, #tpu.memory_space<vmem>> -> memref<1x32xi32, #tpu.memory_space<vmem>>
    %dma_start3A_311 = tpu.memref_squeeze %dma_start3A_310 : memref<1x32xi32, #tpu.memory_space<vmem>> -> memref<32xi32, #tpu.memory_space<vmem>>
    %dma_start3A_312 = tpu.memref_slice %arg2[%dma_start3A_302, %mul3A_2] : memref<32x1024xi32, #tpu.memory_space<hbm>> -> memref<1x32xi32, #tpu.memory_space<hbm>>
    %dma_start3A_313 = tpu.memref_squeeze %dma_start3A_312 : memref<1x32xi32, #tpu.memory_space<hbm>> -> memref<32xi32, #tpu.memory_space<hbm>>
    tpu.enqueue_dma source(%dma_start3A_313 : memref<32xi32, #tpu.memory_space<hbm>>) target(%dma_start3A_311 : memref<32xi32, #tpu.memory_space<vmem>>) target_semaphore(%arg16 : memref<!tpu.dma_semaphore, #tpu.memory_space<semaphore_mem>>)
    %dma_start3A_314 = arith.constant 26 : i32
    %dma_start3A_315 = arith.constant 26 : i32
    %dma_start3A_316 = arith.constant 0 : i32
    %dma_start3A_317 = tpu.memref_slice %arg6[%dma_start3A_315, %dma_start3A_316] : memref<32x32xi32, #tpu.memory_space<vmem>> -> memref<1x32xi32, #tpu.memory_space<vmem>>
    %dma_start3A_318 = tpu.memref_squeeze %dma_start3A_317 : memref<1x32xi32, #tpu.memory_space<vmem>> -> memref<32xi32, #tpu.memory_space<vmem>>
    %dma_start3A_319 = tpu.memref_slice %arg2[%dma_start3A_314, %mul3A_2] : memref<32x1024xi32, #tpu.memory_space<hbm>> -> memref<1x32xi32, #tpu.memory_space<hbm>>
    %dma_start3A_320 = tpu.memref_squeeze %dma_start3A_319 : memref<1x32xi32, #tpu.memory_space<hbm>> -> memref<32xi32, #tpu.memory_space<hbm>>
    %dma_start3A_321 = arith.constant 0 : i32
    %dma_start3A_322 = tpu.memref_slice %arg6[%dma_start3A_315, %dma_start3A_321] : memref<32x32xi32, #tpu.memory_space<vmem>> -> memref<1x32xi32, #tpu.memory_space<vmem>>
    %dma_start3A_323 = tpu.memref_squeeze %dma_start3A_322 : memref<1x32xi32, #tpu.memory_space<vmem>> -> memref<32xi32, #tpu.memory_space<vmem>>
    %dma_start3A_324 = tpu.memref_slice %arg2[%dma_start3A_314, %mul3A_2] : memref<32x1024xi32, #tpu.memory_space<hbm>> -> memref<1x32xi32, #tpu.memory_space<hbm>>
    %dma_start3A_325 = tpu.memref_squeeze %dma_start3A_324 : memref<1x32xi32, #tpu.memory_space<hbm>> -> memref<32xi32, #tpu.memory_space<hbm>>
    tpu.enqueue_dma source(%dma_start3A_325 : memref<32xi32, #tpu.memory_space<hbm>>) target(%dma_start3A_323 : memref<32xi32, #tpu.memory_space<vmem>>) target_semaphore(%arg16 : memref<!tpu.dma_semaphore, #tpu.memory_space<semaphore_mem>>)
    %dma_start3A_326 = arith.constant 27 : i32
    %dma_start3A_327 = arith.constant 27 : i32
    %dma_start3A_328 = arith.constant 0 : i32
    %dma_start3A_329 = tpu.memref_slice %arg6[%dma_start3A_327, %dma_start3A_328] : memref<32x32xi32, #tpu.memory_space<vmem>> -> memref<1x32xi32, #tpu.memory_space<vmem>>
    %dma_start3A_330 = tpu.memref_squeeze %dma_start3A_329 : memref<1x32xi32, #tpu.memory_space<vmem>> -> memref<32xi32, #tpu.memory_space<vmem>>
    %dma_start3A_331 = tpu.memref_slice %arg2[%dma_start3A_326, %mul3A_2] : memref<32x1024xi32, #tpu.memory_space<hbm>> -> memref<1x32xi32, #tpu.memory_space<hbm>>
    %dma_start3A_332 = tpu.memref_squeeze %dma_start3A_331 : memref<1x32xi32, #tpu.memory_space<hbm>> -> memref<32xi32, #tpu.memory_space<hbm>>
    %dma_start3A_333 = arith.constant 0 : i32
    %dma_start3A_334 = tpu.memref_slice %arg6[%dma_start3A_327, %dma_start3A_333] : memref<32x32xi32, #tpu.memory_space<vmem>> -> memref<1x32xi32, #tpu.memory_space<vmem>>
    %dma_start3A_335 = tpu.memref_squeeze %dma_start3A_334 : memref<1x32xi32, #tpu.memory_space<vmem>> -> memref<32xi32, #tpu.memory_space<vmem>>
    %dma_start3A_336 = tpu.memref_slice %arg2[%dma_start3A_326, %mul3A_2] : memref<32x1024xi32, #tpu.memory_space<hbm>> -> memref<1x32xi32, #tpu.memory_space<hbm>>
    %dma_start3A_337 = tpu.memref_squeeze %dma_start3A_336 : memref<1x32xi32, #tpu.memory_space<hbm>> -> memref<32xi32, #tpu.memory_space<hbm>>
    tpu.enqueue_dma source(%dma_start3A_337 : memref<32xi32, #tpu.memory_space<hbm>>) target(%dma_start3A_335 : memref<32xi32, #tpu.memory_space<vmem>>) target_semaphore(%arg16 : memref<!tpu.dma_semaphore, #tpu.memory_space<semaphore_mem>>)
    %dma_start3A_338 = arith.constant 28 : i32
    %dma_start3A_339 = arith.constant 28 : i32
    %dma_start3A_340 = arith.constant 0 : i32
    %dma_start3A_341 = tpu.memref_slice %arg6[%dma_start3A_339, %dma_start3A_340] : memref<32x32xi32, #tpu.memory_space<vmem>> -> memref<1x32xi32, #tpu.memory_space<vmem>>
    %dma_start3A_342 = tpu.memref_squeeze %dma_start3A_341 : memref<1x32xi32, #tpu.memory_space<vmem>> -> memref<32xi32, #tpu.memory_space<vmem>>
    %dma_start3A_343 = tpu.memref_slice %arg2[%dma_start3A_338, %mul3A_2] : memref<32x1024xi32, #tpu.memory_space<hbm>> -> memref<1x32xi32, #tpu.memory_space<hbm>>
    %dma_start3A_344 = tpu.memref_squeeze %dma_start3A_343 : memref<1x32xi32, #tpu.memory_space<hbm>> -> memref<32xi32, #tpu.memory_space<hbm>>
    %dma_start3A_345 = arith.constant 0 : i32
    %dma_start3A_346 = tpu.memref_slice %arg6[%dma_start3A_339, %dma_start3A_345] : memref<32x32xi32, #tpu.memory_space<vmem>> -> memref<1x32xi32, #tpu.memory_space<vmem>>
    %dma_start3A_347 = tpu.memref_squeeze %dma_start3A_346 : memref<1x32xi32, #tpu.memory_space<vmem>> -> memref<32xi32, #tpu.memory_space<vmem>>
    %dma_start3A_348 = tpu.memref_slice %arg2[%dma_start3A_338, %mul3A_2] : memref<32x1024xi32, #tpu.memory_space<hbm>> -> memref<1x32xi32, #tpu.memory_space<hbm>>
    %dma_start3A_349 = tpu.memref_squeeze %dma_start3A_348 : memref<1x32xi32, #tpu.memory_space<hbm>> -> memref<32xi32, #tpu.memory_space<hbm>>
    tpu.enqueue_dma source(%dma_start3A_349 : memref<32xi32, #tpu.memory_space<hbm>>) target(%dma_start3A_347 : memref<32xi32, #tpu.memory_space<vmem>>) target_semaphore(%arg16 : memref<!tpu.dma_semaphore, #tpu.memory_space<semaphore_mem>>)
    %dma_start3A_350 = arith.constant 29 : i32
    %dma_start3A_351 = arith.constant 29 : i32
    %dma_start3A_352 = arith.constant 0 : i32
    %dma_start3A_353 = tpu.memref_slice %arg6[%dma_start3A_351, %dma_start3A_352] : memref<32x32xi32, #tpu.memory_space<vmem>> -> memref<1x32xi32, #tpu.memory_space<vmem>>
    %dma_start3A_354 = tpu.memref_squeeze %dma_start3A_353 : memref<1x32xi32, #tpu.memory_space<vmem>> -> memref<32xi32, #tpu.memory_space<vmem>>
    %dma_start3A_355 = tpu.memref_slice %arg2[%dma_start3A_350, %mul3A_2] : memref<32x1024xi32, #tpu.memory_space<hbm>> -> memref<1x32xi32, #tpu.memory_space<hbm>>
    %dma_start3A_356 = tpu.memref_squeeze %dma_start3A_355 : memref<1x32xi32, #tpu.memory_space<hbm>> -> memref<32xi32, #tpu.memory_space<hbm>>
    %dma_start3A_357 = arith.constant 0 : i32
    %dma_start3A_358 = tpu.memref_slice %arg6[%dma_start3A_351, %dma_start3A_357] : memref<32x32xi32, #tpu.memory_space<vmem>> -> memref<1x32xi32, #tpu.memory_space<vmem>>
    %dma_start3A_359 = tpu.memref_squeeze %dma_start3A_358 : memref<1x32xi32, #tpu.memory_space<vmem>> -> memref<32xi32, #tpu.memory_space<vmem>>
    %dma_start3A_360 = tpu.memref_slice %arg2[%dma_start3A_350, %mul3A_2] : memref<32x1024xi32, #tpu.memory_space<hbm>> -> memref<1x32xi32, #tpu.memory_space<hbm>>
    %dma_start3A_361 = tpu.memref_squeeze %dma_start3A_360 : memref<1x32xi32, #tpu.memory_space<hbm>> -> memref<32xi32, #tpu.memory_space<hbm>>
    tpu.enqueue_dma source(%dma_start3A_361 : memref<32xi32, #tpu.memory_space<hbm>>) target(%dma_start3A_359 : memref<32xi32, #tpu.memory_space<vmem>>) target_semaphore(%arg16 : memref<!tpu.dma_semaphore, #tpu.memory_space<semaphore_mem>>)
    %dma_start3A_362 = arith.constant 30 : i32
    %dma_start3A_363 = arith.constant 30 : i32
    %dma_start3A_364 = arith.constant 0 : i32
    %dma_start3A_365 = tpu.memref_slice %arg6[%dma_start3A_363, %dma_start3A_364] : memref<32x32xi32, #tpu.memory_space<vmem>> -> memref<1x32xi32, #tpu.memory_space<vmem>>
    %dma_start3A_366 = tpu.memref_squeeze %dma_start3A_365 : memref<1x32xi32, #tpu.memory_space<vmem>> -> memref<32xi32, #tpu.memory_space<vmem>>
    %dma_start3A_367 = tpu.memref_slice %arg2[%dma_start3A_362, %mul3A_2] : memref<32x1024xi32, #tpu.memory_space<hbm>> -> memref<1x32xi32, #tpu.memory_space<hbm>>
    %dma_start3A_368 = tpu.memref_squeeze %dma_start3A_367 : memref<1x32xi32, #tpu.memory_space<hbm>> -> memref<32xi32, #tpu.memory_space<hbm>>
    %dma_start3A_369 = arith.constant 0 : i32
    %dma_start3A_370 = tpu.memref_slice %arg6[%dma_start3A_363, %dma_start3A_369] : memref<32x32xi32, #tpu.memory_space<vmem>> -> memref<1x32xi32, #tpu.memory_space<vmem>>
    %dma_start3A_371 = tpu.memref_squeeze %dma_start3A_370 : memref<1x32xi32, #tpu.memory_space<vmem>> -> memref<32xi32, #tpu.memory_space<vmem>>
    %dma_start3A_372 = tpu.memref_slice %arg2[%dma_start3A_362, %mul3A_2] : memref<32x1024xi32, #tpu.memory_space<hbm>> -> memref<1x32xi32, #tpu.memory_space<hbm>>
    %dma_start3A_373 = tpu.memref_squeeze %dma_start3A_372 : memref<1x32xi32, #tpu.memory_space<hbm>> -> memref<32xi32, #tpu.memory_space<hbm>>
    tpu.enqueue_dma source(%dma_start3A_373 : memref<32xi32, #tpu.memory_space<hbm>>) target(%dma_start3A_371 : memref<32xi32, #tpu.memory_space<vmem>>) target_semaphore(%arg16 : memref<!tpu.dma_semaphore, #tpu.memory_space<semaphore_mem>>)
    %dma_start3A_374 = arith.constant 31 : i32
    %dma_start3A_375 = arith.constant 31 : i32
    %dma_start3A_376 = arith.constant 0 : i32
    %dma_start3A_377 = tpu.memref_slice %arg6[%dma_start3A_375, %dma_start3A_376] : memref<32x32xi32, #tpu.memory_space<vmem>> -> memref<1x32xi32, #tpu.memory_space<vmem>>
    %dma_start3A_378 = tpu.memref_squeeze %dma_start3A_377 : memref<1x32xi32, #tpu.memory_space<vmem>> -> memref<32xi32, #tpu.memory_space<vmem>>
    %dma_start3A_379 = tpu.memref_slice %arg2[%dma_start3A_374, %mul3A_2] : memref<32x1024xi32, #tpu.memory_space<hbm>> -> memref<1x32xi32, #tpu.memory_space<hbm>>
    %dma_start3A_380 = tpu.memref_squeeze %dma_start3A_379 : memref<1x32xi32, #tpu.memory_space<hbm>> -> memref<32xi32, #tpu.memory_space<hbm>>
    %dma_start3A_381 = arith.constant 0 : i32
    %dma_start3A_382 = tpu.memref_slice %arg6[%dma_start3A_375, %dma_start3A_381] : memref<32x32xi32, #tpu.memory_space<vmem>> -> memref<1x32xi32, #tpu.memory_space<vmem>>
    %dma_start3A_383 = tpu.memref_squeeze %dma_start3A_382 : memref<1x32xi32, #tpu.memory_space<vmem>> -> memref<32xi32, #tpu.memory_space<vmem>>
    %dma_start3A_384 = tpu.memref_slice %arg2[%dma_start3A_374, %mul3A_2] : memref<32x1024xi32, #tpu.memory_space<hbm>> -> memref<1x32xi32, #tpu.memory_space<hbm>>
    %dma_start3A_385 = tpu.memref_squeeze %dma_start3A_384 : memref<1x32xi32, #tpu.memory_space<hbm>> -> memref<32xi32, #tpu.memory_space<hbm>>
    tpu.enqueue_dma source(%dma_start3A_385 : memref<32xi32, #tpu.memory_space<hbm>>) target(%dma_start3A_383 : memref<32xi32, #tpu.memory_space<vmem>>) target_semaphore(%arg16 : memref<!tpu.dma_semaphore, #tpu.memory_space<semaphore_mem>>)
    "tpu.region"() ({
      %run_scoped3A = tpu.sem_alloc : memref<!tpu.dma_semaphore, #tpu.memory_space<semaphore_mem>>
      %dma_start3A_806 = arith.constant 0 : i32
      %dma_start3A_807 = tpu.memref_slice %arg4[%mul3A_2, %dma_start3A_806] : memref<1024x1280xf32, #tpu.memory_space<hbm>> -> memref<32x1280xf32, #tpu.memory_space<hbm>>
      %dma_start3A_808 = arith.constant 0 : i32
      %dma_start3A_809 = tpu.memref_slice %arg4[%mul3A_2, %dma_start3A_808] : memref<1024x1280xf32, #tpu.memory_space<hbm>> -> memref<32x1280xf32, #tpu.memory_space<hbm>>
      tpu.enqueue_dma source(%dma_start3A_809 : memref<32x1280xf32, #tpu.memory_space<hbm>>) target(%arg7 : memref<32x1280xf32, #tpu.memory_space<vmem>>) target_semaphore(%run_scoped3A : memref<!tpu.dma_semaphore, #tpu.memory_space<semaphore_mem>>)
      %dma_wait3A_810 = arith.constant 0 : i32
      %dma_wait3A_811 = tpu.memref_slice %arg4[%mul3A_2, %dma_wait3A_810] : memref<1024x1280xf32, #tpu.memory_space<hbm>> -> memref<32x1280xf32, #tpu.memory_space<hbm>>
      %dma_wait3A_812 = arith.constant 0 : i32
      %dma_wait3A_813 = tpu.memref_slice %arg4[%mul3A_2, %dma_wait3A_812] : memref<1024x1280xf32, #tpu.memory_space<hbm>> -> memref<32x1280xf32, #tpu.memory_space<hbm>>
      tpu.wait_dma2 semaphore(%run_scoped3A : memref<!tpu.dma_semaphore, #tpu.memory_space<semaphore_mem>>) src(%dma_wait3A_813 : memref<32x1280xf32, #tpu.memory_space<hbm>>) dst(%arg7 : memref<32x1280xf32, #tpu.memory_space<vmem>>)
      tpu.yield
    }) : () -> ()
    %dma_wait3A = arith.constant 0 : i32
    %dma_wait3A_386 = arith.constant 0 : i32
    %dma_wait3A_387 = arith.constant 0 : i32
    %dma_wait3A_388 = tpu.memref_slice %arg6[%dma_wait3A_386, %dma_wait3A_387] : memref<32x32xi32, #tpu.memory_space<vmem>> -> memref<1x32xi32, #tpu.memory_space<vmem>>
    %dma_wait3A_389 = tpu.memref_squeeze %dma_wait3A_388 : memref<1x32xi32, #tpu.memory_space<vmem>> -> memref<32xi32, #tpu.memory_space<vmem>>
    %dma_wait3A_390 = tpu.memref_slice %arg2[%dma_wait3A, %mul3A_2] : memref<32x1024xi32, #tpu.memory_space<hbm>> -> memref<1x32xi32, #tpu.memory_space<hbm>>
    %dma_wait3A_391 = tpu.memref_squeeze %dma_wait3A_390 : memref<1x32xi32, #tpu.memory_space<hbm>> -> memref<32xi32, #tpu.memory_space<hbm>>
    %dma_wait3A_392 = arith.constant 0 : i32
    %dma_wait3A_393 = tpu.memref_slice %arg6[%dma_wait3A_386, %dma_wait3A_392] : memref<32x32xi32, #tpu.memory_space<vmem>> -> memref<1x32xi32, #tpu.memory_space<vmem>>
    %dma_wait3A_394 = tpu.memref_squeeze %dma_wait3A_393 : memref<1x32xi32, #tpu.memory_space<vmem>> -> memref<32xi32, #tpu.memory_space<vmem>>
    %dma_wait3A_395 = tpu.memref_slice %arg2[%dma_wait3A, %mul3A_2] : memref<32x1024xi32, #tpu.memory_space<hbm>> -> memref<1x32xi32, #tpu.memory_space<hbm>>
    %dma_wait3A_396 = tpu.memref_squeeze %dma_wait3A_395 : memref<1x32xi32, #tpu.memory_space<hbm>> -> memref<32xi32, #tpu.memory_space<hbm>>
    tpu.wait_dma2 semaphore(%arg16 : memref<!tpu.dma_semaphore, #tpu.memory_space<semaphore_mem>>) src(%dma_wait3A_396 : memref<32xi32, #tpu.memory_space<hbm>>) dst(%dma_wait3A_394 : memref<32xi32, #tpu.memory_space<vmem>>)
    %dma_wait3A_397 = arith.constant 1 : i32
    %dma_wait3A_398 = arith.constant 1 : i32
    %dma_wait3A_399 = arith.constant 0 : i32
    %dma_wait3A_400 = tpu.memref_slice %arg6[%dma_wait3A_398, %dma_wait3A_399] : memref<32x32xi32, #tpu.memory_space<vmem>> -> memref<1x32xi32, #tpu.memory_space<vmem>>
    %dma_wait3A_401 = tpu.memref_squeeze %dma_wait3A_400 : memref<1x32xi32, #tpu.memory_space<vmem>> -> memref<32xi32, #tpu.memory_space<vmem>>
    %dma_wait3A_402 = tpu.memref_slice %arg2[%dma_wait3A_397, %mul3A_2] : memref<32x1024xi32, #tpu.memory_space<hbm>> -> memref<1x32xi32, #tpu.memory_space<hbm>>
    %dma_wait3A_403 = tpu.memref_squeeze %dma_wait3A_402 : memref<1x32xi32, #tpu.memory_space<hbm>> -> memref<32xi32, #tpu.memory_space<hbm>>
    %dma_wait3A_404 = arith.constant 0 : i32
    %dma_wait3A_405 = tpu.memref_slice %arg6[%dma_wait3A_398, %dma_wait3A_404] : memref<32x32xi32, #tpu.memory_space<vmem>> -> memref<1x32xi32, #tpu.memory_space<vmem>>
    %dma_wait3A_406 = tpu.memref_squeeze %dma_wait3A_405 : memref<1x32xi32, #tpu.memory_space<vmem>> -> memref<32xi32, #tpu.memory_space<vmem>>
    %dma_wait3A_407 = tpu.memref_slice %arg2[%dma_wait3A_397, %mul3A_2] : memref<32x1024xi32, #tpu.memory_space<hbm>> -> memref<1x32xi32, #tpu.memory_space<hbm>>
    %dma_wait3A_408 = tpu.memref_squeeze %dma_wait3A_407 : memref<1x32xi32, #tpu.memory_space<hbm>> -> memref<32xi32, #tpu.memory_space<hbm>>
    tpu.wait_dma2 semaphore(%arg16 : memref<!tpu.dma_semaphore, #tpu.memory_space<semaphore_mem>>) src(%dma_wait3A_408 : memref<32xi32, #tpu.memory_space<hbm>>) dst(%dma_wait3A_406 : memref<32xi32, #tpu.memory_space<vmem>>)
    %dma_wait3A_409 = arith.constant 2 : i32
    %dma_wait3A_410 = arith.constant 2 : i32
    %dma_wait3A_411 = arith.constant 0 : i32
    %dma_wait3A_412 = tpu.memref_slice %arg6[%dma_wait3A_410, %dma_wait3A_411] : memref<32x32xi32, #tpu.memory_space<vmem>> -> memref<1x32xi32, #tpu.memory_space<vmem>>
    %dma_wait3A_413 = tpu.memref_squeeze %dma_wait3A_412 : memref<1x32xi32, #tpu.memory_space<vmem>> -> memref<32xi32, #tpu.memory_space<vmem>>
    %dma_wait3A_414 = tpu.memref_slice %arg2[%dma_wait3A_409, %mul3A_2] : memref<32x1024xi32, #tpu.memory_space<hbm>> -> memref<1x32xi32, #tpu.memory_space<hbm>>
    %dma_wait3A_415 = tpu.memref_squeeze %dma_wait3A_414 : memref<1x32xi32, #tpu.memory_space<hbm>> -> memref<32xi32, #tpu.memory_space<hbm>>
    %dma_wait3A_416 = arith.constant 0 : i32
    %dma_wait3A_417 = tpu.memref_slice %arg6[%dma_wait3A_410, %dma_wait3A_416] : memref<32x32xi32, #tpu.memory_space<vmem>> -> memref<1x32xi32, #tpu.memory_space<vmem>>
    %dma_wait3A_418 = tpu.memref_squeeze %dma_wait3A_417 : memref<1x32xi32, #tpu.memory_space<vmem>> -> memref<32xi32, #tpu.memory_space<vmem>>
    %dma_wait3A_419 = tpu.memref_slice %arg2[%dma_wait3A_409, %mul3A_2] : memref<32x1024xi32, #tpu.memory_space<hbm>> -> memref<1x32xi32, #tpu.memory_space<hbm>>
    %dma_wait3A_420 = tpu.memref_squeeze %dma_wait3A_419 : memref<1x32xi32, #tpu.memory_space<hbm>> -> memref<32xi32, #tpu.memory_space<hbm>>
    tpu.wait_dma2 semaphore(%arg16 : memref<!tpu.dma_semaphore, #tpu.memory_space<semaphore_mem>>) src(%dma_wait3A_420 : memref<32xi32, #tpu.memory_space<hbm>>) dst(%dma_wait3A_418 : memref<32xi32, #tpu.memory_space<vmem>>)
    %dma_wait3A_421 = arith.constant 3 : i32
    %dma_wait3A_422 = arith.constant 3 : i32
    %dma_wait3A_423 = arith.constant 0 : i32
    %dma_wait3A_424 = tpu.memref_slice %arg6[%dma_wait3A_422, %dma_wait3A_423] : memref<32x32xi32, #tpu.memory_space<vmem>> -> memref<1x32xi32, #tpu.memory_space<vmem>>
    %dma_wait3A_425 = tpu.memref_squeeze %dma_wait3A_424 : memref<1x32xi32, #tpu.memory_space<vmem>> -> memref<32xi32, #tpu.memory_space<vmem>>
    %dma_wait3A_426 = tpu.memref_slice %arg2[%dma_wait3A_421, %mul3A_2] : memref<32x1024xi32, #tpu.memory_space<hbm>> -> memref<1x32xi32, #tpu.memory_space<hbm>>
    %dma_wait3A_427 = tpu.memref_squeeze %dma_wait3A_426 : memref<1x32xi32, #tpu.memory_space<hbm>> -> memref<32xi32, #tpu.memory_space<hbm>>
    %dma_wait3A_428 = arith.constant 0 : i32
    %dma_wait3A_429 = tpu.memref_slice %arg6[%dma_wait3A_422, %dma_wait3A_428] : memref<32x32xi32, #tpu.memory_space<vmem>> -> memref<1x32xi32, #tpu.memory_space<vmem>>
    %dma_wait3A_430 = tpu.memref_squeeze %dma_wait3A_429 : memref<1x32xi32, #tpu.memory_space<vmem>> -> memref<32xi32, #tpu.memory_space<vmem>>
    %dma_wait3A_431 = tpu.memref_slice %arg2[%dma_wait3A_421, %mul3A_2] : memref<32x1024xi32, #tpu.memory_space<hbm>> -> memref<1x32xi32, #tpu.memory_space<hbm>>
    %dma_wait3A_432 = tpu.memref_squeeze %dma_wait3A_431 : memref<1x32xi32, #tpu.memory_space<hbm>> -> memref<32xi32, #tpu.memory_space<hbm>>
    tpu.wait_dma2 semaphore(%arg16 : memref<!tpu.dma_semaphore, #tpu.memory_space<semaphore_mem>>) src(%dma_wait3A_432 : memref<32xi32, #tpu.memory_space<hbm>>) dst(%dma_wait3A_430 : memref<32xi32, #tpu.memory_space<vmem>>)
    %dma_wait3A_433 = arith.constant 4 : i32
    %dma_wait3A_434 = arith.constant 4 : i32
    %dma_wait3A_435 = arith.constant 0 : i32
    %dma_wait3A_436 = tpu.memref_slice %arg6[%dma_wait3A_434, %dma_wait3A_435] : memref<32x32xi32, #tpu.memory_space<vmem>> -> memref<1x32xi32, #tpu.memory_space<vmem>>
    %dma_wait3A_437 = tpu.memref_squeeze %dma_wait3A_436 : memref<1x32xi32, #tpu.memory_space<vmem>> -> memref<32xi32, #tpu.memory_space<vmem>>
    %dma_wait3A_438 = tpu.memref_slice %arg2[%dma_wait3A_433, %mul3A_2] : memref<32x1024xi32, #tpu.memory_space<hbm>> -> memref<1x32xi32, #tpu.memory_space<hbm>>
    %dma_wait3A_439 = tpu.memref_squeeze %dma_wait3A_438 : memref<1x32xi32, #tpu.memory_space<hbm>> -> memref<32xi32, #tpu.memory_space<hbm>>
    %dma_wait3A_440 = arith.constant 0 : i32
    %dma_wait3A_441 = tpu.memref_slice %arg6[%dma_wait3A_434, %dma_wait3A_440] : memref<32x32xi32, #tpu.memory_space<vmem>> -> memref<1x32xi32, #tpu.memory_space<vmem>>
    %dma_wait3A_442 = tpu.memref_squeeze %dma_wait3A_441 : memref<1x32xi32, #tpu.memory_space<vmem>> -> memref<32xi32, #tpu.memory_space<vmem>>
    %dma_wait3A_443 = tpu.memref_slice %arg2[%dma_wait3A_433, %mul3A_2] : memref<32x1024xi32, #tpu.memory_space<hbm>> -> memref<1x32xi32, #tpu.memory_space<hbm>>
    %dma_wait3A_444 = tpu.memref_squeeze %dma_wait3A_443 : memref<1x32xi32, #tpu.memory_space<hbm>> -> memref<32xi32, #tpu.memory_space<hbm>>
    tpu.wait_dma2 semaphore(%arg16 : memref<!tpu.dma_semaphore, #tpu.memory_space<semaphore_mem>>) src(%dma_wait3A_444 : memref<32xi32, #tpu.memory_space<hbm>>) dst(%dma_wait3A_442 : memref<32xi32, #tpu.memory_space<vmem>>)
    %dma_wait3A_445 = arith.constant 5 : i32
    %dma_wait3A_446 = arith.constant 5 : i32
    %dma_wait3A_447 = arith.constant 0 : i32
    %dma_wait3A_448 = tpu.memref_slice %arg6[%dma_wait3A_446, %dma_wait3A_447] : memref<32x32xi32, #tpu.memory_space<vmem>> -> memref<1x32xi32, #tpu.memory_space<vmem>>
    %dma_wait3A_449 = tpu.memref_squeeze %dma_wait3A_448 : memref<1x32xi32, #tpu.memory_space<vmem>> -> memref<32xi32, #tpu.memory_space<vmem>>
    %dma_wait3A_450 = tpu.memref_slice %arg2[%dma_wait3A_445, %mul3A_2] : memref<32x1024xi32, #tpu.memory_space<hbm>> -> memref<1x32xi32, #tpu.memory_space<hbm>>
    %dma_wait3A_451 = tpu.memref_squeeze %dma_wait3A_450 : memref<1x32xi32, #tpu.memory_space<hbm>> -> memref<32xi32, #tpu.memory_space<hbm>>
    %dma_wait3A_452 = arith.constant 0 : i32
    %dma_wait3A_453 = tpu.memref_slice %arg6[%dma_wait3A_446, %dma_wait3A_452] : memref<32x32xi32, #tpu.memory_space<vmem>> -> memref<1x32xi32, #tpu.memory_space<vmem>>
    %dma_wait3A_454 = tpu.memref_squeeze %dma_wait3A_453 : memref<1x32xi32, #tpu.memory_space<vmem>> -> memref<32xi32, #tpu.memory_space<vmem>>
    %dma_wait3A_455 = tpu.memref_slice %arg2[%dma_wait3A_445, %mul3A_2] : memref<32x1024xi32, #tpu.memory_space<hbm>> -> memref<1x32xi32, #tpu.memory_space<hbm>>
    %dma_wait3A_456 = tpu.memref_squeeze %dma_wait3A_455 : memref<1x32xi32, #tpu.memory_space<hbm>> -> memref<32xi32, #tpu.memory_space<hbm>>
    tpu.wait_dma2 semaphore(%arg16 : memref<!tpu.dma_semaphore, #tpu.memory_space<semaphore_mem>>) src(%dma_wait3A_456 : memref<32xi32, #tpu.memory_space<hbm>>) dst(%dma_wait3A_454 : memref<32xi32, #tpu.memory_space<vmem>>)
    %dma_wait3A_457 = arith.constant 6 : i32
    %dma_wait3A_458 = arith.constant 6 : i32
    %dma_wait3A_459 = arith.constant 0 : i32
    %dma_wait3A_460 = tpu.memref_slice %arg6[%dma_wait3A_458, %dma_wait3A_459] : memref<32x32xi32, #tpu.memory_space<vmem>> -> memref<1x32xi32, #tpu.memory_space<vmem>>
    %dma_wait3A_461 = tpu.memref_squeeze %dma_wait3A_460 : memref<1x32xi32, #tpu.memory_space<vmem>> -> memref<32xi32, #tpu.memory_space<vmem>>
    %dma_wait3A_462 = tpu.memref_slice %arg2[%dma_wait3A_457, %mul3A_2] : memref<32x1024xi32, #tpu.memory_space<hbm>> -> memref<1x32xi32, #tpu.memory_space<hbm>>
    %dma_wait3A_463 = tpu.memref_squeeze %dma_wait3A_462 : memref<1x32xi32, #tpu.memory_space<hbm>> -> memref<32xi32, #tpu.memory_space<hbm>>
    %dma_wait3A_464 = arith.constant 0 : i32
    %dma_wait3A_465 = tpu.memref_slice %arg6[%dma_wait3A_458, %dma_wait3A_464] : memref<32x32xi32, #tpu.memory_space<vmem>> -> memref<1x32xi32, #tpu.memory_space<vmem>>
    %dma_wait3A_466 = tpu.memref_squeeze %dma_wait3A_465 : memref<1x32xi32, #tpu.memory_space<vmem>> -> memref<32xi32, #tpu.memory_space<vmem>>
    %dma_wait3A_467 = tpu.memref_slice %arg2[%dma_wait3A_457, %mul3A_2] : memref<32x1024xi32, #tpu.memory_space<hbm>> -> memref<1x32xi32, #tpu.memory_space<hbm>>
    %dma_wait3A_468 = tpu.memref_squeeze %dma_wait3A_467 : memref<1x32xi32, #tpu.memory_space<hbm>> -> memref<32xi32, #tpu.memory_space<hbm>>
    tpu.wait_dma2 semaphore(%arg16 : memref<!tpu.dma_semaphore, #tpu.memory_space<semaphore_mem>>) src(%dma_wait3A_468 : memref<32xi32, #tpu.memory_space<hbm>>) dst(%dma_wait3A_466 : memref<32xi32, #tpu.memory_space<vmem>>)
    %dma_wait3A_469 = arith.constant 7 : i32
    %dma_wait3A_470 = arith.constant 7 : i32
    %dma_wait3A_471 = arith.constant 0 : i32
    %dma_wait3A_472 = tpu.memref_slice %arg6[%dma_wait3A_470, %dma_wait3A_471] : memref<32x32xi32, #tpu.memory_space<vmem>> -> memref<1x32xi32, #tpu.memory_space<vmem>>
    %dma_wait3A_473 = tpu.memref_squeeze %dma_wait3A_472 : memref<1x32xi32, #tpu.memory_space<vmem>> -> memref<32xi32, #tpu.memory_space<vmem>>
    %dma_wait3A_474 = tpu.memref_slice %arg2[%dma_wait3A_469, %mul3A_2] : memref<32x1024xi32, #tpu.memory_space<hbm>> -> memref<1x32xi32, #tpu.memory_space<hbm>>
    %dma_wait3A_475 = tpu.memref_squeeze %dma_wait3A_474 : memref<1x32xi32, #tpu.memory_space<hbm>> -> memref<32xi32, #tpu.memory_space<hbm>>
    %dma_wait3A_476 = arith.constant 0 : i32
    %dma_wait3A_477 = tpu.memref_slice %arg6[%dma_wait3A_470, %dma_wait3A_476] : memref<32x32xi32, #tpu.memory_space<vmem>> -> memref<1x32xi32, #tpu.memory_space<vmem>>
    %dma_wait3A_478 = tpu.memref_squeeze %dma_wait3A_477 : memref<1x32xi32, #tpu.memory_space<vmem>> -> memref<32xi32, #tpu.memory_space<vmem>>
    %dma_wait3A_479 = tpu.memref_slice %arg2[%dma_wait3A_469, %mul3A_2] : memref<32x1024xi32, #tpu.memory_space<hbm>> -> memref<1x32xi32, #tpu.memory_space<hbm>>
    %dma_wait3A_480 = tpu.memref_squeeze %dma_wait3A_479 : memref<1x32xi32, #tpu.memory_space<hbm>> -> memref<32xi32, #tpu.memory_space<hbm>>
    tpu.wait_dma2 semaphore(%arg16 : memref<!tpu.dma_semaphore, #tpu.memory_space<semaphore_mem>>) src(%dma_wait3A_480 : memref<32xi32, #tpu.memory_space<hbm>>) dst(%dma_wait3A_478 : memref<32xi32, #tpu.memory_space<vmem>>)
    %dma_wait3A_481 = arith.constant 8 : i32
    %dma_wait3A_482 = arith.constant 8 : i32
    %dma_wait3A_483 = arith.constant 0 : i32
    %dma_wait3A_484 = tpu.memref_slice %arg6[%dma_wait3A_482, %dma_wait3A_483] : memref<32x32xi32, #tpu.memory_space<vmem>> -> memref<1x32xi32, #tpu.memory_space<vmem>>
    %dma_wait3A_485 = tpu.memref_squeeze %dma_wait3A_484 : memref<1x32xi32, #tpu.memory_space<vmem>> -> memref<32xi32, #tpu.memory_space<vmem>>
    %dma_wait3A_486 = tpu.memref_slice %arg2[%dma_wait3A_481, %mul3A_2] : memref<32x1024xi32, #tpu.memory_space<hbm>> -> memref<1x32xi32, #tpu.memory_space<hbm>>
    %dma_wait3A_487 = tpu.memref_squeeze %dma_wait3A_486 : memref<1x32xi32, #tpu.memory_space<hbm>> -> memref<32xi32, #tpu.memory_space<hbm>>
    %dma_wait3A_488 = arith.constant 0 : i32
    %dma_wait3A_489 = tpu.memref_slice %arg6[%dma_wait3A_482, %dma_wait3A_488] : memref<32x32xi32, #tpu.memory_space<vmem>> -> memref<1x32xi32, #tpu.memory_space<vmem>>
    %dma_wait3A_490 = tpu.memref_squeeze %dma_wait3A_489 : memref<1x32xi32, #tpu.memory_space<vmem>> -> memref<32xi32, #tpu.memory_space<vmem>>
    %dma_wait3A_491 = tpu.memref_slice %arg2[%dma_wait3A_481, %mul3A_2] : memref<32x1024xi32, #tpu.memory_space<hbm>> -> memref<1x32xi32, #tpu.memory_space<hbm>>
    %dma_wait3A_492 = tpu.memref_squeeze %dma_wait3A_491 : memref<1x32xi32, #tpu.memory_space<hbm>> -> memref<32xi32, #tpu.memory_space<hbm>>
    tpu.wait_dma2 semaphore(%arg16 : memref<!tpu.dma_semaphore, #tpu.memory_space<semaphore_mem>>) src(%dma_wait3A_492 : memref<32xi32, #tpu.memory_space<hbm>>) dst(%dma_wait3A_490 : memref<32xi32, #tpu.memory_space<vmem>>)
    %dma_wait3A_493 = arith.constant 9 : i32
    %dma_wait3A_494 = arith.constant 9 : i32
    %dma_wait3A_495 = arith.constant 0 : i32
    %dma_wait3A_496 = tpu.memref_slice %arg6[%dma_wait3A_494, %dma_wait3A_495] : memref<32x32xi32, #tpu.memory_space<vmem>> -> memref<1x32xi32, #tpu.memory_space<vmem>>
    %dma_wait3A_497 = tpu.memref_squeeze %dma_wait3A_496 : memref<1x32xi32, #tpu.memory_space<vmem>> -> memref<32xi32, #tpu.memory_space<vmem>>
    %dma_wait3A_498 = tpu.memref_slice %arg2[%dma_wait3A_493, %mul3A_2] : memref<32x1024xi32, #tpu.memory_space<hbm>> -> memref<1x32xi32, #tpu.memory_space<hbm>>
    %dma_wait3A_499 = tpu.memref_squeeze %dma_wait3A_498 : memref<1x32xi32, #tpu.memory_space<hbm>> -> memref<32xi32, #tpu.memory_space<hbm>>
    %dma_wait3A_500 = arith.constant 0 : i32
    %dma_wait3A_501 = tpu.memref_slice %arg6[%dma_wait3A_494, %dma_wait3A_500] : memref<32x32xi32, #tpu.memory_space<vmem>> -> memref<1x32xi32, #tpu.memory_space<vmem>>
    %dma_wait3A_502 = tpu.memref_squeeze %dma_wait3A_501 : memref<1x32xi32, #tpu.memory_space<vmem>> -> memref<32xi32, #tpu.memory_space<vmem>>
    %dma_wait3A_503 = tpu.memref_slice %arg2[%dma_wait3A_493, %mul3A_2] : memref<32x1024xi32, #tpu.memory_space<hbm>> -> memref<1x32xi32, #tpu.memory_space<hbm>>
    %dma_wait3A_504 = tpu.memref_squeeze %dma_wait3A_503 : memref<1x32xi32, #tpu.memory_space<hbm>> -> memref<32xi32, #tpu.memory_space<hbm>>
    tpu.wait_dma2 semaphore(%arg16 : memref<!tpu.dma_semaphore, #tpu.memory_space<semaphore_mem>>) src(%dma_wait3A_504 : memref<32xi32, #tpu.memory_space<hbm>>) dst(%dma_wait3A_502 : memref<32xi32, #tpu.memory_space<vmem>>)
    %dma_wait3A_505 = arith.constant 10 : i32
    %dma_wait3A_506 = arith.constant 10 : i32
    %dma_wait3A_507 = arith.constant 0 : i32
    %dma_wait3A_508 = tpu.memref_slice %arg6[%dma_wait3A_506, %dma_wait3A_507] : memref<32x32xi32, #tpu.memory_space<vmem>> -> memref<1x32xi32, #tpu.memory_space<vmem>>
    %dma_wait3A_509 = tpu.memref_squeeze %dma_wait3A_508 : memref<1x32xi32, #tpu.memory_space<vmem>> -> memref<32xi32, #tpu.memory_space<vmem>>
    %dma_wait3A_510 = tpu.memref_slice %arg2[%dma_wait3A_505, %mul3A_2] : memref<32x1024xi32, #tpu.memory_space<hbm>> -> memref<1x32xi32, #tpu.memory_space<hbm>>
    %dma_wait3A_511 = tpu.memref_squeeze %dma_wait3A_510 : memref<1x32xi32, #tpu.memory_space<hbm>> -> memref<32xi32, #tpu.memory_space<hbm>>
    %dma_wait3A_512 = arith.constant 0 : i32
    %dma_wait3A_513 = tpu.memref_slice %arg6[%dma_wait3A_506, %dma_wait3A_512] : memref<32x32xi32, #tpu.memory_space<vmem>> -> memref<1x32xi32, #tpu.memory_space<vmem>>
    %dma_wait3A_514 = tpu.memref_squeeze %dma_wait3A_513 : memref<1x32xi32, #tpu.memory_space<vmem>> -> memref<32xi32, #tpu.memory_space<vmem>>
    %dma_wait3A_515 = tpu.memref_slice %arg2[%dma_wait3A_505, %mul3A_2] : memref<32x1024xi32, #tpu.memory_space<hbm>> -> memref<1x32xi32, #tpu.memory_space<hbm>>
    %dma_wait3A_516 = tpu.memref_squeeze %dma_wait3A_515 : memref<1x32xi32, #tpu.memory_space<hbm>> -> memref<32xi32, #tpu.memory_space<hbm>>
    tpu.wait_dma2 semaphore(%arg16 : memref<!tpu.dma_semaphore, #tpu.memory_space<semaphore_mem>>) src(%dma_wait3A_516 : memref<32xi32, #tpu.memory_space<hbm>>) dst(%dma_wait3A_514 : memref<32xi32, #tpu.memory_space<vmem>>)
    %dma_wait3A_517 = arith.constant 11 : i32
    %dma_wait3A_518 = arith.constant 11 : i32
    %dma_wait3A_519 = arith.constant 0 : i32
    %dma_wait3A_520 = tpu.memref_slice %arg6[%dma_wait3A_518, %dma_wait3A_519] : memref<32x32xi32, #tpu.memory_space<vmem>> -> memref<1x32xi32, #tpu.memory_space<vmem>>
    %dma_wait3A_521 = tpu.memref_squeeze %dma_wait3A_520 : memref<1x32xi32, #tpu.memory_space<vmem>> -> memref<32xi32, #tpu.memory_space<vmem>>
    %dma_wait3A_522 = tpu.memref_slice %arg2[%dma_wait3A_517, %mul3A_2] : memref<32x1024xi32, #tpu.memory_space<hbm>> -> memref<1x32xi32, #tpu.memory_space<hbm>>
    %dma_wait3A_523 = tpu.memref_squeeze %dma_wait3A_522 : memref<1x32xi32, #tpu.memory_space<hbm>> -> memref<32xi32, #tpu.memory_space<hbm>>
    %dma_wait3A_524 = arith.constant 0 : i32
    %dma_wait3A_525 = tpu.memref_slice %arg6[%dma_wait3A_518, %dma_wait3A_524] : memref<32x32xi32, #tpu.memory_space<vmem>> -> memref<1x32xi32, #tpu.memory_space<vmem>>
    %dma_wait3A_526 = tpu.memref_squeeze %dma_wait3A_525 : memref<1x32xi32, #tpu.memory_space<vmem>> -> memref<32xi32, #tpu.memory_space<vmem>>
    %dma_wait3A_527 = tpu.memref_slice %arg2[%dma_wait3A_517, %mul3A_2] : memref<32x1024xi32, #tpu.memory_space<hbm>> -> memref<1x32xi32, #tpu.memory_space<hbm>>
    %dma_wait3A_528 = tpu.memref_squeeze %dma_wait3A_527 : memref<1x32xi32, #tpu.memory_space<hbm>> -> memref<32xi32, #tpu.memory_space<hbm>>
    tpu.wait_dma2 semaphore(%arg16 : memref<!tpu.dma_semaphore, #tpu.memory_space<semaphore_mem>>) src(%dma_wait3A_528 : memref<32xi32, #tpu.memory_space<hbm>>) dst(%dma_wait3A_526 : memref<32xi32, #tpu.memory_space<vmem>>)
    %dma_wait3A_529 = arith.constant 12 : i32
    %dma_wait3A_530 = arith.constant 12 : i32
    %dma_wait3A_531 = arith.constant 0 : i32
    %dma_wait3A_532 = tpu.memref_slice %arg6[%dma_wait3A_530, %dma_wait3A_531] : memref<32x32xi32, #tpu.memory_space<vmem>> -> memref<1x32xi32, #tpu.memory_space<vmem>>
    %dma_wait3A_533 = tpu.memref_squeeze %dma_wait3A_532 : memref<1x32xi32, #tpu.memory_space<vmem>> -> memref<32xi32, #tpu.memory_space<vmem>>
    %dma_wait3A_534 = tpu.memref_slice %arg2[%dma_wait3A_529, %mul3A_2] : memref<32x1024xi32, #tpu.memory_space<hbm>> -> memref<1x32xi32, #tpu.memory_space<hbm>>
    %dma_wait3A_535 = tpu.memref_squeeze %dma_wait3A_534 : memref<1x32xi32, #tpu.memory_space<hbm>> -> memref<32xi32, #tpu.memory_space<hbm>>
    %dma_wait3A_536 = arith.constant 0 : i32
    %dma_wait3A_537 = tpu.memref_slice %arg6[%dma_wait3A_530, %dma_wait3A_536] : memref<32x32xi32, #tpu.memory_space<vmem>> -> memref<1x32xi32, #tpu.memory_space<vmem>>
    %dma_wait3A_538 = tpu.memref_squeeze %dma_wait3A_537 : memref<1x32xi32, #tpu.memory_space<vmem>> -> memref<32xi32, #tpu.memory_space<vmem>>
    %dma_wait3A_539 = tpu.memref_slice %arg2[%dma_wait3A_529, %mul3A_2] : memref<32x1024xi32, #tpu.memory_space<hbm>> -> memref<1x32xi32, #tpu.memory_space<hbm>>
    %dma_wait3A_540 = tpu.memref_squeeze %dma_wait3A_539 : memref<1x32xi32, #tpu.memory_space<hbm>> -> memref<32xi32, #tpu.memory_space<hbm>>
    tpu.wait_dma2 semaphore(%arg16 : memref<!tpu.dma_semaphore, #tpu.memory_space<semaphore_mem>>) src(%dma_wait3A_540 : memref<32xi32, #tpu.memory_space<hbm>>) dst(%dma_wait3A_538 : memref<32xi32, #tpu.memory_space<vmem>>)
    %dma_wait3A_541 = arith.constant 13 : i32
    %dma_wait3A_542 = arith.constant 13 : i32
    %dma_wait3A_543 = arith.constant 0 : i32
    %dma_wait3A_544 = tpu.memref_slice %arg6[%dma_wait3A_542, %dma_wait3A_543] : memref<32x32xi32, #tpu.memory_space<vmem>> -> memref<1x32xi32, #tpu.memory_space<vmem>>
    %dma_wait3A_545 = tpu.memref_squeeze %dma_wait3A_544 : memref<1x32xi32, #tpu.memory_space<vmem>> -> memref<32xi32, #tpu.memory_space<vmem>>
    %dma_wait3A_546 = tpu.memref_slice %arg2[%dma_wait3A_541, %mul3A_2] : memref<32x1024xi32, #tpu.memory_space<hbm>> -> memref<1x32xi32, #tpu.memory_space<hbm>>
    %dma_wait3A_547 = tpu.memref_squeeze %dma_wait3A_546 : memref<1x32xi32, #tpu.memory_space<hbm>> -> memref<32xi32, #tpu.memory_space<hbm>>
    %dma_wait3A_548 = arith.constant 0 : i32
    %dma_wait3A_549 = tpu.memref_slice %arg6[%dma_wait3A_542, %dma_wait3A_548] : memref<32x32xi32, #tpu.memory_space<vmem>> -> memref<1x32xi32, #tpu.memory_space<vmem>>
    %dma_wait3A_550 = tpu.memref_squeeze %dma_wait3A_549 : memref<1x32xi32, #tpu.memory_space<vmem>> -> memref<32xi32, #tpu.memory_space<vmem>>
    %dma_wait3A_551 = tpu.memref_slice %arg2[%dma_wait3A_541, %mul3A_2] : memref<32x1024xi32, #tpu.memory_space<hbm>> -> memref<1x32xi32, #tpu.memory_space<hbm>>
    %dma_wait3A_552 = tpu.memref_squeeze %dma_wait3A_551 : memref<1x32xi32, #tpu.memory_space<hbm>> -> memref<32xi32, #tpu.memory_space<hbm>>
    tpu.wait_dma2 semaphore(%arg16 : memref<!tpu.dma_semaphore, #tpu.memory_space<semaphore_mem>>) src(%dma_wait3A_552 : memref<32xi32, #tpu.memory_space<hbm>>) dst(%dma_wait3A_550 : memref<32xi32, #tpu.memory_space<vmem>>)
    %dma_wait3A_553 = arith.constant 14 : i32
    %dma_wait3A_554 = arith.constant 14 : i32
    %dma_wait3A_555 = arith.constant 0 : i32
    %dma_wait3A_556 = tpu.memref_slice %arg6[%dma_wait3A_554, %dma_wait3A_555] : memref<32x32xi32, #tpu.memory_space<vmem>> -> memref<1x32xi32, #tpu.memory_space<vmem>>
    %dma_wait3A_557 = tpu.memref_squeeze %dma_wait3A_556 : memref<1x32xi32, #tpu.memory_space<vmem>> -> memref<32xi32, #tpu.memory_space<vmem>>
    %dma_wait3A_558 = tpu.memref_slice %arg2[%dma_wait3A_553, %mul3A_2] : memref<32x1024xi32, #tpu.memory_space<hbm>> -> memref<1x32xi32, #tpu.memory_space<hbm>>
    %dma_wait3A_559 = tpu.memref_squeeze %dma_wait3A_558 : memref<1x32xi32, #tpu.memory_space<hbm>> -> memref<32xi32, #tpu.memory_space<hbm>>
    %dma_wait3A_560 = arith.constant 0 : i32
    %dma_wait3A_561 = tpu.memref_slice %arg6[%dma_wait3A_554, %dma_wait3A_560] : memref<32x32xi32, #tpu.memory_space<vmem>> -> memref<1x32xi32, #tpu.memory_space<vmem>>
    %dma_wait3A_562 = tpu.memref_squeeze %dma_wait3A_561 : memref<1x32xi32, #tpu.memory_space<vmem>> -> memref<32xi32, #tpu.memory_space<vmem>>
    %dma_wait3A_563 = tpu.memref_slice %arg2[%dma_wait3A_553, %mul3A_2] : memref<32x1024xi32, #tpu.memory_space<hbm>> -> memref<1x32xi32, #tpu.memory_space<hbm>>
    %dma_wait3A_564 = tpu.memref_squeeze %dma_wait3A_563 : memref<1x32xi32, #tpu.memory_space<hbm>> -> memref<32xi32, #tpu.memory_space<hbm>>
    tpu.wait_dma2 semaphore(%arg16 : memref<!tpu.dma_semaphore, #tpu.memory_space<semaphore_mem>>) src(%dma_wait3A_564 : memref<32xi32, #tpu.memory_space<hbm>>) dst(%dma_wait3A_562 : memref<32xi32, #tpu.memory_space<vmem>>)
    %dma_wait3A_565 = arith.constant 15 : i32
    %dma_wait3A_566 = arith.constant 15 : i32
    %dma_wait3A_567 = arith.constant 0 : i32
    %dma_wait3A_568 = tpu.memref_slice %arg6[%dma_wait3A_566, %dma_wait3A_567] : memref<32x32xi32, #tpu.memory_space<vmem>> -> memref<1x32xi32, #tpu.memory_space<vmem>>
    %dma_wait3A_569 = tpu.memref_squeeze %dma_wait3A_568 : memref<1x32xi32, #tpu.memory_space<vmem>> -> memref<32xi32, #tpu.memory_space<vmem>>
    %dma_wait3A_570 = tpu.memref_slice %arg2[%dma_wait3A_565, %mul3A_2] : memref<32x1024xi32, #tpu.memory_space<hbm>> -> memref<1x32xi32, #tpu.memory_space<hbm>>
    %dma_wait3A_571 = tpu.memref_squeeze %dma_wait3A_570 : memref<1x32xi32, #tpu.memory_space<hbm>> -> memref<32xi32, #tpu.memory_space<hbm>>
    %dma_wait3A_572 = arith.constant 0 : i32
    %dma_wait3A_573 = tpu.memref_slice %arg6[%dma_wait3A_566, %dma_wait3A_572] : memref<32x32xi32, #tpu.memory_space<vmem>> -> memref<1x32xi32, #tpu.memory_space<vmem>>
    %dma_wait3A_574 = tpu.memref_squeeze %dma_wait3A_573 : memref<1x32xi32, #tpu.memory_space<vmem>> -> memref<32xi32, #tpu.memory_space<vmem>>
    %dma_wait3A_575 = tpu.memref_slice %arg2[%dma_wait3A_565, %mul3A_2] : memref<32x1024xi32, #tpu.memory_space<hbm>> -> memref<1x32xi32, #tpu.memory_space<hbm>>
    %dma_wait3A_576 = tpu.memref_squeeze %dma_wait3A_575 : memref<1x32xi32, #tpu.memory_space<hbm>> -> memref<32xi32, #tpu.memory_space<hbm>>
    tpu.wait_dma2 semaphore(%arg16 : memref<!tpu.dma_semaphore, #tpu.memory_space<semaphore_mem>>) src(%dma_wait3A_576 : memref<32xi32, #tpu.memory_space<hbm>>) dst(%dma_wait3A_574 : memref<32xi32, #tpu.memory_space<vmem>>)
    %dma_wait3A_577 = arith.constant 16 : i32
    %dma_wait3A_578 = arith.constant 16 : i32
    %dma_wait3A_579 = arith.constant 0 : i32
    %dma_wait3A_580 = tpu.memref_slice %arg6[%dma_wait3A_578, %dma_wait3A_579] : memref<32x32xi32, #tpu.memory_space<vmem>> -> memref<1x32xi32, #tpu.memory_space<vmem>>
    %dma_wait3A_581 = tpu.memref_squeeze %dma_wait3A_580 : memref<1x32xi32, #tpu.memory_space<vmem>> -> memref<32xi32, #tpu.memory_space<vmem>>
    %dma_wait3A_582 = tpu.memref_slice %arg2[%dma_wait3A_577, %mul3A_2] : memref<32x1024xi32, #tpu.memory_space<hbm>> -> memref<1x32xi32, #tpu.memory_space<hbm>>
    %dma_wait3A_583 = tpu.memref_squeeze %dma_wait3A_582 : memref<1x32xi32, #tpu.memory_space<hbm>> -> memref<32xi32, #tpu.memory_space<hbm>>
    %dma_wait3A_584 = arith.constant 0 : i32
    %dma_wait3A_585 = tpu.memref_slice %arg6[%dma_wait3A_578, %dma_wait3A_584] : memref<32x32xi32, #tpu.memory_space<vmem>> -> memref<1x32xi32, #tpu.memory_space<vmem>>
    %dma_wait3A_586 = tpu.memref_squeeze %dma_wait3A_585 : memref<1x32xi32, #tpu.memory_space<vmem>> -> memref<32xi32, #tpu.memory_space<vmem>>
    %dma_wait3A_587 = tpu.memref_slice %arg2[%dma_wait3A_577, %mul3A_2] : memref<32x1024xi32, #tpu.memory_space<hbm>> -> memref<1x32xi32, #tpu.memory_space<hbm>>
    %dma_wait3A_588 = tpu.memref_squeeze %dma_wait3A_587 : memref<1x32xi32, #tpu.memory_space<hbm>> -> memref<32xi32, #tpu.memory_space<hbm>>
    tpu.wait_dma2 semaphore(%arg16 : memref<!tpu.dma_semaphore, #tpu.memory_space<semaphore_mem>>) src(%dma_wait3A_588 : memref<32xi32, #tpu.memory_space<hbm>>) dst(%dma_wait3A_586 : memref<32xi32, #tpu.memory_space<vmem>>)
    %dma_wait3A_589 = arith.constant 17 : i32
    %dma_wait3A_590 = arith.constant 17 : i32
    %dma_wait3A_591 = arith.constant 0 : i32
    %dma_wait3A_592 = tpu.memref_slice %arg6[%dma_wait3A_590, %dma_wait3A_591] : memref<32x32xi32, #tpu.memory_space<vmem>> -> memref<1x32xi32, #tpu.memory_space<vmem>>
    %dma_wait3A_593 = tpu.memref_squeeze %dma_wait3A_592 : memref<1x32xi32, #tpu.memory_space<vmem>> -> memref<32xi32, #tpu.memory_space<vmem>>
    %dma_wait3A_594 = tpu.memref_slice %arg2[%dma_wait3A_589, %mul3A_2] : memref<32x1024xi32, #tpu.memory_space<hbm>> -> memref<1x32xi32, #tpu.memory_space<hbm>>
    %dma_wait3A_595 = tpu.memref_squeeze %dma_wait3A_594 : memref<1x32xi32, #tpu.memory_space<hbm>> -> memref<32xi32, #tpu.memory_space<hbm>>
    %dma_wait3A_596 = arith.constant 0 : i32
    %dma_wait3A_597 = tpu.memref_slice %arg6[%dma_wait3A_590, %dma_wait3A_596] : memref<32x32xi32, #tpu.memory_space<vmem>> -> memref<1x32xi32, #tpu.memory_space<vmem>>
    %dma_wait3A_598 = tpu.memref_squeeze %dma_wait3A_597 : memref<1x32xi32, #tpu.memory_space<vmem>> -> memref<32xi32, #tpu.memory_space<vmem>>
    %dma_wait3A_599 = tpu.memref_slice %arg2[%dma_wait3A_589, %mul3A_2] : memref<32x1024xi32, #tpu.memory_space<hbm>> -> memref<1x32xi32, #tpu.memory_space<hbm>>
    %dma_wait3A_600 = tpu.memref_squeeze %dma_wait3A_599 : memref<1x32xi32, #tpu.memory_space<hbm>> -> memref<32xi32, #tpu.memory_space<hbm>>
    tpu.wait_dma2 semaphore(%arg16 : memref<!tpu.dma_semaphore, #tpu.memory_space<semaphore_mem>>) src(%dma_wait3A_600 : memref<32xi32, #tpu.memory_space<hbm>>) dst(%dma_wait3A_598 : memref<32xi32, #tpu.memory_space<vmem>>)
    %dma_wait3A_601 = arith.constant 18 : i32
    %dma_wait3A_602 = arith.constant 18 : i32
    %dma_wait3A_603 = arith.constant 0 : i32
    %dma_wait3A_604 = tpu.memref_slice %arg6[%dma_wait3A_602, %dma_wait3A_603] : memref<32x32xi32, #tpu.memory_space<vmem>> -> memref<1x32xi32, #tpu.memory_space<vmem>>
    %dma_wait3A_605 = tpu.memref_squeeze %dma_wait3A_604 : memref<1x32xi32, #tpu.memory_space<vmem>> -> memref<32xi32, #tpu.memory_space<vmem>>
    %dma_wait3A_606 = tpu.memref_slice %arg2[%dma_wait3A_601, %mul3A_2] : memref<32x1024xi32, #tpu.memory_space<hbm>> -> memref<1x32xi32, #tpu.memory_space<hbm>>
    %dma_wait3A_607 = tpu.memref_squeeze %dma_wait3A_606 : memref<1x32xi32, #tpu.memory_space<hbm>> -> memref<32xi32, #tpu.memory_space<hbm>>
    %dma_wait3A_608 = arith.constant 0 : i32
    %dma_wait3A_609 = tpu.memref_slice %arg6[%dma_wait3A_602, %dma_wait3A_608] : memref<32x32xi32, #tpu.memory_space<vmem>> -> memref<1x32xi32, #tpu.memory_space<vmem>>
    %dma_wait3A_610 = tpu.memref_squeeze %dma_wait3A_609 : memref<1x32xi32, #tpu.memory_space<vmem>> -> memref<32xi32, #tpu.memory_space<vmem>>
    %dma_wait3A_611 = tpu.memref_slice %arg2[%dma_wait3A_601, %mul3A_2] : memref<32x1024xi32, #tpu.memory_space<hbm>> -> memref<1x32xi32, #tpu.memory_space<hbm>>
    %dma_wait3A_612 = tpu.memref_squeeze %dma_wait3A_611 : memref<1x32xi32, #tpu.memory_space<hbm>> -> memref<32xi32, #tpu.memory_space<hbm>>
    tpu.wait_dma2 semaphore(%arg16 : memref<!tpu.dma_semaphore, #tpu.memory_space<semaphore_mem>>) src(%dma_wait3A_612 : memref<32xi32, #tpu.memory_space<hbm>>) dst(%dma_wait3A_610 : memref<32xi32, #tpu.memory_space<vmem>>)
    %dma_wait3A_613 = arith.constant 19 : i32
    %dma_wait3A_614 = arith.constant 19 : i32
    %dma_wait3A_615 = arith.constant 0 : i32
    %dma_wait3A_616 = tpu.memref_slice %arg6[%dma_wait3A_614, %dma_wait3A_615] : memref<32x32xi32, #tpu.memory_space<vmem>> -> memref<1x32xi32, #tpu.memory_space<vmem>>
    %dma_wait3A_617 = tpu.memref_squeeze %dma_wait3A_616 : memref<1x32xi32, #tpu.memory_space<vmem>> -> memref<32xi32, #tpu.memory_space<vmem>>
    %dma_wait3A_618 = tpu.memref_slice %arg2[%dma_wait3A_613, %mul3A_2] : memref<32x1024xi32, #tpu.memory_space<hbm>> -> memref<1x32xi32, #tpu.memory_space<hbm>>
    %dma_wait3A_619 = tpu.memref_squeeze %dma_wait3A_618 : memref<1x32xi32, #tpu.memory_space<hbm>> -> memref<32xi32, #tpu.memory_space<hbm>>
    %dma_wait3A_620 = arith.constant 0 : i32
    %dma_wait3A_621 = tpu.memref_slice %arg6[%dma_wait3A_614, %dma_wait3A_620] : memref<32x32xi32, #tpu.memory_space<vmem>> -> memref<1x32xi32, #tpu.memory_space<vmem>>
    %dma_wait3A_622 = tpu.memref_squeeze %dma_wait3A_621 : memref<1x32xi32, #tpu.memory_space<vmem>> -> memref<32xi32, #tpu.memory_space<vmem>>
    %dma_wait3A_623 = tpu.memref_slice %arg2[%dma_wait3A_613, %mul3A_2] : memref<32x1024xi32, #tpu.memory_space<hbm>> -> memref<1x32xi32, #tpu.memory_space<hbm>>
    %dma_wait3A_624 = tpu.memref_squeeze %dma_wait3A_623 : memref<1x32xi32, #tpu.memory_space<hbm>> -> memref<32xi32, #tpu.memory_space<hbm>>
    tpu.wait_dma2 semaphore(%arg16 : memref<!tpu.dma_semaphore, #tpu.memory_space<semaphore_mem>>) src(%dma_wait3A_624 : memref<32xi32, #tpu.memory_space<hbm>>) dst(%dma_wait3A_622 : memref<32xi32, #tpu.memory_space<vmem>>)
    %dma_wait3A_625 = arith.constant 20 : i32
    %dma_wait3A_626 = arith.constant 20 : i32
    %dma_wait3A_627 = arith.constant 0 : i32
    %dma_wait3A_628 = tpu.memref_slice %arg6[%dma_wait3A_626, %dma_wait3A_627] : memref<32x32xi32, #tpu.memory_space<vmem>> -> memref<1x32xi32, #tpu.memory_space<vmem>>
    %dma_wait3A_629 = tpu.memref_squeeze %dma_wait3A_628 : memref<1x32xi32, #tpu.memory_space<vmem>> -> memref<32xi32, #tpu.memory_space<vmem>>
    %dma_wait3A_630 = tpu.memref_slice %arg2[%dma_wait3A_625, %mul3A_2] : memref<32x1024xi32, #tpu.memory_space<hbm>> -> memref<1x32xi32, #tpu.memory_space<hbm>>
    %dma_wait3A_631 = tpu.memref_squeeze %dma_wait3A_630 : memref<1x32xi32, #tpu.memory_space<hbm>> -> memref<32xi32, #tpu.memory_space<hbm>>
    %dma_wait3A_632 = arith.constant 0 : i32
    %dma_wait3A_633 = tpu.memref_slice %arg6[%dma_wait3A_626, %dma_wait3A_632] : memref<32x32xi32, #tpu.memory_space<vmem>> -> memref<1x32xi32, #tpu.memory_space<vmem>>
    %dma_wait3A_634 = tpu.memref_squeeze %dma_wait3A_633 : memref<1x32xi32, #tpu.memory_space<vmem>> -> memref<32xi32, #tpu.memory_space<vmem>>
    %dma_wait3A_635 = tpu.memref_slice %arg2[%dma_wait3A_625, %mul3A_2] : memref<32x1024xi32, #tpu.memory_space<hbm>> -> memref<1x32xi32, #tpu.memory_space<hbm>>
    %dma_wait3A_636 = tpu.memref_squeeze %dma_wait3A_635 : memref<1x32xi32, #tpu.memory_space<hbm>> -> memref<32xi32, #tpu.memory_space<hbm>>
    tpu.wait_dma2 semaphore(%arg16 : memref<!tpu.dma_semaphore, #tpu.memory_space<semaphore_mem>>) src(%dma_wait3A_636 : memref<32xi32, #tpu.memory_space<hbm>>) dst(%dma_wait3A_634 : memref<32xi32, #tpu.memory_space<vmem>>)
    %dma_wait3A_637 = arith.constant 21 : i32
    %dma_wait3A_638 = arith.constant 21 : i32
    %dma_wait3A_639 = arith.constant 0 : i32
    %dma_wait3A_640 = tpu.memref_slice %arg6[%dma_wait3A_638, %dma_wait3A_639] : memref<32x32xi32, #tpu.memory_space<vmem>> -> memref<1x32xi32, #tpu.memory_space<vmem>>
    %dma_wait3A_641 = tpu.memref_squeeze %dma_wait3A_640 : memref<1x32xi32, #tpu.memory_space<vmem>> -> memref<32xi32, #tpu.memory_space<vmem>>
    %dma_wait3A_642 = tpu.memref_slice %arg2[%dma_wait3A_637, %mul3A_2] : memref<32x1024xi32, #tpu.memory_space<hbm>> -> memref<1x32xi32, #tpu.memory_space<hbm>>
    %dma_wait3A_643 = tpu.memref_squeeze %dma_wait3A_642 : memref<1x32xi32, #tpu.memory_space<hbm>> -> memref<32xi32, #tpu.memory_space<hbm>>
    %dma_wait3A_644 = arith.constant 0 : i32
    %dma_wait3A_645 = tpu.memref_slice %arg6[%dma_wait3A_638, %dma_wait3A_644] : memref<32x32xi32, #tpu.memory_space<vmem>> -> memref<1x32xi32, #tpu.memory_space<vmem>>
    %dma_wait3A_646 = tpu.memref_squeeze %dma_wait3A_645 : memref<1x32xi32, #tpu.memory_space<vmem>> -> memref<32xi32, #tpu.memory_space<vmem>>
    %dma_wait3A_647 = tpu.memref_slice %arg2[%dma_wait3A_637, %mul3A_2] : memref<32x1024xi32, #tpu.memory_space<hbm>> -> memref<1x32xi32, #tpu.memory_space<hbm>>
    %dma_wait3A_648 = tpu.memref_squeeze %dma_wait3A_647 : memref<1x32xi32, #tpu.memory_space<hbm>> -> memref<32xi32, #tpu.memory_space<hbm>>
    tpu.wait_dma2 semaphore(%arg16 : memref<!tpu.dma_semaphore, #tpu.memory_space<semaphore_mem>>) src(%dma_wait3A_648 : memref<32xi32, #tpu.memory_space<hbm>>) dst(%dma_wait3A_646 : memref<32xi32, #tpu.memory_space<vmem>>)
    %dma_wait3A_649 = arith.constant 22 : i32
    %dma_wait3A_650 = arith.constant 22 : i32
    %dma_wait3A_651 = arith.constant 0 : i32
    %dma_wait3A_652 = tpu.memref_slice %arg6[%dma_wait3A_650, %dma_wait3A_651] : memref<32x32xi32, #tpu.memory_space<vmem>> -> memref<1x32xi32, #tpu.memory_space<vmem>>
    %dma_wait3A_653 = tpu.memref_squeeze %dma_wait3A_652 : memref<1x32xi32, #tpu.memory_space<vmem>> -> memref<32xi32, #tpu.memory_space<vmem>>
    %dma_wait3A_654 = tpu.memref_slice %arg2[%dma_wait3A_649, %mul3A_2] : memref<32x1024xi32, #tpu.memory_space<hbm>> -> memref<1x32xi32, #tpu.memory_space<hbm>>
    %dma_wait3A_655 = tpu.memref_squeeze %dma_wait3A_654 : memref<1x32xi32, #tpu.memory_space<hbm>> -> memref<32xi32, #tpu.memory_space<hbm>>
    %dma_wait3A_656 = arith.constant 0 : i32
    %dma_wait3A_657 = tpu.memref_slice %arg6[%dma_wait3A_650, %dma_wait3A_656] : memref<32x32xi32, #tpu.memory_space<vmem>> -> memref<1x32xi32, #tpu.memory_space<vmem>>
    %dma_wait3A_658 = tpu.memref_squeeze %dma_wait3A_657 : memref<1x32xi32, #tpu.memory_space<vmem>> -> memref<32xi32, #tpu.memory_space<vmem>>
    %dma_wait3A_659 = tpu.memref_slice %arg2[%dma_wait3A_649, %mul3A_2] : memref<32x1024xi32, #tpu.memory_space<hbm>> -> memref<1x32xi32, #tpu.memory_space<hbm>>
    %dma_wait3A_660 = tpu.memref_squeeze %dma_wait3A_659 : memref<1x32xi32, #tpu.memory_space<hbm>> -> memref<32xi32, #tpu.memory_space<hbm>>
    tpu.wait_dma2 semaphore(%arg16 : memref<!tpu.dma_semaphore, #tpu.memory_space<semaphore_mem>>) src(%dma_wait3A_660 : memref<32xi32, #tpu.memory_space<hbm>>) dst(%dma_wait3A_658 : memref<32xi32, #tpu.memory_space<vmem>>)
    %dma_wait3A_661 = arith.constant 23 : i32
    %dma_wait3A_662 = arith.constant 23 : i32
    %dma_wait3A_663 = arith.constant 0 : i32
    %dma_wait3A_664 = tpu.memref_slice %arg6[%dma_wait3A_662, %dma_wait3A_663] : memref<32x32xi32, #tpu.memory_space<vmem>> -> memref<1x32xi32, #tpu.memory_space<vmem>>
    %dma_wait3A_665 = tpu.memref_squeeze %dma_wait3A_664 : memref<1x32xi32, #tpu.memory_space<vmem>> -> memref<32xi32, #tpu.memory_space<vmem>>
    %dma_wait3A_666 = tpu.memref_slice %arg2[%dma_wait3A_661, %mul3A_2] : memref<32x1024xi32, #tpu.memory_space<hbm>> -> memref<1x32xi32, #tpu.memory_space<hbm>>
    %dma_wait3A_667 = tpu.memref_squeeze %dma_wait3A_666 : memref<1x32xi32, #tpu.memory_space<hbm>> -> memref<32xi32, #tpu.memory_space<hbm>>
    %dma_wait3A_668 = arith.constant 0 : i32
    %dma_wait3A_669 = tpu.memref_slice %arg6[%dma_wait3A_662, %dma_wait3A_668] : memref<32x32xi32, #tpu.memory_space<vmem>> -> memref<1x32xi32, #tpu.memory_space<vmem>>
    %dma_wait3A_670 = tpu.memref_squeeze %dma_wait3A_669 : memref<1x32xi32, #tpu.memory_space<vmem>> -> memref<32xi32, #tpu.memory_space<vmem>>
    %dma_wait3A_671 = tpu.memref_slice %arg2[%dma_wait3A_661, %mul3A_2] : memref<32x1024xi32, #tpu.memory_space<hbm>> -> memref<1x32xi32, #tpu.memory_space<hbm>>
    %dma_wait3A_672 = tpu.memref_squeeze %dma_wait3A_671 : memref<1x32xi32, #tpu.memory_space<hbm>> -> memref<32xi32, #tpu.memory_space<hbm>>
    tpu.wait_dma2 semaphore(%arg16 : memref<!tpu.dma_semaphore, #tpu.memory_space<semaphore_mem>>) src(%dma_wait3A_672 : memref<32xi32, #tpu.memory_space<hbm>>) dst(%dma_wait3A_670 : memref<32xi32, #tpu.memory_space<vmem>>)
    %dma_wait3A_673 = arith.constant 24 : i32
    %dma_wait3A_674 = arith.constant 24 : i32
    %dma_wait3A_675 = arith.constant 0 : i32
    %dma_wait3A_676 = tpu.memref_slice %arg6[%dma_wait3A_674, %dma_wait3A_675] : memref<32x32xi32, #tpu.memory_space<vmem>> -> memref<1x32xi32, #tpu.memory_space<vmem>>
    %dma_wait3A_677 = tpu.memref_squeeze %dma_wait3A_676 : memref<1x32xi32, #tpu.memory_space<vmem>> -> memref<32xi32, #tpu.memory_space<vmem>>
    %dma_wait3A_678 = tpu.memref_slice %arg2[%dma_wait3A_673, %mul3A_2] : memref<32x1024xi32, #tpu.memory_space<hbm>> -> memref<1x32xi32, #tpu.memory_space<hbm>>
    %dma_wait3A_679 = tpu.memref_squeeze %dma_wait3A_678 : memref<1x32xi32, #tpu.memory_space<hbm>> -> memref<32xi32, #tpu.memory_space<hbm>>
    %dma_wait3A_680 = arith.constant 0 : i32
    %dma_wait3A_681 = tpu.memref_slice %arg6[%dma_wait3A_674, %dma_wait3A_680] : memref<32x32xi32, #tpu.memory_space<vmem>> -> memref<1x32xi32, #tpu.memory_space<vmem>>
    %dma_wait3A_682 = tpu.memref_squeeze %dma_wait3A_681 : memref<1x32xi32, #tpu.memory_space<vmem>> -> memref<32xi32, #tpu.memory_space<vmem>>
    %dma_wait3A_683 = tpu.memref_slice %arg2[%dma_wait3A_673, %mul3A_2] : memref<32x1024xi32, #tpu.memory_space<hbm>> -> memref<1x32xi32, #tpu.memory_space<hbm>>
    %dma_wait3A_684 = tpu.memref_squeeze %dma_wait3A_683 : memref<1x32xi32, #tpu.memory_space<hbm>> -> memref<32xi32, #tpu.memory_space<hbm>>
    tpu.wait_dma2 semaphore(%arg16 : memref<!tpu.dma_semaphore, #tpu.memory_space<semaphore_mem>>) src(%dma_wait3A_684 : memref<32xi32, #tpu.memory_space<hbm>>) dst(%dma_wait3A_682 : memref<32xi32, #tpu.memory_space<vmem>>)
    %dma_wait3A_685 = arith.constant 25 : i32
    %dma_wait3A_686 = arith.constant 25 : i32
    %dma_wait3A_687 = arith.constant 0 : i32
    %dma_wait3A_688 = tpu.memref_slice %arg6[%dma_wait3A_686, %dma_wait3A_687] : memref<32x32xi32, #tpu.memory_space<vmem>> -> memref<1x32xi32, #tpu.memory_space<vmem>>
    %dma_wait3A_689 = tpu.memref_squeeze %dma_wait3A_688 : memref<1x32xi32, #tpu.memory_space<vmem>> -> memref<32xi32, #tpu.memory_space<vmem>>
    %dma_wait3A_690 = tpu.memref_slice %arg2[%dma_wait3A_685, %mul3A_2] : memref<32x1024xi32, #tpu.memory_space<hbm>> -> memref<1x32xi32, #tpu.memory_space<hbm>>
    %dma_wait3A_691 = tpu.memref_squeeze %dma_wait3A_690 : memref<1x32xi32, #tpu.memory_space<hbm>> -> memref<32xi32, #tpu.memory_space<hbm>>
    %dma_wait3A_692 = arith.constant 0 : i32
    %dma_wait3A_693 = tpu.memref_slice %arg6[%dma_wait3A_686, %dma_wait3A_692] : memref<32x32xi32, #tpu.memory_space<vmem>> -> memref<1x32xi32, #tpu.memory_space<vmem>>
    %dma_wait3A_694 = tpu.memref_squeeze %dma_wait3A_693 : memref<1x32xi32, #tpu.memory_space<vmem>> -> memref<32xi32, #tpu.memory_space<vmem>>
    %dma_wait3A_695 = tpu.memref_slice %arg2[%dma_wait3A_685, %mul3A_2] : memref<32x1024xi32, #tpu.memory_space<hbm>> -> memref<1x32xi32, #tpu.memory_space<hbm>>
    %dma_wait3A_696 = tpu.memref_squeeze %dma_wait3A_695 : memref<1x32xi32, #tpu.memory_space<hbm>> -> memref<32xi32, #tpu.memory_space<hbm>>
    tpu.wait_dma2 semaphore(%arg16 : memref<!tpu.dma_semaphore, #tpu.memory_space<semaphore_mem>>) src(%dma_wait3A_696 : memref<32xi32, #tpu.memory_space<hbm>>) dst(%dma_wait3A_694 : memref<32xi32, #tpu.memory_space<vmem>>)
    %dma_wait3A_697 = arith.constant 26 : i32
    %dma_wait3A_698 = arith.constant 26 : i32
    %dma_wait3A_699 = arith.constant 0 : i32
    %dma_wait3A_700 = tpu.memref_slice %arg6[%dma_wait3A_698, %dma_wait3A_699] : memref<32x32xi32, #tpu.memory_space<vmem>> -> memref<1x32xi32, #tpu.memory_space<vmem>>
    %dma_wait3A_701 = tpu.memref_squeeze %dma_wait3A_700 : memref<1x32xi32, #tpu.memory_space<vmem>> -> memref<32xi32, #tpu.memory_space<vmem>>
    %dma_wait3A_702 = tpu.memref_slice %arg2[%dma_wait3A_697, %mul3A_2] : memref<32x1024xi32, #tpu.memory_space<hbm>> -> memref<1x32xi32, #tpu.memory_space<hbm>>
    %dma_wait3A_703 = tpu.memref_squeeze %dma_wait3A_702 : memref<1x32xi32, #tpu.memory_space<hbm>> -> memref<32xi32, #tpu.memory_space<hbm>>
    %dma_wait3A_704 = arith.constant 0 : i32
    %dma_wait3A_705 = tpu.memref_slice %arg6[%dma_wait3A_698, %dma_wait3A_704] : memref<32x32xi32, #tpu.memory_space<vmem>> -> memref<1x32xi32, #tpu.memory_space<vmem>>
    %dma_wait3A_706 = tpu.memref_squeeze %dma_wait3A_705 : memref<1x32xi32, #tpu.memory_space<vmem>> -> memref<32xi32, #tpu.memory_space<vmem>>
    %dma_wait3A_707 = tpu.memref_slice %arg2[%dma_wait3A_697, %mul3A_2] : memref<32x1024xi32, #tpu.memory_space<hbm>> -> memref<1x32xi32, #tpu.memory_space<hbm>>
    %dma_wait3A_708 = tpu.memref_squeeze %dma_wait3A_707 : memref<1x32xi32, #tpu.memory_space<hbm>> -> memref<32xi32, #tpu.memory_space<hbm>>
    tpu.wait_dma2 semaphore(%arg16 : memref<!tpu.dma_semaphore, #tpu.memory_space<semaphore_mem>>) src(%dma_wait3A_708 : memref<32xi32, #tpu.memory_space<hbm>>) dst(%dma_wait3A_706 : memref<32xi32, #tpu.memory_space<vmem>>)
    %dma_wait3A_709 = arith.constant 27 : i32
    %dma_wait3A_710 = arith.constant 27 : i32
    %dma_wait3A_711 = arith.constant 0 : i32
    %dma_wait3A_712 = tpu.memref_slice %arg6[%dma_wait3A_710, %dma_wait3A_711] : memref<32x32xi32, #tpu.memory_space<vmem>> -> memref<1x32xi32, #tpu.memory_space<vmem>>
    %dma_wait3A_713 = tpu.memref_squeeze %dma_wait3A_712 : memref<1x32xi32, #tpu.memory_space<vmem>> -> memref<32xi32, #tpu.memory_space<vmem>>
    %dma_wait3A_714 = tpu.memref_slice %arg2[%dma_wait3A_709, %mul3A_2] : memref<32x1024xi32, #tpu.memory_space<hbm>> -> memref<1x32xi32, #tpu.memory_space<hbm>>
    %dma_wait3A_715 = tpu.memref_squeeze %dma_wait3A_714 : memref<1x32xi32, #tpu.memory_space<hbm>> -> memref<32xi32, #tpu.memory_space<hbm>>
    %dma_wait3A_716 = arith.constant 0 : i32
    %dma_wait3A_717 = tpu.memref_slice %arg6[%dma_wait3A_710, %dma_wait3A_716] : memref<32x32xi32, #tpu.memory_space<vmem>> -> memref<1x32xi32, #tpu.memory_space<vmem>>
    %dma_wait3A_718 = tpu.memref_squeeze %dma_wait3A_717 : memref<1x32xi32, #tpu.memory_space<vmem>> -> memref<32xi32, #tpu.memory_space<vmem>>
    %dma_wait3A_719 = tpu.memref_slice %arg2[%dma_wait3A_709, %mul3A_2] : memref<32x1024xi32, #tpu.memory_space<hbm>> -> memref<1x32xi32, #tpu.memory_space<hbm>>
    %dma_wait3A_720 = tpu.memref_squeeze %dma_wait3A_719 : memref<1x32xi32, #tpu.memory_space<hbm>> -> memref<32xi32, #tpu.memory_space<hbm>>
    tpu.wait_dma2 semaphore(%arg16 : memref<!tpu.dma_semaphore, #tpu.memory_space<semaphore_mem>>) src(%dma_wait3A_720 : memref<32xi32, #tpu.memory_space<hbm>>) dst(%dma_wait3A_718 : memref<32xi32, #tpu.memory_space<vmem>>)
    %dma_wait3A_721 = arith.constant 28 : i32
    %dma_wait3A_722 = arith.constant 28 : i32
    %dma_wait3A_723 = arith.constant 0 : i32
    %dma_wait3A_724 = tpu.memref_slice %arg6[%dma_wait3A_722, %dma_wait3A_723] : memref<32x32xi32, #tpu.memory_space<vmem>> -> memref<1x32xi32, #tpu.memory_space<vmem>>
    %dma_wait3A_725 = tpu.memref_squeeze %dma_wait3A_724 : memref<1x32xi32, #tpu.memory_space<vmem>> -> memref<32xi32, #tpu.memory_space<vmem>>
    %dma_wait3A_726 = tpu.memref_slice %arg2[%dma_wait3A_721, %mul3A_2] : memref<32x1024xi32, #tpu.memory_space<hbm>> -> memref<1x32xi32, #tpu.memory_space<hbm>>
    %dma_wait3A_727 = tpu.memref_squeeze %dma_wait3A_726 : memref<1x32xi32, #tpu.memory_space<hbm>> -> memref<32xi32, #tpu.memory_space<hbm>>
    %dma_wait3A_728 = arith.constant 0 : i32
    %dma_wait3A_729 = tpu.memref_slice %arg6[%dma_wait3A_722, %dma_wait3A_728] : memref<32x32xi32, #tpu.memory_space<vmem>> -> memref<1x32xi32, #tpu.memory_space<vmem>>
    %dma_wait3A_730 = tpu.memref_squeeze %dma_wait3A_729 : memref<1x32xi32, #tpu.memory_space<vmem>> -> memref<32xi32, #tpu.memory_space<vmem>>
    %dma_wait3A_731 = tpu.memref_slice %arg2[%dma_wait3A_721, %mul3A_2] : memref<32x1024xi32, #tpu.memory_space<hbm>> -> memref<1x32xi32, #tpu.memory_space<hbm>>
    %dma_wait3A_732 = tpu.memref_squeeze %dma_wait3A_731 : memref<1x32xi32, #tpu.memory_space<hbm>> -> memref<32xi32, #tpu.memory_space<hbm>>
    tpu.wait_dma2 semaphore(%arg16 : memref<!tpu.dma_semaphore, #tpu.memory_space<semaphore_mem>>) src(%dma_wait3A_732 : memref<32xi32, #tpu.memory_space<hbm>>) dst(%dma_wait3A_730 : memref<32xi32, #tpu.memory_space<vmem>>)
    %dma_wait3A_733 = arith.constant 29 : i32
    %dma_wait3A_734 = arith.constant 29 : i32
    %dma_wait3A_735 = arith.constant 0 : i32
    %dma_wait3A_736 = tpu.memref_slice %arg6[%dma_wait3A_734, %dma_wait3A_735] : memref<32x32xi32, #tpu.memory_space<vmem>> -> memref<1x32xi32, #tpu.memory_space<vmem>>
    %dma_wait3A_737 = tpu.memref_squeeze %dma_wait3A_736 : memref<1x32xi32, #tpu.memory_space<vmem>> -> memref<32xi32, #tpu.memory_space<vmem>>
    %dma_wait3A_738 = tpu.memref_slice %arg2[%dma_wait3A_733, %mul3A_2] : memref<32x1024xi32, #tpu.memory_space<hbm>> -> memref<1x32xi32, #tpu.memory_space<hbm>>
    %dma_wait3A_739 = tpu.memref_squeeze %dma_wait3A_738 : memref<1x32xi32, #tpu.memory_space<hbm>> -> memref<32xi32, #tpu.memory_space<hbm>>
    %dma_wait3A_740 = arith.constant 0 : i32
    %dma_wait3A_741 = tpu.memref_slice %arg6[%dma_wait3A_734, %dma_wait3A_740] : memref<32x32xi32, #tpu.memory_space<vmem>> -> memref<1x32xi32, #tpu.memory_space<vmem>>
    %dma_wait3A_742 = tpu.memref_squeeze %dma_wait3A_741 : memref<1x32xi32, #tpu.memory_space<vmem>> -> memref<32xi32, #tpu.memory_space<vmem>>
    %dma_wait3A_743 = tpu.memref_slice %arg2[%dma_wait3A_733, %mul3A_2] : memref<32x1024xi32, #tpu.memory_space<hbm>> -> memref<1x32xi32, #tpu.memory_space<hbm>>
    %dma_wait3A_744 = tpu.memref_squeeze %dma_wait3A_743 : memref<1x32xi32, #tpu.memory_space<hbm>> -> memref<32xi32, #tpu.memory_space<hbm>>
    tpu.wait_dma2 semaphore(%arg16 : memref<!tpu.dma_semaphore, #tpu.memory_space<semaphore_mem>>) src(%dma_wait3A_744 : memref<32xi32, #tpu.memory_space<hbm>>) dst(%dma_wait3A_742 : memref<32xi32, #tpu.memory_space<vmem>>)
    %dma_wait3A_745 = arith.constant 30 : i32
    %dma_wait3A_746 = arith.constant 30 : i32
    %dma_wait3A_747 = arith.constant 0 : i32
    %dma_wait3A_748 = tpu.memref_slice %arg6[%dma_wait3A_746, %dma_wait3A_747] : memref<32x32xi32, #tpu.memory_space<vmem>> -> memref<1x32xi32, #tpu.memory_space<vmem>>
    %dma_wait3A_749 = tpu.memref_squeeze %dma_wait3A_748 : memref<1x32xi32, #tpu.memory_space<vmem>> -> memref<32xi32, #tpu.memory_space<vmem>>
    %dma_wait3A_750 = tpu.memref_slice %arg2[%dma_wait3A_745, %mul3A_2] : memref<32x1024xi32, #tpu.memory_space<hbm>> -> memref<1x32xi32, #tpu.memory_space<hbm>>
    %dma_wait3A_751 = tpu.memref_squeeze %dma_wait3A_750 : memref<1x32xi32, #tpu.memory_space<hbm>> -> memref<32xi32, #tpu.memory_space<hbm>>
    %dma_wait3A_752 = arith.constant 0 : i32
    %dma_wait3A_753 = tpu.memref_slice %arg6[%dma_wait3A_746, %dma_wait3A_752] : memref<32x32xi32, #tpu.memory_space<vmem>> -> memref<1x32xi32, #tpu.memory_space<vmem>>
    %dma_wait3A_754 = tpu.memref_squeeze %dma_wait3A_753 : memref<1x32xi32, #tpu.memory_space<vmem>> -> memref<32xi32, #tpu.memory_space<vmem>>
    %dma_wait3A_755 = tpu.memref_slice %arg2[%dma_wait3A_745, %mul3A_2] : memref<32x1024xi32, #tpu.memory_space<hbm>> -> memref<1x32xi32, #tpu.memory_space<hbm>>
    %dma_wait3A_756 = tpu.memref_squeeze %dma_wait3A_755 : memref<1x32xi32, #tpu.memory_space<hbm>> -> memref<32xi32, #tpu.memory_space<hbm>>
    tpu.wait_dma2 semaphore(%arg16 : memref<!tpu.dma_semaphore, #tpu.memory_space<semaphore_mem>>) src(%dma_wait3A_756 : memref<32xi32, #tpu.memory_space<hbm>>) dst(%dma_wait3A_754 : memref<32xi32, #tpu.memory_space<vmem>>)
    %dma_wait3A_757 = arith.constant 31 : i32
    %dma_wait3A_758 = arith.constant 31 : i32
    %dma_wait3A_759 = arith.constant 0 : i32
    %dma_wait3A_760 = tpu.memref_slice %arg6[%dma_wait3A_758, %dma_wait3A_759] : memref<32x32xi32, #tpu.memory_space<vmem>> -> memref<1x32xi32, #tpu.memory_space<vmem>>
    %dma_wait3A_761 = tpu.memref_squeeze %dma_wait3A_760 : memref<1x32xi32, #tpu.memory_space<vmem>> -> memref<32xi32, #tpu.memory_space<vmem>>
    %dma_wait3A_762 = tpu.memref_slice %arg2[%dma_wait3A_757, %mul3A_2] : memref<32x1024xi32, #tpu.memory_space<hbm>> -> memref<1x32xi32, #tpu.memory_space<hbm>>
    %dma_wait3A_763 = tpu.memref_squeeze %dma_wait3A_762 : memref<1x32xi32, #tpu.memory_space<hbm>> -> memref<32xi32, #tpu.memory_space<hbm>>
    %dma_wait3A_764 = arith.constant 0 : i32
    %dma_wait3A_765 = tpu.memref_slice %arg6[%dma_wait3A_758, %dma_wait3A_764] : memref<32x32xi32, #tpu.memory_space<vmem>> -> memref<1x32xi32, #tpu.memory_space<vmem>>
    %dma_wait3A_766 = tpu.memref_squeeze %dma_wait3A_765 : memref<1x32xi32, #tpu.memory_space<vmem>> -> memref<32xi32, #tpu.memory_space<vmem>>
    %dma_wait3A_767 = tpu.memref_slice %arg2[%dma_wait3A_757, %mul3A_2] : memref<32x1024xi32, #tpu.memory_space<hbm>> -> memref<1x32xi32, #tpu.memory_space<hbm>>
    %dma_wait3A_768 = tpu.memref_squeeze %dma_wait3A_767 : memref<1x32xi32, #tpu.memory_space<hbm>> -> memref<32xi32, #tpu.memory_space<hbm>>
    tpu.wait_dma2 semaphore(%arg16 : memref<!tpu.dma_semaphore, #tpu.memory_space<semaphore_mem>>) src(%dma_wait3A_768 : memref<32xi32, #tpu.memory_space<hbm>>) dst(%dma_wait3A_766 : memref<32xi32, #tpu.memory_space<vmem>>)
    %dma_start3A_769 = arith.constant 0 : i32
    %dma_start3A_770 = arith.constant 0 : i32
    %dma_start3A_771 = tpu.memref_slice %arg6[%dma_start3A_769, %dma_start3A_770] : memref<32x32xi32, #tpu.memory_space<vmem>> -> memref<1x16xi32, #tpu.memory_space<vmem>>
    %dma_start3A_772 = tpu.memref_squeeze %dma_start3A_771 : memref<1x16xi32, #tpu.memory_space<vmem>> -> memref<16xi32, #tpu.memory_space<vmem>>
    %dma_start3A_773 = arith.constant 0 : i32
    %dma_start3A_774 = arith.constant 0 : i32
    %dma_start3A_775 = tpu.memref_slice %arg3[%dma_start3A_773, %dma_start3A_774] : memref<50257x1280xf32, #tpu.memory_space<hbm>> -> memref<50257x1280xf32, #tpu.memory_space<hbm>>
    tpu.enqueue_indirect_dma source(%dma_start3A_775 : memref<50257x1280xf32, #tpu.memory_space<hbm>>) target(%arg8 : memref<16x1280xf32, #tpu.memory_space<vmem>>) offsets(%dma_start3A_772 : memref<16xi32, #tpu.memory_space<vmem>>) semaphore(%arg12 : memref<!tpu.dma_semaphore, #tpu.memory_space<semaphore_mem>>)
    %dma_start3A_776 = arith.constant 0 : i32
    %dma_start3A_777 = arith.constant 16 : i32
    %dma_start3A_778 = tpu.memref_slice %arg6[%dma_start3A_776, %dma_start3A_777] : memref<32x32xi32, #tpu.memory_space<vmem>> -> memref<1x16xi32, #tpu.memory_space<vmem>>
    %dma_start3A_779 = tpu.memref_squeeze %dma_start3A_778 : memref<1x16xi32, #tpu.memory_space<vmem>> -> memref<16xi32, #tpu.memory_space<vmem>>
    %dma_start3A_780 = arith.constant 0 : i32
    %dma_start3A_781 = arith.constant 0 : i32
    %dma_start3A_782 = tpu.memref_slice %arg3[%dma_start3A_780, %dma_start3A_781] : memref<50257x1280xf32, #tpu.memory_space<hbm>> -> memref<50257x1280xf32, #tpu.memory_space<hbm>>
    tpu.enqueue_indirect_dma source(%dma_start3A_782 : memref<50257x1280xf32, #tpu.memory_space<hbm>>) target(%arg9 : memref<16x1280xf32, #tpu.memory_space<vmem>>) offsets(%dma_start3A_779 : memref<16xi32, #tpu.memory_space<vmem>>) semaphore(%arg13 : memref<!tpu.dma_semaphore, #tpu.memory_space<semaphore_mem>>)
    %scan3A = arith.constant 0 : i32
    %scan3A_783 = arith.constant 0 : i32
    %scan3A_784 = arith.constant 32 : i32
    %scan3A_785 = arith.addi %scan3A_783, %scan3A_784 : i32
    %scan3A_786 = arith.constant 1 : i32
    scf.for %scan3A_806 = %scan3A_783 to %scan3A_785 step %scan3A_786  : i32 {
      %dma_wait3A_807 = arith.constant 0 : i32
      %dma_wait3A_808 = tpu.memref_slice %arg6[%scan3A_806, %dma_wait3A_807] : memref<32x32xi32, #tpu.memory_space<vmem>> -> memref<1x16xi32, #tpu.memory_space<vmem>>
      %dma_wait3A_809 = tpu.memref_squeeze %dma_wait3A_808 : memref<1x16xi32, #tpu.memory_space<vmem>> -> memref<16xi32, #tpu.memory_space<vmem>>
      %dma_wait3A_810 = arith.constant 0 : i32
      %dma_wait3A_811 = arith.constant 0 : i32
      %dma_wait3A_812 = tpu.memref_slice %arg3[%dma_wait3A_810, %dma_wait3A_811] : memref<50257x1280xf32, #tpu.memory_space<hbm>> -> memref<50257x1280xf32, #tpu.memory_space<hbm>>
      tpu.wait_indirect_dma semaphore(%arg12 : memref<!tpu.dma_semaphore, #tpu.memory_space<semaphore_mem>>) src(%dma_wait3A_812 : memref<50257x1280xf32, #tpu.memory_space<hbm>>) dst(%arg8 : memref<16x1280xf32, #tpu.memory_space<vmem>>)
      %gt3A = arith.constant 0 : i32
      %gt3A_813 = arith.cmpi sgt, %scan3A_806, %gt3A : i32
      %convert_element_type3A = arith.extui %gt3A_813 : i1 to i32
      %cond3A = arith.constant 0 : i32
      %cond3A_814 = arith.cmpi ne, %convert_element_type3A, %cond3A : i32
      scf.if %cond3A_814 {
        %sub3A = arith.constant 1 : i32
        %sub3A_863 = arith.subi %scan3A_806, %sub3A : i32
        %add3A_864 = arith.constant 0 : i32
        %add3A_865 = arith.addi %mul3A_2, %add3A_864 : i32
        %dma_wait3A_866 = arith.constant 0 : i32
        %dma_wait3A_867 = tpu.memref_slice %arg5[%sub3A_863, %add3A_865, %dma_wait3A_866] : memref<32x1024x1280xf32, #tpu.memory_space<hbm>> -> memref<1x16x1280xf32, #tpu.memory_space<hbm>>
        %dma_wait3A_868 = tpu.memref_squeeze %dma_wait3A_867 : memref<1x16x1280xf32, #tpu.memory_space<hbm>> -> memref<16x1280xf32, #tpu.memory_space<hbm>>
        %dma_wait3A_869 = arith.constant 0 : i32
        %dma_wait3A_870 = tpu.memref_slice %arg5[%sub3A_863, %add3A_865, %dma_wait3A_869] : memref<32x1024x1280xf32, #tpu.memory_space<hbm>> -> memref<1x16x1280xf32, #tpu.memory_space<hbm>>
        %dma_wait3A_871 = tpu.memref_squeeze %dma_wait3A_870 : memref<1x16x1280xf32, #tpu.memory_space<hbm>> -> memref<16x1280xf32, #tpu.memory_space<hbm>>
        tpu.wait_dma2 semaphore(%arg14 : memref<!tpu.dma_semaphore, #tpu.memory_space<semaphore_mem>>) src(%arg10 : memref<16x1280xf32, #tpu.memory_space<vmem>>) dst(%dma_wait3A_871 : memref<16x1280xf32, #tpu.memory_space<hbm>>)
      } else {
      }
      %scan3A_815 = arith.constant 0 : i32
      %scan3A_816 = arith.constant 0 : i32
      %scan3A_817 = arith.constant 16 : i32
      %scan3A_818 = arith.addi %scan3A_816, %scan3A_817 : i32
      %scan3A_819 = arith.constant 1 : i32
      scf.for %scan3A_863 = %scan3A_816 to %scan3A_818 step %scan3A_819  : i32 {
        %get3A = arith.index_cast %scan3A_863 : i32 to index
        %get3A_864 = arith.constant 0 : index
        %get3A_865 = tpu.vector_load %arg8[%get3A, %get3A_864] {strides = array<i32>} : memref<16x1280xf32, #tpu.memory_space<vmem>>, vector<1x16xf32>,
        %get3A_866 = vector.shape_cast %get3A_865 : vector<1x16xf32> to vector<16xf32>
        %add3A_867 = arith.constant 0 : i32
        %add3A_868 = arith.addi %add3A_867, %scan3A_863 : i32
        %get3A_869 = arith.index_cast %add3A_868 : i32 to index
        %get3A_870 = arith.constant 0 : index
        %get3A_871 = tpu.vector_load %arg7[%get3A_869, %get3A_870] {strides = array<i32>} : memref<32x1280xf32, #tpu.memory_space<vmem>>, vector<1x16xf32>,
        %get3A_872 = vector.shape_cast %get3A_871 : vector<1x16xf32> to vector<16xf32>
        %add3A_873 = arith.addf %get3A_866, %get3A_872 : vector<16xf32>
        %swap3A = arith.index_cast %scan3A_863 : i32 to index
        %swap3A_874 = arith.constant 0 : index
        %swap3A_875 = tpu.vector_load %arg10[%swap3A, %swap3A_874] {strides = array<i32>} : memref<16x1280xf32, #tpu.memory_space<vmem>>, vector<1x16xf32>,
        %swap3A_876 = vector.shape_cast %swap3A_875 : vector<1x16xf32> to vector<16xf32>
        %swap3A_877 = vector.shape_cast %add3A_873 : vector<16xf32> to vector<1x16xf32>
        tpu.vector_store %arg10[%swap3A, %swap3A_874], %swap3A_877 {strides = array<i32>} : memref<16x1280xf32, #tpu.memory_space<vmem>>, vector<1x16xf32>,
        %get3A_878 = arith.index_cast %scan3A_863 : i32 to index
        %get3A_879 = arith.constant 16 : index
        %get3A_880 = tpu.vector_load %arg8[%get3A_878, %get3A_879] {strides = array<i32>} : memref<16x1280xf32, #tpu.memory_space<vmem>>, vector<1x16xf32>,
        %get3A_881 = vector.shape_cast %get3A_880 : vector<1x16xf32> to vector<16xf32>
        %add3A_882 = arith.constant 0 : i32
        %add3A_883 = arith.addi %add3A_882, %scan3A_863 : i32
        %get3A_884 = arith.index_cast %add3A_883 : i32 to index
        %get3A_885 = arith.constant 16 : index
        %get3A_886 = tpu.vector_load %arg7[%get3A_884, %get3A_885] {strides = array<i32>} : memref<32x1280xf32, #tpu.memory_space<vmem>>, vector<1x16xf32>,
        %get3A_887 = vector.shape_cast %get3A_886 : vector<1x16xf32> to vector<16xf32>
        %add3A_888 = arith.addf %get3A_881, %get3A_887 : vector<16xf32>
        %swap3A_889 = arith.index_cast %scan3A_863 : i32 to index
        %swap3A_890 = arith.constant 16 : index
        %swap3A_891 = tpu.vector_load %arg10[%swap3A_889, %swap3A_890] {strides = array<i32>} : memref<16x1280xf32, #tpu.memory_space<vmem>>, vector<1x16xf32>,
        %swap3A_892 = vector.shape_cast %swap3A_891 : vector<1x16xf32> to vector<16xf32>
        %swap3A_893 = vector.shape_cast %add3A_888 : vector<16xf32> to vector<1x16xf32>
        tpu.vector_store %arg10[%swap3A_889, %swap3A_890], %swap3A_893 {strides = array<i32>} : memref<16x1280xf32, #tpu.memory_space<vmem>>, vector<1x16xf32>,
        %get3A_894 = arith.index_cast %scan3A_863 : i32 to index
        %get3A_895 = arith.constant 32 : index
        %get3A_896 = tpu.vector_load %arg8[%get3A_894, %get3A_895] {strides = array<i32>} : memref<16x1280xf32, #tpu.memory_space<vmem>>, vector<1x16xf32>,
        %get3A_897 = vector.shape_cast %get3A_896 : vector<1x16xf32> to vector<16xf32>
        %add3A_898 = arith.constant 0 : i32
        %add3A_899 = arith.addi %add3A_898, %scan3A_863 : i32
        %get3A_900 = arith.index_cast %add3A_899 : i32 to index
        %get3A_901 = arith.constant 32 : index
        %get3A_902 = tpu.vector_load %arg7[%get3A_900, %get3A_901] {strides = array<i32>} : memref<32x1280xf32, #tpu.memory_space<vmem>>, vector<1x16xf32>,
        %get3A_903 = vector.shape_cast %get3A_902 : vector<1x16xf32> to vector<16xf32>
        %add3A_904 = arith.addf %get3A_897, %get3A_903 : vector<16xf32>
        %swap3A_905 = arith.index_cast %scan3A_863 : i32 to index
        %swap3A_906 = arith.constant 32 : index
        %swap3A_907 = tpu.vector_load %arg10[%swap3A_905, %swap3A_906] {strides = array<i32>} : memref<16x1280xf32, #tpu.memory_space<vmem>>, vector<1x16xf32>,
        %swap3A_908 = vector.shape_cast %swap3A_907 : vector<1x16xf32> to vector<16xf32>
        %swap3A_909 = vector.shape_cast %add3A_904 : vector<16xf32> to vector<1x16xf32>
        tpu.vector_store %arg10[%swap3A_905, %swap3A_906], %swap3A_909 {strides = array<i32>} : memref<16x1280xf32, #tpu.memory_space<vmem>>, vector<1x16xf32>,
        %get3A_910 = arith.index_cast %scan3A_863 : i32 to index
        %get3A_911 = arith.constant 48 : index
        %get3A_912 = tpu.vector_load %arg8[%get3A_910, %get3A_911] {strides = array<i32>} : memref<16x1280xf32, #tpu.memory_space<vmem>>, vector<1x16xf32>,
        %get3A_913 = vector.shape_cast %get3A_912 : vector<1x16xf32> to vector<16xf32>
        %add3A_914 = arith.constant 0 : i32
        %add3A_915 = arith.addi %add3A_914, %scan3A_863 : i32
        %get3A_916 = arith.index_cast %add3A_915 : i32 to index
        %get3A_917 = arith.constant 48 : index
        %get3A_918 = tpu.vector_load %arg7[%get3A_916, %get3A_917] {strides = array<i32>} : memref<32x1280xf32, #tpu.memory_space<vmem>>, vector<1x16xf32>,
        %get3A_919 = vector.shape_cast %get3A_918 : vector<1x16xf32> to vector<16xf32>
        %add3A_920 = arith.addf %get3A_913, %get3A_919 : vector<16xf32>
        %swap3A_921 = arith.index_cast %scan3A_863 : i32 to index
        %swap3A_922 = arith.constant 48 : index
        %swap3A_923 = tpu.vector_load %arg10[%swap3A_921, %swap3A_922] {strides = array<i32>} : memref<16x1280xf32, #tpu.memory_space<vmem>>, vector<1x16xf32>,
        %swap3A_924 = vector.shape_cast %swap3A_923 : vector<1x16xf32> to vector<16xf32>
        %swap3A_925 = vector.shape_cast %add3A_920 : vector<16xf32> to vector<1x16xf32>
        tpu.vector_store %arg10[%swap3A_921, %swap3A_922], %swap3A_925 {strides = array<i32>} : memref<16x1280xf32, #tpu.memory_space<vmem>>, vector<1x16xf32>,
        %get3A_926 = arith.index_cast %scan3A_863 : i32 to index
        %get3A_927 = arith.constant 64 : index
        %get3A_928 = tpu.vector_load %arg8[%get3A_926, %get3A_927] {strides = array<i32>} : memref<16x1280xf32, #tpu.memory_space<vmem>>, vector<1x16xf32>,
        %get3A_929 = vector.shape_cast %get3A_928 : vector<1x16xf32> to vector<16xf32>
        %add3A_930 = arith.constant 0 : i32
        %add3A_931 = arith.addi %add3A_930, %scan3A_863 : i32
        %get3A_932 = arith.index_cast %add3A_931 : i32 to index
        %get3A_933 = arith.constant 64 : index
        %get3A_934 = tpu.vector_load %arg7[%get3A_932, %get3A_933] {strides = array<i32>} : memref<32x1280xf32, #tpu.memory_space<vmem>>, vector<1x16xf32>,
        %get3A_935 = vector.shape_cast %get3A_934 : vector<1x16xf32> to vector<16xf32>
        %add3A_936 = arith.addf %get3A_929, %get3A_935 : vector<16xf32>
        %swap3A_937 = arith.index_cast %scan3A_863 : i32 to index
        %swap3A_938 = arith.constant 64 : index
        %swap3A_939 = tpu.vector_load %arg10[%swap3A_937, %swap3A_938] {strides = array<i32>} : memref<16x1280xf32, #tpu.memory_space<vmem>>, vector<1x16xf32>,
        %swap3A_940 = vector.shape_cast %swap3A_939 : vector<1x16xf32> to vector<16xf32>
        %swap3A_941 = vector.shape_cast %add3A_936 : vector<16xf32> to vector<1x16xf32>
        tpu.vector_store %arg10[%swap3A_937, %swap3A_938], %swap3A_941 {strides = array<i32>} : memref<16x1280xf32, #tpu.memory_space<vmem>>, vector<1x16xf32>,
        %get3A_942 = arith.index_cast %scan3A_863 : i32 to index
        %get3A_943 = arith.constant 80 : index
        %get3A_944 = tpu.vector_load %arg8[%get3A_942, %get3A_943] {strides = array<i32>} : memref<16x1280xf32, #tpu.memory_space<vmem>>, vector<1x16xf32>,
        %get3A_945 = vector.shape_cast %get3A_944 : vector<1x16xf32> to vector<16xf32>
        %add3A_946 = arith.constant 0 : i32
        %add3A_947 = arith.addi %add3A_946, %scan3A_863 : i32
        %get3A_948 = arith.index_cast %add3A_947 : i32 to index
        %get3A_949 = arith.constant 80 : index
        %get3A_950 = tpu.vector_load %arg7[%get3A_948, %get3A_949] {strides = array<i32>} : memref<32x1280xf32, #tpu.memory_space<vmem>>, vector<1x16xf32>,
        %get3A_951 = vector.shape_cast %get3A_950 : vector<1x16xf32> to vector<16xf32>
        %add3A_952 = arith.addf %get3A_945, %get3A_951 : vector<16xf32>
        %swap3A_953 = arith.index_cast %scan3A_863 : i32 to index
        %swap3A_954 = arith.constant 80 : index
        %swap3A_955 = tpu.vector_load %arg10[%swap3A_953, %swap3A_954] {strides = array<i32>} : memref<16x1280xf32, #tpu.memory_space<vmem>>, vector<1x16xf32>,
        %swap3A_956 = vector.shape_cast %swap3A_955 : vector<1x16xf32> to vector<16xf32>
        %swap3A_957 = vector.shape_cast %add3A_952 : vector<16xf32> to vector<1x16xf32>
        tpu.vector_store %arg10[%swap3A_953, %swap3A_954], %swap3A_957 {strides = array<i32>} : memref<16x1280xf32, #tpu.memory_space<vmem>>, vector<1x16xf32>,
        %get3A_958 = arith.index_cast %scan3A_863 : i32 to index
        %get3A_959 = arith.constant 96 : index
        %get3A_960 = tpu.vector_load %arg8[%get3A_958, %get3A_959] {strides = array<i32>} : memref<16x1280xf32, #tpu.memory_space<vmem>>, vector<1x16xf32>,
        %get3A_961 = vector.shape_cast %get3A_960 : vector<1x16xf32> to vector<16xf32>
        %add3A_962 = arith.constant 0 : i32
        %add3A_963 = arith.addi %add3A_962, %scan3A_863 : i32
        %get3A_964 = arith.index_cast %add3A_963 : i32 to index
        %get3A_965 = arith.constant 96 : index
        %get3A_966 = tpu.vector_load %arg7[%get3A_964, %get3A_965] {strides = array<i32>} : memref<32x1280xf32, #tpu.memory_space<vmem>>, vector<1x16xf32>,
        %get3A_967 = vector.shape_cast %get3A_966 : vector<1x16xf32> to vector<16xf32>
        %add3A_968 = arith.addf %get3A_961, %get3A_967 : vector<16xf32>
        %swap3A_969 = arith.index_cast %scan3A_863 : i32 to index
        %swap3A_970 = arith.constant 96 : index
        %swap3A_971 = tpu.vector_load %arg10[%swap3A_969, %swap3A_970] {strides = array<i32>} : memref<16x1280xf32, #tpu.memory_space<vmem>>, vector<1x16xf32>,
        %swap3A_972 = vector.shape_cast %swap3A_971 : vector<1x16xf32> to vector<16xf32>
        %swap3A_973 = vector.shape_cast %add3A_968 : vector<16xf32> to vector<1x16xf32>
        tpu.vector_store %arg10[%swap3A_969, %swap3A_970], %swap3A_973 {strides = array<i32>} : memref<16x1280xf32, #tpu.memory_space<vmem>>, vector<1x16xf32>,
        %get3A_974 = arith.index_cast %scan3A_863 : i32 to index
        %get3A_975 = arith.constant 112 : index
        %get3A_976 = tpu.vector_load %arg8[%get3A_974, %get3A_975] {strides = array<i32>} : memref<16x1280xf32, #tpu.memory_space<vmem>>, vector<1x16xf32>,
        %get3A_977 = vector.shape_cast %get3A_976 : vector<1x16xf32> to vector<16xf32>
        %add3A_978 = arith.constant 0 : i32
        %add3A_979 = arith.addi %add3A_978, %scan3A_863 : i32
        %get3A_980 = arith.index_cast %add3A_979 : i32 to index
        %get3A_981 = arith.constant 112 : index
        %get3A_982 = tpu.vector_load %arg7[%get3A_980, %get3A_981] {strides = array<i32>} : memref<32x1280xf32, #tpu.memory_space<vmem>>, vector<1x16xf32>,
        %get3A_983 = vector.shape_cast %get3A_982 : vector<1x16xf32> to vector<16xf32>
        %add3A_984 = arith.addf %get3A_977, %get3A_983 : vector<16xf32>
        %swap3A_985 = arith.index_cast %scan3A_863 : i32 to index
        %swap3A_986 = arith.constant 112 : index
        %swap3A_987 = tpu.vector_load %arg10[%swap3A_985, %swap3A_986] {strides = array<i32>} : memref<16x1280xf32, #tpu.memory_space<vmem>>, vector<1x16xf32>,
        %swap3A_988 = vector.shape_cast %swap3A_987 : vector<1x16xf32> to vector<16xf32>
        %swap3A_989 = vector.shape_cast %add3A_984 : vector<16xf32> to vector<1x16xf32>
        tpu.vector_store %arg10[%swap3A_985, %swap3A_986], %swap3A_989 {strides = array<i32>} : memref<16x1280xf32, #tpu.memory_space<vmem>>, vector<1x16xf32>,
        %get3A_990 = arith.index_cast %scan3A_863 : i32 to index
        %get3A_991 = arith.constant 128 : index
        %get3A_992 = tpu.vector_load %arg8[%get3A_990, %get3A_991] {strides = array<i32>} : memref<16x1280xf32, #tpu.memory_space<vmem>>, vector<1x16xf32>,
        %get3A_993 = vector.shape_cast %get3A_992 : vector<1x16xf32> to vector<16xf32>
        %add3A_994 = arith.constant 0 : i32
        %add3A_995 = arith.addi %add3A_994, %scan3A_863 : i32
        %get3A_996 = arith.index_cast %add3A_995 : i32 to index
        %get3A_997 = arith.constant 128 : index
        %get3A_998 = tpu.vector_load %arg7[%get3A_996, %get3A_997] {strides = array<i32>} : memref<32x1280xf32, #tpu.memory_space<vmem>>, vector<1x16xf32>,
        %get3A_999 = vector.shape_cast %get3A_998 : vector<1x16xf32> to vector<16xf32>
        %add3A_1000 = arith.addf %get3A_993, %get3A_999 : vector<16xf32>
        %swap3A_1001 = arith.index_cast %scan3A_863 : i32 to index
        %swap3A_1002 = arith.constant 128 : index
        %swap3A_1003 = tpu.vector_load %arg10[%swap3A_1001, %swap3A_1002] {strides = array<i32>} : memref<16x1280xf32, #tpu.memory_space<vmem>>, vector<1x16xf32>,
        %swap3A_1004 = vector.shape_cast %swap3A_1003 : vector<1x16xf32> to vector<16xf32>
        %swap3A_1005 = vector.shape_cast %add3A_1000 : vector<16xf32> to vector<1x16xf32>
        tpu.vector_store %arg10[%swap3A_1001, %swap3A_1002], %swap3A_1005 {strides = array<i32>} : memref<16x1280xf32, #tpu.memory_space<vmem>>, vector<1x16xf32>,
        %get3A_1006 = arith.index_cast %scan3A_863 : i32 to index
        %get3A_1007 = arith.constant 144 : index
        %get3A_1008 = tpu.vector_load %arg8[%get3A_1006, %get3A_1007] {strides = array<i32>} : memref<16x1280xf32, #tpu.memory_space<vmem>>, vector<1x16xf32>,
        %get3A_1009 = vector.shape_cast %get3A_1008 : vector<1x16xf32> to vector<16xf32>
        %add3A_1010 = arith.constant 0 : i32
        %add3A_1011 = arith.addi %add3A_1010, %scan3A_863 : i32
        %get3A_1012 = arith.index_cast %add3A_1011 : i32 to index
        %get3A_1013 = arith.constant 144 : index
        %get3A_1014 = tpu.vector_load %arg7[%get3A_1012, %get3A_1013] {strides = array<i32>} : memref<32x1280xf32, #tpu.memory_space<vmem>>, vector<1x16xf32>,
        %get3A_1015 = vector.shape_cast %get3A_1014 : vector<1x16xf32> to vector<16xf32>
        %add3A_1016 = arith.addf %get3A_1009, %get3A_1015 : vector<16xf32>
        %swap3A_1017 = arith.index_cast %scan3A_863 : i32 to index
        %swap3A_1018 = arith.constant 144 : index
        %swap3A_1019 = tpu.vector_load %arg10[%swap3A_1017, %swap3A_1018] {strides = array<i32>} : memref<16x1280xf32, #tpu.memory_space<vmem>>, vector<1x16xf32>,
        %swap3A_1020 = vector.shape_cast %swap3A_1019 : vector<1x16xf32> to vector<16xf32>
        %swap3A_1021 = vector.shape_cast %add3A_1016 : vector<16xf32> to vector<1x16xf32>
        tpu.vector_store %arg10[%swap3A_1017, %swap3A_1018], %swap3A_1021 {strides = array<i32>} : memref<16x1280xf32, #tpu.memory_space<vmem>>, vector<1x16xf32>,
        %get3A_1022 = arith.index_cast %scan3A_863 : i32 to index
        %get3A_1023 = arith.constant 160 : index
        %get3A_1024 = tpu.vector_load %arg8[%get3A_1022, %get3A_1023] {strides = array<i32>} : memref<16x1280xf32, #tpu.memory_space<vmem>>, vector<1x16xf32>,
        %get3A_1025 = vector.shape_cast %get3A_1024 : vector<1x16xf32> to vector<16xf32>
        %add3A_1026 = arith.constant 0 : i32
        %add3A_1027 = arith.addi %add3A_1026, %scan3A_863 : i32
        %get3A_1028 = arith.index_cast %add3A_1027 : i32 to index
        %get3A_1029 = arith.constant 160 : index
        %get3A_1030 = tpu.vector_load %arg7[%get3A_1028, %get3A_1029] {strides = array<i32>} : memref<32x1280xf32, #tpu.memory_space<vmem>>, vector<1x16xf32>,
        %get3A_1031 = vector.shape_cast %get3A_1030 : vector<1x16xf32> to vector<16xf32>
        %add3A_1032 = arith.addf %get3A_1025, %get3A_1031 : vector<16xf32>
        %swap3A_1033 = arith.index_cast %scan3A_863 : i32 to index
        %swap3A_1034 = arith.constant 160 : index
        %swap3A_1035 = tpu.vector_load %arg10[%swap3A_1033, %swap3A_1034] {strides = array<i32>} : memref<16x1280xf32, #tpu.memory_space<vmem>>, vector<1x16xf32>,
        %swap3A_1036 = vector.shape_cast %swap3A_1035 : vector<1x16xf32> to vector<16xf32>
        %swap3A_1037 = vector.shape_cast %add3A_1032 : vector<16xf32> to vector<1x16xf32>
        tpu.vector_store %arg10[%swap3A_1033, %swap3A_1034], %swap3A_1037 {strides = array<i32>} : memref<16x1280xf32, #tpu.memory_space<vmem>>, vector<1x16xf32>,
        %get3A_1038 = arith.index_cast %scan3A_863 : i32 to index
        %get3A_1039 = arith.constant 176 : index
        %get3A_1040 = tpu.vector_load %arg8[%get3A_1038, %get3A_1039] {strides = array<i32>} : memref<16x1280xf32, #tpu.memory_space<vmem>>, vector<1x16xf32>,
        %get3A_1041 = vector.shape_cast %get3A_1040 : vector<1x16xf32> to vector<16xf32>
        %add3A_1042 = arith.constant 0 : i32
        %add3A_1043 = arith.addi %add3A_1042, %scan3A_863 : i32
        %get3A_1044 = arith.index_cast %add3A_1043 : i32 to index
        %get3A_1045 = arith.constant 176 : index
        %get3A_1046 = tpu.vector_load %arg7[%get3A_1044, %get3A_1045] {strides = array<i32>} : memref<32x1280xf32, #tpu.memory_space<vmem>>, vector<1x16xf32>,
        %get3A_1047 = vector.shape_cast %get3A_1046 : vector<1x16xf32> to vector<16xf32>
        %add3A_1048 = arith.addf %get3A_1041, %get3A_1047 : vector<16xf32>
        %swap3A_1049 = arith.index_cast %scan3A_863 : i32 to index
        %swap3A_1050 = arith.constant 176 : index
        %swap3A_1051 = tpu.vector_load %arg10[%swap3A_1049, %swap3A_1050] {strides = array<i32>} : memref<16x1280xf32, #tpu.memory_space<vmem>>, vector<1x16xf32>,
        %swap3A_1052 = vector.shape_cast %swap3A_1051 : vector<1x16xf32> to vector<16xf32>
        %swap3A_1053 = vector.shape_cast %add3A_1048 : vector<16xf32> to vector<1x16xf32>
        tpu.vector_store %arg10[%swap3A_1049, %swap3A_1050], %swap3A_1053 {strides = array<i32>} : memref<16x1280xf32, #tpu.memory_space<vmem>>, vector<1x16xf32>,
        %get3A_1054 = arith.index_cast %scan3A_863 : i32 to index
        %get3A_1055 = arith.constant 192 : index
        %get3A_1056 = tpu.vector_load %arg8[%get3A_1054, %get3A_1055] {strides = array<i32>} : memref<16x1280xf32, #tpu.memory_space<vmem>>, vector<1x16xf32>,
        %get3A_1057 = vector.shape_cast %get3A_1056 : vector<1x16xf32> to vector<16xf32>
        %add3A_1058 = arith.constant 0 : i32
        %add3A_1059 = arith.addi %add3A_1058, %scan3A_863 : i32
        %get3A_1060 = arith.index_cast %add3A_1059 : i32 to index
        %get3A_1061 = arith.constant 192 : index
        %get3A_1062 = tpu.vector_load %arg7[%get3A_1060, %get3A_1061] {strides = array<i32>} : memref<32x1280xf32, #tpu.memory_space<vmem>>, vector<1x16xf32>,
        %get3A_1063 = vector.shape_cast %get3A_1062 : vector<1x16xf32> to vector<16xf32>
        %add3A_1064 = arith.addf %get3A_1057, %get3A_1063 : vector<16xf32>
        %swap3A_1065 = arith.index_cast %scan3A_863 : i32 to index
        %swap3A_1066 = arith.constant 192 : index
        %swap3A_1067 = tpu.vector_load %arg10[%swap3A_1065, %swap3A_1066] {strides = array<i32>} : memref<16x1280xf32, #tpu.memory_space<vmem>>, vector<1x16xf32>,
        %swap3A_1068 = vector.shape_cast %swap3A_1067 : vector<1x16xf32> to vector<16xf32>
        %swap3A_1069 = vector.shape_cast %add3A_1064 : vector<16xf32> to vector<1x16xf32>
        tpu.vector_store %arg10[%swap3A_1065, %swap3A_1066], %swap3A_1069 {strides = array<i32>} : memref<16x1280xf32, #tpu.memory_space<vmem>>, vector<1x16xf32>,
        %get3A_1070 = arith.index_cast %scan3A_863 : i32 to index
        %get3A_1071 = arith.constant 208 : index
        %get3A_1072 = tpu.vector_load %arg8[%get3A_1070, %get3A_1071] {strides = array<i32>} : memref<16x1280xf32, #tpu.memory_space<vmem>>, vector<1x16xf32>,
        %get3A_1073 = vector.shape_cast %get3A_1072 : vector<1x16xf32> to vector<16xf32>
        %add3A_1074 = arith.constant 0 : i32
        %add3A_1075 = arith.addi %add3A_1074, %scan3A_863 : i32
        %get3A_1076 = arith.index_cast %add3A_1075 : i32 to index
        %get3A_1077 = arith.constant 208 : index
        %get3A_1078 = tpu.vector_load %arg7[%get3A_1076, %get3A_1077] {strides = array<i32>} : memref<32x1280xf32, #tpu.memory_space<vmem>>, vector<1x16xf32>,
        %get3A_1079 = vector.shape_cast %get3A_1078 : vector<1x16xf32> to vector<16xf32>
        %add3A_1080 = arith.addf %get3A_1073, %get3A_1079 : vector<16xf32>
        %swap3A_1081 = arith.index_cast %scan3A_863 : i32 to index
        %swap3A_1082 = arith.constant 208 : index
        %swap3A_1083 = tpu.vector_load %arg10[%swap3A_1081, %swap3A_1082] {strides = array<i32>} : memref<16x1280xf32, #tpu.memory_space<vmem>>, vector<1x16xf32>,
        %swap3A_1084 = vector.shape_cast %swap3A_1083 : vector<1x16xf32> to vector<16xf32>
        %swap3A_1085 = vector.shape_cast %add3A_1080 : vector<16xf32> to vector<1x16xf32>
        tpu.vector_store %arg10[%swap3A_1081, %swap3A_1082], %swap3A_1085 {strides = array<i32>} : memref<16x1280xf32, #tpu.memory_space<vmem>>, vector<1x16xf32>,
        %get3A_1086 = arith.index_cast %scan3A_863 : i32 to index
        %get3A_1087 = arith.constant 224 : index
        %get3A_1088 = tpu.vector_load %arg8[%get3A_1086, %get3A_1087] {strides = array<i32>} : memref<16x1280xf32, #tpu.memory_space<vmem>>, vector<1x16xf32>,
        %get3A_1089 = vector.shape_cast %get3A_1088 : vector<1x16xf32> to vector<16xf32>
        %add3A_1090 = arith.constant 0 : i32
        %add3A_1091 = arith.addi %add3A_1090, %scan3A_863 : i32
        %get3A_1092 = arith.index_cast %add3A_1091 : i32 to index
        %get3A_1093 = arith.constant 224 : index
        %get3A_1094 = tpu.vector_load %arg7[%get3A_1092, %get3A_1093] {strides = array<i32>} : memref<32x1280xf32, #tpu.memory_space<vmem>>, vector<1x16xf32>,
        %get3A_1095 = vector.shape_cast %get3A_1094 : vector<1x16xf32> to vector<16xf32>
        %add3A_1096 = arith.addf %get3A_1089, %get3A_1095 : vector<16xf32>
        %swap3A_1097 = arith.index_cast %scan3A_863 : i32 to index
        %swap3A_1098 = arith.constant 224 : index
        %swap3A_1099 = tpu.vector_load %arg10[%swap3A_1097, %swap3A_1098] {strides = array<i32>} : memref<16x1280xf32, #tpu.memory_space<vmem>>, vector<1x16xf32>,
        %swap3A_1100 = vector.shape_cast %swap3A_1099 : vector<1x16xf32> to vector<16xf32>
        %swap3A_1101 = vector.shape_cast %add3A_1096 : vector<16xf32> to vector<1x16xf32>
        tpu.vector_store %arg10[%swap3A_1097, %swap3A_1098], %swap3A_1101 {strides = array<i32>} : memref<16x1280xf32, #tpu.memory_space<vmem>>, vector<1x16xf32>,
        %get3A_1102 = arith.index_cast %scan3A_863 : i32 to index
        %get3A_1103 = arith.constant 240 : index
        %get3A_1104 = tpu.vector_load %arg8[%get3A_1102, %get3A_1103] {strides = array<i32>} : memref<16x1280xf32, #tpu.memory_space<vmem>>, vector<1x16xf32>,
        %get3A_1105 = vector.shape_cast %get3A_1104 : vector<1x16xf32> to vector<16xf32>
        %add3A_1106 = arith.constant 0 : i32
        %add3A_1107 = arith.addi %add3A_1106, %scan3A_863 : i32
        %get3A_1108 = arith.index_cast %add3A_1107 : i32 to index
        %get3A_1109 = arith.constant 240 : index
        %get3A_1110 = tpu.vector_load %arg7[%get3A_1108, %get3A_1109] {strides = array<i32>} : memref<32x1280xf32, #tpu.memory_space<vmem>>, vector<1x16xf32>,
        %get3A_1111 = vector.shape_cast %get3A_1110 : vector<1x16xf32> to vector<16xf32>
        %add3A_1112 = arith.addf %get3A_1105, %get3A_1111 : vector<16xf32>
        %swap3A_1113 = arith.index_cast %scan3A_863 : i32 to index
        %swap3A_1114 = arith.constant 240 : index
        %swap3A_1115 = tpu.vector_load %arg10[%swap3A_1113, %swap3A_1114] {strides = array<i32>} : memref<16x1280xf32, #tpu.memory_space<vmem>>, vector<1x16xf32>,
        %swap3A_1116 = vector.shape_cast %swap3A_1115 : vector<1x16xf32> to vector<16xf32>
        %swap3A_1117 = vector.shape_cast %add3A_1112 : vector<16xf32> to vector<1x16xf32>
        tpu.vector_store %arg10[%swap3A_1113, %swap3A_1114], %swap3A_1117 {strides = array<i32>} : memref<16x1280xf32, #tpu.memory_space<vmem>>, vector<1x16xf32>,
        %get3A_1118 = arith.index_cast %scan3A_863 : i32 to index
        %get3A_1119 = arith.constant 256 : index
        %get3A_1120 = tpu.vector_load %arg8[%get3A_1118, %get3A_1119] {strides = array<i32>} : memref<16x1280xf32, #tpu.memory_space<vmem>>, vector<1x16xf32>,
        %get3A_1121 = vector.shape_cast %get3A_1120 : vector<1x16xf32> to vector<16xf32>
        %add3A_1122 = arith.constant 0 : i32
        %add3A_1123 = arith.addi %add3A_1122, %scan3A_863 : i32
        %get3A_1124 = arith.index_cast %add3A_1123 : i32 to index
        %get3A_1125 = arith.constant 256 : index
        %get3A_1126 = tpu.vector_load %arg7[%get3A_1124, %get3A_1125] {strides = array<i32>} : memref<32x1280xf32, #tpu.memory_space<vmem>>, vector<1x16xf32>,
        %get3A_1127 = vector.shape_cast %get3A_1126 : vector<1x16xf32> to vector<16xf32>
        %add3A_1128 = arith.addf %get3A_1121, %get3A_1127 : vector<16xf32>
        %swap3A_1129 = arith.index_cast %scan3A_863 : i32 to index
        %swap3A_1130 = arith.constant 256 : index
        %swap3A_1131 = tpu.vector_load %arg10[%swap3A_1129, %swap3A_1130] {strides = array<i32>} : memref<16x1280xf32, #tpu.memory_space<vmem>>, vector<1x16xf32>,
        %swap3A_1132 = vector.shape_cast %swap3A_1131 : vector<1x16xf32> to vector<16xf32>
        %swap3A_1133 = vector.shape_cast %add3A_1128 : vector<16xf32> to vector<1x16xf32>
        tpu.vector_store %arg10[%swap3A_1129, %swap3A_1130], %swap3A_1133 {strides = array<i32>} : memref<16x1280xf32, #tpu.memory_space<vmem>>, vector<1x16xf32>,
        %get3A_1134 = arith.index_cast %scan3A_863 : i32 to index
        %get3A_1135 = arith.constant 272 : index
        %get3A_1136 = tpu.vector_load %arg8[%get3A_1134, %get3A_1135] {strides = array<i32>} : memref<16x1280xf32, #tpu.memory_space<vmem>>, vector<1x16xf32>,
        %get3A_1137 = vector.shape_cast %get3A_1136 : vector<1x16xf32> to vector<16xf32>
        %add3A_1138 = arith.constant 0 : i32
        %add3A_1139 = arith.addi %add3A_1138, %scan3A_863 : i32
        %get3A_1140 = arith.index_cast %add3A_1139 : i32 to index
        %get3A_1141 = arith.constant 272 : index
        %get3A_1142 = tpu.vector_load %arg7[%get3A_1140, %get3A_1141] {strides = array<i32>} : memref<32x1280xf32, #tpu.memory_space<vmem>>, vector<1x16xf32>,
        %get3A_1143 = vector.shape_cast %get3A_1142 : vector<1x16xf32> to vector<16xf32>
        %add3A_1144 = arith.addf %get3A_1137, %get3A_1143 : vector<16xf32>
        %swap3A_1145 = arith.index_cast %scan3A_863 : i32 to index
        %swap3A_1146 = arith.constant 272 : index
        %swap3A_1147 = tpu.vector_load %arg10[%swap3A_1145, %swap3A_1146] {strides = array<i32>} : memref<16x1280xf32, #tpu.memory_space<vmem>>, vector<1x16xf32>,
        %swap3A_1148 = vector.shape_cast %swap3A_1147 : vector<1x16xf32> to vector<16xf32>
        %swap3A_1149 = vector.shape_cast %add3A_1144 : vector<16xf32> to vector<1x16xf32>
        tpu.vector_store %arg10[%swap3A_1145, %swap3A_1146], %swap3A_1149 {strides = array<i32>} : memref<16x1280xf32, #tpu.memory_space<vmem>>, vector<1x16xf32>,
        %get3A_1150 = arith.index_cast %scan3A_863 : i32 to index
        %get3A_1151 = arith.constant 288 : index
        %get3A_1152 = tpu.vector_load %arg8[%get3A_1150, %get3A_1151] {strides = array<i32>} : memref<16x1280xf32, #tpu.memory_space<vmem>>, vector<1x16xf32>,
        %get3A_1153 = vector.shape_cast %get3A_1152 : vector<1x16xf32> to vector<16xf32>
        %add3A_1154 = arith.constant 0 : i32
        %add3A_1155 = arith.addi %add3A_1154, %scan3A_863 : i32
        %get3A_1156 = arith.index_cast %add3A_1155 : i32 to index
        %get3A_1157 = arith.constant 288 : index
        %get3A_1158 = tpu.vector_load %arg7[%get3A_1156, %get3A_1157] {strides = array<i32>} : memref<32x1280xf32, #tpu.memory_space<vmem>>, vector<1x16xf32>,
        %get3A_1159 = vector.shape_cast %get3A_1158 : vector<1x16xf32> to vector<16xf32>
        %add3A_1160 = arith.addf %get3A_1153, %get3A_1159 : vector<16xf32>
        %swap3A_1161 = arith.index_cast %scan3A_863 : i32 to index
        %swap3A_1162 = arith.constant 288 : index
        %swap3A_1163 = tpu.vector_load %arg10[%swap3A_1161, %swap3A_1162] {strides = array<i32>} : memref<16x1280xf32, #tpu.memory_space<vmem>>, vector<1x16xf32>,
        %swap3A_1164 = vector.shape_cast %swap3A_1163 : vector<1x16xf32> to vector<16xf32>
        %swap3A_1165 = vector.shape_cast %add3A_1160 : vector<16xf32> to vector<1x16xf32>
        tpu.vector_store %arg10[%swap3A_1161, %swap3A_1162], %swap3A_1165 {strides = array<i32>} : memref<16x1280xf32, #tpu.memory_space<vmem>>, vector<1x16xf32>,
        %get3A_1166 = arith.index_cast %scan3A_863 : i32 to index
        %get3A_1167 = arith.constant 304 : index
        %get3A_1168 = tpu.vector_load %arg8[%get3A_1166, %get3A_1167] {strides = array<i32>} : memref<16x1280xf32, #tpu.memory_space<vmem>>, vector<1x16xf32>,
        %get3A_1169 = vector.shape_cast %get3A_1168 : vector<1x16xf32> to vector<16xf32>
        %add3A_1170 = arith.constant 0 : i32
        %add3A_1171 = arith.addi %add3A_1170, %scan3A_863 : i32
        %get3A_1172 = arith.index_cast %add3A_1171 : i32 to index
        %get3A_1173 = arith.constant 304 : index
        %get3A_1174 = tpu.vector_load %arg7[%get3A_1172, %get3A_1173] {strides = array<i32>} : memref<32x1280xf32, #tpu.memory_space<vmem>>, vector<1x16xf32>,
        %get3A_1175 = vector.shape_cast %get3A_1174 : vector<1x16xf32> to vector<16xf32>
        %add3A_1176 = arith.addf %get3A_1169, %get3A_1175 : vector<16xf32>
        %swap3A_1177 = arith.index_cast %scan3A_863 : i32 to index
        %swap3A_1178 = arith.constant 304 : index
        %swap3A_1179 = tpu.vector_load %arg10[%swap3A_1177, %swap3A_1178] {strides = array<i32>} : memref<16x1280xf32, #tpu.memory_space<vmem>>, vector<1x16xf32>,
        %swap3A_1180 = vector.shape_cast %swap3A_1179 : vector<1x16xf32> to vector<16xf32>
        %swap3A_1181 = vector.shape_cast %add3A_1176 : vector<16xf32> to vector<1x16xf32>
        tpu.vector_store %arg10[%swap3A_1177, %swap3A_1178], %swap3A_1181 {strides = array<i32>} : memref<16x1280xf32, #tpu.memory_space<vmem>>, vector<1x16xf32>,
        %get3A_1182 = arith.index_cast %scan3A_863 : i32 to index
        %get3A_1183 = arith.constant 320 : index
        %get3A_1184 = tpu.vector_load %arg8[%get3A_1182, %get3A_1183] {strides = array<i32>} : memref<16x1280xf32, #tpu.memory_space<vmem>>, vector<1x16xf32>,
        %get3A_1185 = vector.shape_cast %get3A_1184 : vector<1x16xf32> to vector<16xf32>
        %add3A_1186 = arith.constant 0 : i32
        %add3A_1187 = arith.addi %add3A_1186, %scan3A_863 : i32
        %get3A_1188 = arith.index_cast %add3A_1187 : i32 to index
        %get3A_1189 = arith.constant 320 : index
        %get3A_1190 = tpu.vector_load %arg7[%get3A_1188, %get3A_1189] {strides = array<i32>} : memref<32x1280xf32, #tpu.memory_space<vmem>>, vector<1x16xf32>,
        %get3A_1191 = vector.shape_cast %get3A_1190 : vector<1x16xf32> to vector<16xf32>
        %add3A_1192 = arith.addf %get3A_1185, %get3A_1191 : vector<16xf32>
        %swap3A_1193 = arith.index_cast %scan3A_863 : i32 to index
        %swap3A_1194 = arith.constant 320 : index
        %swap3A_1195 = tpu.vector_load %arg10[%swap3A_1193, %swap3A_1194] {strides = array<i32>} : memref<16x1280xf32, #tpu.memory_space<vmem>>, vector<1x16xf32>,
        %swap3A_1196 = vector.shape_cast %swap3A_1195 : vector<1x16xf32> to vector<16xf32>
        %swap3A_1197 = vector.shape_cast %add3A_1192 : vector<16xf32> to vector<1x16xf32>
        tpu.vector_store %arg10[%swap3A_1193, %swap3A_1194], %swap3A_1197 {strides = array<i32>} : memref<16x1280xf32, #tpu.memory_space<vmem>>, vector<1x16xf32>,
        %get3A_1198 = arith.index_cast %scan3A_863 : i32 to index
        %get3A_1199 = arith.constant 336 : index
        %get3A_1200 = tpu.vector_load %arg8[%get3A_1198, %get3A_1199] {strides = array<i32>} : memref<16x1280xf32, #tpu.memory_space<vmem>>, vector<1x16xf32>,
        %get3A_1201 = vector.shape_cast %get3A_1200 : vector<1x16xf32> to vector<16xf32>
        %add3A_1202 = arith.constant 0 : i32
        %add3A_1203 = arith.addi %add3A_1202, %scan3A_863 : i32
        %get3A_1204 = arith.index_cast %add3A_1203 : i32 to index
        %get3A_1205 = arith.constant 336 : index
        %get3A_1206 = tpu.vector_load %arg7[%get3A_1204, %get3A_1205] {strides = array<i32>} : memref<32x1280xf32, #tpu.memory_space<vmem>>, vector<1x16xf32>,
        %get3A_1207 = vector.shape_cast %get3A_1206 : vector<1x16xf32> to vector<16xf32>
        %add3A_1208 = arith.addf %get3A_1201, %get3A_1207 : vector<16xf32>
        %swap3A_1209 = arith.index_cast %scan3A_863 : i32 to index
        %swap3A_1210 = arith.constant 336 : index
        %swap3A_1211 = tpu.vector_load %arg10[%swap3A_1209, %swap3A_1210] {strides = array<i32>} : memref<16x1280xf32, #tpu.memory_space<vmem>>, vector<1x16xf32>,
        %swap3A_1212 = vector.shape_cast %swap3A_1211 : vector<1x16xf32> to vector<16xf32>
        %swap3A_1213 = vector.shape_cast %add3A_1208 : vector<16xf32> to vector<1x16xf32>
        tpu.vector_store %arg10[%swap3A_1209, %swap3A_1210], %swap3A_1213 {strides = array<i32>} : memref<16x1280xf32, #tpu.memory_space<vmem>>, vector<1x16xf32>,
        %get3A_1214 = arith.index_cast %scan3A_863 : i32 to index
        %get3A_1215 = arith.constant 352 : index
        %get3A_1216 = tpu.vector_load %arg8[%get3A_1214, %get3A_1215] {strides = array<i32>} : memref<16x1280xf32, #tpu.memory_space<vmem>>, vector<1x16xf32>,
        %get3A_1217 = vector.shape_cast %get3A_1216 : vector<1x16xf32> to vector<16xf32>
        %add3A_1218 = arith.constant 0 : i32
        %add3A_1219 = arith.addi %add3A_1218, %scan3A_863 : i32
        %get3A_1220 = arith.index_cast %add3A_1219 : i32 to index
        %get3A_1221 = arith.constant 352 : index
        %get3A_1222 = tpu.vector_load %arg7[%get3A_1220, %get3A_1221] {strides = array<i32>} : memref<32x1280xf32, #tpu.memory_space<vmem>>, vector<1x16xf32>,
        %get3A_1223 = vector.shape_cast %get3A_1222 : vector<1x16xf32> to vector<16xf32>
        %add3A_1224 = arith.addf %get3A_1217, %get3A_1223 : vector<16xf32>
        %swap3A_1225 = arith.index_cast %scan3A_863 : i32 to index
        %swap3A_1226 = arith.constant 352 : index
        %swap3A_1227 = tpu.vector_load %arg10[%swap3A_1225, %swap3A_1226] {strides = array<i32>} : memref<16x1280xf32, #tpu.memory_space<vmem>>, vector<1x16xf32>,
        %swap3A_1228 = vector.shape_cast %swap3A_1227 : vector<1x16xf32> to vector<16xf32>
        %swap3A_1229 = vector.shape_cast %add3A_1224 : vector<16xf32> to vector<1x16xf32>
        tpu.vector_store %arg10[%swap3A_1225, %swap3A_1226], %swap3A_1229 {strides = array<i32>} : memref<16x1280xf32, #tpu.memory_space<vmem>>, vector<1x16xf32>,
        %get3A_1230 = arith.index_cast %scan3A_863 : i32 to index
        %get3A_1231 = arith.constant 368 : index
        %get3A_1232 = tpu.vector_load %arg8[%get3A_1230, %get3A_1231] {strides = array<i32>} : memref<16x1280xf32, #tpu.memory_space<vmem>>, vector<1x16xf32>,
        %get3A_1233 = vector.shape_cast %get3A_1232 : vector<1x16xf32> to vector<16xf32>
        %add3A_1234 = arith.constant 0 : i32
        %add3A_1235 = arith.addi %add3A_1234, %scan3A_863 : i32
        %get3A_1236 = arith.index_cast %add3A_1235 : i32 to index
        %get3A_1237 = arith.constant 368 : index
        %get3A_1238 = tpu.vector_load %arg7[%get3A_1236, %get3A_1237] {strides = array<i32>} : memref<32x1280xf32, #tpu.memory_space<vmem>>, vector<1x16xf32>,
        %get3A_1239 = vector.shape_cast %get3A_1238 : vector<1x16xf32> to vector<16xf32>
        %add3A_1240 = arith.addf %get3A_1233, %get3A_1239 : vector<16xf32>
        %swap3A_1241 = arith.index_cast %scan3A_863 : i32 to index
        %swap3A_1242 = arith.constant 368 : index
        %swap3A_1243 = tpu.vector_load %arg10[%swap3A_1241, %swap3A_1242] {strides = array<i32>} : memref<16x1280xf32, #tpu.memory_space<vmem>>, vector<1x16xf32>,
        %swap3A_1244 = vector.shape_cast %swap3A_1243 : vector<1x16xf32> to vector<16xf32>
        %swap3A_1245 = vector.shape_cast %add3A_1240 : vector<16xf32> to vector<1x16xf32>
        tpu.vector_store %arg10[%swap3A_1241, %swap3A_1242], %swap3A_1245 {strides = array<i32>} : memref<16x1280xf32, #tpu.memory_space<vmem>>, vector<1x16xf32>,
        %get3A_1246 = arith.index_cast %scan3A_863 : i32 to index
        %get3A_1247 = arith.constant 384 : index
        %get3A_1248 = tpu.vector_load %arg8[%get3A_1246, %get3A_1247] {strides = array<i32>} : memref<16x1280xf32, #tpu.memory_space<vmem>>, vector<1x16xf32>,
        %get3A_1249 = vector.shape_cast %get3A_1248 : vector<1x16xf32> to vector<16xf32>
        %add3A_1250 = arith.constant 0 : i32
        %add3A_1251 = arith.addi %add3A_1250, %scan3A_863 : i32
        %get3A_1252 = arith.index_cast %add3A_1251 : i32 to index
        %get3A_1253 = arith.constant 384 : index
        %get3A_1254 = tpu.vector_load %arg7[%get3A_1252, %get3A_1253] {strides = array<i32>} : memref<32x1280xf32, #tpu.memory_space<vmem>>, vector<1x16xf32>,
        %get3A_1255 = vector.shape_cast %get3A_1254 : vector<1x16xf32> to vector<16xf32>
        %add3A_1256 = arith.addf %get3A_1249, %get3A_1255 : vector<16xf32>
        %swap3A_1257 = arith.index_cast %scan3A_863 : i32 to index
        %swap3A_1258 = arith.constant 384 : index
        %swap3A_1259 = tpu.vector_load %arg10[%swap3A_1257, %swap3A_1258] {strides = array<i32>} : memref<16x1280xf32, #tpu.memory_space<vmem>>, vector<1x16xf32>,
        %swap3A_1260 = vector.shape_cast %swap3A_1259 : vector<1x16xf32> to vector<16xf32>
        %swap3A_1261 = vector.shape_cast %add3A_1256 : vector<16xf32> to vector<1x16xf32>
        tpu.vector_store %arg10[%swap3A_1257, %swap3A_1258], %swap3A_1261 {strides = array<i32>} : memref<16x1280xf32, #tpu.memory_space<vmem>>, vector<1x16xf32>,
        %get3A_1262 = arith.index_cast %scan3A_863 : i32 to index
        %get3A_1263 = arith.constant 400 : index
        %get3A_1264 = tpu.vector_load %arg8[%get3A_1262, %get3A_1263] {strides = array<i32>} : memref<16x1280xf32, #tpu.memory_space<vmem>>, vector<1x16xf32>,
        %get3A_1265 = vector.shape_cast %get3A_1264 : vector<1x16xf32> to vector<16xf32>
        %add3A_1266 = arith.constant 0 : i32
        %add3A_1267 = arith.addi %add3A_1266, %scan3A_863 : i32
        %get3A_1268 = arith.index_cast %add3A_1267 : i32 to index
        %get3A_1269 = arith.constant 400 : index
        %get3A_1270 = tpu.vector_load %arg7[%get3A_1268, %get3A_1269] {strides = array<i32>} : memref<32x1280xf32, #tpu.memory_space<vmem>>, vector<1x16xf32>,
        %get3A_1271 = vector.shape_cast %get3A_1270 : vector<1x16xf32> to vector<16xf32>
        %add3A_1272 = arith.addf %get3A_1265, %get3A_1271 : vector<16xf32>
        %swap3A_1273 = arith.index_cast %scan3A_863 : i32 to index
        %swap3A_1274 = arith.constant 400 : index
        %swap3A_1275 = tpu.vector_load %arg10[%swap3A_1273, %swap3A_1274] {strides = array<i32>} : memref<16x1280xf32, #tpu.memory_space<vmem>>, vector<1x16xf32>,
        %swap3A_1276 = vector.shape_cast %swap3A_1275 : vector<1x16xf32> to vector<16xf32>
        %swap3A_1277 = vector.shape_cast %add3A_1272 : vector<16xf32> to vector<1x16xf32>
        tpu.vector_store %arg10[%swap3A_1273, %swap3A_1274], %swap3A_1277 {strides = array<i32>} : memref<16x1280xf32, #tpu.memory_space<vmem>>, vector<1x16xf32>,
        %get3A_1278 = arith.index_cast %scan3A_863 : i32 to index
        %get3A_1279 = arith.constant 416 : index
        %get3A_1280 = tpu.vector_load %arg8[%get3A_1278, %get3A_1279] {strides = array<i32>} : memref<16x1280xf32, #tpu.memory_space<vmem>>, vector<1x16xf32>,
        %get3A_1281 = vector.shape_cast %get3A_1280 : vector<1x16xf32> to vector<16xf32>
        %add3A_1282 = arith.constant 0 : i32
        %add3A_1283 = arith.addi %add3A_1282, %scan3A_863 : i32
        %get3A_1284 = arith.index_cast %add3A_1283 : i32 to index
        %get3A_1285 = arith.constant 416 : index
        %get3A_1286 = tpu.vector_load %arg7[%get3A_1284, %get3A_1285] {strides = array<i32>} : memref<32x1280xf32, #tpu.memory_space<vmem>>, vector<1x16xf32>,
        %get3A_1287 = vector.shape_cast %get3A_1286 : vector<1x16xf32> to vector<16xf32>
        %add3A_1288 = arith.addf %get3A_1281, %get3A_1287 : vector<16xf32>
        %swap3A_1289 = arith.index_cast %scan3A_863 : i32 to index
        %swap3A_1290 = arith.constant 416 : index
        %swap3A_1291 = tpu.vector_load %arg10[%swap3A_1289, %swap3A_1290] {strides = array<i32>} : memref<16x1280xf32, #tpu.memory_space<vmem>>, vector<1x16xf32>,
        %swap3A_1292 = vector.shape_cast %swap3A_1291 : vector<1x16xf32> to vector<16xf32>
        %swap3A_1293 = vector.shape_cast %add3A_1288 : vector<16xf32> to vector<1x16xf32>
        tpu.vector_store %arg10[%swap3A_1289, %swap3A_1290], %swap3A_1293 {strides = array<i32>} : memref<16x1280xf32, #tpu.memory_space<vmem>>, vector<1x16xf32>,
        %get3A_1294 = arith.index_cast %scan3A_863 : i32 to index
        %get3A_1295 = arith.constant 432 : index
        %get3A_1296 = tpu.vector_load %arg8[%get3A_1294, %get3A_1295] {strides = array<i32>} : memref<16x1280xf32, #tpu.memory_space<vmem>>, vector<1x16xf32>,
        %get3A_1297 = vector.shape_cast %get3A_1296 : vector<1x16xf32> to vector<16xf32>
        %add3A_1298 = arith.constant 0 : i32
        %add3A_1299 = arith.addi %add3A_1298, %scan3A_863 : i32
        %get3A_1300 = arith.index_cast %add3A_1299 : i32 to index
        %get3A_1301 = arith.constant 432 : index
        %get3A_1302 = tpu.vector_load %arg7[%get3A_1300, %get3A_1301] {strides = array<i32>} : memref<32x1280xf32, #tpu.memory_space<vmem>>, vector<1x16xf32>,
        %get3A_1303 = vector.shape_cast %get3A_1302 : vector<1x16xf32> to vector<16xf32>
        %add3A_1304 = arith.addf %get3A_1297, %get3A_1303 : vector<16xf32>
        %swap3A_1305 = arith.index_cast %scan3A_863 : i32 to index
        %swap3A_1306 = arith.constant 432 : index
        %swap3A_1307 = tpu.vector_load %arg10[%swap3A_1305, %swap3A_1306] {strides = array<i32>} : memref<16x1280xf32, #tpu.memory_space<vmem>>, vector<1x16xf32>,
        %swap3A_1308 = vector.shape_cast %swap3A_1307 : vector<1x16xf32> to vector<16xf32>
        %swap3A_1309 = vector.shape_cast %add3A_1304 : vector<16xf32> to vector<1x16xf32>
        tpu.vector_store %arg10[%swap3A_1305, %swap3A_1306], %swap3A_1309 {strides = array<i32>} : memref<16x1280xf32, #tpu.memory_space<vmem>>, vector<1x16xf32>,
        %get3A_1310 = arith.index_cast %scan3A_863 : i32 to index
        %get3A_1311 = arith.constant 448 : index
        %get3A_1312 = tpu.vector_load %arg8[%get3A_1310, %get3A_1311] {strides = array<i32>} : memref<16x1280xf32, #tpu.memory_space<vmem>>, vector<1x16xf32>,
        %get3A_1313 = vector.shape_cast %get3A_1312 : vector<1x16xf32> to vector<16xf32>
        %add3A_1314 = arith.constant 0 : i32
        %add3A_1315 = arith.addi %add3A_1314, %scan3A_863 : i32
        %get3A_1316 = arith.index_cast %add3A_1315 : i32 to index
        %get3A_1317 = arith.constant 448 : index
        %get3A_1318 = tpu.vector_load %arg7[%get3A_1316, %get3A_1317] {strides = array<i32>} : memref<32x1280xf32, #tpu.memory_space<vmem>>, vector<1x16xf32>,
        %get3A_1319 = vector.shape_cast %get3A_1318 : vector<1x16xf32> to vector<16xf32>
        %add3A_1320 = arith.addf %get3A_1313, %get3A_1319 : vector<16xf32>
        %swap3A_1321 = arith.index_cast %scan3A_863 : i32 to index
        %swap3A_1322 = arith.constant 448 : index
        %swap3A_1323 = tpu.vector_load %arg10[%swap3A_1321, %swap3A_1322] {strides = array<i32>} : memref<16x1280xf32, #tpu.memory_space<vmem>>, vector<1x16xf32>,
        %swap3A_1324 = vector.shape_cast %swap3A_1323 : vector<1x16xf32> to vector<16xf32>
        %swap3A_1325 = vector.shape_cast %add3A_1320 : vector<16xf32> to vector<1x16xf32>
        tpu.vector_store %arg10[%swap3A_1321, %swap3A_1322], %swap3A_1325 {strides = array<i32>} : memref<16x1280xf32, #tpu.memory_space<vmem>>, vector<1x16xf32>,
        %get3A_1326 = arith.index_cast %scan3A_863 : i32 to index
        %get3A_1327 = arith.constant 464 : index
        %get3A_1328 = tpu.vector_load %arg8[%get3A_1326, %get3A_1327] {strides = array<i32>} : memref<16x1280xf32, #tpu.memory_space<vmem>>, vector<1x16xf32>,
        %get3A_1329 = vector.shape_cast %get3A_1328 : vector<1x16xf32> to vector<16xf32>
        %add3A_1330 = arith.constant 0 : i32
        %add3A_1331 = arith.addi %add3A_1330, %scan3A_863 : i32
        %get3A_1332 = arith.index_cast %add3A_1331 : i32 to index
        %get3A_1333 = arith.constant 464 : index
        %get3A_1334 = tpu.vector_load %arg7[%get3A_1332, %get3A_1333] {strides = array<i32>} : memref<32x1280xf32, #tpu.memory_space<vmem>>, vector<1x16xf32>,
        %get3A_1335 = vector.shape_cast %get3A_1334 : vector<1x16xf32> to vector<16xf32>
        %add3A_1336 = arith.addf %get3A_1329, %get3A_1335 : vector<16xf32>
        %swap3A_1337 = arith.index_cast %scan3A_863 : i32 to index
        %swap3A_1338 = arith.constant 464 : index
        %swap3A_1339 = tpu.vector_load %arg10[%swap3A_1337, %swap3A_1338] {strides = array<i32>} : memref<16x1280xf32, #tpu.memory_space<vmem>>, vector<1x16xf32>,
        %swap3A_1340 = vector.shape_cast %swap3A_1339 : vector<1x16xf32> to vector<16xf32>
        %swap3A_1341 = vector.shape_cast %add3A_1336 : vector<16xf32> to vector<1x16xf32>
        tpu.vector_store %arg10[%swap3A_1337, %swap3A_1338], %swap3A_1341 {strides = array<i32>} : memref<16x1280xf32, #tpu.memory_space<vmem>>, vector<1x16xf32>,
        %get3A_1342 = arith.index_cast %scan3A_863 : i32 to index
        %get3A_1343 = arith.constant 480 : index
        %get3A_1344 = tpu.vector_load %arg8[%get3A_1342, %get3A_1343] {strides = array<i32>} : memref<16x1280xf32, #tpu.memory_space<vmem>>, vector<1x16xf32>,
        %get3A_1345 = vector.shape_cast %get3A_1344 : vector<1x16xf32> to vector<16xf32>
        %add3A_1346 = arith.constant 0 : i32
        %add3A_1347 = arith.addi %add3A_1346, %scan3A_863 : i32
        %get3A_1348 = arith.index_cast %add3A_1347 : i32 to index
        %get3A_1349 = arith.constant 480 : index
        %get3A_1350 = tpu.vector_load %arg7[%get3A_1348, %get3A_1349] {strides = array<i32>} : memref<32x1280xf32, #tpu.memory_space<vmem>>, vector<1x16xf32>,
        %get3A_1351 = vector.shape_cast %get3A_1350 : vector<1x16xf32> to vector<16xf32>
        %add3A_1352 = arith.addf %get3A_1345, %get3A_1351 : vector<16xf32>
        %swap3A_1353 = arith.index_cast %scan3A_863 : i32 to index
        %swap3A_1354 = arith.constant 480 : index
        %swap3A_1355 = tpu.vector_load %arg10[%swap3A_1353, %swap3A_1354] {strides = array<i32>} : memref<16x1280xf32, #tpu.memory_space<vmem>>, vector<1x16xf32>,
        %swap3A_1356 = vector.shape_cast %swap3A_1355 : vector<1x16xf32> to vector<16xf32>
        %swap3A_1357 = vector.shape_cast %add3A_1352 : vector<16xf32> to vector<1x16xf32>
        tpu.vector_store %arg10[%swap3A_1353, %swap3A_1354], %swap3A_1357 {strides = array<i32>} : memref<16x1280xf32, #tpu.memory_space<vmem>>, vector<1x16xf32>,
        %get3A_1358 = arith.index_cast %scan3A_863 : i32 to index
        %get3A_1359 = arith.constant 496 : index
        %get3A_1360 = tpu.vector_load %arg8[%get3A_1358, %get3A_1359] {strides = array<i32>} : memref<16x1280xf32, #tpu.memory_space<vmem>>, vector<1x16xf32>,
        %get3A_1361 = vector.shape_cast %get3A_1360 : vector<1x16xf32> to vector<16xf32>
        %add3A_1362 = arith.constant 0 : i32
        %add3A_1363 = arith.addi %add3A_1362, %scan3A_863 : i32
        %get3A_1364 = arith.index_cast %add3A_1363 : i32 to index
        %get3A_1365 = arith.constant 496 : index
        %get3A_1366 = tpu.vector_load %arg7[%get3A_1364, %get3A_1365] {strides = array<i32>} : memref<32x1280xf32, #tpu.memory_space<vmem>>, vector<1x16xf32>,
        %get3A_1367 = vector.shape_cast %get3A_1366 : vector<1x16xf32> to vector<16xf32>
        %add3A_1368 = arith.addf %get3A_1361, %get3A_1367 : vector<16xf32>
        %swap3A_1369 = arith.index_cast %scan3A_863 : i32 to index
        %swap3A_1370 = arith.constant 496 : index
        %swap3A_1371 = tpu.vector_load %arg10[%swap3A_1369, %swap3A_1370] {strides = array<i32>} : memref<16x1280xf32, #tpu.memory_space<vmem>>, vector<1x16xf32>,
        %swap3A_1372 = vector.shape_cast %swap3A_1371 : vector<1x16xf32> to vector<16xf32>
        %swap3A_1373 = vector.shape_cast %add3A_1368 : vector<16xf32> to vector<1x16xf32>
        tpu.vector_store %arg10[%swap3A_1369, %swap3A_1370], %swap3A_1373 {strides = array<i32>} : memref<16x1280xf32, #tpu.memory_space<vmem>>, vector<1x16xf32>,
        %get3A_1374 = arith.index_cast %scan3A_863 : i32 to index
        %get3A_1375 = arith.constant 512 : index
        %get3A_1376 = tpu.vector_load %arg8[%get3A_1374, %get3A_1375] {strides = array<i32>} : memref<16x1280xf32, #tpu.memory_space<vmem>>, vector<1x16xf32>,
        %get3A_1377 = vector.shape_cast %get3A_1376 : vector<1x16xf32> to vector<16xf32>
        %add3A_1378 = arith.constant 0 : i32
        %add3A_1379 = arith.addi %add3A_1378, %scan3A_863 : i32
        %get3A_1380 = arith.index_cast %add3A_1379 : i32 to index
        %get3A_1381 = arith.constant 512 : index
        %get3A_1382 = tpu.vector_load %arg7[%get3A_1380, %get3A_1381] {strides = array<i32>} : memref<32x1280xf32, #tpu.memory_space<vmem>>, vector<1x16xf32>,
        %get3A_1383 = vector.shape_cast %get3A_1382 : vector<1x16xf32> to vector<16xf32>
        %add3A_1384 = arith.addf %get3A_1377, %get3A_1383 : vector<16xf32>
        %swap3A_1385 = arith.index_cast %scan3A_863 : i32 to index
        %swap3A_1386 = arith.constant 512 : index
        %swap3A_1387 = tpu.vector_load %arg10[%swap3A_1385, %swap3A_1386] {strides = array<i32>} : memref<16x1280xf32, #tpu.memory_space<vmem>>, vector<1x16xf32>,
        %swap3A_1388 = vector.shape_cast %swap3A_1387 : vector<1x16xf32> to vector<16xf32>
        %swap3A_1389 = vector.shape_cast %add3A_1384 : vector<16xf32> to vector<1x16xf32>
        tpu.vector_store %arg10[%swap3A_1385, %swap3A_1386], %swap3A_1389 {strides = array<i32>} : memref<16x1280xf32, #tpu.memory_space<vmem>>, vector<1x16xf32>,
        %get3A_1390 = arith.index_cast %scan3A_863 : i32 to index
        %get3A_1391 = arith.constant 528 : index
        %get3A_1392 = tpu.vector_load %arg8[%get3A_1390, %get3A_1391] {strides = array<i32>} : memref<16x1280xf32, #tpu.memory_space<vmem>>, vector<1x16xf32>,
        %get3A_1393 = vector.shape_cast %get3A_1392 : vector<1x16xf32> to vector<16xf32>
        %add3A_1394 = arith.constant 0 : i32
        %add3A_1395 = arith.addi %add3A_1394, %scan3A_863 : i32
        %get3A_1396 = arith.index_cast %add3A_1395 : i32 to index
        %get3A_1397 = arith.constant 528 : index
        %get3A_1398 = tpu.vector_load %arg7[%get3A_1396, %get3A_1397] {strides = array<i32>} : memref<32x1280xf32, #tpu.memory_space<vmem>>, vector<1x16xf32>,
        %get3A_1399 = vector.shape_cast %get3A_1398 : vector<1x16xf32> to vector<16xf32>
        %add3A_1400 = arith.addf %get3A_1393, %get3A_1399 : vector<16xf32>
        %swap3A_1401 = arith.index_cast %scan3A_863 : i32 to index
        %swap3A_1402 = arith.constant 528 : index
        %swap3A_1403 = tpu.vector_load %arg10[%swap3A_1401, %swap3A_1402] {strides = array<i32>} : memref<16x1280xf32, #tpu.memory_space<vmem>>, vector<1x16xf32>,
        %swap3A_1404 = vector.shape_cast %swap3A_1403 : vector<1x16xf32> to vector<16xf32>
        %swap3A_1405 = vector.shape_cast %add3A_1400 : vector<16xf32> to vector<1x16xf32>
        tpu.vector_store %arg10[%swap3A_1401, %swap3A_1402], %swap3A_1405 {strides = array<i32>} : memref<16x1280xf32, #tpu.memory_space<vmem>>, vector<1x16xf32>,
        %get3A_1406 = arith.index_cast %scan3A_863 : i32 to index
        %get3A_1407 = arith.constant 544 : index
        %get3A_1408 = tpu.vector_load %arg8[%get3A_1406, %get3A_1407] {strides = array<i32>} : memref<16x1280xf32, #tpu.memory_space<vmem>>, vector<1x16xf32>,
        %get3A_1409 = vector.shape_cast %get3A_1408 : vector<1x16xf32> to vector<16xf32>
        %add3A_1410 = arith.constant 0 : i32
        %add3A_1411 = arith.addi %add3A_1410, %scan3A_863 : i32
        %get3A_1412 = arith.index_cast %add3A_1411 : i32 to index
        %get3A_1413 = arith.constant 544 : index
        %get3A_1414 = tpu.vector_load %arg7[%get3A_1412, %get3A_1413] {strides = array<i32>} : memref<32x1280xf32, #tpu.memory_space<vmem>>, vector<1x16xf32>,
        %get3A_1415 = vector.shape_cast %get3A_1414 : vector<1x16xf32> to vector<16xf32>
        %add3A_1416 = arith.addf %get3A_1409, %get3A_1415 : vector<16xf32>
        %swap3A_1417 = arith.index_cast %scan3A_863 : i32 to index
        %swap3A_1418 = arith.constant 544 : index
        %swap3A_1419 = tpu.vector_load %arg10[%swap3A_1417, %swap3A_1418] {strides = array<i32>} : memref<16x1280xf32, #tpu.memory_space<vmem>>, vector<1x16xf32>,
        %swap3A_1420 = vector.shape_cast %swap3A_1419 : vector<1x16xf32> to vector<16xf32>
        %swap3A_1421 = vector.shape_cast %add3A_1416 : vector<16xf32> to vector<1x16xf32>
        tpu.vector_store %arg10[%swap3A_1417, %swap3A_1418], %swap3A_1421 {strides = array<i32>} : memref<16x1280xf32, #tpu.memory_space<vmem>>, vector<1x16xf32>,
        %get3A_1422 = arith.index_cast %scan3A_863 : i32 to index
        %get3A_1423 = arith.constant 560 : index
        %get3A_1424 = tpu.vector_load %arg8[%get3A_1422, %get3A_1423] {strides = array<i32>} : memref<16x1280xf32, #tpu.memory_space<vmem>>, vector<1x16xf32>,
        %get3A_1425 = vector.shape_cast %get3A_1424 : vector<1x16xf32> to vector<16xf32>
        %add3A_1426 = arith.constant 0 : i32
        %add3A_1427 = arith.addi %add3A_1426, %scan3A_863 : i32
        %get3A_1428 = arith.index_cast %add3A_1427 : i32 to index
        %get3A_1429 = arith.constant 560 : index
        %get3A_1430 = tpu.vector_load %arg7[%get3A_1428, %get3A_1429] {strides = array<i32>} : memref<32x1280xf32, #tpu.memory_space<vmem>>, vector<1x16xf32>,
        %get3A_1431 = vector.shape_cast %get3A_1430 : vector<1x16xf32> to vector<16xf32>
        %add3A_1432 = arith.addf %get3A_1425, %get3A_1431 : vector<16xf32>
        %swap3A_1433 = arith.index_cast %scan3A_863 : i32 to index
        %swap3A_1434 = arith.constant 560 : index
        %swap3A_1435 = tpu.vector_load %arg10[%swap3A_1433, %swap3A_1434] {strides = array<i32>} : memref<16x1280xf32, #tpu.memory_space<vmem>>, vector<1x16xf32>,
        %swap3A_1436 = vector.shape_cast %swap3A_1435 : vector<1x16xf32> to vector<16xf32>
        %swap3A_1437 = vector.shape_cast %add3A_1432 : vector<16xf32> to vector<1x16xf32>
        tpu.vector_store %arg10[%swap3A_1433, %swap3A_1434], %swap3A_1437 {strides = array<i32>} : memref<16x1280xf32, #tpu.memory_space<vmem>>, vector<1x16xf32>,
        %get3A_1438 = arith.index_cast %scan3A_863 : i32 to index
        %get3A_1439 = arith.constant 576 : index
        %get3A_1440 = tpu.vector_load %arg8[%get3A_1438, %get3A_1439] {strides = array<i32>} : memref<16x1280xf32, #tpu.memory_space<vmem>>, vector<1x16xf32>,
        %get3A_1441 = vector.shape_cast %get3A_1440 : vector<1x16xf32> to vector<16xf32>
        %add3A_1442 = arith.constant 0 : i32
        %add3A_1443 = arith.addi %add3A_1442, %scan3A_863 : i32
        %get3A_1444 = arith.index_cast %add3A_1443 : i32 to index
        %get3A_1445 = arith.constant 576 : index
        %get3A_1446 = tpu.vector_load %arg7[%get3A_1444, %get3A_1445] {strides = array<i32>} : memref<32x1280xf32, #tpu.memory_space<vmem>>, vector<1x16xf32>,
        %get3A_1447 = vector.shape_cast %get3A_1446 : vector<1x16xf32> to vector<16xf32>
        %add3A_1448 = arith.addf %get3A_1441, %get3A_1447 : vector<16xf32>
        %swap3A_1449 = arith.index_cast %scan3A_863 : i32 to index
        %swap3A_1450 = arith.constant 576 : index
        %swap3A_1451 = tpu.vector_load %arg10[%swap3A_1449, %swap3A_1450] {strides = array<i32>} : memref<16x1280xf32, #tpu.memory_space<vmem>>, vector<1x16xf32>,
        %swap3A_1452 = vector.shape_cast %swap3A_1451 : vector<1x16xf32> to vector<16xf32>
        %swap3A_1453 = vector.shape_cast %add3A_1448 : vector<16xf32> to vector<1x16xf32>
        tpu.vector_store %arg10[%swap3A_1449, %swap3A_1450], %swap3A_1453 {strides = array<i32>} : memref<16x1280xf32, #tpu.memory_space<vmem>>, vector<1x16xf32>,
        %get3A_1454 = arith.index_cast %scan3A_863 : i32 to index
        %get3A_1455 = arith.constant 592 : index
        %get3A_1456 = tpu.vector_load %arg8[%get3A_1454, %get3A_1455] {strides = array<i32>} : memref<16x1280xf32, #tpu.memory_space<vmem>>, vector<1x16xf32>,
        %get3A_1457 = vector.shape_cast %get3A_1456 : vector<1x16xf32> to vector<16xf32>
        %add3A_1458 = arith.constant 0 : i32
        %add3A_1459 = arith.addi %add3A_1458, %scan3A_863 : i32
        %get3A_1460 = arith.index_cast %add3A_1459 : i32 to index
        %get3A_1461 = arith.constant 592 : index
        %get3A_1462 = tpu.vector_load %arg7[%get3A_1460, %get3A_1461] {strides = array<i32>} : memref<32x1280xf32, #tpu.memory_space<vmem>>, vector<1x16xf32>,
        %get3A_1463 = vector.shape_cast %get3A_1462 : vector<1x16xf32> to vector<16xf32>
        %add3A_1464 = arith.addf %get3A_1457, %get3A_1463 : vector<16xf32>
        %swap3A_1465 = arith.index_cast %scan3A_863 : i32 to index
        %swap3A_1466 = arith.constant 592 : index
        %swap3A_1467 = tpu.vector_load %arg10[%swap3A_1465, %swap3A_1466] {strides = array<i32>} : memref<16x1280xf32, #tpu.memory_space<vmem>>, vector<1x16xf32>,
        %swap3A_1468 = vector.shape_cast %swap3A_1467 : vector<1x16xf32> to vector<16xf32>
        %swap3A_1469 = vector.shape_cast %add3A_1464 : vector<16xf32> to vector<1x16xf32>
        tpu.vector_store %arg10[%swap3A_1465, %swap3A_1466], %swap3A_1469 {strides = array<i32>} : memref<16x1280xf32, #tpu.memory_space<vmem>>, vector<1x16xf32>,
        %get3A_1470 = arith.index_cast %scan3A_863 : i32 to index
        %get3A_1471 = arith.constant 608 : index
        %get3A_1472 = tpu.vector_load %arg8[%get3A_1470, %get3A_1471] {strides = array<i32>} : memref<16x1280xf32, #tpu.memory_space<vmem>>, vector<1x16xf32>,
        %get3A_1473 = vector.shape_cast %get3A_1472 : vector<1x16xf32> to vector<16xf32>
        %add3A_1474 = arith.constant 0 : i32
        %add3A_1475 = arith.addi %add3A_1474, %scan3A_863 : i32
        %get3A_1476 = arith.index_cast %add3A_1475 : i32 to index
        %get3A_1477 = arith.constant 608 : index
        %get3A_1478 = tpu.vector_load %arg7[%get3A_1476, %get3A_1477] {strides = array<i32>} : memref<32x1280xf32, #tpu.memory_space<vmem>>, vector<1x16xf32>,
        %get3A_1479 = vector.shape_cast %get3A_1478 : vector<1x16xf32> to vector<16xf32>
        %add3A_1480 = arith.addf %get3A_1473, %get3A_1479 : vector<16xf32>
        %swap3A_1481 = arith.index_cast %scan3A_863 : i32 to index
        %swap3A_1482 = arith.constant 608 : index
        %swap3A_1483 = tpu.vector_load %arg10[%swap3A_1481, %swap3A_1482] {strides = array<i32>} : memref<16x1280xf32, #tpu.memory_space<vmem>>, vector<1x16xf32>,
        %swap3A_1484 = vector.shape_cast %swap3A_1483 : vector<1x16xf32> to vector<16xf32>
        %swap3A_1485 = vector.shape_cast %add3A_1480 : vector<16xf32> to vector<1x16xf32>
        tpu.vector_store %arg10[%swap3A_1481, %swap3A_1482], %swap3A_1485 {strides = array<i32>} : memref<16x1280xf32, #tpu.memory_space<vmem>>, vector<1x16xf32>,
        %get3A_1486 = arith.index_cast %scan3A_863 : i32 to index
        %get3A_1487 = arith.constant 624 : index
        %get3A_1488 = tpu.vector_load %arg8[%get3A_1486, %get3A_1487] {strides = array<i32>} : memref<16x1280xf32, #tpu.memory_space<vmem>>, vector<1x16xf32>,
        %get3A_1489 = vector.shape_cast %get3A_1488 : vector<1x16xf32> to vector<16xf32>
        %add3A_1490 = arith.constant 0 : i32
        %add3A_1491 = arith.addi %add3A_1490, %scan3A_863 : i32
        %get3A_1492 = arith.index_cast %add3A_1491 : i32 to index
        %get3A_1493 = arith.constant 624 : index
        %get3A_1494 = tpu.vector_load %arg7[%get3A_1492, %get3A_1493] {strides = array<i32>} : memref<32x1280xf32, #tpu.memory_space<vmem>>, vector<1x16xf32>,
        %get3A_1495 = vector.shape_cast %get3A_1494 : vector<1x16xf32> to vector<16xf32>
        %add3A_1496 = arith.addf %get3A_1489, %get3A_1495 : vector<16xf32>
        %swap3A_1497 = arith.index_cast %scan3A_863 : i32 to index
        %swap3A_1498 = arith.constant 624 : index
        %swap3A_1499 = tpu.vector_load %arg10[%swap3A_1497, %swap3A_1498] {strides = array<i32>} : memref<16x1280xf32, #tpu.memory_space<vmem>>, vector<1x16xf32>,
        %swap3A_1500 = vector.shape_cast %swap3A_1499 : vector<1x16xf32> to vector<16xf32>
        %swap3A_1501 = vector.shape_cast %add3A_1496 : vector<16xf32> to vector<1x16xf32>
        tpu.vector_store %arg10[%swap3A_1497, %swap3A_1498], %swap3A_1501 {strides = array<i32>} : memref<16x1280xf32, #tpu.memory_space<vmem>>, vector<1x16xf32>,
        %get3A_1502 = arith.index_cast %scan3A_863 : i32 to index
        %get3A_1503 = arith.constant 640 : index
        %get3A_1504 = tpu.vector_load %arg8[%get3A_1502, %get3A_1503] {strides = array<i32>} : memref<16x1280xf32, #tpu.memory_space<vmem>>, vector<1x16xf32>,
        %get3A_1505 = vector.shape_cast %get3A_1504 : vector<1x16xf32> to vector<16xf32>
        %add3A_1506 = arith.constant 0 : i32
        %add3A_1507 = arith.addi %add3A_1506, %scan3A_863 : i32
        %get3A_1508 = arith.index_cast %add3A_1507 : i32 to index
        %get3A_1509 = arith.constant 640 : index
        %get3A_1510 = tpu.vector_load %arg7[%get3A_1508, %get3A_1509] {strides = array<i32>} : memref<32x1280xf32, #tpu.memory_space<vmem>>, vector<1x16xf32>,
        %get3A_1511 = vector.shape_cast %get3A_1510 : vector<1x16xf32> to vector<16xf32>
        %add3A_1512 = arith.addf %get3A_1505, %get3A_1511 : vector<16xf32>
        %swap3A_1513 = arith.index_cast %scan3A_863 : i32 to index
        %swap3A_1514 = arith.constant 640 : index
        %swap3A_1515 = tpu.vector_load %arg10[%swap3A_1513, %swap3A_1514] {strides = array<i32>} : memref<16x1280xf32, #tpu.memory_space<vmem>>, vector<1x16xf32>,
        %swap3A_1516 = vector.shape_cast %swap3A_1515 : vector<1x16xf32> to vector<16xf32>
        %swap3A_1517 = vector.shape_cast %add3A_1512 : vector<16xf32> to vector<1x16xf32>
        tpu.vector_store %arg10[%swap3A_1513, %swap3A_1514], %swap3A_1517 {strides = array<i32>} : memref<16x1280xf32, #tpu.memory_space<vmem>>, vector<1x16xf32>,
        %get3A_1518 = arith.index_cast %scan3A_863 : i32 to index
        %get3A_1519 = arith.constant 656 : index
        %get3A_1520 = tpu.vector_load %arg8[%get3A_1518, %get3A_1519] {strides = array<i32>} : memref<16x1280xf32, #tpu.memory_space<vmem>>, vector<1x16xf32>,
        %get3A_1521 = vector.shape_cast %get3A_1520 : vector<1x16xf32> to vector<16xf32>
        %add3A_1522 = arith.constant 0 : i32
        %add3A_1523 = arith.addi %add3A_1522, %scan3A_863 : i32
        %get3A_1524 = arith.index_cast %add3A_1523 : i32 to index
        %get3A_1525 = arith.constant 656 : index
        %get3A_1526 = tpu.vector_load %arg7[%get3A_1524, %get3A_1525] {strides = array<i32>} : memref<32x1280xf32, #tpu.memory_space<vmem>>, vector<1x16xf32>,
        %get3A_1527 = vector.shape_cast %get3A_1526 : vector<1x16xf32> to vector<16xf32>
        %add3A_1528 = arith.addf %get3A_1521, %get3A_1527 : vector<16xf32>
        %swap3A_1529 = arith.index_cast %scan3A_863 : i32 to index
        %swap3A_1530 = arith.constant 656 : index
        %swap3A_1531 = tpu.vector_load %arg10[%swap3A_1529, %swap3A_1530] {strides = array<i32>} : memref<16x1280xf32, #tpu.memory_space<vmem>>, vector<1x16xf32>,
        %swap3A_1532 = vector.shape_cast %swap3A_1531 : vector<1x16xf32> to vector<16xf32>
        %swap3A_1533 = vector.shape_cast %add3A_1528 : vector<16xf32> to vector<1x16xf32>
        tpu.vector_store %arg10[%swap3A_1529, %swap3A_1530], %swap3A_1533 {strides = array<i32>} : memref<16x1280xf32, #tpu.memory_space<vmem>>, vector<1x16xf32>,
        %get3A_1534 = arith.index_cast %scan3A_863 : i32 to index
        %get3A_1535 = arith.constant 672 : index
        %get3A_1536 = tpu.vector_load %arg8[%get3A_1534, %get3A_1535] {strides = array<i32>} : memref<16x1280xf32, #tpu.memory_space<vmem>>, vector<1x16xf32>,
        %get3A_1537 = vector.shape_cast %get3A_1536 : vector<1x16xf32> to vector<16xf32>
        %add3A_1538 = arith.constant 0 : i32
        %add3A_1539 = arith.addi %add3A_1538, %scan3A_863 : i32
        %get3A_1540 = arith.index_cast %add3A_1539 : i32 to index
        %get3A_1541 = arith.constant 672 : index
        %get3A_1542 = tpu.vector_load %arg7[%get3A_1540, %get3A_1541] {strides = array<i32>} : memref<32x1280xf32, #tpu.memory_space<vmem>>, vector<1x16xf32>,
        %get3A_1543 = vector.shape_cast %get3A_1542 : vector<1x16xf32> to vector<16xf32>
        %add3A_1544 = arith.addf %get3A_1537, %get3A_1543 : vector<16xf32>
        %swap3A_1545 = arith.index_cast %scan3A_863 : i32 to index
        %swap3A_1546 = arith.constant 672 : index
        %swap3A_1547 = tpu.vector_load %arg10[%swap3A_1545, %swap3A_1546] {strides = array<i32>} : memref<16x1280xf32, #tpu.memory_space<vmem>>, vector<1x16xf32>,
        %swap3A_1548 = vector.shape_cast %swap3A_1547 : vector<1x16xf32> to vector<16xf32>
        %swap3A_1549 = vector.shape_cast %add3A_1544 : vector<16xf32> to vector<1x16xf32>
        tpu.vector_store %arg10[%swap3A_1545, %swap3A_1546], %swap3A_1549 {strides = array<i32>} : memref<16x1280xf32, #tpu.memory_space<vmem>>, vector<1x16xf32>,
        %get3A_1550 = arith.index_cast %scan3A_863 : i32 to index
        %get3A_1551 = arith.constant 688 : index
        %get3A_1552 = tpu.vector_load %arg8[%get3A_1550, %get3A_1551] {strides = array<i32>} : memref<16x1280xf32, #tpu.memory_space<vmem>>, vector<1x16xf32>,
        %get3A_1553 = vector.shape_cast %get3A_1552 : vector<1x16xf32> to vector<16xf32>
        %add3A_1554 = arith.constant 0 : i32
        %add3A_1555 = arith.addi %add3A_1554, %scan3A_863 : i32
        %get3A_1556 = arith.index_cast %add3A_1555 : i32 to index
        %get3A_1557 = arith.constant 688 : index
        %get3A_1558 = tpu.vector_load %arg7[%get3A_1556, %get3A_1557] {strides = array<i32>} : memref<32x1280xf32, #tpu.memory_space<vmem>>, vector<1x16xf32>,
        %get3A_1559 = vector.shape_cast %get3A_1558 : vector<1x16xf32> to vector<16xf32>
        %add3A_1560 = arith.addf %get3A_1553, %get3A_1559 : vector<16xf32>
        %swap3A_1561 = arith.index_cast %scan3A_863 : i32 to index
        %swap3A_1562 = arith.constant 688 : index
        %swap3A_1563 = tpu.vector_load %arg10[%swap3A_1561, %swap3A_1562] {strides = array<i32>} : memref<16x1280xf32, #tpu.memory_space<vmem>>, vector<1x16xf32>,
        %swap3A_1564 = vector.shape_cast %swap3A_1563 : vector<1x16xf32> to vector<16xf32>
        %swap3A_1565 = vector.shape_cast %add3A_1560 : vector<16xf32> to vector<1x16xf32>
        tpu.vector_store %arg10[%swap3A_1561, %swap3A_1562], %swap3A_1565 {strides = array<i32>} : memref<16x1280xf32, #tpu.memory_space<vmem>>, vector<1x16xf32>,
        %get3A_1566 = arith.index_cast %scan3A_863 : i32 to index
        %get3A_1567 = arith.constant 704 : index
        %get3A_1568 = tpu.vector_load %arg8[%get3A_1566, %get3A_1567] {strides = array<i32>} : memref<16x1280xf32, #tpu.memory_space<vmem>>, vector<1x16xf32>,
        %get3A_1569 = vector.shape_cast %get3A_1568 : vector<1x16xf32> to vector<16xf32>
        %add3A_1570 = arith.constant 0 : i32
        %add3A_1571 = arith.addi %add3A_1570, %scan3A_863 : i32
        %get3A_1572 = arith.index_cast %add3A_1571 : i32 to index
        %get3A_1573 = arith.constant 704 : index
        %get3A_1574 = tpu.vector_load %arg7[%get3A_1572, %get3A_1573] {strides = array<i32>} : memref<32x1280xf32, #tpu.memory_space<vmem>>, vector<1x16xf32>,
        %get3A_1575 = vector.shape_cast %get3A_1574 : vector<1x16xf32> to vector<16xf32>
        %add3A_1576 = arith.addf %get3A_1569, %get3A_1575 : vector<16xf32>
        %swap3A_1577 = arith.index_cast %scan3A_863 : i32 to index
        %swap3A_1578 = arith.constant 704 : index
        %swap3A_1579 = tpu.vector_load %arg10[%swap3A_1577, %swap3A_1578] {strides = array<i32>} : memref<16x1280xf32, #tpu.memory_space<vmem>>, vector<1x16xf32>,
        %swap3A_1580 = vector.shape_cast %swap3A_1579 : vector<1x16xf32> to vector<16xf32>
        %swap3A_1581 = vector.shape_cast %add3A_1576 : vector<16xf32> to vector<1x16xf32>
        tpu.vector_store %arg10[%swap3A_1577, %swap3A_1578], %swap3A_1581 {strides = array<i32>} : memref<16x1280xf32, #tpu.memory_space<vmem>>, vector<1x16xf32>,
        %get3A_1582 = arith.index_cast %scan3A_863 : i32 to index
        %get3A_1583 = arith.constant 720 : index
        %get3A_1584 = tpu.vector_load %arg8[%get3A_1582, %get3A_1583] {strides = array<i32>} : memref<16x1280xf32, #tpu.memory_space<vmem>>, vector<1x16xf32>,
        %get3A_1585 = vector.shape_cast %get3A_1584 : vector<1x16xf32> to vector<16xf32>
        %add3A_1586 = arith.constant 0 : i32
        %add3A_1587 = arith.addi %add3A_1586, %scan3A_863 : i32
        %get3A_1588 = arith.index_cast %add3A_1587 : i32 to index
        %get3A_1589 = arith.constant 720 : index
        %get3A_1590 = tpu.vector_load %arg7[%get3A_1588, %get3A_1589] {strides = array<i32>} : memref<32x1280xf32, #tpu.memory_space<vmem>>, vector<1x16xf32>,
        %get3A_1591 = vector.shape_cast %get3A_1590 : vector<1x16xf32> to vector<16xf32>
        %add3A_1592 = arith.addf %get3A_1585, %get3A_1591 : vector<16xf32>
        %swap3A_1593 = arith.index_cast %scan3A_863 : i32 to index
        %swap3A_1594 = arith.constant 720 : index
        %swap3A_1595 = tpu.vector_load %arg10[%swap3A_1593, %swap3A_1594] {strides = array<i32>} : memref<16x1280xf32, #tpu.memory_space<vmem>>, vector<1x16xf32>,
        %swap3A_1596 = vector.shape_cast %swap3A_1595 : vector<1x16xf32> to vector<16xf32>
        %swap3A_1597 = vector.shape_cast %add3A_1592 : vector<16xf32> to vector<1x16xf32>
        tpu.vector_store %arg10[%swap3A_1593, %swap3A_1594], %swap3A_1597 {strides = array<i32>} : memref<16x1280xf32, #tpu.memory_space<vmem>>, vector<1x16xf32>,
        %get3A_1598 = arith.index_cast %scan3A_863 : i32 to index
        %get3A_1599 = arith.constant 736 : index
        %get3A_1600 = tpu.vector_load %arg8[%get3A_1598, %get3A_1599] {strides = array<i32>} : memref<16x1280xf32, #tpu.memory_space<vmem>>, vector<1x16xf32>,
        %get3A_1601 = vector.shape_cast %get3A_1600 : vector<1x16xf32> to vector<16xf32>
        %add3A_1602 = arith.constant 0 : i32
        %add3A_1603 = arith.addi %add3A_1602, %scan3A_863 : i32
        %get3A_1604 = arith.index_cast %add3A_1603 : i32 to index
        %get3A_1605 = arith.constant 736 : index
        %get3A_1606 = tpu.vector_load %arg7[%get3A_1604, %get3A_1605] {strides = array<i32>} : memref<32x1280xf32, #tpu.memory_space<vmem>>, vector<1x16xf32>,
        %get3A_1607 = vector.shape_cast %get3A_1606 : vector<1x16xf32> to vector<16xf32>
        %add3A_1608 = arith.addf %get3A_1601, %get3A_1607 : vector<16xf32>
        %swap3A_1609 = arith.index_cast %scan3A_863 : i32 to index
        %swap3A_1610 = arith.constant 736 : index
        %swap3A_1611 = tpu.vector_load %arg10[%swap3A_1609, %swap3A_1610] {strides = array<i32>} : memref<16x1280xf32, #tpu.memory_space<vmem>>, vector<1x16xf32>,
        %swap3A_1612 = vector.shape_cast %swap3A_1611 : vector<1x16xf32> to vector<16xf32>
        %swap3A_1613 = vector.shape_cast %add3A_1608 : vector<16xf32> to vector<1x16xf32>
        tpu.vector_store %arg10[%swap3A_1609, %swap3A_1610], %swap3A_1613 {strides = array<i32>} : memref<16x1280xf32, #tpu.memory_space<vmem>>, vector<1x16xf32>,
        %get3A_1614 = arith.index_cast %scan3A_863 : i32 to index
        %get3A_1615 = arith.constant 752 : index
        %get3A_1616 = tpu.vector_load %arg8[%get3A_1614, %get3A_1615] {strides = array<i32>} : memref<16x1280xf32, #tpu.memory_space<vmem>>, vector<1x16xf32>,
        %get3A_1617 = vector.shape_cast %get3A_1616 : vector<1x16xf32> to vector<16xf32>
        %add3A_1618 = arith.constant 0 : i32
        %add3A_1619 = arith.addi %add3A_1618, %scan3A_863 : i32
        %get3A_1620 = arith.index_cast %add3A_1619 : i32 to index
        %get3A_1621 = arith.constant 752 : index
        %get3A_1622 = tpu.vector_load %arg7[%get3A_1620, %get3A_1621] {strides = array<i32>} : memref<32x1280xf32, #tpu.memory_space<vmem>>, vector<1x16xf32>,
        %get3A_1623 = vector.shape_cast %get3A_1622 : vector<1x16xf32> to vector<16xf32>
        %add3A_1624 = arith.addf %get3A_1617, %get3A_1623 : vector<16xf32>
        %swap3A_1625 = arith.index_cast %scan3A_863 : i32 to index
        %swap3A_1626 = arith.constant 752 : index
        %swap3A_1627 = tpu.vector_load %arg10[%swap3A_1625, %swap3A_1626] {strides = array<i32>} : memref<16x1280xf32, #tpu.memory_space<vmem>>, vector<1x16xf32>,
        %swap3A_1628 = vector.shape_cast %swap3A_1627 : vector<1x16xf32> to vector<16xf32>
        %swap3A_1629 = vector.shape_cast %add3A_1624 : vector<16xf32> to vector<1x16xf32>
        tpu.vector_store %arg10[%swap3A_1625, %swap3A_1626], %swap3A_1629 {strides = array<i32>} : memref<16x1280xf32, #tpu.memory_space<vmem>>, vector<1x16xf32>,
        %get3A_1630 = arith.index_cast %scan3A_863 : i32 to index
        %get3A_1631 = arith.constant 768 : index
        %get3A_1632 = tpu.vector_load %arg8[%get3A_1630, %get3A_1631] {strides = array<i32>} : memref<16x1280xf32, #tpu.memory_space<vmem>>, vector<1x16xf32>,
        %get3A_1633 = vector.shape_cast %get3A_1632 : vector<1x16xf32> to vector<16xf32>
        %add3A_1634 = arith.constant 0 : i32
        %add3A_1635 = arith.addi %add3A_1634, %scan3A_863 : i32
        %get3A_1636 = arith.index_cast %add3A_1635 : i32 to index
        %get3A_1637 = arith.constant 768 : index
        %get3A_1638 = tpu.vector_load %arg7[%get3A_1636, %get3A_1637] {strides = array<i32>} : memref<32x1280xf32, #tpu.memory_space<vmem>>, vector<1x16xf32>,
        %get3A_1639 = vector.shape_cast %get3A_1638 : vector<1x16xf32> to vector<16xf32>
        %add3A_1640 = arith.addf %get3A_1633, %get3A_1639 : vector<16xf32>
        %swap3A_1641 = arith.index_cast %scan3A_863 : i32 to index
        %swap3A_1642 = arith.constant 768 : index
        %swap3A_1643 = tpu.vector_load %arg10[%swap3A_1641, %swap3A_1642] {strides = array<i32>} : memref<16x1280xf32, #tpu.memory_space<vmem>>, vector<1x16xf32>,
        %swap3A_1644 = vector.shape_cast %swap3A_1643 : vector<1x16xf32> to vector<16xf32>
        %swap3A_1645 = vector.shape_cast %add3A_1640 : vector<16xf32> to vector<1x16xf32>
        tpu.vector_store %arg10[%swap3A_1641, %swap3A_1642], %swap3A_1645 {strides = array<i32>} : memref<16x1280xf32, #tpu.memory_space<vmem>>, vector<1x16xf32>,
        %get3A_1646 = arith.index_cast %scan3A_863 : i32 to index
        %get3A_1647 = arith.constant 784 : index
        %get3A_1648 = tpu.vector_load %arg8[%get3A_1646, %get3A_1647] {strides = array<i32>} : memref<16x1280xf32, #tpu.memory_space<vmem>>, vector<1x16xf32>,
        %get3A_1649 = vector.shape_cast %get3A_1648 : vector<1x16xf32> to vector<16xf32>
        %add3A_1650 = arith.constant 0 : i32
        %add3A_1651 = arith.addi %add3A_1650, %scan3A_863 : i32
        %get3A_1652 = arith.index_cast %add3A_1651 : i32 to index
        %get3A_1653 = arith.constant 784 : index
        %get3A_1654 = tpu.vector_load %arg7[%get3A_1652, %get3A_1653] {strides = array<i32>} : memref<32x1280xf32, #tpu.memory_space<vmem>>, vector<1x16xf32>,
        %get3A_1655 = vector.shape_cast %get3A_1654 : vector<1x16xf32> to vector<16xf32>
        %add3A_1656 = arith.addf %get3A_1649, %get3A_1655 : vector<16xf32>
        %swap3A_1657 = arith.index_cast %scan3A_863 : i32 to index
        %swap3A_1658 = arith.constant 784 : index
        %swap3A_1659 = tpu.vector_load %arg10[%swap3A_1657, %swap3A_1658] {strides = array<i32>} : memref<16x1280xf32, #tpu.memory_space<vmem>>, vector<1x16xf32>,
        %swap3A_1660 = vector.shape_cast %swap3A_1659 : vector<1x16xf32> to vector<16xf32>
        %swap3A_1661 = vector.shape_cast %add3A_1656 : vector<16xf32> to vector<1x16xf32>
        tpu.vector_store %arg10[%swap3A_1657, %swap3A_1658], %swap3A_1661 {strides = array<i32>} : memref<16x1280xf32, #tpu.memory_space<vmem>>, vector<1x16xf32>,
        %get3A_1662 = arith.index_cast %scan3A_863 : i32 to index
        %get3A_1663 = arith.constant 800 : index
        %get3A_1664 = tpu.vector_load %arg8[%get3A_1662, %get3A_1663] {strides = array<i32>} : memref<16x1280xf32, #tpu.memory_space<vmem>>, vector<1x16xf32>,
        %get3A_1665 = vector.shape_cast %get3A_1664 : vector<1x16xf32> to vector<16xf32>
        %add3A_1666 = arith.constant 0 : i32
        %add3A_1667 = arith.addi %add3A_1666, %scan3A_863 : i32
        %get3A_1668 = arith.index_cast %add3A_1667 : i32 to index
        %get3A_1669 = arith.constant 800 : index
        %get3A_1670 = tpu.vector_load %arg7[%get3A_1668, %get3A_1669] {strides = array<i32>} : memref<32x1280xf32, #tpu.memory_space<vmem>>, vector<1x16xf32>,
        %get3A_1671 = vector.shape_cast %get3A_1670 : vector<1x16xf32> to vector<16xf32>
        %add3A_1672 = arith.addf %get3A_1665, %get3A_1671 : vector<16xf32>
        %swap3A_1673 = arith.index_cast %scan3A_863 : i32 to index
        %swap3A_1674 = arith.constant 800 : index
        %swap3A_1675 = tpu.vector_load %arg10[%swap3A_1673, %swap3A_1674] {strides = array<i32>} : memref<16x1280xf32, #tpu.memory_space<vmem>>, vector<1x16xf32>,
        %swap3A_1676 = vector.shape_cast %swap3A_1675 : vector<1x16xf32> to vector<16xf32>
        %swap3A_1677 = vector.shape_cast %add3A_1672 : vector<16xf32> to vector<1x16xf32>
        tpu.vector_store %arg10[%swap3A_1673, %swap3A_1674], %swap3A_1677 {strides = array<i32>} : memref<16x1280xf32, #tpu.memory_space<vmem>>, vector<1x16xf32>,
        %get3A_1678 = arith.index_cast %scan3A_863 : i32 to index
        %get3A_1679 = arith.constant 816 : index
        %get3A_1680 = tpu.vector_load %arg8[%get3A_1678, %get3A_1679] {strides = array<i32>} : memref<16x1280xf32, #tpu.memory_space<vmem>>, vector<1x16xf32>,
        %get3A_1681 = vector.shape_cast %get3A_1680 : vector<1x16xf32> to vector<16xf32>
        %add3A_1682 = arith.constant 0 : i32
        %add3A_1683 = arith.addi %add3A_1682, %scan3A_863 : i32
        %get3A_1684 = arith.index_cast %add3A_1683 : i32 to index
        %get3A_1685 = arith.constant 816 : index
        %get3A_1686 = tpu.vector_load %arg7[%get3A_1684, %get3A_1685] {strides = array<i32>} : memref<32x1280xf32, #tpu.memory_space<vmem>>, vector<1x16xf32>,
        %get3A_1687 = vector.shape_cast %get3A_1686 : vector<1x16xf32> to vector<16xf32>
        %add3A_1688 = arith.addf %get3A_1681, %get3A_1687 : vector<16xf32>
        %swap3A_1689 = arith.index_cast %scan3A_863 : i32 to index
        %swap3A_1690 = arith.constant 816 : index
        %swap3A_1691 = tpu.vector_load %arg10[%swap3A_1689, %swap3A_1690] {strides = array<i32>} : memref<16x1280xf32, #tpu.memory_space<vmem>>, vector<1x16xf32>,
        %swap3A_1692 = vector.shape_cast %swap3A_1691 : vector<1x16xf32> to vector<16xf32>
        %swap3A_1693 = vector.shape_cast %add3A_1688 : vector<16xf32> to vector<1x16xf32>
        tpu.vector_store %arg10[%swap3A_1689, %swap3A_1690], %swap3A_1693 {strides = array<i32>} : memref<16x1280xf32, #tpu.memory_space<vmem>>, vector<1x16xf32>,
        %get3A_1694 = arith.index_cast %scan3A_863 : i32 to index
        %get3A_1695 = arith.constant 832 : index
        %get3A_1696 = tpu.vector_load %arg8[%get3A_1694, %get3A_1695] {strides = array<i32>} : memref<16x1280xf32, #tpu.memory_space<vmem>>, vector<1x16xf32>,
        %get3A_1697 = vector.shape_cast %get3A_1696 : vector<1x16xf32> to vector<16xf32>
        %add3A_1698 = arith.constant 0 : i32
        %add3A_1699 = arith.addi %add3A_1698, %scan3A_863 : i32
        %get3A_1700 = arith.index_cast %add3A_1699 : i32 to index
        %get3A_1701 = arith.constant 832 : index
        %get3A_1702 = tpu.vector_load %arg7[%get3A_1700, %get3A_1701] {strides = array<i32>} : memref<32x1280xf32, #tpu.memory_space<vmem>>, vector<1x16xf32>,
        %get3A_1703 = vector.shape_cast %get3A_1702 : vector<1x16xf32> to vector<16xf32>
        %add3A_1704 = arith.addf %get3A_1697, %get3A_1703 : vector<16xf32>
        %swap3A_1705 = arith.index_cast %scan3A_863 : i32 to index
        %swap3A_1706 = arith.constant 832 : index
        %swap3A_1707 = tpu.vector_load %arg10[%swap3A_1705, %swap3A_1706] {strides = array<i32>} : memref<16x1280xf32, #tpu.memory_space<vmem>>, vector<1x16xf32>,
        %swap3A_1708 = vector.shape_cast %swap3A_1707 : vector<1x16xf32> to vector<16xf32>
        %swap3A_1709 = vector.shape_cast %add3A_1704 : vector<16xf32> to vector<1x16xf32>
        tpu.vector_store %arg10[%swap3A_1705, %swap3A_1706], %swap3A_1709 {strides = array<i32>} : memref<16x1280xf32, #tpu.memory_space<vmem>>, vector<1x16xf32>,
        %get3A_1710 = arith.index_cast %scan3A_863 : i32 to index
        %get3A_1711 = arith.constant 848 : index
        %get3A_1712 = tpu.vector_load %arg8[%get3A_1710, %get3A_1711] {strides = array<i32>} : memref<16x1280xf32, #tpu.memory_space<vmem>>, vector<1x16xf32>,
        %get3A_1713 = vector.shape_cast %get3A_1712 : vector<1x16xf32> to vector<16xf32>
        %add3A_1714 = arith.constant 0 : i32
        %add3A_1715 = arith.addi %add3A_1714, %scan3A_863 : i32
        %get3A_1716 = arith.index_cast %add3A_1715 : i32 to index
        %get3A_1717 = arith.constant 848 : index
        %get3A_1718 = tpu.vector_load %arg7[%get3A_1716, %get3A_1717] {strides = array<i32>} : memref<32x1280xf32, #tpu.memory_space<vmem>>, vector<1x16xf32>,
        %get3A_1719 = vector.shape_cast %get3A_1718 : vector<1x16xf32> to vector<16xf32>
        %add3A_1720 = arith.addf %get3A_1713, %get3A_1719 : vector<16xf32>
        %swap3A_1721 = arith.index_cast %scan3A_863 : i32 to index
        %swap3A_1722 = arith.constant 848 : index
        %swap3A_1723 = tpu.vector_load %arg10[%swap3A_1721, %swap3A_1722] {strides = array<i32>} : memref<16x1280xf32, #tpu.memory_space<vmem>>, vector<1x16xf32>,
        %swap3A_1724 = vector.shape_cast %swap3A_1723 : vector<1x16xf32> to vector<16xf32>
        %swap3A_1725 = vector.shape_cast %add3A_1720 : vector<16xf32> to vector<1x16xf32>
        tpu.vector_store %arg10[%swap3A_1721, %swap3A_1722], %swap3A_1725 {strides = array<i32>} : memref<16x1280xf32, #tpu.memory_space<vmem>>, vector<1x16xf32>,
        %get3A_1726 = arith.index_cast %scan3A_863 : i32 to index
        %get3A_1727 = arith.constant 864 : index
        %get3A_1728 = tpu.vector_load %arg8[%get3A_1726, %get3A_1727] {strides = array<i32>} : memref<16x1280xf32, #tpu.memory_space<vmem>>, vector<1x16xf32>,
        %get3A_1729 = vector.shape_cast %get3A_1728 : vector<1x16xf32> to vector<16xf32>
        %add3A_1730 = arith.constant 0 : i32
        %add3A_1731 = arith.addi %add3A_1730, %scan3A_863 : i32
        %get3A_1732 = arith.index_cast %add3A_1731 : i32 to index
        %get3A_1733 = arith.constant 864 : index
        %get3A_1734 = tpu.vector_load %arg7[%get3A_1732, %get3A_1733] {strides = array<i32>} : memref<32x1280xf32, #tpu.memory_space<vmem>>, vector<1x16xf32>,
        %get3A_1735 = vector.shape_cast %get3A_1734 : vector<1x16xf32> to vector<16xf32>
        %add3A_1736 = arith.addf %get3A_1729, %get3A_1735 : vector<16xf32>
        %swap3A_1737 = arith.index_cast %scan3A_863 : i32 to index
        %swap3A_1738 = arith.constant 864 : index
        %swap3A_1739 = tpu.vector_load %arg10[%swap3A_1737, %swap3A_1738] {strides = array<i32>} : memref<16x1280xf32, #tpu.memory_space<vmem>>, vector<1x16xf32>,
        %swap3A_1740 = vector.shape_cast %swap3A_1739 : vector<1x16xf32> to vector<16xf32>
        %swap3A_1741 = vector.shape_cast %add3A_1736 : vector<16xf32> to vector<1x16xf32>
        tpu.vector_store %arg10[%swap3A_1737, %swap3A_1738], %swap3A_1741 {strides = array<i32>} : memref<16x1280xf32, #tpu.memory_space<vmem>>, vector<1x16xf32>,
        %get3A_1742 = arith.index_cast %scan3A_863 : i32 to index
        %get3A_1743 = arith.constant 880 : index
        %get3A_1744 = tpu.vector_load %arg8[%get3A_1742, %get3A_1743] {strides = array<i32>} : memref<16x1280xf32, #tpu.memory_space<vmem>>, vector<1x16xf32>,
        %get3A_1745 = vector.shape_cast %get3A_1744 : vector<1x16xf32> to vector<16xf32>
        %add3A_1746 = arith.constant 0 : i32
        %add3A_1747 = arith.addi %add3A_1746, %scan3A_863 : i32
        %get3A_1748 = arith.index_cast %add3A_1747 : i32 to index
        %get3A_1749 = arith.constant 880 : index
        %get3A_1750 = tpu.vector_load %arg7[%get3A_1748, %get3A_1749] {strides = array<i32>} : memref<32x1280xf32, #tpu.memory_space<vmem>>, vector<1x16xf32>,
        %get3A_1751 = vector.shape_cast %get3A_1750 : vector<1x16xf32> to vector<16xf32>
        %add3A_1752 = arith.addf %get3A_1745, %get3A_1751 : vector<16xf32>
        %swap3A_1753 = arith.index_cast %scan3A_863 : i32 to index
        %swap3A_1754 = arith.constant 880 : index
        %swap3A_1755 = tpu.vector_load %arg10[%swap3A_1753, %swap3A_1754] {strides = array<i32>} : memref<16x1280xf32, #tpu.memory_space<vmem>>, vector<1x16xf32>,
        %swap3A_1756 = vector.shape_cast %swap3A_1755 : vector<1x16xf32> to vector<16xf32>
        %swap3A_1757 = vector.shape_cast %add3A_1752 : vector<16xf32> to vector<1x16xf32>
        tpu.vector_store %arg10[%swap3A_1753, %swap3A_1754], %swap3A_1757 {strides = array<i32>} : memref<16x1280xf32, #tpu.memory_space<vmem>>, vector<1x16xf32>,
        %get3A_1758 = arith.index_cast %scan3A_863 : i32 to index
        %get3A_1759 = arith.constant 896 : index
        %get3A_1760 = tpu.vector_load %arg8[%get3A_1758, %get3A_1759] {strides = array<i32>} : memref<16x1280xf32, #tpu.memory_space<vmem>>, vector<1x16xf32>,
        %get3A_1761 = vector.shape_cast %get3A_1760 : vector<1x16xf32> to vector<16xf32>
        %add3A_1762 = arith.constant 0 : i32
        %add3A_1763 = arith.addi %add3A_1762, %scan3A_863 : i32
        %get3A_1764 = arith.index_cast %add3A_1763 : i32 to index
        %get3A_1765 = arith.constant 896 : index
        %get3A_1766 = tpu.vector_load %arg7[%get3A_1764, %get3A_1765] {strides = array<i32>} : memref<32x1280xf32, #tpu.memory_space<vmem>>, vector<1x16xf32>,
        %get3A_1767 = vector.shape_cast %get3A_1766 : vector<1x16xf32> to vector<16xf32>
        %add3A_1768 = arith.addf %get3A_1761, %get3A_1767 : vector<16xf32>
        %swap3A_1769 = arith.index_cast %scan3A_863 : i32 to index
        %swap3A_1770 = arith.constant 896 : index
        %swap3A_1771 = tpu.vector_load %arg10[%swap3A_1769, %swap3A_1770] {strides = array<i32>} : memref<16x1280xf32, #tpu.memory_space<vmem>>, vector<1x16xf32>,
        %swap3A_1772 = vector.shape_cast %swap3A_1771 : vector<1x16xf32> to vector<16xf32>
        %swap3A_1773 = vector.shape_cast %add3A_1768 : vector<16xf32> to vector<1x16xf32>
        tpu.vector_store %arg10[%swap3A_1769, %swap3A_1770], %swap3A_1773 {strides = array<i32>} : memref<16x1280xf32, #tpu.memory_space<vmem>>, vector<1x16xf32>,
        %get3A_1774 = arith.index_cast %scan3A_863 : i32 to index
        %get3A_1775 = arith.constant 912 : index
        %get3A_1776 = tpu.vector_load %arg8[%get3A_1774, %get3A_1775] {strides = array<i32>} : memref<16x1280xf32, #tpu.memory_space<vmem>>, vector<1x16xf32>,
        %get3A_1777 = vector.shape_cast %get3A_1776 : vector<1x16xf32> to vector<16xf32>
        %add3A_1778 = arith.constant 0 : i32
        %add3A_1779 = arith.addi %add3A_1778, %scan3A_863 : i32
        %get3A_1780 = arith.index_cast %add3A_1779 : i32 to index
        %get3A_1781 = arith.constant 912 : index
        %get3A_1782 = tpu.vector_load %arg7[%get3A_1780, %get3A_1781] {strides = array<i32>} : memref<32x1280xf32, #tpu.memory_space<vmem>>, vector<1x16xf32>,
        %get3A_1783 = vector.shape_cast %get3A_1782 : vector<1x16xf32> to vector<16xf32>
        %add3A_1784 = arith.addf %get3A_1777, %get3A_1783 : vector<16xf32>
        %swap3A_1785 = arith.index_cast %scan3A_863 : i32 to index
        %swap3A_1786 = arith.constant 912 : index
        %swap3A_1787 = tpu.vector_load %arg10[%swap3A_1785, %swap3A_1786] {strides = array<i32>} : memref<16x1280xf32, #tpu.memory_space<vmem>>, vector<1x16xf32>,
        %swap3A_1788 = vector.shape_cast %swap3A_1787 : vector<1x16xf32> to vector<16xf32>
        %swap3A_1789 = vector.shape_cast %add3A_1784 : vector<16xf32> to vector<1x16xf32>
        tpu.vector_store %arg10[%swap3A_1785, %swap3A_1786], %swap3A_1789 {strides = array<i32>} : memref<16x1280xf32, #tpu.memory_space<vmem>>, vector<1x16xf32>,
        %get3A_1790 = arith.index_cast %scan3A_863 : i32 to index
        %get3A_1791 = arith.constant 928 : index
        %get3A_1792 = tpu.vector_load %arg8[%get3A_1790, %get3A_1791] {strides = array<i32>} : memref<16x1280xf32, #tpu.memory_space<vmem>>, vector<1x16xf32>,
        %get3A_1793 = vector.shape_cast %get3A_1792 : vector<1x16xf32> to vector<16xf32>
        %add3A_1794 = arith.constant 0 : i32
        %add3A_1795 = arith.addi %add3A_1794, %scan3A_863 : i32
        %get3A_1796 = arith.index_cast %add3A_1795 : i32 to index
        %get3A_1797 = arith.constant 928 : index
        %get3A_1798 = tpu.vector_load %arg7[%get3A_1796, %get3A_1797] {strides = array<i32>} : memref<32x1280xf32, #tpu.memory_space<vmem>>, vector<1x16xf32>,
        %get3A_1799 = vector.shape_cast %get3A_1798 : vector<1x16xf32> to vector<16xf32>
        %add3A_1800 = arith.addf %get3A_1793, %get3A_1799 : vector<16xf32>
        %swap3A_1801 = arith.index_cast %scan3A_863 : i32 to index
        %swap3A_1802 = arith.constant 928 : index
        %swap3A_1803 = tpu.vector_load %arg10[%swap3A_1801, %swap3A_1802] {strides = array<i32>} : memref<16x1280xf32, #tpu.memory_space<vmem>>, vector<1x16xf32>,
        %swap3A_1804 = vector.shape_cast %swap3A_1803 : vector<1x16xf32> to vector<16xf32>
        %swap3A_1805 = vector.shape_cast %add3A_1800 : vector<16xf32> to vector<1x16xf32>
        tpu.vector_store %arg10[%swap3A_1801, %swap3A_1802], %swap3A_1805 {strides = array<i32>} : memref<16x1280xf32, #tpu.memory_space<vmem>>, vector<1x16xf32>,
        %get3A_1806 = arith.index_cast %scan3A_863 : i32 to index
        %get3A_1807 = arith.constant 944 : index
        %get3A_1808 = tpu.vector_load %arg8[%get3A_1806, %get3A_1807] {strides = array<i32>} : memref<16x1280xf32, #tpu.memory_space<vmem>>, vector<1x16xf32>,
        %get3A_1809 = vector.shape_cast %get3A_1808 : vector<1x16xf32> to vector<16xf32>
        %add3A_1810 = arith.constant 0 : i32
        %add3A_1811 = arith.addi %add3A_1810, %scan3A_863 : i32
        %get3A_1812 = arith.index_cast %add3A_1811 : i32 to index
        %get3A_1813 = arith.constant 944 : index
        %get3A_1814 = tpu.vector_load %arg7[%get3A_1812, %get3A_1813] {strides = array<i32>} : memref<32x1280xf32, #tpu.memory_space<vmem>>, vector<1x16xf32>,
        %get3A_1815 = vector.shape_cast %get3A_1814 : vector<1x16xf32> to vector<16xf32>
        %add3A_1816 = arith.addf %get3A_1809, %get3A_1815 : vector<16xf32>
        %swap3A_1817 = arith.index_cast %scan3A_863 : i32 to index
        %swap3A_1818 = arith.constant 944 : index
        %swap3A_1819 = tpu.vector_load %arg10[%swap3A_1817, %swap3A_1818] {strides = array<i32>} : memref<16x1280xf32, #tpu.memory_space<vmem>>, vector<1x16xf32>,
        %swap3A_1820 = vector.shape_cast %swap3A_1819 : vector<1x16xf32> to vector<16xf32>
        %swap3A_1821 = vector.shape_cast %add3A_1816 : vector<16xf32> to vector<1x16xf32>
        tpu.vector_store %arg10[%swap3A_1817, %swap3A_1818], %swap3A_1821 {strides = array<i32>} : memref<16x1280xf32, #tpu.memory_space<vmem>>, vector<1x16xf32>,
        %get3A_1822 = arith.index_cast %scan3A_863 : i32 to index
        %get3A_1823 = arith.constant 960 : index
        %get3A_1824 = tpu.vector_load %arg8[%get3A_1822, %get3A_1823] {strides = array<i32>} : memref<16x1280xf32, #tpu.memory_space<vmem>>, vector<1x16xf32>,
        %get3A_1825 = vector.shape_cast %get3A_1824 : vector<1x16xf32> to vector<16xf32>
        %add3A_1826 = arith.constant 0 : i32
        %add3A_1827 = arith.addi %add3A_1826, %scan3A_863 : i32
        %get3A_1828 = arith.index_cast %add3A_1827 : i32 to index
        %get3A_1829 = arith.constant 960 : index
        %get3A_1830 = tpu.vector_load %arg7[%get3A_1828, %get3A_1829] {strides = array<i32>} : memref<32x1280xf32, #tpu.memory_space<vmem>>, vector<1x16xf32>,
        %get3A_1831 = vector.shape_cast %get3A_1830 : vector<1x16xf32> to vector<16xf32>
        %add3A_1832 = arith.addf %get3A_1825, %get3A_1831 : vector<16xf32>
        %swap3A_1833 = arith.index_cast %scan3A_863 : i32 to index
        %swap3A_1834 = arith.constant 960 : index
        %swap3A_1835 = tpu.vector_load %arg10[%swap3A_1833, %swap3A_1834] {strides = array<i32>} : memref<16x1280xf32, #tpu.memory_space<vmem>>, vector<1x16xf32>,
        %swap3A_1836 = vector.shape_cast %swap3A_1835 : vector<1x16xf32> to vector<16xf32>
        %swap3A_1837 = vector.shape_cast %add3A_1832 : vector<16xf32> to vector<1x16xf32>
        tpu.vector_store %arg10[%swap3A_1833, %swap3A_1834], %swap3A_1837 {strides = array<i32>} : memref<16x1280xf32, #tpu.memory_space<vmem>>, vector<1x16xf32>,
        %get3A_1838 = arith.index_cast %scan3A_863 : i32 to index
        %get3A_1839 = arith.constant 976 : index
        %get3A_1840 = tpu.vector_load %arg8[%get3A_1838, %get3A_1839] {strides = array<i32>} : memref<16x1280xf32, #tpu.memory_space<vmem>>, vector<1x16xf32>,
        %get3A_1841 = vector.shape_cast %get3A_1840 : vector<1x16xf32> to vector<16xf32>
        %add3A_1842 = arith.constant 0 : i32
        %add3A_1843 = arith.addi %add3A_1842, %scan3A_863 : i32
        %get3A_1844 = arith.index_cast %add3A_1843 : i32 to index
        %get3A_1845 = arith.constant 976 : index
        %get3A_1846 = tpu.vector_load %arg7[%get3A_1844, %get3A_1845] {strides = array<i32>} : memref<32x1280xf32, #tpu.memory_space<vmem>>, vector<1x16xf32>,
        %get3A_1847 = vector.shape_cast %get3A_1846 : vector<1x16xf32> to vector<16xf32>
        %add3A_1848 = arith.addf %get3A_1841, %get3A_1847 : vector<16xf32>
        %swap3A_1849 = arith.index_cast %scan3A_863 : i32 to index
        %swap3A_1850 = arith.constant 976 : index
        %swap3A_1851 = tpu.vector_load %arg10[%swap3A_1849, %swap3A_1850] {strides = array<i32>} : memref<16x1280xf32, #tpu.memory_space<vmem>>, vector<1x16xf32>,
        %swap3A_1852 = vector.shape_cast %swap3A_1851 : vector<1x16xf32> to vector<16xf32>
        %swap3A_1853 = vector.shape_cast %add3A_1848 : vector<16xf32> to vector<1x16xf32>
        tpu.vector_store %arg10[%swap3A_1849, %swap3A_1850], %swap3A_1853 {strides = array<i32>} : memref<16x1280xf32, #tpu.memory_space<vmem>>, vector<1x16xf32>,
        %get3A_1854 = arith.index_cast %scan3A_863 : i32 to index
        %get3A_1855 = arith.constant 992 : index
        %get3A_1856 = tpu.vector_load %arg8[%get3A_1854, %get3A_1855] {strides = array<i32>} : memref<16x1280xf32, #tpu.memory_space<vmem>>, vector<1x16xf32>,
        %get3A_1857 = vector.shape_cast %get3A_1856 : vector<1x16xf32> to vector<16xf32>
        %add3A_1858 = arith.constant 0 : i32
        %add3A_1859 = arith.addi %add3A_1858, %scan3A_863 : i32
        %get3A_1860 = arith.index_cast %add3A_1859 : i32 to index
        %get3A_1861 = arith.constant 992 : index
        %get3A_1862 = tpu.vector_load %arg7[%get3A_1860, %get3A_1861] {strides = array<i32>} : memref<32x1280xf32, #tpu.memory_space<vmem>>, vector<1x16xf32>,
        %get3A_1863 = vector.shape_cast %get3A_1862 : vector<1x16xf32> to vector<16xf32>
        %add3A_1864 = arith.addf %get3A_1857, %get3A_1863 : vector<16xf32>
        %swap3A_1865 = arith.index_cast %scan3A_863 : i32 to index
        %swap3A_1866 = arith.constant 992 : index
        %swap3A_1867 = tpu.vector_load %arg10[%swap3A_1865, %swap3A_1866] {strides = array<i32>} : memref<16x1280xf32, #tpu.memory_space<vmem>>, vector<1x16xf32>,
        %swap3A_1868 = vector.shape_cast %swap3A_1867 : vector<1x16xf32> to vector<16xf32>
        %swap3A_1869 = vector.shape_cast %add3A_1864 : vector<16xf32> to vector<1x16xf32>
        tpu.vector_store %arg10[%swap3A_1865, %swap3A_1866], %swap3A_1869 {strides = array<i32>} : memref<16x1280xf32, #tpu.memory_space<vmem>>, vector<1x16xf32>,
        %get3A_1870 = arith.index_cast %scan3A_863 : i32 to index
        %get3A_1871 = arith.constant 1008 : index
        %get3A_1872 = tpu.vector_load %arg8[%get3A_1870, %get3A_1871] {strides = array<i32>} : memref<16x1280xf32, #tpu.memory_space<vmem>>, vector<1x16xf32>,
        %get3A_1873 = vector.shape_cast %get3A_1872 : vector<1x16xf32> to vector<16xf32>
        %add3A_1874 = arith.constant 0 : i32
        %add3A_1875 = arith.addi %add3A_1874, %scan3A_863 : i32
        %get3A_1876 = arith.index_cast %add3A_1875 : i32 to index
        %get3A_1877 = arith.constant 1008 : index
        %get3A_1878 = tpu.vector_load %arg7[%get3A_1876, %get3A_1877] {strides = array<i32>} : memref<32x1280xf32, #tpu.memory_space<vmem>>, vector<1x16xf32>,
        %get3A_1879 = vector.shape_cast %get3A_1878 : vector<1x16xf32> to vector<16xf32>
        %add3A_1880 = arith.addf %get3A_1873, %get3A_1879 : vector<16xf32>
        %swap3A_1881 = arith.index_cast %scan3A_863 : i32 to index
        %swap3A_1882 = arith.constant 1008 : index
        %swap3A_1883 = tpu.vector_load %arg10[%swap3A_1881, %swap3A_1882] {strides = array<i32>} : memref<16x1280xf32, #tpu.memory_space<vmem>>, vector<1x16xf32>,
        %swap3A_1884 = vector.shape_cast %swap3A_1883 : vector<1x16xf32> to vector<16xf32>
        %swap3A_1885 = vector.shape_cast %add3A_1880 : vector<16xf32> to vector<1x16xf32>
        tpu.vector_store %arg10[%swap3A_1881, %swap3A_1882], %swap3A_1885 {strides = array<i32>} : memref<16x1280xf32, #tpu.memory_space<vmem>>, vector<1x16xf32>,
        %get3A_1886 = arith.index_cast %scan3A_863 : i32 to index
        %get3A_1887 = arith.constant 1024 : index
        %get3A_1888 = tpu.vector_load %arg8[%get3A_1886, %get3A_1887] {strides = array<i32>} : memref<16x1280xf32, #tpu.memory_space<vmem>>, vector<1x16xf32>,
        %get3A_1889 = vector.shape_cast %get3A_1888 : vector<1x16xf32> to vector<16xf32>
        %add3A_1890 = arith.constant 0 : i32
        %add3A_1891 = arith.addi %add3A_1890, %scan3A_863 : i32
        %get3A_1892 = arith.index_cast %add3A_1891 : i32 to index
        %get3A_1893 = arith.constant 1024 : index
        %get3A_1894 = tpu.vector_load %arg7[%get3A_1892, %get3A_1893] {strides = array<i32>} : memref<32x1280xf32, #tpu.memory_space<vmem>>, vector<1x16xf32>,
        %get3A_1895 = vector.shape_cast %get3A_1894 : vector<1x16xf32> to vector<16xf32>
        %add3A_1896 = arith.addf %get3A_1889, %get3A_1895 : vector<16xf32>
        %swap3A_1897 = arith.index_cast %scan3A_863 : i32 to index
        %swap3A_1898 = arith.constant 1024 : index
        %swap3A_1899 = tpu.vector_load %arg10[%swap3A_1897, %swap3A_1898] {strides = array<i32>} : memref<16x1280xf32, #tpu.memory_space<vmem>>, vector<1x16xf32>,
        %swap3A_1900 = vector.shape_cast %swap3A_1899 : vector<1x16xf32> to vector<16xf32>
        %swap3A_1901 = vector.shape_cast %add3A_1896 : vector<16xf32> to vector<1x16xf32>
        tpu.vector_store %arg10[%swap3A_1897, %swap3A_1898], %swap3A_1901 {strides = array<i32>} : memref<16x1280xf32, #tpu.memory_space<vmem>>, vector<1x16xf32>,
        %get3A_1902 = arith.index_cast %scan3A_863 : i32 to index
        %get3A_1903 = arith.constant 1040 : index
        %get3A_1904 = tpu.vector_load %arg8[%get3A_1902, %get3A_1903] {strides = array<i32>} : memref<16x1280xf32, #tpu.memory_space<vmem>>, vector<1x16xf32>,
        %get3A_1905 = vector.shape_cast %get3A_1904 : vector<1x16xf32> to vector<16xf32>
        %add3A_1906 = arith.constant 0 : i32
        %add3A_1907 = arith.addi %add3A_1906, %scan3A_863 : i32
        %get3A_1908 = arith.index_cast %add3A_1907 : i32 to index
        %get3A_1909 = arith.constant 1040 : index
        %get3A_1910 = tpu.vector_load %arg7[%get3A_1908, %get3A_1909] {strides = array<i32>} : memref<32x1280xf32, #tpu.memory_space<vmem>>, vector<1x16xf32>,
        %get3A_1911 = vector.shape_cast %get3A_1910 : vector<1x16xf32> to vector<16xf32>
        %add3A_1912 = arith.addf %get3A_1905, %get3A_1911 : vector<16xf32>
        %swap3A_1913 = arith.index_cast %scan3A_863 : i32 to index
        %swap3A_1914 = arith.constant 1040 : index
        %swap3A_1915 = tpu.vector_load %arg10[%swap3A_1913, %swap3A_1914] {strides = array<i32>} : memref<16x1280xf32, #tpu.memory_space<vmem>>, vector<1x16xf32>,
        %swap3A_1916 = vector.shape_cast %swap3A_1915 : vector<1x16xf32> to vector<16xf32>
        %swap3A_1917 = vector.shape_cast %add3A_1912 : vector<16xf32> to vector<1x16xf32>
        tpu.vector_store %arg10[%swap3A_1913, %swap3A_1914], %swap3A_1917 {strides = array<i32>} : memref<16x1280xf32, #tpu.memory_space<vmem>>, vector<1x16xf32>,
        %get3A_1918 = arith.index_cast %scan3A_863 : i32 to index
        %get3A_1919 = arith.constant 1056 : index
        %get3A_1920 = tpu.vector_load %arg8[%get3A_1918, %get3A_1919] {strides = array<i32>} : memref<16x1280xf32, #tpu.memory_space<vmem>>, vector<1x16xf32>,
        %get3A_1921 = vector.shape_cast %get3A_1920 : vector<1x16xf32> to vector<16xf32>
        %add3A_1922 = arith.constant 0 : i32
        %add3A_1923 = arith.addi %add3A_1922, %scan3A_863 : i32
        %get3A_1924 = arith.index_cast %add3A_1923 : i32 to index
        %get3A_1925 = arith.constant 1056 : index
        %get3A_1926 = tpu.vector_load %arg7[%get3A_1924, %get3A_1925] {strides = array<i32>} : memref<32x1280xf32, #tpu.memory_space<vmem>>, vector<1x16xf32>,
        %get3A_1927 = vector.shape_cast %get3A_1926 : vector<1x16xf32> to vector<16xf32>
        %add3A_1928 = arith.addf %get3A_1921, %get3A_1927 : vector<16xf32>
        %swap3A_1929 = arith.index_cast %scan3A_863 : i32 to index
        %swap3A_1930 = arith.constant 1056 : index
        %swap3A_1931 = tpu.vector_load %arg10[%swap3A_1929, %swap3A_1930] {strides = array<i32>} : memref<16x1280xf32, #tpu.memory_space<vmem>>, vector<1x16xf32>,
        %swap3A_1932 = vector.shape_cast %swap3A_1931 : vector<1x16xf32> to vector<16xf32>
        %swap3A_1933 = vector.shape_cast %add3A_1928 : vector<16xf32> to vector<1x16xf32>
        tpu.vector_store %arg10[%swap3A_1929, %swap3A_1930], %swap3A_1933 {strides = array<i32>} : memref<16x1280xf32, #tpu.memory_space<vmem>>, vector<1x16xf32>,
        %get3A_1934 = arith.index_cast %scan3A_863 : i32 to index
        %get3A_1935 = arith.constant 1072 : index
        %get3A_1936 = tpu.vector_load %arg8[%get3A_1934, %get3A_1935] {strides = array<i32>} : memref<16x1280xf32, #tpu.memory_space<vmem>>, vector<1x16xf32>,
        %get3A_1937 = vector.shape_cast %get3A_1936 : vector<1x16xf32> to vector<16xf32>
        %add3A_1938 = arith.constant 0 : i32
        %add3A_1939 = arith.addi %add3A_1938, %scan3A_863 : i32
        %get3A_1940 = arith.index_cast %add3A_1939 : i32 to index
        %get3A_1941 = arith.constant 1072 : index
        %get3A_1942 = tpu.vector_load %arg7[%get3A_1940, %get3A_1941] {strides = array<i32>} : memref<32x1280xf32, #tpu.memory_space<vmem>>, vector<1x16xf32>,
        %get3A_1943 = vector.shape_cast %get3A_1942 : vector<1x16xf32> to vector<16xf32>
        %add3A_1944 = arith.addf %get3A_1937, %get3A_1943 : vector<16xf32>
        %swap3A_1945 = arith.index_cast %scan3A_863 : i32 to index
        %swap3A_1946 = arith.constant 1072 : index
        %swap3A_1947 = tpu.vector_load %arg10[%swap3A_1945, %swap3A_1946] {strides = array<i32>} : memref<16x1280xf32, #tpu.memory_space<vmem>>, vector<1x16xf32>,
        %swap3A_1948 = vector.shape_cast %swap3A_1947 : vector<1x16xf32> to vector<16xf32>
        %swap3A_1949 = vector.shape_cast %add3A_1944 : vector<16xf32> to vector<1x16xf32>
        tpu.vector_store %arg10[%swap3A_1945, %swap3A_1946], %swap3A_1949 {strides = array<i32>} : memref<16x1280xf32, #tpu.memory_space<vmem>>, vector<1x16xf32>,
        %get3A_1950 = arith.index_cast %scan3A_863 : i32 to index
        %get3A_1951 = arith.constant 1088 : index
        %get3A_1952 = tpu.vector_load %arg8[%get3A_1950, %get3A_1951] {strides = array<i32>} : memref<16x1280xf32, #tpu.memory_space<vmem>>, vector<1x16xf32>,
        %get3A_1953 = vector.shape_cast %get3A_1952 : vector<1x16xf32> to vector<16xf32>
        %add3A_1954 = arith.constant 0 : i32
        %add3A_1955 = arith.addi %add3A_1954, %scan3A_863 : i32
        %get3A_1956 = arith.index_cast %add3A_1955 : i32 to index
        %get3A_1957 = arith.constant 1088 : index
        %get3A_1958 = tpu.vector_load %arg7[%get3A_1956, %get3A_1957] {strides = array<i32>} : memref<32x1280xf32, #tpu.memory_space<vmem>>, vector<1x16xf32>,
        %get3A_1959 = vector.shape_cast %get3A_1958 : vector<1x16xf32> to vector<16xf32>
        %add3A_1960 = arith.addf %get3A_1953, %get3A_1959 : vector<16xf32>
        %swap3A_1961 = arith.index_cast %scan3A_863 : i32 to index
        %swap3A_1962 = arith.constant 1088 : index
        %swap3A_1963 = tpu.vector_load %arg10[%swap3A_1961, %swap3A_1962] {strides = array<i32>} : memref<16x1280xf32, #tpu.memory_space<vmem>>, vector<1x16xf32>,
        %swap3A_1964 = vector.shape_cast %swap3A_1963 : vector<1x16xf32> to vector<16xf32>
        %swap3A_1965 = vector.shape_cast %add3A_1960 : vector<16xf32> to vector<1x16xf32>
        tpu.vector_store %arg10[%swap3A_1961, %swap3A_1962], %swap3A_1965 {strides = array<i32>} : memref<16x1280xf32, #tpu.memory_space<vmem>>, vector<1x16xf32>,
        %get3A_1966 = arith.index_cast %scan3A_863 : i32 to index
        %get3A_1967 = arith.constant 1104 : index
        %get3A_1968 = tpu.vector_load %arg8[%get3A_1966, %get3A_1967] {strides = array<i32>} : memref<16x1280xf32, #tpu.memory_space<vmem>>, vector<1x16xf32>,
        %get3A_1969 = vector.shape_cast %get3A_1968 : vector<1x16xf32> to vector<16xf32>
        %add3A_1970 = arith.constant 0 : i32
        %add3A_1971 = arith.addi %add3A_1970, %scan3A_863 : i32
        %get3A_1972 = arith.index_cast %add3A_1971 : i32 to index
        %get3A_1973 = arith.constant 1104 : index
        %get3A_1974 = tpu.vector_load %arg7[%get3A_1972, %get3A_1973] {strides = array<i32>} : memref<32x1280xf32, #tpu.memory_space<vmem>>, vector<1x16xf32>,
        %get3A_1975 = vector.shape_cast %get3A_1974 : vector<1x16xf32> to vector<16xf32>
        %add3A_1976 = arith.addf %get3A_1969, %get3A_1975 : vector<16xf32>
        %swap3A_1977 = arith.index_cast %scan3A_863 : i32 to index
        %swap3A_1978 = arith.constant 1104 : index
        %swap3A_1979 = tpu.vector_load %arg10[%swap3A_1977, %swap3A_1978] {strides = array<i32>} : memref<16x1280xf32, #tpu.memory_space<vmem>>, vector<1x16xf32>,
        %swap3A_1980 = vector.shape_cast %swap3A_1979 : vector<1x16xf32> to vector<16xf32>
        %swap3A_1981 = vector.shape_cast %add3A_1976 : vector<16xf32> to vector<1x16xf32>
        tpu.vector_store %arg10[%swap3A_1977, %swap3A_1978], %swap3A_1981 {strides = array<i32>} : memref<16x1280xf32, #tpu.memory_space<vmem>>, vector<1x16xf32>,
        %get3A_1982 = arith.index_cast %scan3A_863 : i32 to index
        %get3A_1983 = arith.constant 1120 : index
        %get3A_1984 = tpu.vector_load %arg8[%get3A_1982, %get3A_1983] {strides = array<i32>} : memref<16x1280xf32, #tpu.memory_space<vmem>>, vector<1x16xf32>,
        %get3A_1985 = vector.shape_cast %get3A_1984 : vector<1x16xf32> to vector<16xf32>
        %add3A_1986 = arith.constant 0 : i32
        %add3A_1987 = arith.addi %add3A_1986, %scan3A_863 : i32
        %get3A_1988 = arith.index_cast %add3A_1987 : i32 to index
        %get3A_1989 = arith.constant 1120 : index
        %get3A_1990 = tpu.vector_load %arg7[%get3A_1988, %get3A_1989] {strides = array<i32>} : memref<32x1280xf32, #tpu.memory_space<vmem>>, vector<1x16xf32>,
        %get3A_1991 = vector.shape_cast %get3A_1990 : vector<1x16xf32> to vector<16xf32>
        %add3A_1992 = arith.addf %get3A_1985, %get3A_1991 : vector<16xf32>
        %swap3A_1993 = arith.index_cast %scan3A_863 : i32 to index
        %swap3A_1994 = arith.constant 1120 : index
        %swap3A_1995 = tpu.vector_load %arg10[%swap3A_1993, %swap3A_1994] {strides = array<i32>} : memref<16x1280xf32, #tpu.memory_space<vmem>>, vector<1x16xf32>,
        %swap3A_1996 = vector.shape_cast %swap3A_1995 : vector<1x16xf32> to vector<16xf32>
        %swap3A_1997 = vector.shape_cast %add3A_1992 : vector<16xf32> to vector<1x16xf32>
        tpu.vector_store %arg10[%swap3A_1993, %swap3A_1994], %swap3A_1997 {strides = array<i32>} : memref<16x1280xf32, #tpu.memory_space<vmem>>, vector<1x16xf32>,
        %get3A_1998 = arith.index_cast %scan3A_863 : i32 to index
        %get3A_1999 = arith.constant 1136 : index
        %get3A_2000 = tpu.vector_load %arg8[%get3A_1998, %get3A_1999] {strides = array<i32>} : memref<16x1280xf32, #tpu.memory_space<vmem>>, vector<1x16xf32>,
        %get3A_2001 = vector.shape_cast %get3A_2000 : vector<1x16xf32> to vector<16xf32>
        %add3A_2002 = arith.constant 0 : i32
        %add3A_2003 = arith.addi %add3A_2002, %scan3A_863 : i32
        %get3A_2004 = arith.index_cast %add3A_2003 : i32 to index
        %get3A_2005 = arith.constant 1136 : index
        %get3A_2006 = tpu.vector_load %arg7[%get3A_2004, %get3A_2005] {strides = array<i32>} : memref<32x1280xf32, #tpu.memory_space<vmem>>, vector<1x16xf32>,
        %get3A_2007 = vector.shape_cast %get3A_2006 : vector<1x16xf32> to vector<16xf32>
        %add3A_2008 = arith.addf %get3A_2001, %get3A_2007 : vector<16xf32>
        %swap3A_2009 = arith.index_cast %scan3A_863 : i32 to index
        %swap3A_2010 = arith.constant 1136 : index
        %swap3A_2011 = tpu.vector_load %arg10[%swap3A_2009, %swap3A_2010] {strides = array<i32>} : memref<16x1280xf32, #tpu.memory_space<vmem>>, vector<1x16xf32>,
        %swap3A_2012 = vector.shape_cast %swap3A_2011 : vector<1x16xf32> to vector<16xf32>
        %swap3A_2013 = vector.shape_cast %add3A_2008 : vector<16xf32> to vector<1x16xf32>
        tpu.vector_store %arg10[%swap3A_2009, %swap3A_2010], %swap3A_2013 {strides = array<i32>} : memref<16x1280xf32, #tpu.memory_space<vmem>>, vector<1x16xf32>,
        %get3A_2014 = arith.index_cast %scan3A_863 : i32 to index
        %get3A_2015 = arith.constant 1152 : index
        %get3A_2016 = tpu.vector_load %arg8[%get3A_2014, %get3A_2015] {strides = array<i32>} : memref<16x1280xf32, #tpu.memory_space<vmem>>, vector<1x16xf32>,
        %get3A_2017 = vector.shape_cast %get3A_2016 : vector<1x16xf32> to vector<16xf32>
        %add3A_2018 = arith.constant 0 : i32
        %add3A_2019 = arith.addi %add3A_2018, %scan3A_863 : i32
        %get3A_2020 = arith.index_cast %add3A_2019 : i32 to index
        %get3A_2021 = arith.constant 1152 : index
        %get3A_2022 = tpu.vector_load %arg7[%get3A_2020, %get3A_2021] {strides = array<i32>} : memref<32x1280xf32, #tpu.memory_space<vmem>>, vector<1x16xf32>,
        %get3A_2023 = vector.shape_cast %get3A_2022 : vector<1x16xf32> to vector<16xf32>
        %add3A_2024 = arith.addf %get3A_2017, %get3A_2023 : vector<16xf32>
        %swap3A_2025 = arith.index_cast %scan3A_863 : i32 to index
        %swap3A_2026 = arith.constant 1152 : index
        %swap3A_2027 = tpu.vector_load %arg10[%swap3A_2025, %swap3A_2026] {strides = array<i32>} : memref<16x1280xf32, #tpu.memory_space<vmem>>, vector<1x16xf32>,
        %swap3A_2028 = vector.shape_cast %swap3A_2027 : vector<1x16xf32> to vector<16xf32>
        %swap3A_2029 = vector.shape_cast %add3A_2024 : vector<16xf32> to vector<1x16xf32>
        tpu.vector_store %arg10[%swap3A_2025, %swap3A_2026], %swap3A_2029 {strides = array<i32>} : memref<16x1280xf32, #tpu.memory_space<vmem>>, vector<1x16xf32>,
        %get3A_2030 = arith.index_cast %scan3A_863 : i32 to index
        %get3A_2031 = arith.constant 1168 : index
        %get3A_2032 = tpu.vector_load %arg8[%get3A_2030, %get3A_2031] {strides = array<i32>} : memref<16x1280xf32, #tpu.memory_space<vmem>>, vector<1x16xf32>,
        %get3A_2033 = vector.shape_cast %get3A_2032 : vector<1x16xf32> to vector<16xf32>
        %add3A_2034 = arith.constant 0 : i32
        %add3A_2035 = arith.addi %add3A_2034, %scan3A_863 : i32
        %get3A_2036 = arith.index_cast %add3A_2035 : i32 to index
        %get3A_2037 = arith.constant 1168 : index
        %get3A_2038 = tpu.vector_load %arg7[%get3A_2036, %get3A_2037] {strides = array<i32>} : memref<32x1280xf32, #tpu.memory_space<vmem>>, vector<1x16xf32>,
        %get3A_2039 = vector.shape_cast %get3A_2038 : vector<1x16xf32> to vector<16xf32>
        %add3A_2040 = arith.addf %get3A_2033, %get3A_2039 : vector<16xf32>
        %swap3A_2041 = arith.index_cast %scan3A_863 : i32 to index
        %swap3A_2042 = arith.constant 1168 : index
        %swap3A_2043 = tpu.vector_load %arg10[%swap3A_2041, %swap3A_2042] {strides = array<i32>} : memref<16x1280xf32, #tpu.memory_space<vmem>>, vector<1x16xf32>,
        %swap3A_2044 = vector.shape_cast %swap3A_2043 : vector<1x16xf32> to vector<16xf32>
        %swap3A_2045 = vector.shape_cast %add3A_2040 : vector<16xf32> to vector<1x16xf32>
        tpu.vector_store %arg10[%swap3A_2041, %swap3A_2042], %swap3A_2045 {strides = array<i32>} : memref<16x1280xf32, #tpu.memory_space<vmem>>, vector<1x16xf32>,
        %get3A_2046 = arith.index_cast %scan3A_863 : i32 to index
        %get3A_2047 = arith.constant 1184 : index
        %get3A_2048 = tpu.vector_load %arg8[%get3A_2046, %get3A_2047] {strides = array<i32>} : memref<16x1280xf32, #tpu.memory_space<vmem>>, vector<1x16xf32>,
        %get3A_2049 = vector.shape_cast %get3A_2048 : vector<1x16xf32> to vector<16xf32>
        %add3A_2050 = arith.constant 0 : i32
        %add3A_2051 = arith.addi %add3A_2050, %scan3A_863 : i32
        %get3A_2052 = arith.index_cast %add3A_2051 : i32 to index
        %get3A_2053 = arith.constant 1184 : index
        %get3A_2054 = tpu.vector_load %arg7[%get3A_2052, %get3A_2053] {strides = array<i32>} : memref<32x1280xf32, #tpu.memory_space<vmem>>, vector<1x16xf32>,
        %get3A_2055 = vector.shape_cast %get3A_2054 : vector<1x16xf32> to vector<16xf32>
        %add3A_2056 = arith.addf %get3A_2049, %get3A_2055 : vector<16xf32>
        %swap3A_2057 = arith.index_cast %scan3A_863 : i32 to index
        %swap3A_2058 = arith.constant 1184 : index
        %swap3A_2059 = tpu.vector_load %arg10[%swap3A_2057, %swap3A_2058] {strides = array<i32>} : memref<16x1280xf32, #tpu.memory_space<vmem>>, vector<1x16xf32>,
        %swap3A_2060 = vector.shape_cast %swap3A_2059 : vector<1x16xf32> to vector<16xf32>
        %swap3A_2061 = vector.shape_cast %add3A_2056 : vector<16xf32> to vector<1x16xf32>
        tpu.vector_store %arg10[%swap3A_2057, %swap3A_2058], %swap3A_2061 {strides = array<i32>} : memref<16x1280xf32, #tpu.memory_space<vmem>>, vector<1x16xf32>,
        %get3A_2062 = arith.index_cast %scan3A_863 : i32 to index
        %get3A_2063 = arith.constant 1200 : index
        %get3A_2064 = tpu.vector_load %arg8[%get3A_2062, %get3A_2063] {strides = array<i32>} : memref<16x1280xf32, #tpu.memory_space<vmem>>, vector<1x16xf32>,
        %get3A_2065 = vector.shape_cast %get3A_2064 : vector<1x16xf32> to vector<16xf32>
        %add3A_2066 = arith.constant 0 : i32
        %add3A_2067 = arith.addi %add3A_2066, %scan3A_863 : i32
        %get3A_2068 = arith.index_cast %add3A_2067 : i32 to index
        %get3A_2069 = arith.constant 1200 : index
        %get3A_2070 = tpu.vector_load %arg7[%get3A_2068, %get3A_2069] {strides = array<i32>} : memref<32x1280xf32, #tpu.memory_space<vmem>>, vector<1x16xf32>,
        %get3A_2071 = vector.shape_cast %get3A_2070 : vector<1x16xf32> to vector<16xf32>
        %add3A_2072 = arith.addf %get3A_2065, %get3A_2071 : vector<16xf32>
        %swap3A_2073 = arith.index_cast %scan3A_863 : i32 to index
        %swap3A_2074 = arith.constant 1200 : index
        %swap3A_2075 = tpu.vector_load %arg10[%swap3A_2073, %swap3A_2074] {strides = array<i32>} : memref<16x1280xf32, #tpu.memory_space<vmem>>, vector<1x16xf32>,
        %swap3A_2076 = vector.shape_cast %swap3A_2075 : vector<1x16xf32> to vector<16xf32>
        %swap3A_2077 = vector.shape_cast %add3A_2072 : vector<16xf32> to vector<1x16xf32>
        tpu.vector_store %arg10[%swap3A_2073, %swap3A_2074], %swap3A_2077 {strides = array<i32>} : memref<16x1280xf32, #tpu.memory_space<vmem>>, vector<1x16xf32>,
        %get3A_2078 = arith.index_cast %scan3A_863 : i32 to index
        %get3A_2079 = arith.constant 1216 : index
        %get3A_2080 = tpu.vector_load %arg8[%get3A_2078, %get3A_2079] {strides = array<i32>} : memref<16x1280xf32, #tpu.memory_space<vmem>>, vector<1x16xf32>,
        %get3A_2081 = vector.shape_cast %get3A_2080 : vector<1x16xf32> to vector<16xf32>
        %add3A_2082 = arith.constant 0 : i32
        %add3A_2083 = arith.addi %add3A_2082, %scan3A_863 : i32
        %get3A_2084 = arith.index_cast %add3A_2083 : i32 to index
        %get3A_2085 = arith.constant 1216 : index
        %get3A_2086 = tpu.vector_load %arg7[%get3A_2084, %get3A_2085] {strides = array<i32>} : memref<32x1280xf32, #tpu.memory_space<vmem>>, vector<1x16xf32>,
        %get3A_2087 = vector.shape_cast %get3A_2086 : vector<1x16xf32> to vector<16xf32>
        %add3A_2088 = arith.addf %get3A_2081, %get3A_2087 : vector<16xf32>
        %swap3A_2089 = arith.index_cast %scan3A_863 : i32 to index
        %swap3A_2090 = arith.constant 1216 : index
        %swap3A_2091 = tpu.vector_load %arg10[%swap3A_2089, %swap3A_2090] {strides = array<i32>} : memref<16x1280xf32, #tpu.memory_space<vmem>>, vector<1x16xf32>,
        %swap3A_2092 = vector.shape_cast %swap3A_2091 : vector<1x16xf32> to vector<16xf32>
        %swap3A_2093 = vector.shape_cast %add3A_2088 : vector<16xf32> to vector<1x16xf32>
        tpu.vector_store %arg10[%swap3A_2089, %swap3A_2090], %swap3A_2093 {strides = array<i32>} : memref<16x1280xf32, #tpu.memory_space<vmem>>, vector<1x16xf32>,
        %get3A_2094 = arith.index_cast %scan3A_863 : i32 to index
        %get3A_2095 = arith.constant 1232 : index
        %get3A_2096 = tpu.vector_load %arg8[%get3A_2094, %get3A_2095] {strides = array<i32>} : memref<16x1280xf32, #tpu.memory_space<vmem>>, vector<1x16xf32>,
        %get3A_2097 = vector.shape_cast %get3A_2096 : vector<1x16xf32> to vector<16xf32>
        %add3A_2098 = arith.constant 0 : i32
        %add3A_2099 = arith.addi %add3A_2098, %scan3A_863 : i32
        %get3A_2100 = arith.index_cast %add3A_2099 : i32 to index
        %get3A_2101 = arith.constant 1232 : index
        %get3A_2102 = tpu.vector_load %arg7[%get3A_2100, %get3A_2101] {strides = array<i32>} : memref<32x1280xf32, #tpu.memory_space<vmem>>, vector<1x16xf32>,
        %get3A_2103 = vector.shape_cast %get3A_2102 : vector<1x16xf32> to vector<16xf32>
        %add3A_2104 = arith.addf %get3A_2097, %get3A_2103 : vector<16xf32>
        %swap3A_2105 = arith.index_cast %scan3A_863 : i32 to index
        %swap3A_2106 = arith.constant 1232 : index
        %swap3A_2107 = tpu.vector_load %arg10[%swap3A_2105, %swap3A_2106] {strides = array<i32>} : memref<16x1280xf32, #tpu.memory_space<vmem>>, vector<1x16xf32>,
        %swap3A_2108 = vector.shape_cast %swap3A_2107 : vector<1x16xf32> to vector<16xf32>
        %swap3A_2109 = vector.shape_cast %add3A_2104 : vector<16xf32> to vector<1x16xf32>
        tpu.vector_store %arg10[%swap3A_2105, %swap3A_2106], %swap3A_2109 {strides = array<i32>} : memref<16x1280xf32, #tpu.memory_space<vmem>>, vector<1x16xf32>,
        %get3A_2110 = arith.index_cast %scan3A_863 : i32 to index
        %get3A_2111 = arith.constant 1248 : index
        %get3A_2112 = tpu.vector_load %arg8[%get3A_2110, %get3A_2111] {strides = array<i32>} : memref<16x1280xf32, #tpu.memory_space<vmem>>, vector<1x16xf32>,
        %get3A_2113 = vector.shape_cast %get3A_2112 : vector<1x16xf32> to vector<16xf32>
        %add3A_2114 = arith.constant 0 : i32
        %add3A_2115 = arith.addi %add3A_2114, %scan3A_863 : i32
        %get3A_2116 = arith.index_cast %add3A_2115 : i32 to index
        %get3A_2117 = arith.constant 1248 : index
        %get3A_2118 = tpu.vector_load %arg7[%get3A_2116, %get3A_2117] {strides = array<i32>} : memref<32x1280xf32, #tpu.memory_space<vmem>>, vector<1x16xf32>,
        %get3A_2119 = vector.shape_cast %get3A_2118 : vector<1x16xf32> to vector<16xf32>
        %add3A_2120 = arith.addf %get3A_2113, %get3A_2119 : vector<16xf32>
        %swap3A_2121 = arith.index_cast %scan3A_863 : i32 to index
        %swap3A_2122 = arith.constant 1248 : index
        %swap3A_2123 = tpu.vector_load %arg10[%swap3A_2121, %swap3A_2122] {strides = array<i32>} : memref<16x1280xf32, #tpu.memory_space<vmem>>, vector<1x16xf32>,
        %swap3A_2124 = vector.shape_cast %swap3A_2123 : vector<1x16xf32> to vector<16xf32>
        %swap3A_2125 = vector.shape_cast %add3A_2120 : vector<16xf32> to vector<1x16xf32>
        tpu.vector_store %arg10[%swap3A_2121, %swap3A_2122], %swap3A_2125 {strides = array<i32>} : memref<16x1280xf32, #tpu.memory_space<vmem>>, vector<1x16xf32>,
        %get3A_2126 = arith.index_cast %scan3A_863 : i32 to index
        %get3A_2127 = arith.constant 1264 : index
        %get3A_2128 = tpu.vector_load %arg8[%get3A_2126, %get3A_2127] {strides = array<i32>} : memref<16x1280xf32, #tpu.memory_space<vmem>>, vector<1x16xf32>,
        %get3A_2129 = vector.shape_cast %get3A_2128 : vector<1x16xf32> to vector<16xf32>
        %add3A_2130 = arith.constant 0 : i32
        %add3A_2131 = arith.addi %add3A_2130, %scan3A_863 : i32
        %get3A_2132 = arith.index_cast %add3A_2131 : i32 to index
        %get3A_2133 = arith.constant 1264 : index
        %get3A_2134 = tpu.vector_load %arg7[%get3A_2132, %get3A_2133] {strides = array<i32>} : memref<32x1280xf32, #tpu.memory_space<vmem>>, vector<1x16xf32>,
        %get3A_2135 = vector.shape_cast %get3A_2134 : vector<1x16xf32> to vector<16xf32>
        %add3A_2136 = arith.addf %get3A_2129, %get3A_2135 : vector<16xf32>
        %swap3A_2137 = arith.index_cast %scan3A_863 : i32 to index
        %swap3A_2138 = arith.constant 1264 : index
        %swap3A_2139 = tpu.vector_load %arg10[%swap3A_2137, %swap3A_2138] {strides = array<i32>} : memref<16x1280xf32, #tpu.memory_space<vmem>>, vector<1x16xf32>,
        %swap3A_2140 = vector.shape_cast %swap3A_2139 : vector<1x16xf32> to vector<16xf32>
        %swap3A_2141 = vector.shape_cast %add3A_2136 : vector<16xf32> to vector<1x16xf32>
        tpu.vector_store %arg10[%swap3A_2137, %swap3A_2138], %swap3A_2141 {strides = array<i32>} : memref<16x1280xf32, #tpu.memory_space<vmem>>, vector<1x16xf32>,
      }
      %scan3A_820 = arith.constant 16 : i32
      %add3A_821 = arith.constant 0 : i32
      %add3A_822 = arith.addi %mul3A_2, %add3A_821 : i32
      %dma_start3A_823 = arith.constant 0 : i32
      %dma_start3A_824 = tpu.memref_slice %arg5[%scan3A_806, %add3A_822, %dma_start3A_823] : memref<32x1024x1280xf32, #tpu.memory_space<hbm>> -> memref<1x16x1280xf32, #tpu.memory_space<hbm>>
      %dma_start3A_825 = tpu.memref_squeeze %dma_start3A_824 : memref<1x16x1280xf32, #tpu.memory_space<hbm>> -> memref<16x1280xf32, #tpu.memory_space<hbm>>
      %dma_start3A_826 = arith.constant 0 : i32
      %dma_start3A_827 = tpu.memref_slice %arg5[%scan3A_806, %add3A_822, %dma_start3A_826] : memref<32x1024x1280xf32, #tpu.memory_space<hbm>> -> memref<1x16x1280xf32, #tpu.memory_space<hbm>>
      %dma_start3A_828 = tpu.memref_squeeze %dma_start3A_827 : memref<1x16x1280xf32, #tpu.memory_space<hbm>> -> memref<16x1280xf32, #tpu.memory_space<hbm>>
      tpu.enqueue_dma source(%arg10 : memref<16x1280xf32, #tpu.memory_space<vmem>>) target(%dma_start3A_828 : memref<16x1280xf32, #tpu.memory_space<hbm>>) target_semaphore(%arg14 : memref<!tpu.dma_semaphore, #tpu.memory_space<semaphore_mem>>)
      %lt3A = arith.constant 31 : i32
      %lt3A_829 = arith.cmpi slt, %scan3A_806, %lt3A : i32
      %convert_element_type3A_830 = arith.extui %lt3A_829 : i1 to i32
      %cond3A_831 = arith.constant 0 : i32
      %cond3A_832 = arith.cmpi ne, %convert_element_type3A_830, %cond3A_831 : i32
      scf.if %cond3A_832 {
        %add3A_863 = arith.constant 1 : i32
        %add3A_864 = arith.addi %scan3A_806, %add3A_863 : i32
        %dma_start3A_865 = arith.constant 0 : i32
        %dma_start3A_866 = tpu.memref_slice %arg6[%add3A_864, %dma_start3A_865] : memref<32x32xi32, #tpu.memory_space<vmem>> -> memref<1x16xi32, #tpu.memory_space<vmem>>
        %dma_start3A_867 = tpu.memref_squeeze %dma_start3A_866 : memref<1x16xi32, #tpu.memory_space<vmem>> -> memref<16xi32, #tpu.memory_space<vmem>>
        %dma_start3A_868 = arith.constant 0 : i32
        %dma_start3A_869 = arith.constant 0 : i32
        %dma_start3A_870 = tpu.memref_slice %arg3[%dma_start3A_868, %dma_start3A_869] : memref<50257x1280xf32, #tpu.memory_space<hbm>> -> memref<50257x1280xf32, #tpu.memory_space<hbm>>
        tpu.enqueue_indirect_dma source(%dma_start3A_870 : memref<50257x1280xf32, #tpu.memory_space<hbm>>) target(%arg8 : memref<16x1280xf32, #tpu.memory_space<vmem>>) offsets(%dma_start3A_867 : memref<16xi32, #tpu.memory_space<vmem>>) semaphore(%arg12 : memref<!tpu.dma_semaphore, #tpu.memory_space<semaphore_mem>>)
      } else {
      }
      %dma_wait3A_833 = arith.constant 16 : i32
      %dma_wait3A_834 = tpu.memref_slice %arg6[%scan3A_806, %dma_wait3A_833] : memref<32x32xi32, #tpu.memory_space<vmem>> -> memref<1x16xi32, #tpu.memory_space<vmem>>
      %dma_wait3A_835 = tpu.memref_squeeze %dma_wait3A_834 : memref<1x16xi32, #tpu.memory_space<vmem>> -> memref<16xi32, #tpu.memory_space<vmem>>
      %dma_wait3A_836 = arith.constant 0 : i32
      %dma_wait3A_837 = arith.constant 0 : i32
      %dma_wait3A_838 = tpu.memref_slice %arg3[%dma_wait3A_836, %dma_wait3A_837] : memref<50257x1280xf32, #tpu.memory_space<hbm>> -> memref<50257x1280xf32, #tpu.memory_space<hbm>>
      tpu.wait_indirect_dma semaphore(%arg13 : memref<!tpu.dma_semaphore, #tpu.memory_space<semaphore_mem>>) src(%dma_wait3A_838 : memref<50257x1280xf32, #tpu.memory_space<hbm>>) dst(%arg9 : memref<16x1280xf32, #tpu.memory_space<vmem>>)
      %gt3A_839 = arith.constant 0 : i32
      %gt3A_840 = arith.cmpi sgt, %scan3A_806, %gt3A_839 : i32
      %convert_element_type3A_841 = arith.extui %gt3A_840 : i1 to i32
      %cond3A_842 = arith.constant 0 : i32
      %cond3A_843 = arith.cmpi ne, %convert_element_type3A_841, %cond3A_842 : i32
      scf.if %cond3A_843 {
        %sub3A = arith.constant 1 : i32
        %sub3A_863 = arith.subi %scan3A_806, %sub3A : i32
        %add3A_864 = arith.constant 16 : i32
        %add3A_865 = arith.addi %mul3A_2, %add3A_864 : i32
        %dma_wait3A_866 = arith.constant 0 : i32
        %dma_wait3A_867 = tpu.memref_slice %arg5[%sub3A_863, %add3A_865, %dma_wait3A_866] : memref<32x1024x1280xf32, #tpu.memory_space<hbm>> -> memref<1x16x1280xf32, #tpu.memory_space<hbm>>
        %dma_wait3A_868 = tpu.memref_squeeze %dma_wait3A_867 : memref<1x16x1280xf32, #tpu.memory_space<hbm>> -> memref<16x1280xf32, #tpu.memory_space<hbm>>
        %dma_wait3A_869 = arith.constant 0 : i32
        %dma_wait3A_870 = tpu.memref_slice %arg5[%sub3A_863, %add3A_865, %dma_wait3A_869] : memref<32x1024x1280xf32, #tpu.memory_space<hbm>> -> memref<1x16x1280xf32, #tpu.memory_space<hbm>>
        %dma_wait3A_871 = tpu.memref_squeeze %dma_wait3A_870 : memref<1x16x1280xf32, #tpu.memory_space<hbm>> -> memref<16x1280xf32, #tpu.memory_space<hbm>>
        tpu.wait_dma2 semaphore(%arg15 : memref<!tpu.dma_semaphore, #tpu.memory_space<semaphore_mem>>) src(%arg11 : memref<16x1280xf32, #tpu.memory_space<vmem>>) dst(%dma_wait3A_871 : memref<16x1280xf32, #tpu.memory_space<hbm>>)
      } else {
      }
      %scan3A_844 = arith.constant 0 : i32
      %scan3A_845 = arith.constant 0 : i32
      %scan3A_846 = arith.constant 16 : i32
      %scan3A_847 = arith.addi %scan3A_845, %scan3A_846 : i32
      %scan3A_848 = arith.constant 1 : i32
      scf.for %scan3A_863 = %scan3A_845 to %scan3A_847 step %scan3A_848  : i32 {
        %get3A = arith.index_cast %scan3A_863 : i32 to index
        %get3A_864 = arith.constant 0 : index
        %get3A_865 = tpu.vector_load %arg9[%get3A, %get3A_864] {strides = array<i32>} : memref<16x1280xf32, #tpu.memory_space<vmem>>, vector<1x16xf32>,
        %get3A_866 = vector.shape_cast %get3A_865 : vector<1x16xf32> to vector<16xf32>
        %add3A_867 = arith.constant 16 : i32
        %add3A_868 = arith.addi %add3A_867, %scan3A_863 : i32
        %get3A_869 = arith.index_cast %add3A_868 : i32 to index
        %get3A_870 = arith.constant 0 : index
        %get3A_871 = tpu.vector_load %arg7[%get3A_869, %get3A_870] {strides = array<i32>} : memref<32x1280xf32, #tpu.memory_space<vmem>>, vector<1x16xf32>,
        %get3A_872 = vector.shape_cast %get3A_871 : vector<1x16xf32> to vector<16xf32>
        %add3A_873 = arith.addf %get3A_866, %get3A_872 : vector<16xf32>
        %swap3A = arith.index_cast %scan3A_863 : i32 to index
        %swap3A_874 = arith.constant 0 : index
        %swap3A_875 = tpu.vector_load %arg11[%swap3A, %swap3A_874] {strides = array<i32>} : memref<16x1280xf32, #tpu.memory_space<vmem>>, vector<1x16xf32>,
        %swap3A_876 = vector.shape_cast %swap3A_875 : vector<1x16xf32> to vector<16xf32>
        %swap3A_877 = vector.shape_cast %add3A_873 : vector<16xf32> to vector<1x16xf32>
        tpu.vector_store %arg11[%swap3A, %swap3A_874], %swap3A_877 {strides = array<i32>} : memref<16x1280xf32, #tpu.memory_space<vmem>>, vector<1x16xf32>,
        %get3A_878 = arith.index_cast %scan3A_863 : i32 to index
        %get3A_879 = arith.constant 16 : index
        %get3A_880 = tpu.vector_load %arg9[%get3A_878, %get3A_879] {strides = array<i32>} : memref<16x1280xf32, #tpu.memory_space<vmem>>, vector<1x16xf32>,
        %get3A_881 = vector.shape_cast %get3A_880 : vector<1x16xf32> to vector<16xf32>
        %add3A_882 = arith.constant 16 : i32
        %add3A_883 = arith.addi %add3A_882, %scan3A_863 : i32
        %get3A_884 = arith.index_cast %add3A_883 : i32 to index
        %get3A_885 = arith.constant 16 : index
        %get3A_886 = tpu.vector_load %arg7[%get3A_884, %get3A_885] {strides = array<i32>} : memref<32x1280xf32, #tpu.memory_space<vmem>>, vector<1x16xf32>,
        %get3A_887 = vector.shape_cast %get3A_886 : vector<1x16xf32> to vector<16xf32>
        %add3A_888 = arith.addf %get3A_881, %get3A_887 : vector<16xf32>
        %swap3A_889 = arith.index_cast %scan3A_863 : i32 to index
        %swap3A_890 = arith.constant 16 : index
        %swap3A_891 = tpu.vector_load %arg11[%swap3A_889, %swap3A_890] {strides = array<i32>} : memref<16x1280xf32, #tpu.memory_space<vmem>>, vector<1x16xf32>,
        %swap3A_892 = vector.shape_cast %swap3A_891 : vector<1x16xf32> to vector<16xf32>
        %swap3A_893 = vector.shape_cast %add3A_888 : vector<16xf32> to vector<1x16xf32>
        tpu.vector_store %arg11[%swap3A_889, %swap3A_890], %swap3A_893 {strides = array<i32>} : memref<16x1280xf32, #tpu.memory_space<vmem>>, vector<1x16xf32>,
        %get3A_894 = arith.index_cast %scan3A_863 : i32 to index
        %get3A_895 = arith.constant 32 : index
        %get3A_896 = tpu.vector_load %arg9[%get3A_894, %get3A_895] {strides = array<i32>} : memref<16x1280xf32, #tpu.memory_space<vmem>>, vector<1x16xf32>,
        %get3A_897 = vector.shape_cast %get3A_896 : vector<1x16xf32> to vector<16xf32>
        %add3A_898 = arith.constant 16 : i32
        %add3A_899 = arith.addi %add3A_898, %scan3A_863 : i32
        %get3A_900 = arith.index_cast %add3A_899 : i32 to index
        %get3A_901 = arith.constant 32 : index
        %get3A_902 = tpu.vector_load %arg7[%get3A_900, %get3A_901] {strides = array<i32>} : memref<32x1280xf32, #tpu.memory_space<vmem>>, vector<1x16xf32>,
        %get3A_903 = vector.shape_cast %get3A_902 : vector<1x16xf32> to vector<16xf32>
        %add3A_904 = arith.addf %get3A_897, %get3A_903 : vector<16xf32>
        %swap3A_905 = arith.index_cast %scan3A_863 : i32 to index
        %swap3A_906 = arith.constant 32 : index
        %swap3A_907 = tpu.vector_load %arg11[%swap3A_905, %swap3A_906] {strides = array<i32>} : memref<16x1280xf32, #tpu.memory_space<vmem>>, vector<1x16xf32>,
        %swap3A_908 = vector.shape_cast %swap3A_907 : vector<1x16xf32> to vector<16xf32>
        %swap3A_909 = vector.shape_cast %add3A_904 : vector<16xf32> to vector<1x16xf32>
        tpu.vector_store %arg11[%swap3A_905, %swap3A_906], %swap3A_909 {strides = array<i32>} : memref<16x1280xf32, #tpu.memory_space<vmem>>, vector<1x16xf32>,
        %get3A_910 = arith.index_cast %scan3A_863 : i32 to index
        %get3A_911 = arith.constant 48 : index
        %get3A_912 = tpu.vector_load %arg9[%get3A_910, %get3A_911] {strides = array<i32>} : memref<16x1280xf32, #tpu.memory_space<vmem>>, vector<1x16xf32>,
        %get3A_913 = vector.shape_cast %get3A_912 : vector<1x16xf32> to vector<16xf32>
        %add3A_914 = arith.constant 16 : i32
        %add3A_915 = arith.addi %add3A_914, %scan3A_863 : i32
        %get3A_916 = arith.index_cast %add3A_915 : i32 to index
        %get3A_917 = arith.constant 48 : index
        %get3A_918 = tpu.vector_load %arg7[%get3A_916, %get3A_917] {strides = array<i32>} : memref<32x1280xf32, #tpu.memory_space<vmem>>, vector<1x16xf32>,
        %get3A_919 = vector.shape_cast %get3A_918 : vector<1x16xf32> to vector<16xf32>
        %add3A_920 = arith.addf %get3A_913, %get3A_919 : vector<16xf32>
        %swap3A_921 = arith.index_cast %scan3A_863 : i32 to index
        %swap3A_922 = arith.constant 48 : index
        %swap3A_923 = tpu.vector_load %arg11[%swap3A_921, %swap3A_922] {strides = array<i32>} : memref<16x1280xf32, #tpu.memory_space<vmem>>, vector<1x16xf32>,
        %swap3A_924 = vector.shape_cast %swap3A_923 : vector<1x16xf32> to vector<16xf32>
        %swap3A_925 = vector.shape_cast %add3A_920 : vector<16xf32> to vector<1x16xf32>
        tpu.vector_store %arg11[%swap3A_921, %swap3A_922], %swap3A_925 {strides = array<i32>} : memref<16x1280xf32, #tpu.memory_space<vmem>>, vector<1x16xf32>,
        %get3A_926 = arith.index_cast %scan3A_863 : i32 to index
        %get3A_927 = arith.constant 64 : index
        %get3A_928 = tpu.vector_load %arg9[%get3A_926, %get3A_927] {strides = array<i32>} : memref<16x1280xf32, #tpu.memory_space<vmem>>, vector<1x16xf32>,
        %get3A_929 = vector.shape_cast %get3A_928 : vector<1x16xf32> to vector<16xf32>
        %add3A_930 = arith.constant 16 : i32
        %add3A_931 = arith.addi %add3A_930, %scan3A_863 : i32
        %get3A_932 = arith.index_cast %add3A_931 : i32 to index
        %get3A_933 = arith.constant 64 : index
        %get3A_934 = tpu.vector_load %arg7[%get3A_932, %get3A_933] {strides = array<i32>} : memref<32x1280xf32, #tpu.memory_space<vmem>>, vector<1x16xf32>,
        %get3A_935 = vector.shape_cast %get3A_934 : vector<1x16xf32> to vector<16xf32>
        %add3A_936 = arith.addf %get3A_929, %get3A_935 : vector<16xf32>
        %swap3A_937 = arith.index_cast %scan3A_863 : i32 to index
        %swap3A_938 = arith.constant 64 : index
        %swap3A_939 = tpu.vector_load %arg11[%swap3A_937, %swap3A_938] {strides = array<i32>} : memref<16x1280xf32, #tpu.memory_space<vmem>>, vector<1x16xf32>,
        %swap3A_940 = vector.shape_cast %swap3A_939 : vector<1x16xf32> to vector<16xf32>
        %swap3A_941 = vector.shape_cast %add3A_936 : vector<16xf32> to vector<1x16xf32>
        tpu.vector_store %arg11[%swap3A_937, %swap3A_938], %swap3A_941 {strides = array<i32>} : memref<16x1280xf32, #tpu.memory_space<vmem>>, vector<1x16xf32>,
        %get3A_942 = arith.index_cast %scan3A_863 : i32 to index
        %get3A_943 = arith.constant 80 : index
        %get3A_944 = tpu.vector_load %arg9[%get3A_942, %get3A_943] {strides = array<i32>} : memref<16x1280xf32, #tpu.memory_space<vmem>>, vector<1x16xf32>,
        %get3A_945 = vector.shape_cast %get3A_944 : vector<1x16xf32> to vector<16xf32>
        %add3A_946 = arith.constant 16 : i32
        %add3A_947 = arith.addi %add3A_946, %scan3A_863 : i32
        %get3A_948 = arith.index_cast %add3A_947 : i32 to index
        %get3A_949 = arith.constant 80 : index
        %get3A_950 = tpu.vector_load %arg7[%get3A_948, %get3A_949] {strides = array<i32>} : memref<32x1280xf32, #tpu.memory_space<vmem>>, vector<1x16xf32>,
        %get3A_951 = vector.shape_cast %get3A_950 : vector<1x16xf32> to vector<16xf32>
        %add3A_952 = arith.addf %get3A_945, %get3A_951 : vector<16xf32>
        %swap3A_953 = arith.index_cast %scan3A_863 : i32 to index
        %swap3A_954 = arith.constant 80 : index
        %swap3A_955 = tpu.vector_load %arg11[%swap3A_953, %swap3A_954] {strides = array<i32>} : memref<16x1280xf32, #tpu.memory_space<vmem>>, vector<1x16xf32>,
        %swap3A_956 = vector.shape_cast %swap3A_955 : vector<1x16xf32> to vector<16xf32>
        %swap3A_957 = vector.shape_cast %add3A_952 : vector<16xf32> to vector<1x16xf32>
        tpu.vector_store %arg11[%swap3A_953, %swap3A_954], %swap3A_957 {strides = array<i32>} : memref<16x1280xf32, #tpu.memory_space<vmem>>, vector<1x16xf32>,
        %get3A_958 = arith.index_cast %scan3A_863 : i32 to index
        %get3A_959 = arith.constant 96 : index
        %get3A_960 = tpu.vector_load %arg9[%get3A_958, %get3A_959] {strides = array<i32>} : memref<16x1280xf32, #tpu.memory_space<vmem>>, vector<1x16xf32>,
        %get3A_961 = vector.shape_cast %get3A_960 : vector<1x16xf32> to vector<16xf32>
        %add3A_962 = arith.constant 16 : i32
        %add3A_963 = arith.addi %add3A_962, %scan3A_863 : i32
        %get3A_964 = arith.index_cast %add3A_963 : i32 to index
        %get3A_965 = arith.constant 96 : index
        %get3A_966 = tpu.vector_load %arg7[%get3A_964, %get3A_965] {strides = array<i32>} : memref<32x1280xf32, #tpu.memory_space<vmem>>, vector<1x16xf32>,
        %get3A_967 = vector.shape_cast %get3A_966 : vector<1x16xf32> to vector<16xf32>
        %add3A_968 = arith.addf %get3A_961, %get3A_967 : vector<16xf32>
        %swap3A_969 = arith.index_cast %scan3A_863 : i32 to index
        %swap3A_970 = arith.constant 96 : index
        %swap3A_971 = tpu.vector_load %arg11[%swap3A_969, %swap3A_970] {strides = array<i32>} : memref<16x1280xf32, #tpu.memory_space<vmem>>, vector<1x16xf32>,
        %swap3A_972 = vector.shape_cast %swap3A_971 : vector<1x16xf32> to vector<16xf32>
        %swap3A_973 = vector.shape_cast %add3A_968 : vector<16xf32> to vector<1x16xf32>
        tpu.vector_store %arg11[%swap3A_969, %swap3A_970], %swap3A_973 {strides = array<i32>} : memref<16x1280xf32, #tpu.memory_space<vmem>>, vector<1x16xf32>,
        %get3A_974 = arith.index_cast %scan3A_863 : i32 to index
        %get3A_975 = arith.constant 112 : index
        %get3A_976 = tpu.vector_load %arg9[%get3A_974, %get3A_975] {strides = array<i32>} : memref<16x1280xf32, #tpu.memory_space<vmem>>, vector<1x16xf32>,
        %get3A_977 = vector.shape_cast %get3A_976 : vector<1x16xf32> to vector<16xf32>
        %add3A_978 = arith.constant 16 : i32
        %add3A_979 = arith.addi %add3A_978, %scan3A_863 : i32
        %get3A_980 = arith.index_cast %add3A_979 : i32 to index
        %get3A_981 = arith.constant 112 : index
        %get3A_982 = tpu.vector_load %arg7[%get3A_980, %get3A_981] {strides = array<i32>} : memref<32x1280xf32, #tpu.memory_space<vmem>>, vector<1x16xf32>,
        %get3A_983 = vector.shape_cast %get3A_982 : vector<1x16xf32> to vector<16xf32>
        %add3A_984 = arith.addf %get3A_977, %get3A_983 : vector<16xf32>
        %swap3A_985 = arith.index_cast %scan3A_863 : i32 to index
        %swap3A_986 = arith.constant 112 : index
        %swap3A_987 = tpu.vector_load %arg11[%swap3A_985, %swap3A_986] {strides = array<i32>} : memref<16x1280xf32, #tpu.memory_space<vmem>>, vector<1x16xf32>,
        %swap3A_988 = vector.shape_cast %swap3A_987 : vector<1x16xf32> to vector<16xf32>
        %swap3A_989 = vector.shape_cast %add3A_984 : vector<16xf32> to vector<1x16xf32>
        tpu.vector_store %arg11[%swap3A_985, %swap3A_986], %swap3A_989 {strides = array<i32>} : memref<16x1280xf32, #tpu.memory_space<vmem>>, vector<1x16xf32>,
        %get3A_990 = arith.index_cast %scan3A_863 : i32 to index
        %get3A_991 = arith.constant 128 : index
        %get3A_992 = tpu.vector_load %arg9[%get3A_990, %get3A_991] {strides = array<i32>} : memref<16x1280xf32, #tpu.memory_space<vmem>>, vector<1x16xf32>,
        %get3A_993 = vector.shape_cast %get3A_992 : vector<1x16xf32> to vector<16xf32>
        %add3A_994 = arith.constant 16 : i32
        %add3A_995 = arith.addi %add3A_994, %scan3A_863 : i32
        %get3A_996 = arith.index_cast %add3A_995 : i32 to index
        %get3A_997 = arith.constant 128 : index
        %get3A_998 = tpu.vector_load %arg7[%get3A_996, %get3A_997] {strides = array<i32>} : memref<32x1280xf32, #tpu.memory_space<vmem>>, vector<1x16xf32>,
        %get3A_999 = vector.shape_cast %get3A_998 : vector<1x16xf32> to vector<16xf32>
        %add3A_1000 = arith.addf %get3A_993, %get3A_999 : vector<16xf32>
        %swap3A_1001 = arith.index_cast %scan3A_863 : i32 to index
        %swap3A_1002 = arith.constant 128 : index
        %swap3A_1003 = tpu.vector_load %arg11[%swap3A_1001, %swap3A_1002] {strides = array<i32>} : memref<16x1280xf32, #tpu.memory_space<vmem>>, vector<1x16xf32>,
        %swap3A_1004 = vector.shape_cast %swap3A_1003 : vector<1x16xf32> to vector<16xf32>
        %swap3A_1005 = vector.shape_cast %add3A_1000 : vector<16xf32> to vector<1x16xf32>
        tpu.vector_store %arg11[%swap3A_1001, %swap3A_1002], %swap3A_1005 {strides = array<i32>} : memref<16x1280xf32, #tpu.memory_space<vmem>>, vector<1x16xf32>,
        %get3A_1006 = arith.index_cast %scan3A_863 : i32 to index
        %get3A_1007 = arith.constant 144 : index
        %get3A_1008 = tpu.vector_load %arg9[%get3A_1006, %get3A_1007] {strides = array<i32>} : memref<16x1280xf32, #tpu.memory_space<vmem>>, vector<1x16xf32>,
        %get3A_1009 = vector.shape_cast %get3A_1008 : vector<1x16xf32> to vector<16xf32>
        %add3A_1010 = arith.constant 16 : i32
        %add3A_1011 = arith.addi %add3A_1010, %scan3A_863 : i32
        %get3A_1012 = arith.index_cast %add3A_1011 : i32 to index
        %get3A_1013 = arith.constant 144 : index
        %get3A_1014 = tpu.vector_load %arg7[%get3A_1012, %get3A_1013] {strides = array<i32>} : memref<32x1280xf32, #tpu.memory_space<vmem>>, vector<1x16xf32>,
        %get3A_1015 = vector.shape_cast %get3A_1014 : vector<1x16xf32> to vector<16xf32>
        %add3A_1016 = arith.addf %get3A_1009, %get3A_1015 : vector<16xf32>
        %swap3A_1017 = arith.index_cast %scan3A_863 : i32 to index
        %swap3A_1018 = arith.constant 144 : index
        %swap3A_1019 = tpu.vector_load %arg11[%swap3A_1017, %swap3A_1018] {strides = array<i32>} : memref<16x1280xf32, #tpu.memory_space<vmem>>, vector<1x16xf32>,
        %swap3A_1020 = vector.shape_cast %swap3A_1019 : vector<1x16xf32> to vector<16xf32>
        %swap3A_1021 = vector.shape_cast %add3A_1016 : vector<16xf32> to vector<1x16xf32>
        tpu.vector_store %arg11[%swap3A_1017, %swap3A_1018], %swap3A_1021 {strides = array<i32>} : memref<16x1280xf32, #tpu.memory_space<vmem>>, vector<1x16xf32>,
        %get3A_1022 = arith.index_cast %scan3A_863 : i32 to index
        %get3A_1023 = arith.constant 160 : index
        %get3A_1024 = tpu.vector_load %arg9[%get3A_1022, %get3A_1023] {strides = array<i32>} : memref<16x1280xf32, #tpu.memory_space<vmem>>, vector<1x16xf32>,
        %get3A_1025 = vector.shape_cast %get3A_1024 : vector<1x16xf32> to vector<16xf32>
        %add3A_1026 = arith.constant 16 : i32
        %add3A_1027 = arith.addi %add3A_1026, %scan3A_863 : i32
        %get3A_1028 = arith.index_cast %add3A_1027 : i32 to index
        %get3A_1029 = arith.constant 160 : index
        %get3A_1030 = tpu.vector_load %arg7[%get3A_1028, %get3A_1029] {strides = array<i32>} : memref<32x1280xf32, #tpu.memory_space<vmem>>, vector<1x16xf32>,
        %get3A_1031 = vector.shape_cast %get3A_1030 : vector<1x16xf32> to vector<16xf32>
        %add3A_1032 = arith.addf %get3A_1025, %get3A_1031 : vector<16xf32>
        %swap3A_1033 = arith.index_cast %scan3A_863 : i32 to index
        %swap3A_1034 = arith.constant 160 : index
        %swap3A_1035 = tpu.vector_load %arg11[%swap3A_1033, %swap3A_1034] {strides = array<i32>} : memref<16x1280xf32, #tpu.memory_space<vmem>>, vector<1x16xf32>,
        %swap3A_1036 = vector.shape_cast %swap3A_1035 : vector<1x16xf32> to vector<16xf32>
        %swap3A_1037 = vector.shape_cast %add3A_1032 : vector<16xf32> to vector<1x16xf32>
        tpu.vector_store %arg11[%swap3A_1033, %swap3A_1034], %swap3A_1037 {strides = array<i32>} : memref<16x1280xf32, #tpu.memory_space<vmem>>, vector<1x16xf32>,
        %get3A_1038 = arith.index_cast %scan3A_863 : i32 to index
        %get3A_1039 = arith.constant 176 : index
        %get3A_1040 = tpu.vector_load %arg9[%get3A_1038, %get3A_1039] {strides = array<i32>} : memref<16x1280xf32, #tpu.memory_space<vmem>>, vector<1x16xf32>,
        %get3A_1041 = vector.shape_cast %get3A_1040 : vector<1x16xf32> to vector<16xf32>
        %add3A_1042 = arith.constant 16 : i32
        %add3A_1043 = arith.addi %add3A_1042, %scan3A_863 : i32
        %get3A_1044 = arith.index_cast %add3A_1043 : i32 to index
        %get3A_1045 = arith.constant 176 : index
        %get3A_1046 = tpu.vector_load %arg7[%get3A_1044, %get3A_1045] {strides = array<i32>} : memref<32x1280xf32, #tpu.memory_space<vmem>>, vector<1x16xf32>,
        %get3A_1047 = vector.shape_cast %get3A_1046 : vector<1x16xf32> to vector<16xf32>
        %add3A_1048 = arith.addf %get3A_1041, %get3A_1047 : vector<16xf32>
        %swap3A_1049 = arith.index_cast %scan3A_863 : i32 to index
        %swap3A_1050 = arith.constant 176 : index
        %swap3A_1051 = tpu.vector_load %arg11[%swap3A_1049, %swap3A_1050] {strides = array<i32>} : memref<16x1280xf32, #tpu.memory_space<vmem>>, vector<1x16xf32>,
        %swap3A_1052 = vector.shape_cast %swap3A_1051 : vector<1x16xf32> to vector<16xf32>
        %swap3A_1053 = vector.shape_cast %add3A_1048 : vector<16xf32> to vector<1x16xf32>
        tpu.vector_store %arg11[%swap3A_1049, %swap3A_1050], %swap3A_1053 {strides = array<i32>} : memref<16x1280xf32, #tpu.memory_space<vmem>>, vector<1x16xf32>,
        %get3A_1054 = arith.index_cast %scan3A_863 : i32 to index
        %get3A_1055 = arith.constant 192 : index
        %get3A_1056 = tpu.vector_load %arg9[%get3A_1054, %get3A_1055] {strides = array<i32>} : memref<16x1280xf32, #tpu.memory_space<vmem>>, vector<1x16xf32>,
        %get3A_1057 = vector.shape_cast %get3A_1056 : vector<1x16xf32> to vector<16xf32>
        %add3A_1058 = arith.constant 16 : i32
        %add3A_1059 = arith.addi %add3A_1058, %scan3A_863 : i32
        %get3A_1060 = arith.index_cast %add3A_1059 : i32 to index
        %get3A_1061 = arith.constant 192 : index
        %get3A_1062 = tpu.vector_load %arg7[%get3A_1060, %get3A_1061] {strides = array<i32>} : memref<32x1280xf32, #tpu.memory_space<vmem>>, vector<1x16xf32>,
        %get3A_1063 = vector.shape_cast %get3A_1062 : vector<1x16xf32> to vector<16xf32>
        %add3A_1064 = arith.addf %get3A_1057, %get3A_1063 : vector<16xf32>
        %swap3A_1065 = arith.index_cast %scan3A_863 : i32 to index
        %swap3A_1066 = arith.constant 192 : index
        %swap3A_1067 = tpu.vector_load %arg11[%swap3A_1065, %swap3A_1066] {strides = array<i32>} : memref<16x1280xf32, #tpu.memory_space<vmem>>, vector<1x16xf32>,
        %swap3A_1068 = vector.shape_cast %swap3A_1067 : vector<1x16xf32> to vector<16xf32>
        %swap3A_1069 = vector.shape_cast %add3A_1064 : vector<16xf32> to vector<1x16xf32>
        tpu.vector_store %arg11[%swap3A_1065, %swap3A_1066], %swap3A_1069 {strides = array<i32>} : memref<16x1280xf32, #tpu.memory_space<vmem>>, vector<1x16xf32>,
        %get3A_1070 = arith.index_cast %scan3A_863 : i32 to index
        %get3A_1071 = arith.constant 208 : index
        %get3A_1072 = tpu.vector_load %arg9[%get3A_1070, %get3A_1071] {strides = array<i32>} : memref<16x1280xf32, #tpu.memory_space<vmem>>, vector<1x16xf32>,
        %get3A_1073 = vector.shape_cast %get3A_1072 : vector<1x16xf32> to vector<16xf32>
        %add3A_1074 = arith.constant 16 : i32
        %add3A_1075 = arith.addi %add3A_1074, %scan3A_863 : i32
        %get3A_1076 = arith.index_cast %add3A_1075 : i32 to index
        %get3A_1077 = arith.constant 208 : index
        %get3A_1078 = tpu.vector_load %arg7[%get3A_1076, %get3A_1077] {strides = array<i32>} : memref<32x1280xf32, #tpu.memory_space<vmem>>, vector<1x16xf32>,
        %get3A_1079 = vector.shape_cast %get3A_1078 : vector<1x16xf32> to vector<16xf32>
        %add3A_1080 = arith.addf %get3A_1073, %get3A_1079 : vector<16xf32>
        %swap3A_1081 = arith.index_cast %scan3A_863 : i32 to index
        %swap3A_1082 = arith.constant 208 : index
        %swap3A_1083 = tpu.vector_load %arg11[%swap3A_1081, %swap3A_1082] {strides = array<i32>} : memref<16x1280xf32, #tpu.memory_space<vmem>>, vector<1x16xf32>,
        %swap3A_1084 = vector.shape_cast %swap3A_1083 : vector<1x16xf32> to vector<16xf32>
        %swap3A_1085 = vector.shape_cast %add3A_1080 : vector<16xf32> to vector<1x16xf32>
        tpu.vector_store %arg11[%swap3A_1081, %swap3A_1082], %swap3A_1085 {strides = array<i32>} : memref<16x1280xf32, #tpu.memory_space<vmem>>, vector<1x16xf32>,
        %get3A_1086 = arith.index_cast %scan3A_863 : i32 to index
        %get3A_1087 = arith.constant 224 : index
        %get3A_1088 = tpu.vector_load %arg9[%get3A_1086, %get3A_1087] {strides = array<i32>} : memref<16x1280xf32, #tpu.memory_space<vmem>>, vector<1x16xf32>,
        %get3A_1089 = vector.shape_cast %get3A_1088 : vector<1x16xf32> to vector<16xf32>
        %add3A_1090 = arith.constant 16 : i32
        %add3A_1091 = arith.addi %add3A_1090, %scan3A_863 : i32
        %get3A_1092 = arith.index_cast %add3A_1091 : i32 to index
        %get3A_1093 = arith.constant 224 : index
        %get3A_1094 = tpu.vector_load %arg7[%get3A_1092, %get3A_1093] {strides = array<i32>} : memref<32x1280xf32, #tpu.memory_space<vmem>>, vector<1x16xf32>,
        %get3A_1095 = vector.shape_cast %get3A_1094 : vector<1x16xf32> to vector<16xf32>
        %add3A_1096 = arith.addf %get3A_1089, %get3A_1095 : vector<16xf32>
        %swap3A_1097 = arith.index_cast %scan3A_863 : i32 to index
        %swap3A_1098 = arith.constant 224 : index
        %swap3A_1099 = tpu.vector_load %arg11[%swap3A_1097, %swap3A_1098] {strides = array<i32>} : memref<16x1280xf32, #tpu.memory_space<vmem>>, vector<1x16xf32>,
        %swap3A_1100 = vector.shape_cast %swap3A_1099 : vector<1x16xf32> to vector<16xf32>
        %swap3A_1101 = vector.shape_cast %add3A_1096 : vector<16xf32> to vector<1x16xf32>
        tpu.vector_store %arg11[%swap3A_1097, %swap3A_1098], %swap3A_1101 {strides = array<i32>} : memref<16x1280xf32, #tpu.memory_space<vmem>>, vector<1x16xf32>,
        %get3A_1102 = arith.index_cast %scan3A_863 : i32 to index
        %get3A_1103 = arith.constant 240 : index
        %get3A_1104 = tpu.vector_load %arg9[%get3A_1102, %get3A_1103] {strides = array<i32>} : memref<16x1280xf32, #tpu.memory_space<vmem>>, vector<1x16xf32>,
        %get3A_1105 = vector.shape_cast %get3A_1104 : vector<1x16xf32> to vector<16xf32>
        %add3A_1106 = arith.constant 16 : i32
        %add3A_1107 = arith.addi %add3A_1106, %scan3A_863 : i32
        %get3A_1108 = arith.index_cast %add3A_1107 : i32 to index
        %get3A_1109 = arith.constant 240 : index
        %get3A_1110 = tpu.vector_load %arg7[%get3A_1108, %get3A_1109] {strides = array<i32>} : memref<32x1280xf32, #tpu.memory_space<vmem>>, vector<1x16xf32>,
        %get3A_1111 = vector.shape_cast %get3A_1110 : vector<1x16xf32> to vector<16xf32>
        %add3A_1112 = arith.addf %get3A_1105, %get3A_1111 : vector<16xf32>
        %swap3A_1113 = arith.index_cast %scan3A_863 : i32 to index
        %swap3A_1114 = arith.constant 240 : index
        %swap3A_1115 = tpu.vector_load %arg11[%swap3A_1113, %swap3A_1114] {strides = array<i32>} : memref<16x1280xf32, #tpu.memory_space<vmem>>, vector<1x16xf32>,
        %swap3A_1116 = vector.shape_cast %swap3A_1115 : vector<1x16xf32> to vector<16xf32>
        %swap3A_1117 = vector.shape_cast %add3A_1112 : vector<16xf32> to vector<1x16xf32>
        tpu.vector_store %arg11[%swap3A_1113, %swap3A_1114], %swap3A_1117 {strides = array<i32>} : memref<16x1280xf32, #tpu.memory_space<vmem>>, vector<1x16xf32>,
        %get3A_1118 = arith.index_cast %scan3A_863 : i32 to index
        %get3A_1119 = arith.constant 256 : index
        %get3A_1120 = tpu.vector_load %arg9[%get3A_1118, %get3A_1119] {strides = array<i32>} : memref<16x1280xf32, #tpu.memory_space<vmem>>, vector<1x16xf32>,
        %get3A_1121 = vector.shape_cast %get3A_1120 : vector<1x16xf32> to vector<16xf32>
        %add3A_1122 = arith.constant 16 : i32
        %add3A_1123 = arith.addi %add3A_1122, %scan3A_863 : i32
        %get3A_1124 = arith.index_cast %add3A_1123 : i32 to index
        %get3A_1125 = arith.constant 256 : index
        %get3A_1126 = tpu.vector_load %arg7[%get3A_1124, %get3A_1125] {strides = array<i32>} : memref<32x1280xf32, #tpu.memory_space<vmem>>, vector<1x16xf32>,
        %get3A_1127 = vector.shape_cast %get3A_1126 : vector<1x16xf32> to vector<16xf32>
        %add3A_1128 = arith.addf %get3A_1121, %get3A_1127 : vector<16xf32>
        %swap3A_1129 = arith.index_cast %scan3A_863 : i32 to index
        %swap3A_1130 = arith.constant 256 : index
        %swap3A_1131 = tpu.vector_load %arg11[%swap3A_1129, %swap3A_1130] {strides = array<i32>} : memref<16x1280xf32, #tpu.memory_space<vmem>>, vector<1x16xf32>,
        %swap3A_1132 = vector.shape_cast %swap3A_1131 : vector<1x16xf32> to vector<16xf32>
        %swap3A_1133 = vector.shape_cast %add3A_1128 : vector<16xf32> to vector<1x16xf32>
        tpu.vector_store %arg11[%swap3A_1129, %swap3A_1130], %swap3A_1133 {strides = array<i32>} : memref<16x1280xf32, #tpu.memory_space<vmem>>, vector<1x16xf32>,
        %get3A_1134 = arith.index_cast %scan3A_863 : i32 to index
        %get3A_1135 = arith.constant 272 : index
        %get3A_1136 = tpu.vector_load %arg9[%get3A_1134, %get3A_1135] {strides = array<i32>} : memref<16x1280xf32, #tpu.memory_space<vmem>>, vector<1x16xf32>,
        %get3A_1137 = vector.shape_cast %get3A_1136 : vector<1x16xf32> to vector<16xf32>
        %add3A_1138 = arith.constant 16 : i32
        %add3A_1139 = arith.addi %add3A_1138, %scan3A_863 : i32
        %get3A_1140 = arith.index_cast %add3A_1139 : i32 to index
        %get3A_1141 = arith.constant 272 : index
        %get3A_1142 = tpu.vector_load %arg7[%get3A_1140, %get3A_1141] {strides = array<i32>} : memref<32x1280xf32, #tpu.memory_space<vmem>>, vector<1x16xf32>,
        %get3A_1143 = vector.shape_cast %get3A_1142 : vector<1x16xf32> to vector<16xf32>
        %add3A_1144 = arith.addf %get3A_1137, %get3A_1143 : vector<16xf32>
        %swap3A_1145 = arith.index_cast %scan3A_863 : i32 to index
        %swap3A_1146 = arith.constant 272 : index
        %swap3A_1147 = tpu.vector_load %arg11[%swap3A_1145, %swap3A_1146] {strides = array<i32>} : memref<16x1280xf32, #tpu.memory_space<vmem>>, vector<1x16xf32>,
        %swap3A_1148 = vector.shape_cast %swap3A_1147 : vector<1x16xf32> to vector<16xf32>
        %swap3A_1149 = vector.shape_cast %add3A_1144 : vector<16xf32> to vector<1x16xf32>
        tpu.vector_store %arg11[%swap3A_1145, %swap3A_1146], %swap3A_1149 {strides = array<i32>} : memref<16x1280xf32, #tpu.memory_space<vmem>>, vector<1x16xf32>,
        %get3A_1150 = arith.index_cast %scan3A_863 : i32 to index
        %get3A_1151 = arith.constant 288 : index
        %get3A_1152 = tpu.vector_load %arg9[%get3A_1150, %get3A_1151] {strides = array<i32>} : memref<16x1280xf32, #tpu.memory_space<vmem>>, vector<1x16xf32>,
        %get3A_1153 = vector.shape_cast %get3A_1152 : vector<1x16xf32> to vector<16xf32>
        %add3A_1154 = arith.constant 16 : i32
        %add3A_1155 = arith.addi %add3A_1154, %scan3A_863 : i32
        %get3A_1156 = arith.index_cast %add3A_1155 : i32 to index
        %get3A_1157 = arith.constant 288 : index
        %get3A_1158 = tpu.vector_load %arg7[%get3A_1156, %get3A_1157] {strides = array<i32>} : memref<32x1280xf32, #tpu.memory_space<vmem>>, vector<1x16xf32>,
        %get3A_1159 = vector.shape_cast %get3A_1158 : vector<1x16xf32> to vector<16xf32>
        %add3A_1160 = arith.addf %get3A_1153, %get3A_1159 : vector<16xf32>
        %swap3A_1161 = arith.index_cast %scan3A_863 : i32 to index
        %swap3A_1162 = arith.constant 288 : index
        %swap3A_1163 = tpu.vector_load %arg11[%swap3A_1161, %swap3A_1162] {strides = array<i32>} : memref<16x1280xf32, #tpu.memory_space<vmem>>, vector<1x16xf32>,
        %swap3A_1164 = vector.shape_cast %swap3A_1163 : vector<1x16xf32> to vector<16xf32>
        %swap3A_1165 = vector.shape_cast %add3A_1160 : vector<16xf32> to vector<1x16xf32>
        tpu.vector_store %arg11[%swap3A_1161, %swap3A_1162], %swap3A_1165 {strides = array<i32>} : memref<16x1280xf32, #tpu.memory_space<vmem>>, vector<1x16xf32>,
        %get3A_1166 = arith.index_cast %scan3A_863 : i32 to index
        %get3A_1167 = arith.constant 304 : index
        %get3A_1168 = tpu.vector_load %arg9[%get3A_1166, %get3A_1167] {strides = array<i32>} : memref<16x1280xf32, #tpu.memory_space<vmem>>, vector<1x16xf32>,
        %get3A_1169 = vector.shape_cast %get3A_1168 : vector<1x16xf32> to vector<16xf32>
        %add3A_1170 = arith.constant 16 : i32
        %add3A_1171 = arith.addi %add3A_1170, %scan3A_863 : i32
        %get3A_1172 = arith.index_cast %add3A_1171 : i32 to index
        %get3A_1173 = arith.constant 304 : index
        %get3A_1174 = tpu.vector_load %arg7[%get3A_1172, %get3A_1173] {strides = array<i32>} : memref<32x1280xf32, #tpu.memory_space<vmem>>, vector<1x16xf32>,
        %get3A_1175 = vector.shape_cast %get3A_1174 : vector<1x16xf32> to vector<16xf32>
        %add3A_1176 = arith.addf %get3A_1169, %get3A_1175 : vector<16xf32>
        %swap3A_1177 = arith.index_cast %scan3A_863 : i32 to index
        %swap3A_1178 = arith.constant 304 : index
        %swap3A_1179 = tpu.vector_load %arg11[%swap3A_1177, %swap3A_1178] {strides = array<i32>} : memref<16x1280xf32, #tpu.memory_space<vmem>>, vector<1x16xf32>,
        %swap3A_1180 = vector.shape_cast %swap3A_1179 : vector<1x16xf32> to vector<16xf32>
        %swap3A_1181 = vector.shape_cast %add3A_1176 : vector<16xf32> to vector<1x16xf32>
        tpu.vector_store %arg11[%swap3A_1177, %swap3A_1178], %swap3A_1181 {strides = array<i32>} : memref<16x1280xf32, #tpu.memory_space<vmem>>, vector<1x16xf32>,
        %get3A_1182 = arith.index_cast %scan3A_863 : i32 to index
        %get3A_1183 = arith.constant 320 : index
        %get3A_1184 = tpu.vector_load %arg9[%get3A_1182, %get3A_1183] {strides = array<i32>} : memref<16x1280xf32, #tpu.memory_space<vmem>>, vector<1x16xf32>,
        %get3A_1185 = vector.shape_cast %get3A_1184 : vector<1x16xf32> to vector<16xf32>
        %add3A_1186 = arith.constant 16 : i32
        %add3A_1187 = arith.addi %add3A_1186, %scan3A_863 : i32
        %get3A_1188 = arith.index_cast %add3A_1187 : i32 to index
        %get3A_1189 = arith.constant 320 : index
        %get3A_1190 = tpu.vector_load %arg7[%get3A_1188, %get3A_1189] {strides = array<i32>} : memref<32x1280xf32, #tpu.memory_space<vmem>>, vector<1x16xf32>,
        %get3A_1191 = vector.shape_cast %get3A_1190 : vector<1x16xf32> to vector<16xf32>
        %add3A_1192 = arith.addf %get3A_1185, %get3A_1191 : vector<16xf32>
        %swap3A_1193 = arith.index_cast %scan3A_863 : i32 to index
        %swap3A_1194 = arith.constant 320 : index
        %swap3A_1195 = tpu.vector_load %arg11[%swap3A_1193, %swap3A_1194] {strides = array<i32>} : memref<16x1280xf32, #tpu.memory_space<vmem>>, vector<1x16xf32>,
        %swap3A_1196 = vector.shape_cast %swap3A_1195 : vector<1x16xf32> to vector<16xf32>
        %swap3A_1197 = vector.shape_cast %add3A_1192 : vector<16xf32> to vector<1x16xf32>
        tpu.vector_store %arg11[%swap3A_1193, %swap3A_1194], %swap3A_1197 {strides = array<i32>} : memref<16x1280xf32, #tpu.memory_space<vmem>>, vector<1x16xf32>,
        %get3A_1198 = arith.index_cast %scan3A_863 : i32 to index
        %get3A_1199 = arith.constant 336 : index
        %get3A_1200 = tpu.vector_load %arg9[%get3A_1198, %get3A_1199] {strides = array<i32>} : memref<16x1280xf32, #tpu.memory_space<vmem>>, vector<1x16xf32>,
        %get3A_1201 = vector.shape_cast %get3A_1200 : vector<1x16xf32> to vector<16xf32>
        %add3A_1202 = arith.constant 16 : i32
        %add3A_1203 = arith.addi %add3A_1202, %scan3A_863 : i32
        %get3A_1204 = arith.index_cast %add3A_1203 : i32 to index
        %get3A_1205 = arith.constant 336 : index
        %get3A_1206 = tpu.vector_load %arg7[%get3A_1204, %get3A_1205] {strides = array<i32>} : memref<32x1280xf32, #tpu.memory_space<vmem>>, vector<1x16xf32>,
        %get3A_1207 = vector.shape_cast %get3A_1206 : vector<1x16xf32> to vector<16xf32>
        %add3A_1208 = arith.addf %get3A_1201, %get3A_1207 : vector<16xf32>
        %swap3A_1209 = arith.index_cast %scan3A_863 : i32 to index
        %swap3A_1210 = arith.constant 336 : index
        %swap3A_1211 = tpu.vector_load %arg11[%swap3A_1209, %swap3A_1210] {strides = array<i32>} : memref<16x1280xf32, #tpu.memory_space<vmem>>, vector<1x16xf32>,
        %swap3A_1212 = vector.shape_cast %swap3A_1211 : vector<1x16xf32> to vector<16xf32>
        %swap3A_1213 = vector.shape_cast %add3A_1208 : vector<16xf32> to vector<1x16xf32>
        tpu.vector_store %arg11[%swap3A_1209, %swap3A_1210], %swap3A_1213 {strides = array<i32>} : memref<16x1280xf32, #tpu.memory_space<vmem>>, vector<1x16xf32>,
        %get3A_1214 = arith.index_cast %scan3A_863 : i32 to index
        %get3A_1215 = arith.constant 352 : index
        %get3A_1216 = tpu.vector_load %arg9[%get3A_1214, %get3A_1215] {strides = array<i32>} : memref<16x1280xf32, #tpu.memory_space<vmem>>, vector<1x16xf32>,
        %get3A_1217 = vector.shape_cast %get3A_1216 : vector<1x16xf32> to vector<16xf32>
        %add3A_1218 = arith.constant 16 : i32
        %add3A_1219 = arith.addi %add3A_1218, %scan3A_863 : i32
        %get3A_1220 = arith.index_cast %add3A_1219 : i32 to index
        %get3A_1221 = arith.constant 352 : index
        %get3A_1222 = tpu.vector_load %arg7[%get3A_1220, %get3A_1221] {strides = array<i32>} : memref<32x1280xf32, #tpu.memory_space<vmem>>, vector<1x16xf32>,
        %get3A_1223 = vector.shape_cast %get3A_1222 : vector<1x16xf32> to vector<16xf32>
        %add3A_1224 = arith.addf %get3A_1217, %get3A_1223 : vector<16xf32>
        %swap3A_1225 = arith.index_cast %scan3A_863 : i32 to index
        %swap3A_1226 = arith.constant 352 : index
        %swap3A_1227 = tpu.vector_load %arg11[%swap3A_1225, %swap3A_1226] {strides = array<i32>} : memref<16x1280xf32, #tpu.memory_space<vmem>>, vector<1x16xf32>,
        %swap3A_1228 = vector.shape_cast %swap3A_1227 : vector<1x16xf32> to vector<16xf32>
        %swap3A_1229 = vector.shape_cast %add3A_1224 : vector<16xf32> to vector<1x16xf32>
        tpu.vector_store %arg11[%swap3A_1225, %swap3A_1226], %swap3A_1229 {strides = array<i32>} : memref<16x1280xf32, #tpu.memory_space<vmem>>, vector<1x16xf32>,
        %get3A_1230 = arith.index_cast %scan3A_863 : i32 to index
        %get3A_1231 = arith.constant 368 : index
        %get3A_1232 = tpu.vector_load %arg9[%get3A_1230, %get3A_1231] {strides = array<i32>} : memref<16x1280xf32, #tpu.memory_space<vmem>>, vector<1x16xf32>,
        %get3A_1233 = vector.shape_cast %get3A_1232 : vector<1x16xf32> to vector<16xf32>
        %add3A_1234 = arith.constant 16 : i32
        %add3A_1235 = arith.addi %add3A_1234, %scan3A_863 : i32
        %get3A_1236 = arith.index_cast %add3A_1235 : i32 to index
        %get3A_1237 = arith.constant 368 : index
        %get3A_1238 = tpu.vector_load %arg7[%get3A_1236, %get3A_1237] {strides = array<i32>} : memref<32x1280xf32, #tpu.memory_space<vmem>>, vector<1x16xf32>,
        %get3A_1239 = vector.shape_cast %get3A_1238 : vector<1x16xf32> to vector<16xf32>
        %add3A_1240 = arith.addf %get3A_1233, %get3A_1239 : vector<16xf32>
        %swap3A_1241 = arith.index_cast %scan3A_863 : i32 to index
        %swap3A_1242 = arith.constant 368 : index
        %swap3A_1243 = tpu.vector_load %arg11[%swap3A_1241, %swap3A_1242] {strides = array<i32>} : memref<16x1280xf32, #tpu.memory_space<vmem>>, vector<1x16xf32>,
        %swap3A_1244 = vector.shape_cast %swap3A_1243 : vector<1x16xf32> to vector<16xf32>
        %swap3A_1245 = vector.shape_cast %add3A_1240 : vector<16xf32> to vector<1x16xf32>
        tpu.vector_store %arg11[%swap3A_1241, %swap3A_1242], %swap3A_1245 {strides = array<i32>} : memref<16x1280xf32, #tpu.memory_space<vmem>>, vector<1x16xf32>,
        %get3A_1246 = arith.index_cast %scan3A_863 : i32 to index
        %get3A_1247 = arith.constant 384 : index
        %get3A_1248 = tpu.vector_load %arg9[%get3A_1246, %get3A_1247] {strides = array<i32>} : memref<16x1280xf32, #tpu.memory_space<vmem>>, vector<1x16xf32>,
        %get3A_1249 = vector.shape_cast %get3A_1248 : vector<1x16xf32> to vector<16xf32>
        %add3A_1250 = arith.constant 16 : i32
        %add3A_1251 = arith.addi %add3A_1250, %scan3A_863 : i32
        %get3A_1252 = arith.index_cast %add3A_1251 : i32 to index
        %get3A_1253 = arith.constant 384 : index
        %get3A_1254 = tpu.vector_load %arg7[%get3A_1252, %get3A_1253] {strides = array<i32>} : memref<32x1280xf32, #tpu.memory_space<vmem>>, vector<1x16xf32>,
        %get3A_1255 = vector.shape_cast %get3A_1254 : vector<1x16xf32> to vector<16xf32>
        %add3A_1256 = arith.addf %get3A_1249, %get3A_1255 : vector<16xf32>
        %swap3A_1257 = arith.index_cast %scan3A_863 : i32 to index
        %swap3A_1258 = arith.constant 384 : index
        %swap3A_1259 = tpu.vector_load %arg11[%swap3A_1257, %swap3A_1258] {strides = array<i32>} : memref<16x1280xf32, #tpu.memory_space<vmem>>, vector<1x16xf32>,
        %swap3A_1260 = vector.shape_cast %swap3A_1259 : vector<1x16xf32> to vector<16xf32>
        %swap3A_1261 = vector.shape_cast %add3A_1256 : vector<16xf32> to vector<1x16xf32>
        tpu.vector_store %arg11[%swap3A_1257, %swap3A_1258], %swap3A_1261 {strides = array<i32>} : memref<16x1280xf32, #tpu.memory_space<vmem>>, vector<1x16xf32>,
        %get3A_1262 = arith.index_cast %scan3A_863 : i32 to index
        %get3A_1263 = arith.constant 400 : index
        %get3A_1264 = tpu.vector_load %arg9[%get3A_1262, %get3A_1263] {strides = array<i32>} : memref<16x1280xf32, #tpu.memory_space<vmem>>, vector<1x16xf32>,
        %get3A_1265 = vector.shape_cast %get3A_1264 : vector<1x16xf32> to vector<16xf32>
        %add3A_1266 = arith.constant 16 : i32
        %add3A_1267 = arith.addi %add3A_1266, %scan3A_863 : i32
        %get3A_1268 = arith.index_cast %add3A_1267 : i32 to index
        %get3A_1269 = arith.constant 400 : index
        %get3A_1270 = tpu.vector_load %arg7[%get3A_1268, %get3A_1269] {strides = array<i32>} : memref<32x1280xf32, #tpu.memory_space<vmem>>, vector<1x16xf32>,
        %get3A_1271 = vector.shape_cast %get3A_1270 : vector<1x16xf32> to vector<16xf32>
        %add3A_1272 = arith.addf %get3A_1265, %get3A_1271 : vector<16xf32>
        %swap3A_1273 = arith.index_cast %scan3A_863 : i32 to index
        %swap3A_1274 = arith.constant 400 : index
        %swap3A_1275 = tpu.vector_load %arg11[%swap3A_1273, %swap3A_1274] {strides = array<i32>} : memref<16x1280xf32, #tpu.memory_space<vmem>>, vector<1x16xf32>,
        %swap3A_1276 = vector.shape_cast %swap3A_1275 : vector<1x16xf32> to vector<16xf32>
        %swap3A_1277 = vector.shape_cast %add3A_1272 : vector<16xf32> to vector<1x16xf32>
        tpu.vector_store %arg11[%swap3A_1273, %swap3A_1274], %swap3A_1277 {strides = array<i32>} : memref<16x1280xf32, #tpu.memory_space<vmem>>, vector<1x16xf32>,
        %get3A_1278 = arith.index_cast %scan3A_863 : i32 to index
        %get3A_1279 = arith.constant 416 : index
        %get3A_1280 = tpu.vector_load %arg9[%get3A_1278, %get3A_1279] {strides = array<i32>} : memref<16x1280xf32, #tpu.memory_space<vmem>>, vector<1x16xf32>,
        %get3A_1281 = vector.shape_cast %get3A_1280 : vector<1x16xf32> to vector<16xf32>
        %add3A_1282 = arith.constant 16 : i32
        %add3A_1283 = arith.addi %add3A_1282, %scan3A_863 : i32
        %get3A_1284 = arith.index_cast %add3A_1283 : i32 to index
        %get3A_1285 = arith.constant 416 : index
        %get3A_1286 = tpu.vector_load %arg7[%get3A_1284, %get3A_1285] {strides = array<i32>} : memref<32x1280xf32, #tpu.memory_space<vmem>>, vector<1x16xf32>,
        %get3A_1287 = vector.shape_cast %get3A_1286 : vector<1x16xf32> to vector<16xf32>
        %add3A_1288 = arith.addf %get3A_1281, %get3A_1287 : vector<16xf32>
        %swap3A_1289 = arith.index_cast %scan3A_863 : i32 to index
        %swap3A_1290 = arith.constant 416 : index
        %swap3A_1291 = tpu.vector_load %arg11[%swap3A_1289, %swap3A_1290] {strides = array<i32>} : memref<16x1280xf32, #tpu.memory_space<vmem>>, vector<1x16xf32>,
        %swap3A_1292 = vector.shape_cast %swap3A_1291 : vector<1x16xf32> to vector<16xf32>
        %swap3A_1293 = vector.shape_cast %add3A_1288 : vector<16xf32> to vector<1x16xf32>
        tpu.vector_store %arg11[%swap3A_1289, %swap3A_1290], %swap3A_1293 {strides = array<i32>} : memref<16x1280xf32, #tpu.memory_space<vmem>>, vector<1x16xf32>,
        %get3A_1294 = arith.index_cast %scan3A_863 : i32 to index
        %get3A_1295 = arith.constant 432 : index
        %get3A_1296 = tpu.vector_load %arg9[%get3A_1294, %get3A_1295] {strides = array<i32>} : memref<16x1280xf32, #tpu.memory_space<vmem>>, vector<1x16xf32>,
        %get3A_1297 = vector.shape_cast %get3A_1296 : vector<1x16xf32> to vector<16xf32>
        %add3A_1298 = arith.constant 16 : i32
        %add3A_1299 = arith.addi %add3A_1298, %scan3A_863 : i32
        %get3A_1300 = arith.index_cast %add3A_1299 : i32 to index
        %get3A_1301 = arith.constant 432 : index
        %get3A_1302 = tpu.vector_load %arg7[%get3A_1300, %get3A_1301] {strides = array<i32>} : memref<32x1280xf32, #tpu.memory_space<vmem>>, vector<1x16xf32>,
        %get3A_1303 = vector.shape_cast %get3A_1302 : vector<1x16xf32> to vector<16xf32>
        %add3A_1304 = arith.addf %get3A_1297, %get3A_1303 : vector<16xf32>
        %swap3A_1305 = arith.index_cast %scan3A_863 : i32 to index
        %swap3A_1306 = arith.constant 432 : index
        %swap3A_1307 = tpu.vector_load %arg11[%swap3A_1305, %swap3A_1306] {strides = array<i32>} : memref<16x1280xf32, #tpu.memory_space<vmem>>, vector<1x16xf32>,
        %swap3A_1308 = vector.shape_cast %swap3A_1307 : vector<1x16xf32> to vector<16xf32>
        %swap3A_1309 = vector.shape_cast %add3A_1304 : vector<16xf32> to vector<1x16xf32>
        tpu.vector_store %arg11[%swap3A_1305, %swap3A_1306], %swap3A_1309 {strides = array<i32>} : memref<16x1280xf32, #tpu.memory_space<vmem>>, vector<1x16xf32>,
        %get3A_1310 = arith.index_cast %scan3A_863 : i32 to index
        %get3A_1311 = arith.constant 448 : index
        %get3A_1312 = tpu.vector_load %arg9[%get3A_1310, %get3A_1311] {strides = array<i32>} : memref<16x1280xf32, #tpu.memory_space<vmem>>, vector<1x16xf32>,
        %get3A_1313 = vector.shape_cast %get3A_1312 : vector<1x16xf32> to vector<16xf32>
        %add3A_1314 = arith.constant 16 : i32
        %add3A_1315 = arith.addi %add3A_1314, %scan3A_863 : i32
        %get3A_1316 = arith.index_cast %add3A_1315 : i32 to index
        %get3A_1317 = arith.constant 448 : index
        %get3A_1318 = tpu.vector_load %arg7[%get3A_1316, %get3A_1317] {strides = array<i32>} : memref<32x1280xf32, #tpu.memory_space<vmem>>, vector<1x16xf32>,
        %get3A_1319 = vector.shape_cast %get3A_1318 : vector<1x16xf32> to vector<16xf32>
        %add3A_1320 = arith.addf %get3A_1313, %get3A_1319 : vector<16xf32>
        %swap3A_1321 = arith.index_cast %scan3A_863 : i32 to index
        %swap3A_1322 = arith.constant 448 : index
        %swap3A_1323 = tpu.vector_load %arg11[%swap3A_1321, %swap3A_1322] {strides = array<i32>} : memref<16x1280xf32, #tpu.memory_space<vmem>>, vector<1x16xf32>,
        %swap3A_1324 = vector.shape_cast %swap3A_1323 : vector<1x16xf32> to vector<16xf32>
        %swap3A_1325 = vector.shape_cast %add3A_1320 : vector<16xf32> to vector<1x16xf32>
        tpu.vector_store %arg11[%swap3A_1321, %swap3A_1322], %swap3A_1325 {strides = array<i32>} : memref<16x1280xf32, #tpu.memory_space<vmem>>, vector<1x16xf32>,
        %get3A_1326 = arith.index_cast %scan3A_863 : i32 to index
        %get3A_1327 = arith.constant 464 : index
        %get3A_1328 = tpu.vector_load %arg9[%get3A_1326, %get3A_1327] {strides = array<i32>} : memref<16x1280xf32, #tpu.memory_space<vmem>>, vector<1x16xf32>,
        %get3A_1329 = vector.shape_cast %get3A_1328 : vector<1x16xf32> to vector<16xf32>
        %add3A_1330 = arith.constant 16 : i32
        %add3A_1331 = arith.addi %add3A_1330, %scan3A_863 : i32
        %get3A_1332 = arith.index_cast %add3A_1331 : i32 to index
        %get3A_1333 = arith.constant 464 : index
        %get3A_1334 = tpu.vector_load %arg7[%get3A_1332, %get3A_1333] {strides = array<i32>} : memref<32x1280xf32, #tpu.memory_space<vmem>>, vector<1x16xf32>,
        %get3A_1335 = vector.shape_cast %get3A_1334 : vector<1x16xf32> to vector<16xf32>
        %add3A_1336 = arith.addf %get3A_1329, %get3A_1335 : vector<16xf32>
        %swap3A_1337 = arith.index_cast %scan3A_863 : i32 to index
        %swap3A_1338 = arith.constant 464 : index
        %swap3A_1339 = tpu.vector_load %arg11[%swap3A_1337, %swap3A_1338] {strides = array<i32>} : memref<16x1280xf32, #tpu.memory_space<vmem>>, vector<1x16xf32>,
        %swap3A_1340 = vector.shape_cast %swap3A_1339 : vector<1x16xf32> to vector<16xf32>
        %swap3A_1341 = vector.shape_cast %add3A_1336 : vector<16xf32> to vector<1x16xf32>
        tpu.vector_store %arg11[%swap3A_1337, %swap3A_1338], %swap3A_1341 {strides = array<i32>} : memref<16x1280xf32, #tpu.memory_space<vmem>>, vector<1x16xf32>,
        %get3A_1342 = arith.index_cast %scan3A_863 : i32 to index
        %get3A_1343 = arith.constant 480 : index
        %get3A_1344 = tpu.vector_load %arg9[%get3A_1342, %get3A_1343] {strides = array<i32>} : memref<16x1280xf32, #tpu.memory_space<vmem>>, vector<1x16xf32>,
        %get3A_1345 = vector.shape_cast %get3A_1344 : vector<1x16xf32> to vector<16xf32>
        %add3A_1346 = arith.constant 16 : i32
        %add3A_1347 = arith.addi %add3A_1346, %scan3A_863 : i32
        %get3A_1348 = arith.index_cast %add3A_1347 : i32 to index
        %get3A_1349 = arith.constant 480 : index
        %get3A_1350 = tpu.vector_load %arg7[%get3A_1348, %get3A_1349] {strides = array<i32>} : memref<32x1280xf32, #tpu.memory_space<vmem>>, vector<1x16xf32>,
        %get3A_1351 = vector.shape_cast %get3A_1350 : vector<1x16xf32> to vector<16xf32>
        %add3A_1352 = arith.addf %get3A_1345, %get3A_1351 : vector<16xf32>
        %swap3A_1353 = arith.index_cast %scan3A_863 : i32 to index
        %swap3A_1354 = arith.constant 480 : index
        %swap3A_1355 = tpu.vector_load %arg11[%swap3A_1353, %swap3A_1354] {strides = array<i32>} : memref<16x1280xf32, #tpu.memory_space<vmem>>, vector<1x16xf32>,
        %swap3A_1356 = vector.shape_cast %swap3A_1355 : vector<1x16xf32> to vector<16xf32>
        %swap3A_1357 = vector.shape_cast %add3A_1352 : vector<16xf32> to vector<1x16xf32>
        tpu.vector_store %arg11[%swap3A_1353, %swap3A_1354], %swap3A_1357 {strides = array<i32>} : memref<16x1280xf32, #tpu.memory_space<vmem>>, vector<1x16xf32>,
        %get3A_1358 = arith.index_cast %scan3A_863 : i32 to index
        %get3A_1359 = arith.constant 496 : index
        %get3A_1360 = tpu.vector_load %arg9[%get3A_1358, %get3A_1359] {strides = array<i32>} : memref<16x1280xf32, #tpu.memory_space<vmem>>, vector<1x16xf32>,
        %get3A_1361 = vector.shape_cast %get3A_1360 : vector<1x16xf32> to vector<16xf32>
        %add3A_1362 = arith.constant 16 : i32
        %add3A_1363 = arith.addi %add3A_1362, %scan3A_863 : i32
        %get3A_1364 = arith.index_cast %add3A_1363 : i32 to index
        %get3A_1365 = arith.constant 496 : index
        %get3A_1366 = tpu.vector_load %arg7[%get3A_1364, %get3A_1365] {strides = array<i32>} : memref<32x1280xf32, #tpu.memory_space<vmem>>, vector<1x16xf32>,
        %get3A_1367 = vector.shape_cast %get3A_1366 : vector<1x16xf32> to vector<16xf32>
        %add3A_1368 = arith.addf %get3A_1361, %get3A_1367 : vector<16xf32>
        %swap3A_1369 = arith.index_cast %scan3A_863 : i32 to index
        %swap3A_1370 = arith.constant 496 : index
        %swap3A_1371 = tpu.vector_load %arg11[%swap3A_1369, %swap3A_1370] {strides = array<i32>} : memref<16x1280xf32, #tpu.memory_space<vmem>>, vector<1x16xf32>,
        %swap3A_1372 = vector.shape_cast %swap3A_1371 : vector<1x16xf32> to vector<16xf32>
        %swap3A_1373 = vector.shape_cast %add3A_1368 : vector<16xf32> to vector<1x16xf32>
        tpu.vector_store %arg11[%swap3A_1369, %swap3A_1370], %swap3A_1373 {strides = array<i32>} : memref<16x1280xf32, #tpu.memory_space<vmem>>, vector<1x16xf32>,
        %get3A_1374 = arith.index_cast %scan3A_863 : i32 to index
        %get3A_1375 = arith.constant 512 : index
        %get3A_1376 = tpu.vector_load %arg9[%get3A_1374, %get3A_1375] {strides = array<i32>} : memref<16x1280xf32, #tpu.memory_space<vmem>>, vector<1x16xf32>,
        %get3A_1377 = vector.shape_cast %get3A_1376 : vector<1x16xf32> to vector<16xf32>
        %add3A_1378 = arith.constant 16 : i32
        %add3A_1379 = arith.addi %add3A_1378, %scan3A_863 : i32
        %get3A_1380 = arith.index_cast %add3A_1379 : i32 to index
        %get3A_1381 = arith.constant 512 : index
        %get3A_1382 = tpu.vector_load %arg7[%get3A_1380, %get3A_1381] {strides = array<i32>} : memref<32x1280xf32, #tpu.memory_space<vmem>>, vector<1x16xf32>,
        %get3A_1383 = vector.shape_cast %get3A_1382 : vector<1x16xf32> to vector<16xf32>
        %add3A_1384 = arith.addf %get3A_1377, %get3A_1383 : vector<16xf32>
        %swap3A_1385 = arith.index_cast %scan3A_863 : i32 to index
        %swap3A_1386 = arith.constant 512 : index
        %swap3A_1387 = tpu.vector_load %arg11[%swap3A_1385, %swap3A_1386] {strides = array<i32>} : memref<16x1280xf32, #tpu.memory_space<vmem>>, vector<1x16xf32>,
        %swap3A_1388 = vector.shape_cast %swap3A_1387 : vector<1x16xf32> to vector<16xf32>
        %swap3A_1389 = vector.shape_cast %add3A_1384 : vector<16xf32> to vector<1x16xf32>
        tpu.vector_store %arg11[%swap3A_1385, %swap3A_1386], %swap3A_1389 {strides = array<i32>} : memref<16x1280xf32, #tpu.memory_space<vmem>>, vector<1x16xf32>,
        %get3A_1390 = arith.index_cast %scan3A_863 : i32 to index
        %get3A_1391 = arith.constant 528 : index
        %get3A_1392 = tpu.vector_load %arg9[%get3A_1390, %get3A_1391] {strides = array<i32>} : memref<16x1280xf32, #tpu.memory_space<vmem>>, vector<1x16xf32>,
        %get3A_1393 = vector.shape_cast %get3A_1392 : vector<1x16xf32> to vector<16xf32>
        %add3A_1394 = arith.constant 16 : i32
        %add3A_1395 = arith.addi %add3A_1394, %scan3A_863 : i32
        %get3A_1396 = arith.index_cast %add3A_1395 : i32 to index
        %get3A_1397 = arith.constant 528 : index
        %get3A_1398 = tpu.vector_load %arg7[%get3A_1396, %get3A_1397] {strides = array<i32>} : memref<32x1280xf32, #tpu.memory_space<vmem>>, vector<1x16xf32>,
        %get3A_1399 = vector.shape_cast %get3A_1398 : vector<1x16xf32> to vector<16xf32>
        %add3A_1400 = arith.addf %get3A_1393, %get3A_1399 : vector<16xf32>
        %swap3A_1401 = arith.index_cast %scan3A_863 : i32 to index
        %swap3A_1402 = arith.constant 528 : index
        %swap3A_1403 = tpu.vector_load %arg11[%swap3A_1401, %swap3A_1402] {strides = array<i32>} : memref<16x1280xf32, #tpu.memory_space<vmem>>, vector<1x16xf32>,
        %swap3A_1404 = vector.shape_cast %swap3A_1403 : vector<1x16xf32> to vector<16xf32>
        %swap3A_1405 = vector.shape_cast %add3A_1400 : vector<16xf32> to vector<1x16xf32>
        tpu.vector_store %arg11[%swap3A_1401, %swap3A_1402], %swap3A_1405 {strides = array<i32>} : memref<16x1280xf32, #tpu.memory_space<vmem>>, vector<1x16xf32>,
        %get3A_1406 = arith.index_cast %scan3A_863 : i32 to index
        %get3A_1407 = arith.constant 544 : index
        %get3A_1408 = tpu.vector_load %arg9[%get3A_1406, %get3A_1407] {strides = array<i32>} : memref<16x1280xf32, #tpu.memory_space<vmem>>, vector<1x16xf32>,
        %get3A_1409 = vector.shape_cast %get3A_1408 : vector<1x16xf32> to vector<16xf32>
        %add3A_1410 = arith.constant 16 : i32
        %add3A_1411 = arith.addi %add3A_1410, %scan3A_863 : i32
        %get3A_1412 = arith.index_cast %add3A_1411 : i32 to index
        %get3A_1413 = arith.constant 544 : index
        %get3A_1414 = tpu.vector_load %arg7[%get3A_1412, %get3A_1413] {strides = array<i32>} : memref<32x1280xf32, #tpu.memory_space<vmem>>, vector<1x16xf32>,
        %get3A_1415 = vector.shape_cast %get3A_1414 : vector<1x16xf32> to vector<16xf32>
        %add3A_1416 = arith.addf %get3A_1409, %get3A_1415 : vector<16xf32>
        %swap3A_1417 = arith.index_cast %scan3A_863 : i32 to index
        %swap3A_1418 = arith.constant 544 : index
        %swap3A_1419 = tpu.vector_load %arg11[%swap3A_1417, %swap3A_1418] {strides = array<i32>} : memref<16x1280xf32, #tpu.memory_space<vmem>>, vector<1x16xf32>,
        %swap3A_1420 = vector.shape_cast %swap3A_1419 : vector<1x16xf32> to vector<16xf32>
        %swap3A_1421 = vector.shape_cast %add3A_1416 : vector<16xf32> to vector<1x16xf32>
        tpu.vector_store %arg11[%swap3A_1417, %swap3A_1418], %swap3A_1421 {strides = array<i32>} : memref<16x1280xf32, #tpu.memory_space<vmem>>, vector<1x16xf32>,
        %get3A_1422 = arith.index_cast %scan3A_863 : i32 to index
        %get3A_1423 = arith.constant 560 : index
        %get3A_1424 = tpu.vector_load %arg9[%get3A_1422, %get3A_1423] {strides = array<i32>} : memref<16x1280xf32, #tpu.memory_space<vmem>>, vector<1x16xf32>,
        %get3A_1425 = vector.shape_cast %get3A_1424 : vector<1x16xf32> to vector<16xf32>
        %add3A_1426 = arith.constant 16 : i32
        %add3A_1427 = arith.addi %add3A_1426, %scan3A_863 : i32
        %get3A_1428 = arith.index_cast %add3A_1427 : i32 to index
        %get3A_1429 = arith.constant 560 : index
        %get3A_1430 = tpu.vector_load %arg7[%get3A_1428, %get3A_1429] {strides = array<i32>} : memref<32x1280xf32, #tpu.memory_space<vmem>>, vector<1x16xf32>,
        %get3A_1431 = vector.shape_cast %get3A_1430 : vector<1x16xf32> to vector<16xf32>
        %add3A_1432 = arith.addf %get3A_1425, %get3A_1431 : vector<16xf32>
        %swap3A_1433 = arith.index_cast %scan3A_863 : i32 to index
        %swap3A_1434 = arith.constant 560 : index
        %swap3A_1435 = tpu.vector_load %arg11[%swap3A_1433, %swap3A_1434] {strides = array<i32>} : memref<16x1280xf32, #tpu.memory_space<vmem>>, vector<1x16xf32>,
        %swap3A_1436 = vector.shape_cast %swap3A_1435 : vector<1x16xf32> to vector<16xf32>
        %swap3A_1437 = vector.shape_cast %add3A_1432 : vector<16xf32> to vector<1x16xf32>
        tpu.vector_store %arg11[%swap3A_1433, %swap3A_1434], %swap3A_1437 {strides = array<i32>} : memref<16x1280xf32, #tpu.memory_space<vmem>>, vector<1x16xf32>,
        %get3A_1438 = arith.index_cast %scan3A_863 : i32 to index
        %get3A_1439 = arith.constant 576 : index
        %get3A_1440 = tpu.vector_load %arg9[%get3A_1438, %get3A_1439] {strides = array<i32>} : memref<16x1280xf32, #tpu.memory_space<vmem>>, vector<1x16xf32>,
        %get3A_1441 = vector.shape_cast %get3A_1440 : vector<1x16xf32> to vector<16xf32>
        %add3A_1442 = arith.constant 16 : i32
        %add3A_1443 = arith.addi %add3A_1442, %scan3A_863 : i32
        %get3A_1444 = arith.index_cast %add3A_1443 : i32 to index
        %get3A_1445 = arith.constant 576 : index
        %get3A_1446 = tpu.vector_load %arg7[%get3A_1444, %get3A_1445] {strides = array<i32>} : memref<32x1280xf32, #tpu.memory_space<vmem>>, vector<1x16xf32>,
        %get3A_1447 = vector.shape_cast %get3A_1446 : vector<1x16xf32> to vector<16xf32>
        %add3A_1448 = arith.addf %get3A_1441, %get3A_1447 : vector<16xf32>
        %swap3A_1449 = arith.index_cast %scan3A_863 : i32 to index
        %swap3A_1450 = arith.constant 576 : index
        %swap3A_1451 = tpu.vector_load %arg11[%swap3A_1449, %swap3A_1450] {strides = array<i32>} : memref<16x1280xf32, #tpu.memory_space<vmem>>, vector<1x16xf32>,
        %swap3A_1452 = vector.shape_cast %swap3A_1451 : vector<1x16xf32> to vector<16xf32>
        %swap3A_1453 = vector.shape_cast %add3A_1448 : vector<16xf32> to vector<1x16xf32>
        tpu.vector_store %arg11[%swap3A_1449, %swap3A_1450], %swap3A_1453 {strides = array<i32>} : memref<16x1280xf32, #tpu.memory_space<vmem>>, vector<1x16xf32>,
        %get3A_1454 = arith.index_cast %scan3A_863 : i32 to index
        %get3A_1455 = arith.constant 592 : index
        %get3A_1456 = tpu.vector_load %arg9[%get3A_1454, %get3A_1455] {strides = array<i32>} : memref<16x1280xf32, #tpu.memory_space<vmem>>, vector<1x16xf32>,
        %get3A_1457 = vector.shape_cast %get3A_1456 : vector<1x16xf32> to vector<16xf32>
        %add3A_1458 = arith.constant 16 : i32
        %add3A_1459 = arith.addi %add3A_1458, %scan3A_863 : i32
        %get3A_1460 = arith.index_cast %add3A_1459 : i32 to index
        %get3A_1461 = arith.constant 592 : index
        %get3A_1462 = tpu.vector_load %arg7[%get3A_1460, %get3A_1461] {strides = array<i32>} : memref<32x1280xf32, #tpu.memory_space<vmem>>, vector<1x16xf32>,
        %get3A_1463 = vector.shape_cast %get3A_1462 : vector<1x16xf32> to vector<16xf32>
        %add3A_1464 = arith.addf %get3A_1457, %get3A_1463 : vector<16xf32>
        %swap3A_1465 = arith.index_cast %scan3A_863 : i32 to index
        %swap3A_1466 = arith.constant 592 : index
        %swap3A_1467 = tpu.vector_load %arg11[%swap3A_1465, %swap3A_1466] {strides = array<i32>} : memref<16x1280xf32, #tpu.memory_space<vmem>>, vector<1x16xf32>,
        %swap3A_1468 = vector.shape_cast %swap3A_1467 : vector<1x16xf32> to vector<16xf32>
        %swap3A_1469 = vector.shape_cast %add3A_1464 : vector<16xf32> to vector<1x16xf32>
        tpu.vector_store %arg11[%swap3A_1465, %swap3A_1466], %swap3A_1469 {strides = array<i32>} : memref<16x1280xf32, #tpu.memory_space<vmem>>, vector<1x16xf32>,
        %get3A_1470 = arith.index_cast %scan3A_863 : i32 to index
        %get3A_1471 = arith.constant 608 : index
        %get3A_1472 = tpu.vector_load %arg9[%get3A_1470, %get3A_1471] {strides = array<i32>} : memref<16x1280xf32, #tpu.memory_space<vmem>>, vector<1x16xf32>,
        %get3A_1473 = vector.shape_cast %get3A_1472 : vector<1x16xf32> to vector<16xf32>
        %add3A_1474 = arith.constant 16 : i32
        %add3A_1475 = arith.addi %add3A_1474, %scan3A_863 : i32
        %get3A_1476 = arith.index_cast %add3A_1475 : i32 to index
        %get3A_1477 = arith.constant 608 : index
        %get3A_1478 = tpu.vector_load %arg7[%get3A_1476, %get3A_1477] {strides = array<i32>} : memref<32x1280xf32, #tpu.memory_space<vmem>>, vector<1x16xf32>,
        %get3A_1479 = vector.shape_cast %get3A_1478 : vector<1x16xf32> to vector<16xf32>
        %add3A_1480 = arith.addf %get3A_1473, %get3A_1479 : vector<16xf32>
        %swap3A_1481 = arith.index_cast %scan3A_863 : i32 to index
        %swap3A_1482 = arith.constant 608 : index
        %swap3A_1483 = tpu.vector_load %arg11[%swap3A_1481, %swap3A_1482] {strides = array<i32>} : memref<16x1280xf32, #tpu.memory_space<vmem>>, vector<1x16xf32>,
        %swap3A_1484 = vector.shape_cast %swap3A_1483 : vector<1x16xf32> to vector<16xf32>
        %swap3A_1485 = vector.shape_cast %add3A_1480 : vector<16xf32> to vector<1x16xf32>
        tpu.vector_store %arg11[%swap3A_1481, %swap3A_1482], %swap3A_1485 {strides = array<i32>} : memref<16x1280xf32, #tpu.memory_space<vmem>>, vector<1x16xf32>,
        %get3A_1486 = arith.index_cast %scan3A_863 : i32 to index
        %get3A_1487 = arith.constant 624 : index
        %get3A_1488 = tpu.vector_load %arg9[%get3A_1486, %get3A_1487] {strides = array<i32>} : memref<16x1280xf32, #tpu.memory_space<vmem>>, vector<1x16xf32>,
        %get3A_1489 = vector.shape_cast %get3A_1488 : vector<1x16xf32> to vector<16xf32>
        %add3A_1490 = arith.constant 16 : i32
        %add3A_1491 = arith.addi %add3A_1490, %scan3A_863 : i32
        %get3A_1492 = arith.index_cast %add3A_1491 : i32 to index
        %get3A_1493 = arith.constant 624 : index
        %get3A_1494 = tpu.vector_load %arg7[%get3A_1492, %get3A_1493] {strides = array<i32>} : memref<32x1280xf32, #tpu.memory_space<vmem>>, vector<1x16xf32>,
        %get3A_1495 = vector.shape_cast %get3A_1494 : vector<1x16xf32> to vector<16xf32>
        %add3A_1496 = arith.addf %get3A_1489, %get3A_1495 : vector<16xf32>
        %swap3A_1497 = arith.index_cast %scan3A_863 : i32 to index
        %swap3A_1498 = arith.constant 624 : index
        %swap3A_1499 = tpu.vector_load %arg11[%swap3A_1497, %swap3A_1498] {strides = array<i32>} : memref<16x1280xf32, #tpu.memory_space<vmem>>, vector<1x16xf32>,
        %swap3A_1500 = vector.shape_cast %swap3A_1499 : vector<1x16xf32> to vector<16xf32>
        %swap3A_1501 = vector.shape_cast %add3A_1496 : vector<16xf32> to vector<1x16xf32>
        tpu.vector_store %arg11[%swap3A_1497, %swap3A_1498], %swap3A_1501 {strides = array<i32>} : memref<16x1280xf32, #tpu.memory_space<vmem>>, vector<1x16xf32>,
        %get3A_1502 = arith.index_cast %scan3A_863 : i32 to index
        %get3A_1503 = arith.constant 640 : index
        %get3A_1504 = tpu.vector_load %arg9[%get3A_1502, %get3A_1503] {strides = array<i32>} : memref<16x1280xf32, #tpu.memory_space<vmem>>, vector<1x16xf32>,
        %get3A_1505 = vector.shape_cast %get3A_1504 : vector<1x16xf32> to vector<16xf32>
        %add3A_1506 = arith.constant 16 : i32
        %add3A_1507 = arith.addi %add3A_1506, %scan3A_863 : i32
        %get3A_1508 = arith.index_cast %add3A_1507 : i32 to index
        %get3A_1509 = arith.constant 640 : index
        %get3A_1510 = tpu.vector_load %arg7[%get3A_1508, %get3A_1509] {strides = array<i32>} : memref<32x1280xf32, #tpu.memory_space<vmem>>, vector<1x16xf32>,
        %get3A_1511 = vector.shape_cast %get3A_1510 : vector<1x16xf32> to vector<16xf32>
        %add3A_1512 = arith.addf %get3A_1505, %get3A_1511 : vector<16xf32>
        %swap3A_1513 = arith.index_cast %scan3A_863 : i32 to index
        %swap3A_1514 = arith.constant 640 : index
        %swap3A_1515 = tpu.vector_load %arg11[%swap3A_1513, %swap3A_1514] {strides = array<i32>} : memref<16x1280xf32, #tpu.memory_space<vmem>>, vector<1x16xf32>,
        %swap3A_1516 = vector.shape_cast %swap3A_1515 : vector<1x16xf32> to vector<16xf32>
        %swap3A_1517 = vector.shape_cast %add3A_1512 : vector<16xf32> to vector<1x16xf32>
        tpu.vector_store %arg11[%swap3A_1513, %swap3A_1514], %swap3A_1517 {strides = array<i32>} : memref<16x1280xf32, #tpu.memory_space<vmem>>, vector<1x16xf32>,
        %get3A_1518 = arith.index_cast %scan3A_863 : i32 to index
        %get3A_1519 = arith.constant 656 : index
        %get3A_1520 = tpu.vector_load %arg9[%get3A_1518, %get3A_1519] {strides = array<i32>} : memref<16x1280xf32, #tpu.memory_space<vmem>>, vector<1x16xf32>,
        %get3A_1521 = vector.shape_cast %get3A_1520 : vector<1x16xf32> to vector<16xf32>
        %add3A_1522 = arith.constant 16 : i32
        %add3A_1523 = arith.addi %add3A_1522, %scan3A_863 : i32
        %get3A_1524 = arith.index_cast %add3A_1523 : i32 to index
        %get3A_1525 = arith.constant 656 : index
        %get3A_1526 = tpu.vector_load %arg7[%get3A_1524, %get3A_1525] {strides = array<i32>} : memref<32x1280xf32, #tpu.memory_space<vmem>>, vector<1x16xf32>,
        %get3A_1527 = vector.shape_cast %get3A_1526 : vector<1x16xf32> to vector<16xf32>
        %add3A_1528 = arith.addf %get3A_1521, %get3A_1527 : vector<16xf32>
        %swap3A_1529 = arith.index_cast %scan3A_863 : i32 to index
        %swap3A_1530 = arith.constant 656 : index
        %swap3A_1531 = tpu.vector_load %arg11[%swap3A_1529, %swap3A_1530] {strides = array<i32>} : memref<16x1280xf32, #tpu.memory_space<vmem>>, vector<1x16xf32>,
        %swap3A_1532 = vector.shape_cast %swap3A_1531 : vector<1x16xf32> to vector<16xf32>
        %swap3A_1533 = vector.shape_cast %add3A_1528 : vector<16xf32> to vector<1x16xf32>
        tpu.vector_store %arg11[%swap3A_1529, %swap3A_1530], %swap3A_1533 {strides = array<i32>} : memref<16x1280xf32, #tpu.memory_space<vmem>>, vector<1x16xf32>,
        %get3A_1534 = arith.index_cast %scan3A_863 : i32 to index
        %get3A_1535 = arith.constant 672 : index
        %get3A_1536 = tpu.vector_load %arg9[%get3A_1534, %get3A_1535] {strides = array<i32>} : memref<16x1280xf32, #tpu.memory_space<vmem>>, vector<1x16xf32>,
        %get3A_1537 = vector.shape_cast %get3A_1536 : vector<1x16xf32> to vector<16xf32>
        %add3A_1538 = arith.constant 16 : i32
        %add3A_1539 = arith.addi %add3A_1538, %scan3A_863 : i32
        %get3A_1540 = arith.index_cast %add3A_1539 : i32 to index
        %get3A_1541 = arith.constant 672 : index
        %get3A_1542 = tpu.vector_load %arg7[%get3A_1540, %get3A_1541] {strides = array<i32>} : memref<32x1280xf32, #tpu.memory_space<vmem>>, vector<1x16xf32>,
        %get3A_1543 = vector.shape_cast %get3A_1542 : vector<1x16xf32> to vector<16xf32>
        %add3A_1544 = arith.addf %get3A_1537, %get3A_1543 : vector<16xf32>
        %swap3A_1545 = arith.index_cast %scan3A_863 : i32 to index
        %swap3A_1546 = arith.constant 672 : index
        %swap3A_1547 = tpu.vector_load %arg11[%swap3A_1545, %swap3A_1546] {strides = array<i32>} : memref<16x1280xf32, #tpu.memory_space<vmem>>, vector<1x16xf32>,
        %swap3A_1548 = vector.shape_cast %swap3A_1547 : vector<1x16xf32> to vector<16xf32>
        %swap3A_1549 = vector.shape_cast %add3A_1544 : vector<16xf32> to vector<1x16xf32>
        tpu.vector_store %arg11[%swap3A_1545, %swap3A_1546], %swap3A_1549 {strides = array<i32>} : memref<16x1280xf32, #tpu.memory_space<vmem>>, vector<1x16xf32>,
        %get3A_1550 = arith.index_cast %scan3A_863 : i32 to index
        %get3A_1551 = arith.constant 688 : index
        %get3A_1552 = tpu.vector_load %arg9[%get3A_1550, %get3A_1551] {strides = array<i32>} : memref<16x1280xf32, #tpu.memory_space<vmem>>, vector<1x16xf32>,
        %get3A_1553 = vector.shape_cast %get3A_1552 : vector<1x16xf32> to vector<16xf32>
        %add3A_1554 = arith.constant 16 : i32
        %add3A_1555 = arith.addi %add3A_1554, %scan3A_863 : i32
        %get3A_1556 = arith.index_cast %add3A_1555 : i32 to index
        %get3A_1557 = arith.constant 688 : index
        %get3A_1558 = tpu.vector_load %arg7[%get3A_1556, %get3A_1557] {strides = array<i32>} : memref<32x1280xf32, #tpu.memory_space<vmem>>, vector<1x16xf32>,
        %get3A_1559 = vector.shape_cast %get3A_1558 : vector<1x16xf32> to vector<16xf32>
        %add3A_1560 = arith.addf %get3A_1553, %get3A_1559 : vector<16xf32>
        %swap3A_1561 = arith.index_cast %scan3A_863 : i32 to index
        %swap3A_1562 = arith.constant 688 : index
        %swap3A_1563 = tpu.vector_load %arg11[%swap3A_1561, %swap3A_1562] {strides = array<i32>} : memref<16x1280xf32, #tpu.memory_space<vmem>>, vector<1x16xf32>,
        %swap3A_1564 = vector.shape_cast %swap3A_1563 : vector<1x16xf32> to vector<16xf32>
        %swap3A_1565 = vector.shape_cast %add3A_1560 : vector<16xf32> to vector<1x16xf32>
        tpu.vector_store %arg11[%swap3A_1561, %swap3A_1562], %swap3A_1565 {strides = array<i32>} : memref<16x1280xf32, #tpu.memory_space<vmem>>, vector<1x16xf32>,
        %get3A_1566 = arith.index_cast %scan3A_863 : i32 to index
        %get3A_1567 = arith.constant 704 : index
        %get3A_1568 = tpu.vector_load %arg9[%get3A_1566, %get3A_1567] {strides = array<i32>} : memref<16x1280xf32, #tpu.memory_space<vmem>>, vector<1x16xf32>,
        %get3A_1569 = vector.shape_cast %get3A_1568 : vector<1x16xf32> to vector<16xf32>
        %add3A_1570 = arith.constant 16 : i32
        %add3A_1571 = arith.addi %add3A_1570, %scan3A_863 : i32
        %get3A_1572 = arith.index_cast %add3A_1571 : i32 to index
        %get3A_1573 = arith.constant 704 : index
        %get3A_1574 = tpu.vector_load %arg7[%get3A_1572, %get3A_1573] {strides = array<i32>} : memref<32x1280xf32, #tpu.memory_space<vmem>>, vector<1x16xf32>,
        %get3A_1575 = vector.shape_cast %get3A_1574 : vector<1x16xf32> to vector<16xf32>
        %add3A_1576 = arith.addf %get3A_1569, %get3A_1575 : vector<16xf32>
        %swap3A_1577 = arith.index_cast %scan3A_863 : i32 to index
        %swap3A_1578 = arith.constant 704 : index
        %swap3A_1579 = tpu.vector_load %arg11[%swap3A_1577, %swap3A_1578] {strides = array<i32>} : memref<16x1280xf32, #tpu.memory_space<vmem>>, vector<1x16xf32>,
        %swap3A_1580 = vector.shape_cast %swap3A_1579 : vector<1x16xf32> to vector<16xf32>
        %swap3A_1581 = vector.shape_cast %add3A_1576 : vector<16xf32> to vector<1x16xf32>
        tpu.vector_store %arg11[%swap3A_1577, %swap3A_1578], %swap3A_1581 {strides = array<i32>} : memref<16x1280xf32, #tpu.memory_space<vmem>>, vector<1x16xf32>,
        %get3A_1582 = arith.index_cast %scan3A_863 : i32 to index
        %get3A_1583 = arith.constant 720 : index
        %get3A_1584 = tpu.vector_load %arg9[%get3A_1582, %get3A_1583] {strides = array<i32>} : memref<16x1280xf32, #tpu.memory_space<vmem>>, vector<1x16xf32>,
        %get3A_1585 = vector.shape_cast %get3A_1584 : vector<1x16xf32> to vector<16xf32>
        %add3A_1586 = arith.constant 16 : i32
        %add3A_1587 = arith.addi %add3A_1586, %scan3A_863 : i32
        %get3A_1588 = arith.index_cast %add3A_1587 : i32 to index
        %get3A_1589 = arith.constant 720 : index
        %get3A_1590 = tpu.vector_load %arg7[%get3A_1588, %get3A_1589] {strides = array<i32>} : memref<32x1280xf32, #tpu.memory_space<vmem>>, vector<1x16xf32>,
        %get3A_1591 = vector.shape_cast %get3A_1590 : vector<1x16xf32> to vector<16xf32>
        %add3A_1592 = arith.addf %get3A_1585, %get3A_1591 : vector<16xf32>
        %swap3A_1593 = arith.index_cast %scan3A_863 : i32 to index
        %swap3A_1594 = arith.constant 720 : index
        %swap3A_1595 = tpu.vector_load %arg11[%swap3A_1593, %swap3A_1594] {strides = array<i32>} : memref<16x1280xf32, #tpu.memory_space<vmem>>, vector<1x16xf32>,
        %swap3A_1596 = vector.shape_cast %swap3A_1595 : vector<1x16xf32> to vector<16xf32>
        %swap3A_1597 = vector.shape_cast %add3A_1592 : vector<16xf32> to vector<1x16xf32>
        tpu.vector_store %arg11[%swap3A_1593, %swap3A_1594], %swap3A_1597 {strides = array<i32>} : memref<16x1280xf32, #tpu.memory_space<vmem>>, vector<1x16xf32>,
        %get3A_1598 = arith.index_cast %scan3A_863 : i32 to index
        %get3A_1599 = arith.constant 736 : index
        %get3A_1600 = tpu.vector_load %arg9[%get3A_1598, %get3A_1599] {strides = array<i32>} : memref<16x1280xf32, #tpu.memory_space<vmem>>, vector<1x16xf32>,
        %get3A_1601 = vector.shape_cast %get3A_1600 : vector<1x16xf32> to vector<16xf32>
        %add3A_1602 = arith.constant 16 : i32
        %add3A_1603 = arith.addi %add3A_1602, %scan3A_863 : i32
        %get3A_1604 = arith.index_cast %add3A_1603 : i32 to index
        %get3A_1605 = arith.constant 736 : index
        %get3A_1606 = tpu.vector_load %arg7[%get3A_1604, %get3A_1605] {strides = array<i32>} : memref<32x1280xf32, #tpu.memory_space<vmem>>, vector<1x16xf32>,
        %get3A_1607 = vector.shape_cast %get3A_1606 : vector<1x16xf32> to vector<16xf32>
        %add3A_1608 = arith.addf %get3A_1601, %get3A_1607 : vector<16xf32>
        %swap3A_1609 = arith.index_cast %scan3A_863 : i32 to index
        %swap3A_1610 = arith.constant 736 : index
        %swap3A_1611 = tpu.vector_load %arg11[%swap3A_1609, %swap3A_1610] {strides = array<i32>} : memref<16x1280xf32, #tpu.memory_space<vmem>>, vector<1x16xf32>,
        %swap3A_1612 = vector.shape_cast %swap3A_1611 : vector<1x16xf32> to vector<16xf32>
        %swap3A_1613 = vector.shape_cast %add3A_1608 : vector<16xf32> to vector<1x16xf32>
        tpu.vector_store %arg11[%swap3A_1609, %swap3A_1610], %swap3A_1613 {strides = array<i32>} : memref<16x1280xf32, #tpu.memory_space<vmem>>, vector<1x16xf32>,
        %get3A_1614 = arith.index_cast %scan3A_863 : i32 to index
        %get3A_1615 = arith.constant 752 : index
        %get3A_1616 = tpu.vector_load %arg9[%get3A_1614, %get3A_1615] {strides = array<i32>} : memref<16x1280xf32, #tpu.memory_space<vmem>>, vector<1x16xf32>,
        %get3A_1617 = vector.shape_cast %get3A_1616 : vector<1x16xf32> to vector<16xf32>
        %add3A_1618 = arith.constant 16 : i32
        %add3A_1619 = arith.addi %add3A_1618, %scan3A_863 : i32
        %get3A_1620 = arith.index_cast %add3A_1619 : i32 to index
        %get3A_1621 = arith.constant 752 : index
        %get3A_1622 = tpu.vector_load %arg7[%get3A_1620, %get3A_1621] {strides = array<i32>} : memref<32x1280xf32, #tpu.memory_space<vmem>>, vector<1x16xf32>,
        %get3A_1623 = vector.shape_cast %get3A_1622 : vector<1x16xf32> to vector<16xf32>
        %add3A_1624 = arith.addf %get3A_1617, %get3A_1623 : vector<16xf32>
        %swap3A_1625 = arith.index_cast %scan3A_863 : i32 to index
        %swap3A_1626 = arith.constant 752 : index
        %swap3A_1627 = tpu.vector_load %arg11[%swap3A_1625, %swap3A_1626] {strides = array<i32>} : memref<16x1280xf32, #tpu.memory_space<vmem>>, vector<1x16xf32>,
        %swap3A_1628 = vector.shape_cast %swap3A_1627 : vector<1x16xf32> to vector<16xf32>
        %swap3A_1629 = vector.shape_cast %add3A_1624 : vector<16xf32> to vector<1x16xf32>
        tpu.vector_store %arg11[%swap3A_1625, %swap3A_1626], %swap3A_1629 {strides = array<i32>} : memref<16x1280xf32, #tpu.memory_space<vmem>>, vector<1x16xf32>,
        %get3A_1630 = arith.index_cast %scan3A_863 : i32 to index
        %get3A_1631 = arith.constant 768 : index
        %get3A_1632 = tpu.vector_load %arg9[%get3A_1630, %get3A_1631] {strides = array<i32>} : memref<16x1280xf32, #tpu.memory_space<vmem>>, vector<1x16xf32>,
        %get3A_1633 = vector.shape_cast %get3A_1632 : vector<1x16xf32> to vector<16xf32>
        %add3A_1634 = arith.constant 16 : i32
        %add3A_1635 = arith.addi %add3A_1634, %scan3A_863 : i32
        %get3A_1636 = arith.index_cast %add3A_1635 : i32 to index
        %get3A_1637 = arith.constant 768 : index
        %get3A_1638 = tpu.vector_load %arg7[%get3A_1636, %get3A_1637] {strides = array<i32>} : memref<32x1280xf32, #tpu.memory_space<vmem>>, vector<1x16xf32>,
        %get3A_1639 = vector.shape_cast %get3A_1638 : vector<1x16xf32> to vector<16xf32>
        %add3A_1640 = arith.addf %get3A_1633, %get3A_1639 : vector<16xf32>
        %swap3A_1641 = arith.index_cast %scan3A_863 : i32 to index
        %swap3A_1642 = arith.constant 768 : index
        %swap3A_1643 = tpu.vector_load %arg11[%swap3A_1641, %swap3A_1642] {strides = array<i32>} : memref<16x1280xf32, #tpu.memory_space<vmem>>, vector<1x16xf32>,
        %swap3A_1644 = vector.shape_cast %swap3A_1643 : vector<1x16xf32> to vector<16xf32>
        %swap3A_1645 = vector.shape_cast %add3A_1640 : vector<16xf32> to vector<1x16xf32>
        tpu.vector_store %arg11[%swap3A_1641, %swap3A_1642], %swap3A_1645 {strides = array<i32>} : memref<16x1280xf32, #tpu.memory_space<vmem>>, vector<1x16xf32>,
        %get3A_1646 = arith.index_cast %scan3A_863 : i32 to index
        %get3A_1647 = arith.constant 784 : index
        %get3A_1648 = tpu.vector_load %arg9[%get3A_1646, %get3A_1647] {strides = array<i32>} : memref<16x1280xf32, #tpu.memory_space<vmem>>, vector<1x16xf32>,
        %get3A_1649 = vector.shape_cast %get3A_1648 : vector<1x16xf32> to vector<16xf32>
        %add3A_1650 = arith.constant 16 : i32
        %add3A_1651 = arith.addi %add3A_1650, %scan3A_863 : i32
        %get3A_1652 = arith.index_cast %add3A_1651 : i32 to index
        %get3A_1653 = arith.constant 784 : index
        %get3A_1654 = tpu.vector_load %arg7[%get3A_1652, %get3A_1653] {strides = array<i32>} : memref<32x1280xf32, #tpu.memory_space<vmem>>, vector<1x16xf32>,
        %get3A_1655 = vector.shape_cast %get3A_1654 : vector<1x16xf32> to vector<16xf32>
        %add3A_1656 = arith.addf %get3A_1649, %get3A_1655 : vector<16xf32>
        %swap3A_1657 = arith.index_cast %scan3A_863 : i32 to index
        %swap3A_1658 = arith.constant 784 : index
        %swap3A_1659 = tpu.vector_load %arg11[%swap3A_1657, %swap3A_1658] {strides = array<i32>} : memref<16x1280xf32, #tpu.memory_space<vmem>>, vector<1x16xf32>,
        %swap3A_1660 = vector.shape_cast %swap3A_1659 : vector<1x16xf32> to vector<16xf32>
        %swap3A_1661 = vector.shape_cast %add3A_1656 : vector<16xf32> to vector<1x16xf32>
        tpu.vector_store %arg11[%swap3A_1657, %swap3A_1658], %swap3A_1661 {strides = array<i32>} : memref<16x1280xf32, #tpu.memory_space<vmem>>, vector<1x16xf32>,
        %get3A_1662 = arith.index_cast %scan3A_863 : i32 to index
        %get3A_1663 = arith.constant 800 : index
        %get3A_1664 = tpu.vector_load %arg9[%get3A_1662, %get3A_1663] {strides = array<i32>} : memref<16x1280xf32, #tpu.memory_space<vmem>>, vector<1x16xf32>,
        %get3A_1665 = vector.shape_cast %get3A_1664 : vector<1x16xf32> to vector<16xf32>
        %add3A_1666 = arith.constant 16 : i32
        %add3A_1667 = arith.addi %add3A_1666, %scan3A_863 : i32
        %get3A_1668 = arith.index_cast %add3A_1667 : i32 to index
        %get3A_1669 = arith.constant 800 : index
        %get3A_1670 = tpu.vector_load %arg7[%get3A_1668, %get3A_1669] {strides = array<i32>} : memref<32x1280xf32, #tpu.memory_space<vmem>>, vector<1x16xf32>,
        %get3A_1671 = vector.shape_cast %get3A_1670 : vector<1x16xf32> to vector<16xf32>
        %add3A_1672 = arith.addf %get3A_1665, %get3A_1671 : vector<16xf32>
        %swap3A_1673 = arith.index_cast %scan3A_863 : i32 to index
        %swap3A_1674 = arith.constant 800 : index
        %swap3A_1675 = tpu.vector_load %arg11[%swap3A_1673, %swap3A_1674] {strides = array<i32>} : memref<16x1280xf32, #tpu.memory_space<vmem>>, vector<1x16xf32>,
        %swap3A_1676 = vector.shape_cast %swap3A_1675 : vector<1x16xf32> to vector<16xf32>
        %swap3A_1677 = vector.shape_cast %add3A_1672 : vector<16xf32> to vector<1x16xf32>
        tpu.vector_store %arg11[%swap3A_1673, %swap3A_1674], %swap3A_1677 {strides = array<i32>} : memref<16x1280xf32, #tpu.memory_space<vmem>>, vector<1x16xf32>,
        %get3A_1678 = arith.index_cast %scan3A_863 : i32 to index
        %get3A_1679 = arith.constant 816 : index
        %get3A_1680 = tpu.vector_load %arg9[%get3A_1678, %get3A_1679] {strides = array<i32>} : memref<16x1280xf32, #tpu.memory_space<vmem>>, vector<1x16xf32>,
        %get3A_1681 = vector.shape_cast %get3A_1680 : vector<1x16xf32> to vector<16xf32>
        %add3A_1682 = arith.constant 16 : i32
        %add3A_1683 = arith.addi %add3A_1682, %scan3A_863 : i32
        %get3A_1684 = arith.index_cast %add3A_1683 : i32 to index
        %get3A_1685 = arith.constant 816 : index
        %get3A_1686 = tpu.vector_load %arg7[%get3A_1684, %get3A_1685] {strides = array<i32>} : memref<32x1280xf32, #tpu.memory_space<vmem>>, vector<1x16xf32>,
        %get3A_1687 = vector.shape_cast %get3A_1686 : vector<1x16xf32> to vector<16xf32>
        %add3A_1688 = arith.addf %get3A_1681, %get3A_1687 : vector<16xf32>
        %swap3A_1689 = arith.index_cast %scan3A_863 : i32 to index
        %swap3A_1690 = arith.constant 816 : index
        %swap3A_1691 = tpu.vector_load %arg11[%swap3A_1689, %swap3A_1690] {strides = array<i32>} : memref<16x1280xf32, #tpu.memory_space<vmem>>, vector<1x16xf32>,
        %swap3A_1692 = vector.shape_cast %swap3A_1691 : vector<1x16xf32> to vector<16xf32>
        %swap3A_1693 = vector.shape_cast %add3A_1688 : vector<16xf32> to vector<1x16xf32>
        tpu.vector_store %arg11[%swap3A_1689, %swap3A_1690], %swap3A_1693 {strides = array<i32>} : memref<16x1280xf32, #tpu.memory_space<vmem>>, vector<1x16xf32>,
        %get3A_1694 = arith.index_cast %scan3A_863 : i32 to index
        %get3A_1695 = arith.constant 832 : index
        %get3A_1696 = tpu.vector_load %arg9[%get3A_1694, %get3A_1695] {strides = array<i32>} : memref<16x1280xf32, #tpu.memory_space<vmem>>, vector<1x16xf32>,
        %get3A_1697 = vector.shape_cast %get3A_1696 : vector<1x16xf32> to vector<16xf32>
        %add3A_1698 = arith.constant 16 : i32
        %add3A_1699 = arith.addi %add3A_1698, %scan3A_863 : i32
        %get3A_1700 = arith.index_cast %add3A_1699 : i32 to index
        %get3A_1701 = arith.constant 832 : index
        %get3A_1702 = tpu.vector_load %arg7[%get3A_1700, %get3A_1701] {strides = array<i32>} : memref<32x1280xf32, #tpu.memory_space<vmem>>, vector<1x16xf32>,
        %get3A_1703 = vector.shape_cast %get3A_1702 : vector<1x16xf32> to vector<16xf32>
        %add3A_1704 = arith.addf %get3A_1697, %get3A_1703 : vector<16xf32>
        %swap3A_1705 = arith.index_cast %scan3A_863 : i32 to index
        %swap3A_1706 = arith.constant 832 : index
        %swap3A_1707 = tpu.vector_load %arg11[%swap3A_1705, %swap3A_1706] {strides = array<i32>} : memref<16x1280xf32, #tpu.memory_space<vmem>>, vector<1x16xf32>,
        %swap3A_1708 = vector.shape_cast %swap3A_1707 : vector<1x16xf32> to vector<16xf32>
        %swap3A_1709 = vector.shape_cast %add3A_1704 : vector<16xf32> to vector<1x16xf32>
        tpu.vector_store %arg11[%swap3A_1705, %swap3A_1706], %swap3A_1709 {strides = array<i32>} : memref<16x1280xf32, #tpu.memory_space<vmem>>, vector<1x16xf32>,
        %get3A_1710 = arith.index_cast %scan3A_863 : i32 to index
        %get3A_1711 = arith.constant 848 : index
        %get3A_1712 = tpu.vector_load %arg9[%get3A_1710, %get3A_1711] {strides = array<i32>} : memref<16x1280xf32, #tpu.memory_space<vmem>>, vector<1x16xf32>,
        %get3A_1713 = vector.shape_cast %get3A_1712 : vector<1x16xf32> to vector<16xf32>
        %add3A_1714 = arith.constant 16 : i32
        %add3A_1715 = arith.addi %add3A_1714, %scan3A_863 : i32
        %get3A_1716 = arith.index_cast %add3A_1715 : i32 to index
        %get3A_1717 = arith.constant 848 : index
        %get3A_1718 = tpu.vector_load %arg7[%get3A_1716, %get3A_1717] {strides = array<i32>} : memref<32x1280xf32, #tpu.memory_space<vmem>>, vector<1x16xf32>,
        %get3A_1719 = vector.shape_cast %get3A_1718 : vector<1x16xf32> to vector<16xf32>
        %add3A_1720 = arith.addf %get3A_1713, %get3A_1719 : vector<16xf32>
        %swap3A_1721 = arith.index_cast %scan3A_863 : i32 to index
        %swap3A_1722 = arith.constant 848 : index
        %swap3A_1723 = tpu.vector_load %arg11[%swap3A_1721, %swap3A_1722] {strides = array<i32>} : memref<16x1280xf32, #tpu.memory_space<vmem>>, vector<1x16xf32>,
        %swap3A_1724 = vector.shape_cast %swap3A_1723 : vector<1x16xf32> to vector<16xf32>
        %swap3A_1725 = vector.shape_cast %add3A_1720 : vector<16xf32> to vector<1x16xf32>
        tpu.vector_store %arg11[%swap3A_1721, %swap3A_1722], %swap3A_1725 {strides = array<i32>} : memref<16x1280xf32, #tpu.memory_space<vmem>>, vector<1x16xf32>,
        %get3A_1726 = arith.index_cast %scan3A_863 : i32 to index
        %get3A_1727 = arith.constant 864 : index
        %get3A_1728 = tpu.vector_load %arg9[%get3A_1726, %get3A_1727] {strides = array<i32>} : memref<16x1280xf32, #tpu.memory_space<vmem>>, vector<1x16xf32>,
        %get3A_1729 = vector.shape_cast %get3A_1728 : vector<1x16xf32> to vector<16xf32>
        %add3A_1730 = arith.constant 16 : i32
        %add3A_1731 = arith.addi %add3A_1730, %scan3A_863 : i32
        %get3A_1732 = arith.index_cast %add3A_1731 : i32 to index
        %get3A_1733 = arith.constant 864 : index
        %get3A_1734 = tpu.vector_load %arg7[%get3A_1732, %get3A_1733] {strides = array<i32>} : memref<32x1280xf32, #tpu.memory_space<vmem>>, vector<1x16xf32>,
        %get3A_1735 = vector.shape_cast %get3A_1734 : vector<1x16xf32> to vector<16xf32>
        %add3A_1736 = arith.addf %get3A_1729, %get3A_1735 : vector<16xf32>
        %swap3A_1737 = arith.index_cast %scan3A_863 : i32 to index
        %swap3A_1738 = arith.constant 864 : index
        %swap3A_1739 = tpu.vector_load %arg11[%swap3A_1737, %swap3A_1738] {strides = array<i32>} : memref<16x1280xf32, #tpu.memory_space<vmem>>, vector<1x16xf32>,
        %swap3A_1740 = vector.shape_cast %swap3A_1739 : vector<1x16xf32> to vector<16xf32>
        %swap3A_1741 = vector.shape_cast %add3A_1736 : vector<16xf32> to vector<1x16xf32>
        tpu.vector_store %arg11[%swap3A_1737, %swap3A_1738], %swap3A_1741 {strides = array<i32>} : memref<16x1280xf32, #tpu.memory_space<vmem>>, vector<1x16xf32>,
        %get3A_1742 = arith.index_cast %scan3A_863 : i32 to index
        %get3A_1743 = arith.constant 880 : index
        %get3A_1744 = tpu.vector_load %arg9[%get3A_1742, %get3A_1743] {strides = array<i32>} : memref<16x1280xf32, #tpu.memory_space<vmem>>, vector<1x16xf32>,
        %get3A_1745 = vector.shape_cast %get3A_1744 : vector<1x16xf32> to vector<16xf32>
        %add3A_1746 = arith.constant 16 : i32
        %add3A_1747 = arith.addi %add3A_1746, %scan3A_863 : i32
        %get3A_1748 = arith.index_cast %add3A_1747 : i32 to index
        %get3A_1749 = arith.constant 880 : index
        %get3A_1750 = tpu.vector_load %arg7[%get3A_1748, %get3A_1749] {strides = array<i32>} : memref<32x1280xf32, #tpu.memory_space<vmem>>, vector<1x16xf32>,
        %get3A_1751 = vector.shape_cast %get3A_1750 : vector<1x16xf32> to vector<16xf32>
        %add3A_1752 = arith.addf %get3A_1745, %get3A_1751 : vector<16xf32>
        %swap3A_1753 = arith.index_cast %scan3A_863 : i32 to index
        %swap3A_1754 = arith.constant 880 : index
        %swap3A_1755 = tpu.vector_load %arg11[%swap3A_1753, %swap3A_1754] {strides = array<i32>} : memref<16x1280xf32, #tpu.memory_space<vmem>>, vector<1x16xf32>,
        %swap3A_1756 = vector.shape_cast %swap3A_1755 : vector<1x16xf32> to vector<16xf32>
        %swap3A_1757 = vector.shape_cast %add3A_1752 : vector<16xf32> to vector<1x16xf32>
        tpu.vector_store %arg11[%swap3A_1753, %swap3A_1754], %swap3A_1757 {strides = array<i32>} : memref<16x1280xf32, #tpu.memory_space<vmem>>, vector<1x16xf32>,
        %get3A_1758 = arith.index_cast %scan3A_863 : i32 to index
        %get3A_1759 = arith.constant 896 : index
        %get3A_1760 = tpu.vector_load %arg9[%get3A_1758, %get3A_1759] {strides = array<i32>} : memref<16x1280xf32, #tpu.memory_space<vmem>>, vector<1x16xf32>,
        %get3A_1761 = vector.shape_cast %get3A_1760 : vector<1x16xf32> to vector<16xf32>
        %add3A_1762 = arith.constant 16 : i32
        %add3A_1763 = arith.addi %add3A_1762, %scan3A_863 : i32
        %get3A_1764 = arith.index_cast %add3A_1763 : i32 to index
        %get3A_1765 = arith.constant 896 : index
        %get3A_1766 = tpu.vector_load %arg7[%get3A_1764, %get3A_1765] {strides = array<i32>} : memref<32x1280xf32, #tpu.memory_space<vmem>>, vector<1x16xf32>,
        %get3A_1767 = vector.shape_cast %get3A_1766 : vector<1x16xf32> to vector<16xf32>
        %add3A_1768 = arith.addf %get3A_1761, %get3A_1767 : vector<16xf32>
        %swap3A_1769 = arith.index_cast %scan3A_863 : i32 to index
        %swap3A_1770 = arith.constant 896 : index
        %swap3A_1771 = tpu.vector_load %arg11[%swap3A_1769, %swap3A_1770] {strides = array<i32>} : memref<16x1280xf32, #tpu.memory_space<vmem>>, vector<1x16xf32>,
        %swap3A_1772 = vector.shape_cast %swap3A_1771 : vector<1x16xf32> to vector<16xf32>
        %swap3A_1773 = vector.shape_cast %add3A_1768 : vector<16xf32> to vector<1x16xf32>
        tpu.vector_store %arg11[%swap3A_1769, %swap3A_1770], %swap3A_1773 {strides = array<i32>} : memref<16x1280xf32, #tpu.memory_space<vmem>>, vector<1x16xf32>,
        %get3A_1774 = arith.index_cast %scan3A_863 : i32 to index
        %get3A_1775 = arith.constant 912 : index
        %get3A_1776 = tpu.vector_load %arg9[%get3A_1774, %get3A_1775] {strides = array<i32>} : memref<16x1280xf32, #tpu.memory_space<vmem>>, vector<1x16xf32>,
        %get3A_1777 = vector.shape_cast %get3A_1776 : vector<1x16xf32> to vector<16xf32>
        %add3A_1778 = arith.constant 16 : i32
        %add3A_1779 = arith.addi %add3A_1778, %scan3A_863 : i32
        %get3A_1780 = arith.index_cast %add3A_1779 : i32 to index
        %get3A_1781 = arith.constant 912 : index
        %get3A_1782 = tpu.vector_load %arg7[%get3A_1780, %get3A_1781] {strides = array<i32>} : memref<32x1280xf32, #tpu.memory_space<vmem>>, vector<1x16xf32>,
        %get3A_1783 = vector.shape_cast %get3A_1782 : vector<1x16xf32> to vector<16xf32>
        %add3A_1784 = arith.addf %get3A_1777, %get3A_1783 : vector<16xf32>
        %swap3A_1785 = arith.index_cast %scan3A_863 : i32 to index
        %swap3A_1786 = arith.constant 912 : index
        %swap3A_1787 = tpu.vector_load %arg11[%swap3A_1785, %swap3A_1786] {strides = array<i32>} : memref<16x1280xf32, #tpu.memory_space<vmem>>, vector<1x16xf32>,
        %swap3A_1788 = vector.shape_cast %swap3A_1787 : vector<1x16xf32> to vector<16xf32>
        %swap3A_1789 = vector.shape_cast %add3A_1784 : vector<16xf32> to vector<1x16xf32>
        tpu.vector_store %arg11[%swap3A_1785, %swap3A_1786], %swap3A_1789 {strides = array<i32>} : memref<16x1280xf32, #tpu.memory_space<vmem>>, vector<1x16xf32>,
        %get3A_1790 = arith.index_cast %scan3A_863 : i32 to index
        %get3A_1791 = arith.constant 928 : index
        %get3A_1792 = tpu.vector_load %arg9[%get3A_1790, %get3A_1791] {strides = array<i32>} : memref<16x1280xf32, #tpu.memory_space<vmem>>, vector<1x16xf32>,
        %get3A_1793 = vector.shape_cast %get3A_1792 : vector<1x16xf32> to vector<16xf32>
        %add3A_1794 = arith.constant 16 : i32
        %add3A_1795 = arith.addi %add3A_1794, %scan3A_863 : i32
        %get3A_1796 = arith.index_cast %add3A_1795 : i32 to index
        %get3A_1797 = arith.constant 928 : index
        %get3A_1798 = tpu.vector_load %arg7[%get3A_1796, %get3A_1797] {strides = array<i32>} : memref<32x1280xf32, #tpu.memory_space<vmem>>, vector<1x16xf32>,
        %get3A_1799 = vector.shape_cast %get3A_1798 : vector<1x16xf32> to vector<16xf32>
        %add3A_1800 = arith.addf %get3A_1793, %get3A_1799 : vector<16xf32>
        %swap3A_1801 = arith.index_cast %scan3A_863 : i32 to index
        %swap3A_1802 = arith.constant 928 : index
        %swap3A_1803 = tpu.vector_load %arg11[%swap3A_1801, %swap3A_1802] {strides = array<i32>} : memref<16x1280xf32, #tpu.memory_space<vmem>>, vector<1x16xf32>,
        %swap3A_1804 = vector.shape_cast %swap3A_1803 : vector<1x16xf32> to vector<16xf32>
        %swap3A_1805 = vector.shape_cast %add3A_1800 : vector<16xf32> to vector<1x16xf32>
        tpu.vector_store %arg11[%swap3A_1801, %swap3A_1802], %swap3A_1805 {strides = array<i32>} : memref<16x1280xf32, #tpu.memory_space<vmem>>, vector<1x16xf32>,
        %get3A_1806 = arith.index_cast %scan3A_863 : i32 to index
        %get3A_1807 = arith.constant 944 : index
        %get3A_1808 = tpu.vector_load %arg9[%get3A_1806, %get3A_1807] {strides = array<i32>} : memref<16x1280xf32, #tpu.memory_space<vmem>>, vector<1x16xf32>,
        %get3A_1809 = vector.shape_cast %get3A_1808 : vector<1x16xf32> to vector<16xf32>
        %add3A_1810 = arith.constant 16 : i32
        %add3A_1811 = arith.addi %add3A_1810, %scan3A_863 : i32
        %get3A_1812 = arith.index_cast %add3A_1811 : i32 to index
        %get3A_1813 = arith.constant 944 : index
        %get3A_1814 = tpu.vector_load %arg7[%get3A_1812, %get3A_1813] {strides = array<i32>} : memref<32x1280xf32, #tpu.memory_space<vmem>>, vector<1x16xf32>,
        %get3A_1815 = vector.shape_cast %get3A_1814 : vector<1x16xf32> to vector<16xf32>
        %add3A_1816 = arith.addf %get3A_1809, %get3A_1815 : vector<16xf32>
        %swap3A_1817 = arith.index_cast %scan3A_863 : i32 to index
        %swap3A_1818 = arith.constant 944 : index
        %swap3A_1819 = tpu.vector_load %arg11[%swap3A_1817, %swap3A_1818] {strides = array<i32>} : memref<16x1280xf32, #tpu.memory_space<vmem>>, vector<1x16xf32>,
        %swap3A_1820 = vector.shape_cast %swap3A_1819 : vector<1x16xf32> to vector<16xf32>
        %swap3A_1821 = vector.shape_cast %add3A_1816 : vector<16xf32> to vector<1x16xf32>
        tpu.vector_store %arg11[%swap3A_1817, %swap3A_1818], %swap3A_1821 {strides = array<i32>} : memref<16x1280xf32, #tpu.memory_space<vmem>>, vector<1x16xf32>,
        %get3A_1822 = arith.index_cast %scan3A_863 : i32 to index
        %get3A_1823 = arith.constant 960 : index
        %get3A_1824 = tpu.vector_load %arg9[%get3A_1822, %get3A_1823] {strides = array<i32>} : memref<16x1280xf32, #tpu.memory_space<vmem>>, vector<1x16xf32>,
        %get3A_1825 = vector.shape_cast %get3A_1824 : vector<1x16xf32> to vector<16xf32>
        %add3A_1826 = arith.constant 16 : i32
        %add3A_1827 = arith.addi %add3A_1826, %scan3A_863 : i32
        %get3A_1828 = arith.index_cast %add3A_1827 : i32 to index
        %get3A_1829 = arith.constant 960 : index
        %get3A_1830 = tpu.vector_load %arg7[%get3A_1828, %get3A_1829] {strides = array<i32>} : memref<32x1280xf32, #tpu.memory_space<vmem>>, vector<1x16xf32>,
        %get3A_1831 = vector.shape_cast %get3A_1830 : vector<1x16xf32> to vector<16xf32>
        %add3A_1832 = arith.addf %get3A_1825, %get3A_1831 : vector<16xf32>
        %swap3A_1833 = arith.index_cast %scan3A_863 : i32 to index
        %swap3A_1834 = arith.constant 960 : index
        %swap3A_1835 = tpu.vector_load %arg11[%swap3A_1833, %swap3A_1834] {strides = array<i32>} : memref<16x1280xf32, #tpu.memory_space<vmem>>, vector<1x16xf32>,
        %swap3A_1836 = vector.shape_cast %swap3A_1835 : vector<1x16xf32> to vector<16xf32>
        %swap3A_1837 = vector.shape_cast %add3A_1832 : vector<16xf32> to vector<1x16xf32>
        tpu.vector_store %arg11[%swap3A_1833, %swap3A_1834], %swap3A_1837 {strides = array<i32>} : memref<16x1280xf32, #tpu.memory_space<vmem>>, vector<1x16xf32>,
        %get3A_1838 = arith.index_cast %scan3A_863 : i32 to index
        %get3A_1839 = arith.constant 976 : index
        %get3A_1840 = tpu.vector_load %arg9[%get3A_1838, %get3A_1839] {strides = array<i32>} : memref<16x1280xf32, #tpu.memory_space<vmem>>, vector<1x16xf32>,
        %get3A_1841 = vector.shape_cast %get3A_1840 : vector<1x16xf32> to vector<16xf32>
        %add3A_1842 = arith.constant 16 : i32
        %add3A_1843 = arith.addi %add3A_1842, %scan3A_863 : i32
        %get3A_1844 = arith.index_cast %add3A_1843 : i32 to index
        %get3A_1845 = arith.constant 976 : index
        %get3A_1846 = tpu.vector_load %arg7[%get3A_1844, %get3A_1845] {strides = array<i32>} : memref<32x1280xf32, #tpu.memory_space<vmem>>, vector<1x16xf32>,
        %get3A_1847 = vector.shape_cast %get3A_1846 : vector<1x16xf32> to vector<16xf32>
        %add3A_1848 = arith.addf %get3A_1841, %get3A_1847 : vector<16xf32>
        %swap3A_1849 = arith.index_cast %scan3A_863 : i32 to index
        %swap3A_1850 = arith.constant 976 : index
        %swap3A_1851 = tpu.vector_load %arg11[%swap3A_1849, %swap3A_1850] {strides = array<i32>} : memref<16x1280xf32, #tpu.memory_space<vmem>>, vector<1x16xf32>,
        %swap3A_1852 = vector.shape_cast %swap3A_1851 : vector<1x16xf32> to vector<16xf32>
        %swap3A_1853 = vector.shape_cast %add3A_1848 : vector<16xf32> to vector<1x16xf32>
        tpu.vector_store %arg11[%swap3A_1849, %swap3A_1850], %swap3A_1853 {strides = array<i32>} : memref<16x1280xf32, #tpu.memory_space<vmem>>, vector<1x16xf32>,
        %get3A_1854 = arith.index_cast %scan3A_863 : i32 to index
        %get3A_1855 = arith.constant 992 : index
        %get3A_1856 = tpu.vector_load %arg9[%get3A_1854, %get3A_1855] {strides = array<i32>} : memref<16x1280xf32, #tpu.memory_space<vmem>>, vector<1x16xf32>,
        %get3A_1857 = vector.shape_cast %get3A_1856 : vector<1x16xf32> to vector<16xf32>
        %add3A_1858 = arith.constant 16 : i32
        %add3A_1859 = arith.addi %add3A_1858, %scan3A_863 : i32
        %get3A_1860 = arith.index_cast %add3A_1859 : i32 to index
        %get3A_1861 = arith.constant 992 : index
        %get3A_1862 = tpu.vector_load %arg7[%get3A_1860, %get3A_1861] {strides = array<i32>} : memref<32x1280xf32, #tpu.memory_space<vmem>>, vector<1x16xf32>,
        %get3A_1863 = vector.shape_cast %get3A_1862 : vector<1x16xf32> to vector<16xf32>
        %add3A_1864 = arith.addf %get3A_1857, %get3A_1863 : vector<16xf32>
        %swap3A_1865 = arith.index_cast %scan3A_863 : i32 to index
        %swap3A_1866 = arith.constant 992 : index
        %swap3A_1867 = tpu.vector_load %arg11[%swap3A_1865, %swap3A_1866] {strides = array<i32>} : memref<16x1280xf32, #tpu.memory_space<vmem>>, vector<1x16xf32>,
        %swap3A_1868 = vector.shape_cast %swap3A_1867 : vector<1x16xf32> to vector<16xf32>
        %swap3A_1869 = vector.shape_cast %add3A_1864 : vector<16xf32> to vector<1x16xf32>
        tpu.vector_store %arg11[%swap3A_1865, %swap3A_1866], %swap3A_1869 {strides = array<i32>} : memref<16x1280xf32, #tpu.memory_space<vmem>>, vector<1x16xf32>,
        %get3A_1870 = arith.index_cast %scan3A_863 : i32 to index
        %get3A_1871 = arith.constant 1008 : index
        %get3A_1872 = tpu.vector_load %arg9[%get3A_1870, %get3A_1871] {strides = array<i32>} : memref<16x1280xf32, #tpu.memory_space<vmem>>, vector<1x16xf32>,
        %get3A_1873 = vector.shape_cast %get3A_1872 : vector<1x16xf32> to vector<16xf32>
        %add3A_1874 = arith.constant 16 : i32
        %add3A_1875 = arith.addi %add3A_1874, %scan3A_863 : i32
        %get3A_1876 = arith.index_cast %add3A_1875 : i32 to index
        %get3A_1877 = arith.constant 1008 : index
        %get3A_1878 = tpu.vector_load %arg7[%get3A_1876, %get3A_1877] {strides = array<i32>} : memref<32x1280xf32, #tpu.memory_space<vmem>>, vector<1x16xf32>,
        %get3A_1879 = vector.shape_cast %get3A_1878 : vector<1x16xf32> to vector<16xf32>
        %add3A_1880 = arith.addf %get3A_1873, %get3A_1879 : vector<16xf32>
        %swap3A_1881 = arith.index_cast %scan3A_863 : i32 to index
        %swap3A_1882 = arith.constant 1008 : index
        %swap3A_1883 = tpu.vector_load %arg11[%swap3A_1881, %swap3A_1882] {strides = array<i32>} : memref<16x1280xf32, #tpu.memory_space<vmem>>, vector<1x16xf32>,
        %swap3A_1884 = vector.shape_cast %swap3A_1883 : vector<1x16xf32> to vector<16xf32>
        %swap3A_1885 = vector.shape_cast %add3A_1880 : vector<16xf32> to vector<1x16xf32>
        tpu.vector_store %arg11[%swap3A_1881, %swap3A_1882], %swap3A_1885 {strides = array<i32>} : memref<16x1280xf32, #tpu.memory_space<vmem>>, vector<1x16xf32>,
        %get3A_1886 = arith.index_cast %scan3A_863 : i32 to index
        %get3A_1887 = arith.constant 1024 : index
        %get3A_1888 = tpu.vector_load %arg9[%get3A_1886, %get3A_1887] {strides = array<i32>} : memref<16x1280xf32, #tpu.memory_space<vmem>>, vector<1x16xf32>,
        %get3A_1889 = vector.shape_cast %get3A_1888 : vector<1x16xf32> to vector<16xf32>
        %add3A_1890 = arith.constant 16 : i32
        %add3A_1891 = arith.addi %add3A_1890, %scan3A_863 : i32
        %get3A_1892 = arith.index_cast %add3A_1891 : i32 to index
        %get3A_1893 = arith.constant 1024 : index
        %get3A_1894 = tpu.vector_load %arg7[%get3A_1892, %get3A_1893] {strides = array<i32>} : memref<32x1280xf32, #tpu.memory_space<vmem>>, vector<1x16xf32>,
        %get3A_1895 = vector.shape_cast %get3A_1894 : vector<1x16xf32> to vector<16xf32>
        %add3A_1896 = arith.addf %get3A_1889, %get3A_1895 : vector<16xf32>
        %swap3A_1897 = arith.index_cast %scan3A_863 : i32 to index
        %swap3A_1898 = arith.constant 1024 : index
        %swap3A_1899 = tpu.vector_load %arg11[%swap3A_1897, %swap3A_1898] {strides = array<i32>} : memref<16x1280xf32, #tpu.memory_space<vmem>>, vector<1x16xf32>,
        %swap3A_1900 = vector.shape_cast %swap3A_1899 : vector<1x16xf32> to vector<16xf32>
        %swap3A_1901 = vector.shape_cast %add3A_1896 : vector<16xf32> to vector<1x16xf32>
        tpu.vector_store %arg11[%swap3A_1897, %swap3A_1898], %swap3A_1901 {strides = array<i32>} : memref<16x1280xf32, #tpu.memory_space<vmem>>, vector<1x16xf32>,
        %get3A_1902 = arith.index_cast %scan3A_863 : i32 to index
        %get3A_1903 = arith.constant 1040 : index
        %get3A_1904 = tpu.vector_load %arg9[%get3A_1902, %get3A_1903] {strides = array<i32>} : memref<16x1280xf32, #tpu.memory_space<vmem>>, vector<1x16xf32>,
        %get3A_1905 = vector.shape_cast %get3A_1904 : vector<1x16xf32> to vector<16xf32>
        %add3A_1906 = arith.constant 16 : i32
        %add3A_1907 = arith.addi %add3A_1906, %scan3A_863 : i32
        %get3A_1908 = arith.index_cast %add3A_1907 : i32 to index
        %get3A_1909 = arith.constant 1040 : index
        %get3A_1910 = tpu.vector_load %arg7[%get3A_1908, %get3A_1909] {strides = array<i32>} : memref<32x1280xf32, #tpu.memory_space<vmem>>, vector<1x16xf32>,
        %get3A_1911 = vector.shape_cast %get3A_1910 : vector<1x16xf32> to vector<16xf32>
        %add3A_1912 = arith.addf %get3A_1905, %get3A_1911 : vector<16xf32>
        %swap3A_1913 = arith.index_cast %scan3A_863 : i32 to index
        %swap3A_1914 = arith.constant 1040 : index
        %swap3A_1915 = tpu.vector_load %arg11[%swap3A_1913, %swap3A_1914] {strides = array<i32>} : memref<16x1280xf32, #tpu.memory_space<vmem>>, vector<1x16xf32>,
        %swap3A_1916 = vector.shape_cast %swap3A_1915 : vector<1x16xf32> to vector<16xf32>
        %swap3A_1917 = vector.shape_cast %add3A_1912 : vector<16xf32> to vector<1x16xf32>
        tpu.vector_store %arg11[%swap3A_1913, %swap3A_1914], %swap3A_1917 {strides = array<i32>} : memref<16x1280xf32, #tpu.memory_space<vmem>>, vector<1x16xf32>,
        %get3A_1918 = arith.index_cast %scan3A_863 : i32 to index
        %get3A_1919 = arith.constant 1056 : index
        %get3A_1920 = tpu.vector_load %arg9[%get3A_1918, %get3A_1919] {strides = array<i32>} : memref<16x1280xf32, #tpu.memory_space<vmem>>, vector<1x16xf32>,
        %get3A_1921 = vector.shape_cast %get3A_1920 : vector<1x16xf32> to vector<16xf32>
        %add3A_1922 = arith.constant 16 : i32
        %add3A_1923 = arith.addi %add3A_1922, %scan3A_863 : i32
        %get3A_1924 = arith.index_cast %add3A_1923 : i32 to index
        %get3A_1925 = arith.constant 1056 : index
        %get3A_1926 = tpu.vector_load %arg7[%get3A_1924, %get3A_1925] {strides = array<i32>} : memref<32x1280xf32, #tpu.memory_space<vmem>>, vector<1x16xf32>,
        %get3A_1927 = vector.shape_cast %get3A_1926 : vector<1x16xf32> to vector<16xf32>
        %add3A_1928 = arith.addf %get3A_1921, %get3A_1927 : vector<16xf32>
        %swap3A_1929 = arith.index_cast %scan3A_863 : i32 to index
        %swap3A_1930 = arith.constant 1056 : index
        %swap3A_1931 = tpu.vector_load %arg11[%swap3A_1929, %swap3A_1930] {strides = array<i32>} : memref<16x1280xf32, #tpu.memory_space<vmem>>, vector<1x16xf32>,
        %swap3A_1932 = vector.shape_cast %swap3A_1931 : vector<1x16xf32> to vector<16xf32>
        %swap3A_1933 = vector.shape_cast %add3A_1928 : vector<16xf32> to vector<1x16xf32>
        tpu.vector_store %arg11[%swap3A_1929, %swap3A_1930], %swap3A_1933 {strides = array<i32>} : memref<16x1280xf32, #tpu.memory_space<vmem>>, vector<1x16xf32>,
        %get3A_1934 = arith.index_cast %scan3A_863 : i32 to index
        %get3A_1935 = arith.constant 1072 : index
        %get3A_1936 = tpu.vector_load %arg9[%get3A_1934, %get3A_1935] {strides = array<i32>} : memref<16x1280xf32, #tpu.memory_space<vmem>>, vector<1x16xf32>,
        %get3A_1937 = vector.shape_cast %get3A_1936 : vector<1x16xf32> to vector<16xf32>
        %add3A_1938 = arith.constant 16 : i32
        %add3A_1939 = arith.addi %add3A_1938, %scan3A_863 : i32
        %get3A_1940 = arith.index_cast %add3A_1939 : i32 to index
        %get3A_1941 = arith.constant 1072 : index
        %get3A_1942 = tpu.vector_load %arg7[%get3A_1940, %get3A_1941] {strides = array<i32>} : memref<32x1280xf32, #tpu.memory_space<vmem>>, vector<1x16xf32>,
        %get3A_1943 = vector.shape_cast %get3A_1942 : vector<1x16xf32> to vector<16xf32>
        %add3A_1944 = arith.addf %get3A_1937, %get3A_1943 : vector<16xf32>
        %swap3A_1945 = arith.index_cast %scan3A_863 : i32 to index
        %swap3A_1946 = arith.constant 1072 : index
        %swap3A_1947 = tpu.vector_load %arg11[%swap3A_1945, %swap3A_1946] {strides = array<i32>} : memref<16x1280xf32, #tpu.memory_space<vmem>>, vector<1x16xf32>,
        %swap3A_1948 = vector.shape_cast %swap3A_1947 : vector<1x16xf32> to vector<16xf32>
        %swap3A_1949 = vector.shape_cast %add3A_1944 : vector<16xf32> to vector<1x16xf32>
        tpu.vector_store %arg11[%swap3A_1945, %swap3A_1946], %swap3A_1949 {strides = array<i32>} : memref<16x1280xf32, #tpu.memory_space<vmem>>, vector<1x16xf32>,
        %get3A_1950 = arith.index_cast %scan3A_863 : i32 to index
        %get3A_1951 = arith.constant 1088 : index
        %get3A_1952 = tpu.vector_load %arg9[%get3A_1950, %get3A_1951] {strides = array<i32>} : memref<16x1280xf32, #tpu.memory_space<vmem>>, vector<1x16xf32>,
        %get3A_1953 = vector.shape_cast %get3A_1952 : vector<1x16xf32> to vector<16xf32>
        %add3A_1954 = arith.constant 16 : i32
        %add3A_1955 = arith.addi %add3A_1954, %scan3A_863 : i32
        %get3A_1956 = arith.index_cast %add3A_1955 : i32 to index
        %get3A_1957 = arith.constant 1088 : index
        %get3A_1958 = tpu.vector_load %arg7[%get3A_1956, %get3A_1957] {strides = array<i32>} : memref<32x1280xf32, #tpu.memory_space<vmem>>, vector<1x16xf32>,
        %get3A_1959 = vector.shape_cast %get3A_1958 : vector<1x16xf32> to vector<16xf32>
        %add3A_1960 = arith.addf %get3A_1953, %get3A_1959 : vector<16xf32>
        %swap3A_1961 = arith.index_cast %scan3A_863 : i32 to index
        %swap3A_1962 = arith.constant 1088 : index
        %swap3A_1963 = tpu.vector_load %arg11[%swap3A_1961, %swap3A_1962] {strides = array<i32>} : memref<16x1280xf32, #tpu.memory_space<vmem>>, vector<1x16xf32>,
        %swap3A_1964 = vector.shape_cast %swap3A_1963 : vector<1x16xf32> to vector<16xf32>
        %swap3A_1965 = vector.shape_cast %add3A_1960 : vector<16xf32> to vector<1x16xf32>
        tpu.vector_store %arg11[%swap3A_1961, %swap3A_1962], %swap3A_1965 {strides = array<i32>} : memref<16x1280xf32, #tpu.memory_space<vmem>>, vector<1x16xf32>,
        %get3A_1966 = arith.index_cast %scan3A_863 : i32 to index
        %get3A_1967 = arith.constant 1104 : index
        %get3A_1968 = tpu.vector_load %arg9[%get3A_1966, %get3A_1967] {strides = array<i32>} : memref<16x1280xf32, #tpu.memory_space<vmem>>, vector<1x16xf32>,
        %get3A_1969 = vector.shape_cast %get3A_1968 : vector<1x16xf32> to vector<16xf32>
        %add3A_1970 = arith.constant 16 : i32
        %add3A_1971 = arith.addi %add3A_1970, %scan3A_863 : i32
        %get3A_1972 = arith.index_cast %add3A_1971 : i32 to index
        %get3A_1973 = arith.constant 1104 : index
        %get3A_1974 = tpu.vector_load %arg7[%get3A_1972, %get3A_1973] {strides = array<i32>} : memref<32x1280xf32, #tpu.memory_space<vmem>>, vector<1x16xf32>,
        %get3A_1975 = vector.shape_cast %get3A_1974 : vector<1x16xf32> to vector<16xf32>
        %add3A_1976 = arith.addf %get3A_1969, %get3A_1975 : vector<16xf32>
        %swap3A_1977 = arith.index_cast %scan3A_863 : i32 to index
        %swap3A_1978 = arith.constant 1104 : index
        %swap3A_1979 = tpu.vector_load %arg11[%swap3A_1977, %swap3A_1978] {strides = array<i32>} : memref<16x1280xf32, #tpu.memory_space<vmem>>, vector<1x16xf32>,
        %swap3A_1980 = vector.shape_cast %swap3A_1979 : vector<1x16xf32> to vector<16xf32>
        %swap3A_1981 = vector.shape_cast %add3A_1976 : vector<16xf32> to vector<1x16xf32>
        tpu.vector_store %arg11[%swap3A_1977, %swap3A_1978], %swap3A_1981 {strides = array<i32>} : memref<16x1280xf32, #tpu.memory_space<vmem>>, vector<1x16xf32>,
        %get3A_1982 = arith.index_cast %scan3A_863 : i32 to index
        %get3A_1983 = arith.constant 1120 : index
        %get3A_1984 = tpu.vector_load %arg9[%get3A_1982, %get3A_1983] {strides = array<i32>} : memref<16x1280xf32, #tpu.memory_space<vmem>>, vector<1x16xf32>,
        %get3A_1985 = vector.shape_cast %get3A_1984 : vector<1x16xf32> to vector<16xf32>
        %add3A_1986 = arith.constant 16 : i32
        %add3A_1987 = arith.addi %add3A_1986, %scan3A_863 : i32
        %get3A_1988 = arith.index_cast %add3A_1987 : i32 to index
        %get3A_1989 = arith.constant 1120 : index
        %get3A_1990 = tpu.vector_load %arg7[%get3A_1988, %get3A_1989] {strides = array<i32>} : memref<32x1280xf32, #tpu.memory_space<vmem>>, vector<1x16xf32>,
        %get3A_1991 = vector.shape_cast %get3A_1990 : vector<1x16xf32> to vector<16xf32>
        %add3A_1992 = arith.addf %get3A_1985, %get3A_1991 : vector<16xf32>
        %swap3A_1993 = arith.index_cast %scan3A_863 : i32 to index
        %swap3A_1994 = arith.constant 1120 : index
        %swap3A_1995 = tpu.vector_load %arg11[%swap3A_1993, %swap3A_1994] {strides = array<i32>} : memref<16x1280xf32, #tpu.memory_space<vmem>>, vector<1x16xf32>,
        %swap3A_1996 = vector.shape_cast %swap3A_1995 : vector<1x16xf32> to vector<16xf32>
        %swap3A_1997 = vector.shape_cast %add3A_1992 : vector<16xf32> to vector<1x16xf32>
        tpu.vector_store %arg11[%swap3A_1993, %swap3A_1994], %swap3A_1997 {strides = array<i32>} : memref<16x1280xf32, #tpu.memory_space<vmem>>, vector<1x16xf32>,
        %get3A_1998 = arith.index_cast %scan3A_863 : i32 to index
        %get3A_1999 = arith.constant 1136 : index
        %get3A_2000 = tpu.vector_load %arg9[%get3A_1998, %get3A_1999] {strides = array<i32>} : memref<16x1280xf32, #tpu.memory_space<vmem>>, vector<1x16xf32>,
        %get3A_2001 = vector.shape_cast %get3A_2000 : vector<1x16xf32> to vector<16xf32>
        %add3A_2002 = arith.constant 16 : i32
        %add3A_2003 = arith.addi %add3A_2002, %scan3A_863 : i32
        %get3A_2004 = arith.index_cast %add3A_2003 : i32 to index
        %get3A_2005 = arith.constant 1136 : index
        %get3A_2006 = tpu.vector_load %arg7[%get3A_2004, %get3A_2005] {strides = array<i32>} : memref<32x1280xf32, #tpu.memory_space<vmem>>, vector<1x16xf32>,
        %get3A_2007 = vector.shape_cast %get3A_2006 : vector<1x16xf32> to vector<16xf32>
        %add3A_2008 = arith.addf %get3A_2001, %get3A_2007 : vector<16xf32>
        %swap3A_2009 = arith.index_cast %scan3A_863 : i32 to index
        %swap3A_2010 = arith.constant 1136 : index
        %swap3A_2011 = tpu.vector_load %arg11[%swap3A_2009, %swap3A_2010] {strides = array<i32>} : memref<16x1280xf32, #tpu.memory_space<vmem>>, vector<1x16xf32>,
        %swap3A_2012 = vector.shape_cast %swap3A_2011 : vector<1x16xf32> to vector<16xf32>
        %swap3A_2013 = vector.shape_cast %add3A_2008 : vector<16xf32> to vector<1x16xf32>
        tpu.vector_store %arg11[%swap3A_2009, %swap3A_2010], %swap3A_2013 {strides = array<i32>} : memref<16x1280xf32, #tpu.memory_space<vmem>>, vector<1x16xf32>,
        %get3A_2014 = arith.index_cast %scan3A_863 : i32 to index
        %get3A_2015 = arith.constant 1152 : index
        %get3A_2016 = tpu.vector_load %arg9[%get3A_2014, %get3A_2015] {strides = array<i32>} : memref<16x1280xf32, #tpu.memory_space<vmem>>, vector<1x16xf32>,
        %get3A_2017 = vector.shape_cast %get3A_2016 : vector<1x16xf32> to vector<16xf32>
        %add3A_2018 = arith.constant 16 : i32
        %add3A_2019 = arith.addi %add3A_2018, %scan3A_863 : i32
        %get3A_2020 = arith.index_cast %add3A_2019 : i32 to index
        %get3A_2021 = arith.constant 1152 : index
        %get3A_2022 = tpu.vector_load %arg7[%get3A_2020, %get3A_2021] {strides = array<i32>} : memref<32x1280xf32, #tpu.memory_space<vmem>>, vector<1x16xf32>,
        %get3A_2023 = vector.shape_cast %get3A_2022 : vector<1x16xf32> to vector<16xf32>
        %add3A_2024 = arith.addf %get3A_2017, %get3A_2023 : vector<16xf32>
        %swap3A_2025 = arith.index_cast %scan3A_863 : i32 to index
        %swap3A_2026 = arith.constant 1152 : index
        %swap3A_2027 = tpu.vector_load %arg11[%swap3A_2025, %swap3A_2026] {strides = array<i32>} : memref<16x1280xf32, #tpu.memory_space<vmem>>, vector<1x16xf32>,
        %swap3A_2028 = vector.shape_cast %swap3A_2027 : vector<1x16xf32> to vector<16xf32>
        %swap3A_2029 = vector.shape_cast %add3A_2024 : vector<16xf32> to vector<1x16xf32>
        tpu.vector_store %arg11[%swap3A_2025, %swap3A_2026], %swap3A_2029 {strides = array<i32>} : memref<16x1280xf32, #tpu.memory_space<vmem>>, vector<1x16xf32>,
        %get3A_2030 = arith.index_cast %scan3A_863 : i32 to index
        %get3A_2031 = arith.constant 1168 : index
        %get3A_2032 = tpu.vector_load %arg9[%get3A_2030, %get3A_2031] {strides = array<i32>} : memref<16x1280xf32, #tpu.memory_space<vmem>>, vector<1x16xf32>,
        %get3A_2033 = vector.shape_cast %get3A_2032 : vector<1x16xf32> to vector<16xf32>
        %add3A_2034 = arith.constant 16 : i32
        %add3A_2035 = arith.addi %add3A_2034, %scan3A_863 : i32
        %get3A_2036 = arith.index_cast %add3A_2035 : i32 to index
        %get3A_2037 = arith.constant 1168 : index
        %get3A_2038 = tpu.vector_load %arg7[%get3A_2036, %get3A_2037] {strides = array<i32>} : memref<32x1280xf32, #tpu.memory_space<vmem>>, vector<1x16xf32>,
        %get3A_2039 = vector.shape_cast %get3A_2038 : vector<1x16xf32> to vector<16xf32>
        %add3A_2040 = arith.addf %get3A_2033, %get3A_2039 : vector<16xf32>
        %swap3A_2041 = arith.index_cast %scan3A_863 : i32 to index
        %swap3A_2042 = arith.constant 1168 : index
        %swap3A_2043 = tpu.vector_load %arg11[%swap3A_2041, %swap3A_2042] {strides = array<i32>} : memref<16x1280xf32, #tpu.memory_space<vmem>>, vector<1x16xf32>,
        %swap3A_2044 = vector.shape_cast %swap3A_2043 : vector<1x16xf32> to vector<16xf32>
        %swap3A_2045 = vector.shape_cast %add3A_2040 : vector<16xf32> to vector<1x16xf32>
        tpu.vector_store %arg11[%swap3A_2041, %swap3A_2042], %swap3A_2045 {strides = array<i32>} : memref<16x1280xf32, #tpu.memory_space<vmem>>, vector<1x16xf32>,
        %get3A_2046 = arith.index_cast %scan3A_863 : i32 to index
        %get3A_2047 = arith.constant 1184 : index
        %get3A_2048 = tpu.vector_load %arg9[%get3A_2046, %get3A_2047] {strides = array<i32>} : memref<16x1280xf32, #tpu.memory_space<vmem>>, vector<1x16xf32>,
        %get3A_2049 = vector.shape_cast %get3A_2048 : vector<1x16xf32> to vector<16xf32>
        %add3A_2050 = arith.constant 16 : i32
        %add3A_2051 = arith.addi %add3A_2050, %scan3A_863 : i32
        %get3A_2052 = arith.index_cast %add3A_2051 : i32 to index
        %get3A_2053 = arith.constant 1184 : index
        %get3A_2054 = tpu.vector_load %arg7[%get3A_2052, %get3A_2053] {strides = array<i32>} : memref<32x1280xf32, #tpu.memory_space<vmem>>, vector<1x16xf32>,
        %get3A_2055 = vector.shape_cast %get3A_2054 : vector<1x16xf32> to vector<16xf32>
        %add3A_2056 = arith.addf %get3A_2049, %get3A_2055 : vector<16xf32>
        %swap3A_2057 = arith.index_cast %scan3A_863 : i32 to index
        %swap3A_2058 = arith.constant 1184 : index
        %swap3A_2059 = tpu.vector_load %arg11[%swap3A_2057, %swap3A_2058] {strides = array<i32>} : memref<16x1280xf32, #tpu.memory_space<vmem>>, vector<1x16xf32>,
        %swap3A_2060 = vector.shape_cast %swap3A_2059 : vector<1x16xf32> to vector<16xf32>
        %swap3A_2061 = vector.shape_cast %add3A_2056 : vector<16xf32> to vector<1x16xf32>
        tpu.vector_store %arg11[%swap3A_2057, %swap3A_2058], %swap3A_2061 {strides = array<i32>} : memref<16x1280xf32, #tpu.memory_space<vmem>>, vector<1x16xf32>,
        %get3A_2062 = arith.index_cast %scan3A_863 : i32 to index
        %get3A_2063 = arith.constant 1200 : index
        %get3A_2064 = tpu.vector_load %arg9[%get3A_2062, %get3A_2063] {strides = array<i32>} : memref<16x1280xf32, #tpu.memory_space<vmem>>, vector<1x16xf32>,
        %get3A_2065 = vector.shape_cast %get3A_2064 : vector<1x16xf32> to vector<16xf32>
        %add3A_2066 = arith.constant 16 : i32
        %add3A_2067 = arith.addi %add3A_2066, %scan3A_863 : i32
        %get3A_2068 = arith.index_cast %add3A_2067 : i32 to index
        %get3A_2069 = arith.constant 1200 : index
        %get3A_2070 = tpu.vector_load %arg7[%get3A_2068, %get3A_2069] {strides = array<i32>} : memref<32x1280xf32, #tpu.memory_space<vmem>>, vector<1x16xf32>,
        %get3A_2071 = vector.shape_cast %get3A_2070 : vector<1x16xf32> to vector<16xf32>
        %add3A_2072 = arith.addf %get3A_2065, %get3A_2071 : vector<16xf32>
        %swap3A_2073 = arith.index_cast %scan3A_863 : i32 to index
        %swap3A_2074 = arith.constant 1200 : index
        %swap3A_2075 = tpu.vector_load %arg11[%swap3A_2073, %swap3A_2074] {strides = array<i32>} : memref<16x1280xf32, #tpu.memory_space<vmem>>, vector<1x16xf32>,
        %swap3A_2076 = vector.shape_cast %swap3A_2075 : vector<1x16xf32> to vector<16xf32>
        %swap3A_2077 = vector.shape_cast %add3A_2072 : vector<16xf32> to vector<1x16xf32>
        tpu.vector_store %arg11[%swap3A_2073, %swap3A_2074], %swap3A_2077 {strides = array<i32>} : memref<16x1280xf32, #tpu.memory_space<vmem>>, vector<1x16xf32>,
        %get3A_2078 = arith.index_cast %scan3A_863 : i32 to index
        %get3A_2079 = arith.constant 1216 : index
        %get3A_2080 = tpu.vector_load %arg9[%get3A_2078, %get3A_2079] {strides = array<i32>} : memref<16x1280xf32, #tpu.memory_space<vmem>>, vector<1x16xf32>,
        %get3A_2081 = vector.shape_cast %get3A_2080 : vector<1x16xf32> to vector<16xf32>
        %add3A_2082 = arith.constant 16 : i32
        %add3A_2083 = arith.addi %add3A_2082, %scan3A_863 : i32
        %get3A_2084 = arith.index_cast %add3A_2083 : i32 to index
        %get3A_2085 = arith.constant 1216 : index
        %get3A_2086 = tpu.vector_load %arg7[%get3A_2084, %get3A_2085] {strides = array<i32>} : memref<32x1280xf32, #tpu.memory_space<vmem>>, vector<1x16xf32>,
        %get3A_2087 = vector.shape_cast %get3A_2086 : vector<1x16xf32> to vector<16xf32>
        %add3A_2088 = arith.addf %get3A_2081, %get3A_2087 : vector<16xf32>
        %swap3A_2089 = arith.index_cast %scan3A_863 : i32 to index
        %swap3A_2090 = arith.constant 1216 : index
        %swap3A_2091 = tpu.vector_load %arg11[%swap3A_2089, %swap3A_2090] {strides = array<i32>} : memref<16x1280xf32, #tpu.memory_space<vmem>>, vector<1x16xf32>,
        %swap3A_2092 = vector.shape_cast %swap3A_2091 : vector<1x16xf32> to vector<16xf32>
        %swap3A_2093 = vector.shape_cast %add3A_2088 : vector<16xf32> to vector<1x16xf32>
        tpu.vector_store %arg11[%swap3A_2089, %swap3A_2090], %swap3A_2093 {strides = array<i32>} : memref<16x1280xf32, #tpu.memory_space<vmem>>, vector<1x16xf32>,
        %get3A_2094 = arith.index_cast %scan3A_863 : i32 to index
        %get3A_2095 = arith.constant 1232 : index
        %get3A_2096 = tpu.vector_load %arg9[%get3A_2094, %get3A_2095] {strides = array<i32>} : memref<16x1280xf32, #tpu.memory_space<vmem>>, vector<1x16xf32>,
        %get3A_2097 = vector.shape_cast %get3A_2096 : vector<1x16xf32> to vector<16xf32>
        %add3A_2098 = arith.constant 16 : i32
        %add3A_2099 = arith.addi %add3A_2098, %scan3A_863 : i32
        %get3A_2100 = arith.index_cast %add3A_2099 : i32 to index
        %get3A_2101 = arith.constant 1232 : index
        %get3A_2102 = tpu.vector_load %arg7[%get3A_2100, %get3A_2101] {strides = array<i32>} : memref<32x1280xf32, #tpu.memory_space<vmem>>, vector<1x16xf32>,
        %get3A_2103 = vector.shape_cast %get3A_2102 : vector<1x16xf32> to vector<16xf32>
        %add3A_2104 = arith.addf %get3A_2097, %get3A_2103 : vector<16xf32>
        %swap3A_2105 = arith.index_cast %scan3A_863 : i32 to index
        %swap3A_2106 = arith.constant 1232 : index
        %swap3A_2107 = tpu.vector_load %arg11[%swap3A_2105, %swap3A_2106] {strides = array<i32>} : memref<16x1280xf32, #tpu.memory_space<vmem>>, vector<1x16xf32>,
        %swap3A_2108 = vector.shape_cast %swap3A_2107 : vector<1x16xf32> to vector<16xf32>
        %swap3A_2109 = vector.shape_cast %add3A_2104 : vector<16xf32> to vector<1x16xf32>
        tpu.vector_store %arg11[%swap3A_2105, %swap3A_2106], %swap3A_2109 {strides = array<i32>} : memref<16x1280xf32, #tpu.memory_space<vmem>>, vector<1x16xf32>,
        %get3A_2110 = arith.index_cast %scan3A_863 : i32 to index
        %get3A_2111 = arith.constant 1248 : index
        %get3A_2112 = tpu.vector_load %arg9[%get3A_2110, %get3A_2111] {strides = array<i32>} : memref<16x1280xf32, #tpu.memory_space<vmem>>, vector<1x16xf32>,
        %get3A_2113 = vector.shape_cast %get3A_2112 : vector<1x16xf32> to vector<16xf32>
        %add3A_2114 = arith.constant 16 : i32
        %add3A_2115 = arith.addi %add3A_2114, %scan3A_863 : i32
        %get3A_2116 = arith.index_cast %add3A_2115 : i32 to index
        %get3A_2117 = arith.constant 1248 : index
        %get3A_2118 = tpu.vector_load %arg7[%get3A_2116, %get3A_2117] {strides = array<i32>} : memref<32x1280xf32, #tpu.memory_space<vmem>>, vector<1x16xf32>,
        %get3A_2119 = vector.shape_cast %get3A_2118 : vector<1x16xf32> to vector<16xf32>
        %add3A_2120 = arith.addf %get3A_2113, %get3A_2119 : vector<16xf32>
        %swap3A_2121 = arith.index_cast %scan3A_863 : i32 to index
        %swap3A_2122 = arith.constant 1248 : index
        %swap3A_2123 = tpu.vector_load %arg11[%swap3A_2121, %swap3A_2122] {strides = array<i32>} : memref<16x1280xf32, #tpu.memory_space<vmem>>, vector<1x16xf32>,
        %swap3A_2124 = vector.shape_cast %swap3A_2123 : vector<1x16xf32> to vector<16xf32>
        %swap3A_2125 = vector.shape_cast %add3A_2120 : vector<16xf32> to vector<1x16xf32>
        tpu.vector_store %arg11[%swap3A_2121, %swap3A_2122], %swap3A_2125 {strides = array<i32>} : memref<16x1280xf32, #tpu.memory_space<vmem>>, vector<1x16xf32>,
        %get3A_2126 = arith.index_cast %scan3A_863 : i32 to index
        %get3A_2127 = arith.constant 1264 : index
        %get3A_2128 = tpu.vector_load %arg9[%get3A_2126, %get3A_2127] {strides = array<i32>} : memref<16x1280xf32, #tpu.memory_space<vmem>>, vector<1x16xf32>,
        %get3A_2129 = vector.shape_cast %get3A_2128 : vector<1x16xf32> to vector<16xf32>
        %add3A_2130 = arith.constant 16 : i32
        %add3A_2131 = arith.addi %add3A_2130, %scan3A_863 : i32
        %get3A_2132 = arith.index_cast %add3A_2131 : i32 to index
        %get3A_2133 = arith.constant 1264 : index
        %get3A_2134 = tpu.vector_load %arg7[%get3A_2132, %get3A_2133] {strides = array<i32>} : memref<32x1280xf32, #tpu.memory_space<vmem>>, vector<1x16xf32>,
        %get3A_2135 = vector.shape_cast %get3A_2134 : vector<1x16xf32> to vector<16xf32>
        %add3A_2136 = arith.addf %get3A_2129, %get3A_2135 : vector<16xf32>
        %swap3A_2137 = arith.index_cast %scan3A_863 : i32 to index
        %swap3A_2138 = arith.constant 1264 : index
        %swap3A_2139 = tpu.vector_load %arg11[%swap3A_2137, %swap3A_2138] {strides = array<i32>} : memref<16x1280xf32, #tpu.memory_space<vmem>>, vector<1x16xf32>,
        %swap3A_2140 = vector.shape_cast %swap3A_2139 : vector<1x16xf32> to vector<16xf32>
        %swap3A_2141 = vector.shape_cast %add3A_2136 : vector<16xf32> to vector<1x16xf32>
        tpu.vector_store %arg11[%swap3A_2137, %swap3A_2138], %swap3A_2141 {strides = array<i32>} : memref<16x1280xf32, #tpu.memory_space<vmem>>, vector<1x16xf32>,
      }
      %scan3A_849 = arith.constant 16 : i32
      %add3A_850 = arith.constant 16 : i32
      %add3A_851 = arith.addi %mul3A_2, %add3A_850 : i32
      %dma_start3A_852 = arith.constant 0 : i32
      %dma_start3A_853 = tpu.memref_slice %arg5[%scan3A_806, %add3A_851, %dma_start3A_852] : memref<32x1024x1280xf32, #tpu.memory_space<hbm>> -> memref<1x16x1280xf32, #tpu.memory_space<hbm>>
      %dma_start3A_854 = tpu.memref_squeeze %dma_start3A_853 : memref<1x16x1280xf32, #tpu.memory_space<hbm>> -> memref<16x1280xf32, #tpu.memory_space<hbm>>
      %dma_start3A_855 = arith.constant 0 : i32
      %dma_start3A_856 = tpu.memref_slice %arg5[%scan3A_806, %add3A_851, %dma_start3A_855] : memref<32x1024x1280xf32, #tpu.memory_space<hbm>> -> memref<1x16x1280xf32, #tpu.memory_space<hbm>>
      %dma_start3A_857 = tpu.memref_squeeze %dma_start3A_856 : memref<1x16x1280xf32, #tpu.memory_space<hbm>> -> memref<16x1280xf32, #tpu.memory_space<hbm>>
      tpu.enqueue_dma source(%arg11 : memref<16x1280xf32, #tpu.memory_space<vmem>>) target(%dma_start3A_857 : memref<16x1280xf32, #tpu.memory_space<hbm>>) target_semaphore(%arg15 : memref<!tpu.dma_semaphore, #tpu.memory_space<semaphore_mem>>)
      %lt3A_858 = arith.constant 31 : i32
      %lt3A_859 = arith.cmpi slt, %scan3A_806, %lt3A_858 : i32
      %convert_element_type3A_860 = arith.extui %lt3A_859 : i1 to i32
      %cond3A_861 = arith.constant 0 : i32
      %cond3A_862 = arith.cmpi ne, %convert_element_type3A_860, %cond3A_861 : i32
      scf.if %cond3A_862 {
        %add3A_863 = arith.constant 1 : i32
        %add3A_864 = arith.addi %scan3A_806, %add3A_863 : i32
        %dma_start3A_865 = arith.constant 16 : i32
        %dma_start3A_866 = tpu.memref_slice %arg6[%add3A_864, %dma_start3A_865] : memref<32x32xi32, #tpu.memory_space<vmem>> -> memref<1x16xi32, #tpu.memory_space<vmem>>
        %dma_start3A_867 = tpu.memref_squeeze %dma_start3A_866 : memref<1x16xi32, #tpu.memory_space<vmem>> -> memref<16xi32, #tpu.memory_space<vmem>>
        %dma_start3A_868 = arith.constant 0 : i32
        %dma_start3A_869 = arith.constant 0 : i32
        %dma_start3A_870 = tpu.memref_slice %arg3[%dma_start3A_868, %dma_start3A_869] : memref<50257x1280xf32, #tpu.memory_space<hbm>> -> memref<50257x1280xf32, #tpu.memory_space<hbm>>
        tpu.enqueue_indirect_dma source(%dma_start3A_870 : memref<50257x1280xf32, #tpu.memory_space<hbm>>) target(%arg9 : memref<16x1280xf32, #tpu.memory_space<vmem>>) offsets(%dma_start3A_867 : memref<16xi32, #tpu.memory_space<vmem>>) semaphore(%arg13 : memref<!tpu.dma_semaphore, #tpu.memory_space<semaphore_mem>>)
      } else {
      }
    }
    %scan3A_787 = arith.constant 32 : i32
    %add3A_788 = arith.constant 0 : i32
    %add3A_789 = arith.addi %mul3A_2, %add3A_788 : i32
    %dma_wait3A_790 = arith.constant 31 : i32
    %dma_wait3A_791 = arith.constant 0 : i32
    %dma_wait3A_792 = tpu.memref_slice %arg5[%dma_wait3A_790, %add3A_789, %dma_wait3A_791] : memref<32x1024x1280xf32, #tpu.memory_space<hbm>> -> memref<1x16x1280xf32, #tpu.memory_space<hbm>>
    %dma_wait3A_793 = tpu.memref_squeeze %dma_wait3A_792 : memref<1x16x1280xf32, #tpu.memory_space<hbm>> -> memref<16x1280xf32, #tpu.memory_space<hbm>>
    %dma_wait3A_794 = arith.constant 0 : i32
    %dma_wait3A_795 = tpu.memref_slice %arg5[%dma_wait3A_790, %add3A_789, %dma_wait3A_794] : memref<32x1024x1280xf32, #tpu.memory_space<hbm>> -> memref<1x16x1280xf32, #tpu.memory_space<hbm>>
    %dma_wait3A_796 = tpu.memref_squeeze %dma_wait3A_795 : memref<1x16x1280xf32, #tpu.memory_space<hbm>> -> memref<16x1280xf32, #tpu.memory_space<hbm>>
    tpu.wait_dma2 semaphore(%arg14 : memref<!tpu.dma_semaphore, #tpu.memory_space<semaphore_mem>>) src(%arg10 : memref<16x1280xf32, #tpu.memory_space<vmem>>) dst(%dma_wait3A_796 : memref<16x1280xf32, #tpu.memory_space<hbm>>)
    %add3A_797 = arith.constant 16 : i32
    %add3A_798 = arith.addi %mul3A_2, %add3A_797 : i32
    %dma_wait3A_799 = arith.constant 31 : i32
    %dma_wait3A_800 = arith.constant 0 : i32
    %dma_wait3A_801 = tpu.memref_slice %arg5[%dma_wait3A_799, %add3A_798, %dma_wait3A_800] : memref<32x1024x1280xf32, #tpu.memory_space<hbm>> -> memref<1x16x1280xf32, #tpu.memory_space<hbm>>
    %dma_wait3A_802 = tpu.memref_squeeze %dma_wait3A_801 : memref<1x16x1280xf32, #tpu.memory_space<hbm>> -> memref<16x1280xf32, #tpu.memory_space<hbm>>
    %dma_wait3A_803 = arith.constant 0 : i32
    %dma_wait3A_804 = tpu.memref_slice %arg5[%dma_wait3A_799, %add3A_798, %dma_wait3A_803] : memref<32x1024x1280xf32, #tpu.memory_space<hbm>> -> memref<1x16x1280xf32, #tpu.memory_space<hbm>>
    %dma_wait3A_805 = tpu.memref_squeeze %dma_wait3A_804 : memref<1x16x1280xf32, #tpu.memory_space<hbm>> -> memref<16x1280xf32, #tpu.memory_space<hbm>>
    tpu.wait_dma2 semaphore(%arg15 : memref<!tpu.dma_semaphore, #tpu.memory_space<semaphore_mem>>) src(%arg11 : memref<16x1280xf32, #tpu.memory_space<vmem>>) dst(%dma_wait3A_805 : memref<16x1280xf32, #tpu.memory_space<hbm>>)
    return
  }
}

</mosaic_0001>

<sc_bundles>
// kernel: kernel.3.cloned.1.call-start
scs
__scs_entry_jumppad:
0x0: {  	(pc) =	sbr.rel $0x88, $3  }
0x1: {  	(tag) =	ssettag $0x0;
	lr =	simm.s32 $0x1  }
0x2: {  	[smem:$0x3F9E] =	sst lr;
	_ =	strace $0xD0000000  }
0x3: {  	_ = 	snop  }
0x4: {  	_ = 	snop  }
0x5: {  	_ = 	snop  }
0x6: {  	_ = 	snop  }
0x7: {  	_ = 	snop  }
__scs_overlays_trampoline_lowered:
0x8: {  	[smem:$0x3FAD] =	sst s0  }
0x9: {  	[smem:$0x3FAE] =	sst s1  }
0xa: {  	[smem:$0x3FAF] =	sst s2  }
0xb: {  	[smem:$0x3FB0] =	sst s3  }
0xc: {  	[smem:$0x3FB1] =	sst s4  }
0xd: {  	[smem:$0x3FB2] =	sst s5  }
0xe: {  	[smem:$0x3FB3] =	sst s6  }
0xf: {  	[smem:$0x3FB4] =	sst s7  }
0x10: {  	[smem:$0x3FB5] =	sst s8  }
0x11: {  	[smem:$0x3FB6] =	sst s9;
	s0 =	simm.s32 @!p0 $0x0  }
0x12: {  	s1 =	sld [smem:$0x3F9C];
	s0 =	simm.s32 @p0 $0x1  }
0x13: {  	[smem:$0x3FB7] =	sst s0;
	s0 =	simm.s32 @!p1 $0x0  }
0x14: {  	s2 =	sld [smem:$0x3F9B];
	s0 =	simm.s32 @p1 $0x1  }
0x15: {  	[smem:$0x3FB8] =	sst s0;
	s0 =	simm.s32 @!p2 $0x0  }
0x16: {  	s3 =	sld [smem:$0x3FDB];
	s0 =	simm.s32 @p2 $0x1  }
0x17: {  	s4 =	simm.s32 $0x1BF5;
	[smem:$0x3FBA] =	sst s0  }
0x18: {  	s0 =	sld [smem:$0x3F9D];
	_ =	swait.ge [sflag:s4], $0x0  }
0x19: {  	s7 =	sld [smem:$0x3F9E]  }
0x1a: {  	s8 =	sadd.s32 $0xFFFFE003, lr  }
0x1b: {  	s9 =	sadd.s32 $0xFFFFFEF7, lr;
	s5 =	simm.s32 $0xFFFFFFFF;
	p2 =	slt.u32 s8, $0xFFFFF086  }
0x1c: {  	p1 =	slt.u32 s9, $0xF7A;
	s5 =	simm.s32 @!p2 $0x0  }
0x1d: {  	s5 =	simm.s32 @p1 $0x1;
	p0 =	seq.s32 s7, s2  }
0x1e: {  	s7 =	smul.u32 @!p0 $0xF7A, s2;
	p2 =	seq.s32 @!p0 s5, $0x0  }
0x1f: {  	s9 =	smul.u32 $0xF7A, s1;
	s8 =	simm.s32 @!p0 $0x1BF5;
	p2 =	por !p2, p0  }
0x20: {  	[sflag:s8] =	ssyncset.s32 @!p0 $0xFFFFF086;
	s6 =	sadd.s32 @!p0 s3, s7;
	s7 =	simm.s32 @!p0 $0x108  }
0x21: {  	s3 =	sadd.s32 s3, s9;
	s6 =	sadd.s32 @!p0 $0x88, s6;
	s7 =	simm.s32 @p2 $0x1082  }
0x22: {  	[simem:s7], [sflag:s8] =	dma.local @!p0 [hbm:s6], $0xF7A  }
0x23: {  	s9 =	sor.u32 $0xD0000000, s2;
	s6 =	simm.s32 $0x108;
	_ =	swait.ge @!p0 [sflag:s8], $0x0  }
0x24: {  	s3 =	sadd.s32 $0x88, s3;
	s6 =	simm.s32 @!p1 $0x1082;
	[sflag:s4] =	ssyncset.s32 $0xFFFFF086  }
0x25: {  	[simem:s6], [sflag:s4] =	dma.local [hbm:s3], $0xF7A  }
0x26: {  	[smem:$0x3F9E] =	sst s1;
	(tag) =	ssettag s2;
	_ =	strace s9  }
0x27: {  	s1 =	sld [smem:$0x3FAE]  }
0x28: {  	s2 =	sld [smem:$0x3FAF]  }
0x29: {  	s4 =	sld [smem:$0x3FB1]  }
0x2a: {  	p0 =	seq.s32 s5, $0x0;
	s5 =	sld [smem:$0x3FB2]  }
0x2b: {  	s6 =	sld [smem:$0x3FB3]  }
0x2c: {  	s7 =	sld [smem:$0x3FB4]  }
0x2d: {  	s3 =	simm.s32 $0x108;
	s8 =	sld [smem:$0x3FB5]  }
0x2e: {  	s3 =	simm.s32 @!p0 $0x1082;
	s9 =	sld [smem:$0x3FB6]  }
0x2f: {  	lr =	sadd.s32 s0, s3;
	s0 =	sld [smem:$0x3FAD]  }
0x30: {  	s3 =	sld [smem:$0x3FB0]  }
0x31: {  	[smem:$0x3FB9] =	sst s10  }
0x32: {  	s10 =	sld [smem:$0x3FB7];
	_ =	sdelay $0x3  }
0x33: {  	p0 =	seq.s32 s10, $0x1;
	s10 =	sld [smem:$0x3FB9];
	_ =	sdelay $0x3  }
0x34: {  	[smem:$0x3FB9] =	sst s10  }
0x35: {  	s10 =	sld [smem:$0x3FB8];
	_ =	sdelay $0x3  }
0x36: {  	p1 =	seq.s32 s10, $0x1;
	s10 =	sld [smem:$0x3FB9];
	_ =	sdelay $0x3  }
0x37: {  	[smem:$0x3FB9] =	sst s10  }
0x38: {  	s10 =	sld [smem:$0x3FBA]  }
0x39: {  	_ = 	snop;
	(pc) =	sbr.ind lr, $3  }
0x3a: {  	_ = 	snop  }
0x3b: {  	_ = 	snop  }
0x3c: {  	p2 =	seq.s32 s10, $0x1;
	s10 =	sld [smem:$0x3FB9]  }
0x3d: {  	_ =	shalt  }
0x3e: {  	_ =	shalt  }
0x3f: {  	_ =	shalt  }
0x40: {  	_ =	shalt  }
0x41: {  	_ =	shalt  }
0x42: {  	_ =	shalt  }
0x43: {  	_ =	shalt  }
0x44: {  	_ =	shalt  }
0x45: {  	_ =	shalt  }
0x46: {  	_ =	shalt  }
0x47: {  	_ =	shalt  }
0x48: {  	_ =	shalt  }
0x49: {  	_ =	shalt  }
0x4a: {  	_ =	shalt  }
0x4b: {  	_ =	shalt  }
0x4c: {  	_ =	shalt  }
0x4d: {  	_ =	shalt  }
0x4e: {  	_ =	shalt  }
0x4f: {  	_ =	shalt  }
0x50: {  	_ =	shalt  }
0x51: {  	_ =	shalt  }
0x52: {  	_ =	shalt  }
0x53: {  	_ =	shalt  }
0x54: {  	_ =	shalt  }
0x55: {  	_ =	shalt  }
0x56: {  	_ =	shalt  }
0x57: {  	_ =	shalt  }
0x58: {  	_ =	shalt  }
0x59: {  	_ =	shalt  }
0x5a: {  	_ =	shalt  }
0x5b: {  	_ =	shalt  }
0x5c: {  	_ =	shalt  }
0x5d: {  	_ =	shalt  }
0x5e: {  	_ =	shalt  }
0x5f: {  	_ =	shalt  }
0x60: {  	_ =	shalt  }
0x61: {  	_ =	shalt  }
0x62: {  	_ =	shalt  }
0x63: {  	_ =	shalt  }
0x64: {  	_ =	shalt  }
0x65: {  	_ =	shalt  }
0x66: {  	_ =	shalt  }
0x67: {  	_ =	shalt  }
0x68: {  	_ =	shalt  }
0x69: {  	_ =	shalt  }
0x6a: {  	_ =	shalt  }
0x6b: {  	_ =	shalt  }
0x6c: {  	_ =	shalt  }
0x6d: {  	_ =	shalt  }
0x6e: {  	_ =	shalt  }
0x6f: {  	_ =	shalt  }
0x70: {  	_ =	shalt  }
0x71: {  	_ =	shalt  }
0x72: {  	_ =	shalt  }
0x73: {  	_ =	shalt  }
0x74: {  	_ =	shalt  }
0x75: {  	_ =	shalt  }
0x76: {  	_ =	shalt  }
0x77: {  	_ =	shalt  }
0x78: {  	_ =	shalt  }
0x79: {  	_ =	shalt  }
0x7a: {  	_ =	shalt  }
0x7b: {  	_ =	shalt  }
0x7c: {  	_ =	shalt  }
0x7d: {  	_ =	shalt  }
0x7e: {  	_ =	shalt  }
0x7f: {  	_ =	shalt  }
0x80: {  	_ =	shalt  }
0x81: {  	_ =	shalt  }
0x82: {  	_ =	shalt  }
0x83: {  	_ =	shalt  }
0x84: {  	_ =	shalt  }
0x85: {  	_ =	shalt  }
0x86: {  	_ =	shalt  }
0x87: {  	_ =	shalt  }
.Lfunc_end0:
.L_simem_size_0:
called_computation_lowered:
.L_overlay_start_0:
0x88: {  	s2 =	sld [smem:$0x3FD9]  }
0x89: {  	s3 =	sld [smem:$0x3FFE];
	_ =	sdelay $0x1  }
0x8a: {  	s1 =	srdreg.scid  }
0x8b: {  	s0 =	sand.u32 $0x1, s1  }
0x8c: {  	s18 =	sshll.u32 s0, $0xA;
	s2 =	sadd.s32 s3, s2  }
0x8d: {  	s2 =	sadd.s32 s2, s18  }
0x8e: {  	[smem:$0x3FC5] =	sst s2  }
0x8f: {  	_ = 	snop  }
0x90: {  	s2 =	sld [smem:$0x3FC9]  }
0x91: {  	s19 =	sld [smem:$0x3FC8]  }
0x92: {  	s4 =	sld [smem:$0x3FC7]  }
0x93: {  	s5 =	sld [smem:$0x3FD0];
	(tm) =	ssettm $0x1  }
0x94: {  	s6 =	sld [smem:$0x3FFB];
	_ =	sdelay $0x3  }
0x95: {  	_ =	strace s6  }
0x96: {  	s6 =	sld [smem:$0x3FFC];
	_ =	sdelay $0x3  }
0x97: {  	_ =	strace s6  }
0x98: {  	s6 =	sld [smem:$0x3FFD];
	_ =	sdelay $0x3  }
0x99: {  	_ =	strace s6  }
0x9a: {  	_ =	strace $0x8FFFFFFF  }
0x9b: {  	s20 =	sld [smem:$0x3FDB];
	_ =	sdelay $0x1  }
0x9c: {  	s7 =	simm.s32 $_scs_section_size  }
0x9d: {  	s8 =	simm.s32 $_size__tile_overlayer_lowered;
	s9 =	simm.s32 $_tile_overlayer_lowered  }
0x9e: {  	s23 =	simm.s32 $0x1BFF;
	s22 =	sshll.u32 s9, $0x1;
	s6 =	sadd.s32 s7, s20  }
0x9f: {  	s10 =	simm.s32 $0x0;
	s21 =	sshll.u32 s8, $0x1;
	s8 =	sadd.s32 s22, s6  }
0xa0: {  	[timem:s10], [sflag:s23] =	dma.local [hbm:s8], s21  }
0xa1: {  	_ =	swait.ge [sflag:s23], s21  }
0xa2: {  	s7 =	ssub.s32 $0x0, s21;
	[sflag:s23] =	ssyncset.done $0x0  }
0xa3: {  	[sflag:s23] =	ssyncadd.s32 s7;
	_ =	sdelay $0x1  }
0xa4: {  	s24 =	simm.s32 $0x1B8B  }
0xa5: {  	_ =	swait.ge [sflag:s24], $0x1  }
0xa6: {  	[sflag:s24] =	ssyncset.done $0x0  }
0xa7: {  	s25 =	simm.s32 $0x1B8E;
	[sflag:s24] =	ssyncadd.s32 $0xFFFFFFFF  }
0xa8: {  	s26 =	simm.s32 $execute0_lowered;
	[smem:$0x3FD2] =	sst s25  }
0xa9: {  	s7 =	sshll.u32 s26, $0x1;
	_ =	strace $0x80000046;
	[dreg:$0x1] =	wrdreg $0xFFFFFFFF  }
0xaa: {  	s28 =	simm.s32 $_size_execute0_lowered;
	s6 =	sadd.s32 s6, s7;
	[dreg:$0x0] =	wrdreg $0x0  }
0xab: {  	s7 =	sshll.u32 s28, $0x1;
	[dreg:$0x2] =	wrdreg s6  }
0xac: {  	[dreg:$0x3] =	wrdreg s7  }
0xad: {  	[dreg:$0x4] =	wrdreg $0xC0  }
0xae: {  	_ =	task [dreg:s10], $0x5FFFF  }
0xaf: {  	[dreg:$0x1] =	wrdreg $0xFFFFFFFF  }
0xb0: {  	[dreg:$0x0] =	wrdreg $0x60  }
0xb1: {  	[dreg:$0x2] =	wrdreg s2  }
0xb2: {  	[dreg:$0x3] =	wrdreg s19  }
0xb3: {  	[dreg:$0x4] =	wrdreg s4  }
0xb4: {  	[dreg:$0x5] =	wrdreg s5  }
0xb5: {  	[dreg:$0x6] =	wrdreg $0x9  }
0xb6: {  	_ =	task.clear_ibuf [dreg:s10], $0x7FFFF;
	_ =	strace $0x90000046  }
0xb7: {  	s29 =	simm.s32 $0x9;
	_ =	strace $0x80000048  }
0xb8: {  	_ =	swait.ge [sflag:s29], $0x1  }
0xb9: {  	[sflag:s29] =	ssyncadd.s32 $0xFFFFFFFF  }
0xba: {  	_ =	strace $0x90000048  }
0xbb: {  	_ =	sfence  }
0xbc: {  	s30 =	sld [smem:$0x0];
	_ =	sdelay $0x2  }
0xbd: {  	s31 =	sshll.u32 s1, $0xD;
	s1 =	sshrl.u32 s1, $0x2  }
0xbe: {  	s3 =	sand.u32 $0x4000, s31;
	s1 =	sadd.s32 s1, s30  }
0xbf: {  	s0 =	sor.u32 s3, s0;
	s1 =	sshll.u32 s1, $0x11  }
0xc0: {  	s0 =	sor.u32 s1, s0  }
0xc1: {  	s0 =	sadd.s32 $0x8F2B, s0  }
0xc2: {  	[sflag:s0] =	ssyncadd.remote.s32 $0x1  }
0xc3: {  	_ =	sfence.sel $0xFFFF  }
0xc4: {  	[dreg:$0x0] =	wrdreg $0xFFFFFFFF;
	(pc) =	sbr.abs _section_cstart, $3  }
0xc5: {  	[dreg:$0x1] =	wrdreg $0xFFFFFFFF  }
0xc6: {  	_ =	task.clear_ibuf [dreg:s10], $0x2FFFF;
	_ =	strace $0x9FFFFFFF  }
0xc7: {  	(tm) =	ssettm $0x7FFFFFFF  }
tec
execute0_lowered:
.L_overlay_start_1:
0x0: {  	(tag) =	ssettag $0x1  }
0x1: {  	s0 =	rddreg [dreg:$0x0]  }
0x2: {  	s2 =	rddreg [dreg:$0x1]  }
0x3: {  	s1 =	rddreg [dreg:$0x2];
	s4 =	srdreg.scid  }
0x4: {  	s3 =	rddreg [dreg:$0x3];
	s8 =	stileid.u32;
	s5 =	sand.u32 $0x1, s4  }
0x5: {  	s6 =	sshll.u32 s8, $0x6;
	s4 =	simm.s32 $0x0;
	s14 =	sshll.u32 s8, $0x9  }
0x6: {  	s7 =	sshll.u32 s5, $0x5;
	[smem:$0x7FF] =	sst s4;
	s5 =	ssub.s32 $0x2, s5  }
0x7: {  	s6 =	sor.u32 s7, s6;
	_ =	strace $0x80000047;
	s10 =	sshrl.u32 s5, $0x1  }
0x8: {  	s8 =	sor.u32 s14, s6;
	s11 =	sand.u32 $0x60, s6;
	s5 =	ssub.s32 s5, s10  }
0x9: {  	s9 =	sand.u32 $0x1C60, s8;
	s15 =	sshrl.u32 s11, $0x3;
	s8 =	sshrl.u32 s8, $0x3  }
0xa: {  	s7 =	sor.u32 s14, s11;
	s9 =	sshrl.u32 s9, $0x3;
	s21 =	sor.u32 $0x470, s8  }
0xb: {  	s7 =	sshrl.u32 s7, $0x3;
	s12 =	sadd.s32 s0, s9;
	s22 =	sadd.s32 s0, s21  }
0xc: {  	s9 =	sor.u32 s6, s15;
	s15 =	smax.u32 s5, $0x1;
	[dreg:$0xc] =	wrdreg s22  }
0xd: {  	s28 =	sor.u32 $0x870, s8;
	s18 =	sor.u32 $0x440, s7;
	[dreg:$0x18] =	wrdreg s15  }
0xe: {  	s25 =	sor.u32 $0x860, s7;
	s16 =	sadd.s32 $0x10, s12;
	[dreg:$0x5] =	wrdreg s12  }
0xf: {  	s30 =	sor.u32 $0xC50, s7;
	s26 =	sadd.s32 s0, s25;
	[dreg:$0x6] =	wrdreg s16  }
0x10: {  	s19 =	sor.u32 $0x450, s7;
	s31 =	sadd.s32 s0, s30;
	[dreg:$0xf] =	wrdreg s26  }
0x11: {  	s20 =	sor.u32 $0x460, s7;
	s13 =	sadd.s32 $0x20, s12;
	[dreg:$0x12] =	wrdreg s31  }
0x12: {  	s23 =	sor.u32 $0x840, s7;
	s14 =	sadd.s32 $0x30, s12;
	[dreg:$0x15] =	wrdreg s13  }
0x13: {  	s24 =	sor.u32 $0x850, s7;
	s21 =	sadd.s32 $0x420, s12;
	[dreg:$0x17] =	wrdreg s14  }
0x14: {  	s29 =	sor.u32 $0xC40, s7;
	s22 =	sadd.s32 $0x430, s12;
	[dreg:$0x1d] =	wrdreg s21  }
0x15: {  	s6 =	sshrl.u32 s6, $0x3;
	s25 =	sadd.s32 $0x820, s12;
	[dreg:$0x1e] =	wrdreg s22  }
0x16: {  	s17 =	sor.u32 $0x60, s9;
	s30 =	sadd.s32 $0xC20, s12;
	[smem:$0x7F8] =	sst s25  }
0x17: {  	s9 =	sor.u32 $0x70, s9;
	s10 =	sadd.s32 s0, s17;
	[smem:$0x7FC] =	sst s30  }
0x18: {  	s5 =	simm.s32 $0x14800;
	s9 =	sadd.s32 s0, s9;
	[dreg:$0x7] =	wrdreg s10  }
0x19: {  	s15 =	sadd.s32 $0x300, s2;
	s16 =	sadd.s32 $0x40, s12;
	[dreg:$0x8] =	wrdreg s9  }
0x1a: {  	s17 =	sadd.s32 $0x50, s12;
	s26 =	sadd.s32 $0x830, s12;
	[dreg:$0x19] =	wrdreg s16  }
0x1b: {  	s31 =	sadd.s32 $0xC30, s12;
	s13 =	sadd.s32 $0x100, s2;
	[dreg:$0x1a] =	wrdreg s17  }
0x1c: {  	s14 =	sadd.s32 $0x200, s2;
	s21 =	simm.s32 $0x15000;
	[smem:$0x7F9] =	sst s26  }
0x1d: {  	s22 =	simm.s32 $0x2;
	s9 =	sadd.s32 s0, s18;
	[smem:$0x7FD] =	sst s31  }
0x1e: {  	s25 =	simm.s32 $0x0;
	[dreg:$0x9] =	wrdreg s9;
	s9 =	sadd.s32 s0, s19  }
0x1f: {  	s18 =	smul.u32 $0x2800, s6;
	s19 =	sadd.s32 $0x400, s12;
	[dreg:$0xa] =	wrdreg s9  }
0x20: {  	s10 =	sor.u32 $0xC70, s8;
	s9 =	sadd.s32 s0, s20;
	[dreg:$0x1b] =	wrdreg s19  }
0x21: {  	s16 =	sadd.s32 $0x400, s2;
	s20 =	sadd.s32 $0x410, s12;
	[dreg:$0xb] =	wrdreg s9  }
0x22: {  	s8 =	simm.s32 $0x12000;
	s9 =	sadd.s32 s0, s23;
	[dreg:$0x1c] =	wrdreg s20  }
0x23: {  	s11 =	sshrl.u32 s18, $0x3;
	s23 =	sadd.s32 $0x800, s12;
	[dreg:$0xd] =	wrdreg s9  }
0x24: {  	s17 =	sadd.s32 $0x5000, s18;
	s9 =	sadd.s32 s0, s24;
	[dreg:$0x1f] =	wrdreg s23  }
0x25: {  	s19 =	simm.s32 $0x1;
	s24 =	sadd.s32 $0x810, s12;
	[dreg:$0xe] =	wrdreg s9  }
0x26: {  	s20 =	simm.s32 $0x5;
	s9 =	sadd.s32 s0, s28;
	[smem:$0x7F7] =	sst s24  }
0x27: {  	s23 =	simm.s32 $0x4;
	s28 =	sadd.s32 $0xC00, s12;
	[dreg:$0x10] =	wrdreg s9  }
0x28: {  	s24 =	simm.s32 $0x1A000;
	s9 =	sadd.s32 s0, s29;
	[smem:$0x7FA] =	sst s28  }
0x29: {  	s29 =	sadd.s32 $0xC10, s12;
	s12 =	simm.s32 $0x14000;
	[dreg:$0x11] =	wrdreg s9  }
.Ltmp0:
0x2a: {  	v2 =	vlaneseq.u32;
	s9 =	sor.u32 $0xC60, s7;
	[smem:$0x7FB] =	sst s29;
	(pc) =	sbr.rel .LBB2_1-.Ltmp0, $4  }
0x2b: {  	v0 =	vand.u32 $0x7, v2;
	v1 =	vshrl.u32 v2, $0x3;
	s7 =	simm.s32 $0x11800;
	s6 =	sadd.s32 s0, s9;
	s0 =	sadd.s32 s0, s10  }
0x2c: {  	v63 =	vor.u32 $0x8, v2;
	v62 =	vmul.u32 $0x8, v1;
	[tilespmem:$0x1FFD0] =	vst v0;
	s9 =	simm.s32 $0x12800;
	s10 =	simm.s32 $0x13000;
	[dreg:$0x13] =	wrdreg s6  }
0x2d: {  	[tilespmem:$0x1FFF0] =	vst v63;
	[dreg:$0x14] =	wrdreg s0;
	s0 =	sadd.s32 s1, s11;
	s1 =	simm.s32 $0x10800  }
0x2e: {  	vm0 =	vmmov $0xffff;
	[tilespmem:$0x1FFE0] =	vst v62;
	s6 =	simm.s32 $0x11000;
	s11 =	simm.s32 $0x13800;
	[dreg:$0x16] =	wrdreg s0  }
.LBB2_12:
0x2f: {  	s0 =	simm.s32 $0x3  }
0x30: {  	_ =	swait.ge [sflag:s0], $0x5000  }
0x31: {  	[sflag:s0] =	ssyncset.done $0x0  }
0x32: {  	[sflag:s0] =	ssyncadd.s32 $0xFFFFB000  }
0x33: {  	_ =	swait.ge [sflag:s23], $0x5000  }
0x34: {  	s25 =	sld [smem:$0x7F6];
	_ =	sdelay $0x2  }
0x35: {  	s31 =	rddreg [dreg:$0x18];
	s25 =	sadd.s32 $0x1, s25  }
0x36: {  	p0 =	sne.s32 s25, s31  }
.Ltmp1:
0x37: {  	_ = 	snop;
	(pc) =	sbr.rel @!p0 .LBB2_13-.Ltmp1, $3  }
0x38: {  	_ =	sdelay $0x1  }
0x39: {  	[sflag:s23] =	ssyncset.done $0x0  }
0x3a: {  	[sflag:s23] =	ssyncadd.s32 $0xFFFFB000  }
.LBB2_1:
0x3b: {  	[smem:$0x7F6] =	sst s25  }
0x3c: {  	s0 =	rddreg [dreg:$0x5]  }
0x3d: {  	s28 =	rddreg [dreg:$0x6]  }
0x3e: {  	[tilespmem:s4], [sflag:$0x5] =	stream.linear.gather [hbm4b:s0+s4], $0x20, $0x38;
	[tilespmem:$0x1F000] =	vst v63  }
0x3f: {  	s29 =	simm.s32 $0x80;
	s30 =	rddreg [dreg:$0x15]  }
0x40: {  	[tilespmem:s29], [sflag:$0x5] =	stream.linear.gather [hbm4b:s28+s4], $0x20, $0x38;
	[tilespmem:$0x1F000] =	vst v63  }
0x41: {  	s31 =	simm.s32 $0x100;
	s25 =	rddreg [dreg:$0x17]  }
0x42: {  	[tilespmem:s31], [sflag:$0x5] =	stream.linear.gather [hbm4b:s30+s4], $0x20, $0x38;
	[tilespmem:$0x1F000] =	vst v63  }
0x43: {  	s26 =	simm.s32 $0x180;
	s28 =	rddreg [dreg:$0x19]  }
0x44: {  	[tilespmem:s26], [sflag:$0x5] =	stream.linear.gather [hbm4b:s25+s4], $0x20, $0x38;
	[tilespmem:$0x1F000] =	vst v63  }
0x45: {  	s29 =	simm.s32 $0x200;
	s30 =	rddreg [dreg:$0x1a]  }
0x46: {  	[tilespmem:s29], [sflag:$0x5] =	stream.linear.gather [hbm4b:s28+s4], $0x20, $0x38;
	[tilespmem:$0x1F000] =	vst v63  }
0x47: {  	s31 =	simm.s32 $0x280;
	s25 =	rddreg [dreg:$0x7]  }
0x48: {  	[tilespmem:s31], [sflag:$0x5] =	stream.linear.gather [hbm4b:s30+s4], $0x20, $0x38;
	[tilespmem:$0x1F000] =	vst v63  }
0x49: {  	s26 =	simm.s32 $0x300;
	s28 =	rddreg [dreg:$0x8]  }
0x4a: {  	[tilespmem:s26], [sflag:$0x5] =	stream.linear.gather [hbm4b:s25+s4], $0x20, $0x38;
	[tilespmem:$0x1F000] =	vst v63  }
0x4b: {  	s29 =	simm.s32 $0x380;
	s30 =	rddreg [dreg:$0x1b]  }
0x4c: {  	[tilespmem:s29], [sflag:$0x5] =	stream.linear.gather [hbm4b:s28+s4], $0x20, $0x38;
	[tilespmem:$0x1F000] =	vst v63  }
0x4d: {  	s31 =	simm.s32 $0x400;
	s25 =	rddreg [dreg:$0x1c]  }
0x4e: {  	[tilespmem:s31], [sflag:$0x5] =	stream.linear.gather [hbm4b:s30+s4], $0x20, $0x38;
	[tilespmem:$0x1F000] =	vst v63  }
0x4f: {  	s26 =	simm.s32 $0x480;
	s28 =	rddreg [dreg:$0x1d]  }
0x50: {  	[tilespmem:s26], [sflag:$0x5] =	stream.linear.gather [hbm4b:s25+s4], $0x20, $0x38;
	[tilespmem:$0x1F000] =	vst v63  }
0x51: {  	s29 =	simm.s32 $0x500;
	s30 =	rddreg [dreg:$0x1e]  }
0x52: {  	[tilespmem:s29], [sflag:$0x5] =	stream.linear.gather [hbm4b:s28+s4], $0x20, $0x38;
	[tilespmem:$0x1F000] =	vst v63  }
0x53: {  	s31 =	simm.s32 $0x580;
	s25 =	rddreg [dreg:$0x9]  }
0x54: {  	[tilespmem:s31], [sflag:$0x5] =	stream.linear.gather [hbm4b:s30+s4], $0x20, $0x38;
	[tilespmem:$0x1F000] =	vst v63  }
0x55: {  	s26 =	simm.s32 $0x600;
	s28 =	rddreg [dreg:$0xa]  }
0x56: {  	[tilespmem:s26], [sflag:$0x5] =	stream.linear.gather [hbm4b:s25+s4], $0x20, $0x38;
	[tilespmem:$0x1F000] =	vst v63  }
0x57: {  	s29 =	simm.s32 $0x680;
	s30 =	rddreg [dreg:$0xb]  }
0x58: {  	[tilespmem:s29], [sflag:$0x5] =	stream.linear.gather [hbm4b:s28+s4], $0x20, $0x38;
	[tilespmem:$0x1F000] =	vst v63  }
0x59: {  	s31 =	simm.s32 $0x700;
	s25 =	rddreg [dreg:$0xc]  }
0x5a: {  	[tilespmem:s31], [sflag:$0x5] =	stream.linear.gather [hbm4b:s30+s4], $0x20, $0x38;
	[tilespmem:$0x1F000] =	vst v63  }
0x5b: {  	s26 =	simm.s32 $0x780;
	s28 =	rddreg [dreg:$0x1f]  }
0x5c: {  	[tilespmem:s26], [sflag:$0x5] =	stream.linear.gather [hbm4b:s25+s4], $0x20, $0x38;
	[tilespmem:$0x1F000] =	vst v63  }
0x5d: {  	s29 =	simm.s32 $0x800;
	s30 =	sld [smem:$0x7F7]  }
0x5e: {  	[tilespmem:s29], [sflag:$0x5] =	stream.linear.gather [hbm4b:s28+s4], $0x20, $0x38;
	[tilespmem:$0x1F000] =	vst v63  }
0x5f: {  	s31 =	simm.s32 $0x880;
	s25 =	sld [smem:$0x7F8]  }
0x60: {  	[tilespmem:s31], [sflag:$0x5] =	stream.linear.gather [hbm4b:s30+s4], $0x20, $0x38;
	[tilespmem:$0x1F000] =	vst v63  }
0x61: {  	s26 =	simm.s32 $0x900;
	s28 =	sld [smem:$0x7F9]  }
0x62: {  	[tilespmem:s26], [sflag:$0x5] =	stream.linear.gather [hbm4b:s25+s4], $0x20, $0x38;
	[tilespmem:$0x1F000] =	vst v63  }
0x63: {  	s29 =	simm.s32 $0x980;
	s30 =	rddreg [dreg:$0xd]  }
0x64: {  	[tilespmem:s29], [sflag:$0x5] =	stream.linear.gather [hbm4b:s28+s4], $0x20, $0x38;
	[tilespmem:$0x1F000] =	vst v63  }
0x65: {  	s31 =	simm.s32 $0xA00;
	s25 =	rddreg [dreg:$0xe]  }
0x66: {  	[tilespmem:s31], [sflag:$0x5] =	stream.linear.gather [hbm4b:s30+s4], $0x20, $0x38;
	[tilespmem:$0x1F000] =	vst v63  }
0x67: {  	s26 =	simm.s32 $0xA80;
	s28 =	rddreg [dreg:$0xf]  }
0x68: {  	[tilespmem:s26], [sflag:$0x5] =	stream.linear.gather [hbm4b:s25+s4], $0x20, $0x38;
	[tilespmem:$0x1F000] =	vst v63  }
0x69: {  	s29 =	simm.s32 $0xB00;
	s30 =	rddreg [dreg:$0x10]  }
0x6a: {  	[tilespmem:s29], [sflag:$0x5] =	stream.linear.gather [hbm4b:s28+s4], $0x20, $0x38;
	[tilespmem:$0x1F000] =	vst v63  }
0x6b: {  	s31 =	simm.s32 $0xB80;
	s25 =	sld [smem:$0x7FA]  }
0x6c: {  	[tilespmem:s31], [sflag:$0x5] =	stream.linear.gather [hbm4b:s30+s4], $0x20, $0x38;
	[tilespmem:$0x1F000] =	vst v63  }
0x6d: {  	s26 =	simm.s32 $0xC00;
	s28 =	sld [smem:$0x7FB]  }
0x6e: {  	[tilespmem:s26], [sflag:$0x5] =	stream.linear.gather [hbm4b:s25+s4], $0x20, $0x38;
	[tilespmem:$0x1F000] =	vst v63  }
0x6f: {  	s29 =	simm.s32 $0xC80;
	s30 =	sld [smem:$0x7FC]  }
0x70: {  	[tilespmem:s29], [sflag:$0x5] =	stream.linear.gather [hbm4b:s28+s4], $0x20, $0x38;
	[tilespmem:$0x1F000] =	vst v63  }
0x71: {  	s31 =	simm.s32 $0xD00;
	s25 =	sld [smem:$0x7FD]  }
0x72: {  	[tilespmem:s31], [sflag:$0x5] =	stream.linear.gather [hbm4b:s30+s4], $0x20, $0x38;
	[tilespmem:$0x1F000] =	vst v63  }
0x73: {  	s26 =	simm.s32 $0xD80  }
0x74: {  	[tilespmem:s26], [sflag:$0x5] =	stream.linear.gather [hbm4b:s25+s4], $0x20, $0x38;
	[tilespmem:$0x1F000] =	vst v63  }
0x75: {  	s28 =	rddreg [dreg:$0x11];
	s29 =	simm.s32 $0xE00  }
0x76: {  	[tilespmem:s29], [sflag:$0x5] =	stream.linear.gather [hbm4b:s28+s4], $0x20, $0x38;
	[tilespmem:$0x1F000] =	vst v63  }
0x77: {  	s30 =	rddreg [dreg:$0x12];
	s31 =	simm.s32 $0xE80  }
0x78: {  	[tilespmem:s31], [sflag:$0x5] =	stream.linear.gather [hbm4b:s30+s4], $0x20, $0x38;
	[tilespmem:$0x1F000] =	vst v63  }
0x79: {  	s25 =	rddreg [dreg:$0x13];
	s26 =	simm.s32 $0xF00  }
0x7a: {  	[tilespmem:s26], [sflag:$0x5] =	stream.linear.gather [hbm4b:s25+s4], $0x20, $0x38;
	[tilespmem:$0x1F000] =	vst v63  }
0x7b: {  	s28 =	rddreg [dreg:$0x14];
	s29 =	simm.s32 $0xF80  }
0x7c: {  	[tilespmem:s29], [sflag:$0x5] =	stream.linear.gather [hbm4b:s28+s4], $0x20, $0x38;
	[tilespmem:$0x1F000] =	vst v63  }
0x7d: {  	s30 =	rddreg [dreg:$0x16];
	s31 =	simm.s32 $0x1000;
	s25 =	simm.s32 $0x6  }
0x7e: {  	[tilespmem:s31], [sflag:$0x6] =	stream.linear.gather [hbm4b:s30+s4], $0xA000, $0x38;
	[tilespmem:$0x1F000] =	vst v63  }
0x7f: {  	_ =	swait.ge [sflag:s25], $0xA000  }
0x80: {  	[sflag:s25] =	ssyncset.done $0x0  }
0x81: {  	[sflag:s25] =	ssyncadd.s32 $0xFFFF6000  }
0x82: {  	_ =	swait.ge [sflag:s20], $0x20  }
0x83: {  	[sflag:s20] =	ssyncset.done $0x0  }
0x84: {  	[sflag:s20] =	ssyncadd.s32 $0xFFFFFFE0  }
0x85: {  	_ =	swait.ge [sflag:s20], $0x20  }
0x86: {  	[sflag:s20] =	ssyncset.done $0x0  }
0x87: {  	[sflag:s20] =	ssyncadd.s32 $0xFFFFFFE0  }
0x88: {  	_ =	swait.ge [sflag:s20], $0x20  }
0x89: {  	[sflag:s20] =	ssyncset.done $0x0  }
0x8a: {  	[sflag:s20] =	ssyncadd.s32 $0xFFFFFFE0  }
0x8b: {  	_ =	swait.ge [sflag:s20], $0x20  }
0x8c: {  	[sflag:s20] =	ssyncset.done $0x0  }
0x8d: {  	[sflag:s20] =	ssyncadd.s32 $0xFFFFFFE0  }
0x8e: {  	_ =	swait.ge [sflag:s20], $0x20  }
0x8f: {  	[sflag:s20] =	ssyncset.done $0x0  }
0x90: {  	[sflag:s20] =	ssyncadd.s32 $0xFFFFFFE0  }
0x91: {  	_ =	swait.ge [sflag:s20], $0x20  }
0x92: {  	[sflag:s20] =	ssyncset.done $0x0  }
0x93: {  	[sflag:s20] =	ssyncadd.s32 $0xFFFFFFE0  }
0x94: {  	_ =	swait.ge [sflag:s20], $0x20  }
0x95: {  	[sflag:s20] =	ssyncset.done $0x0  }
0x96: {  	[sflag:s20] =	ssyncadd.s32 $0xFFFFFFE0  }
0x97: {  	_ =	swait.ge [sflag:s20], $0x20  }
0x98: {  	[sflag:s20] =	ssyncset.done $0x0  }
0x99: {  	[sflag:s20] =	ssyncadd.s32 $0xFFFFFFE0  }
0x9a: {  	_ =	swait.ge [sflag:s20], $0x20  }
0x9b: {  	[sflag:s20] =	ssyncset.done $0x0  }
0x9c: {  	[sflag:s20] =	ssyncadd.s32 $0xFFFFFFE0  }
0x9d: {  	_ =	swait.ge [sflag:s20], $0x20  }
0x9e: {  	[sflag:s20] =	ssyncset.done $0x0  }
0x9f: {  	[sflag:s20] =	ssyncadd.s32 $0xFFFFFFE0  }
0xa0: {  	_ =	swait.ge [sflag:s20], $0x20  }
0xa1: {  	[sflag:s20] =	ssyncset.done $0x0  }
0xa2: {  	[sflag:s20] =	ssyncadd.s32 $0xFFFFFFE0  }
0xa3: {  	_ =	swait.ge [sflag:s20], $0x20  }
0xa4: {  	[sflag:s20] =	ssyncset.done $0x0  }
0xa5: {  	[sflag:s20] =	ssyncadd.s32 $0xFFFFFFE0  }
0xa6: {  	_ =	swait.ge [sflag:s20], $0x20  }
0xa7: {  	[sflag:s20] =	ssyncset.done $0x0  }
0xa8: {  	[sflag:s20] =	ssyncadd.s32 $0xFFFFFFE0  }
0xa9: {  	_ =	swait.ge [sflag:s20], $0x20  }
0xaa: {  	[sflag:s20] =	ssyncset.done $0x0  }
0xab: {  	[sflag:s20] =	ssyncadd.s32 $0xFFFFFFE0  }
0xac: {  	_ =	swait.ge [sflag:s20], $0x20  }
0xad: {  	[sflag:s20] =	ssyncset.done $0x0  }
0xae: {  	[sflag:s20] =	ssyncadd.s32 $0xFFFFFFE0  }
0xaf: {  	_ =	swait.ge [sflag:s20], $0x20  }
0xb0: {  	[sflag:s20] =	ssyncset.done $0x0  }
0xb1: {  	[sflag:s20] =	ssyncadd.s32 $0xFFFFFFE0  }
0xb2: {  	_ =	swait.ge [sflag:s20], $0x20  }
0xb3: {  	[sflag:s20] =	ssyncset.done $0x0  }
0xb4: {  	[sflag:s20] =	ssyncadd.s32 $0xFFFFFFE0  }
0xb5: {  	_ =	swait.ge [sflag:s20], $0x20  }
0xb6: {  	[sflag:s20] =	ssyncset.done $0x0  }
0xb7: {  	[sflag:s20] =	ssyncadd.s32 $0xFFFFFFE0  }
0xb8: {  	_ =	swait.ge [sflag:s20], $0x20  }
0xb9: {  	[sflag:s20] =	ssyncset.done $0x0  }
0xba: {  	[sflag:s20] =	ssyncadd.s32 $0xFFFFFFE0  }
0xbb: {  	_ =	swait.ge [sflag:s20], $0x20  }
0xbc: {  	[sflag:s20] =	ssyncset.done $0x0  }
0xbd: {  	[sflag:s20] =	ssyncadd.s32 $0xFFFFFFE0  }
0xbe: {  	_ =	swait.ge [sflag:s20], $0x20  }
0xbf: {  	[sflag:s20] =	ssyncset.done $0x0  }
0xc0: {  	[sflag:s20] =	ssyncadd.s32 $0xFFFFFFE0  }
0xc1: {  	_ =	swait.ge [sflag:s20], $0x20  }
0xc2: {  	[sflag:s20] =	ssyncset.done $0x0  }
0xc3: {  	[sflag:s20] =	ssyncadd.s32 $0xFFFFFFE0  }
0xc4: {  	_ =	swait.ge [sflag:s20], $0x20  }
0xc5: {  	[sflag:s20] =	ssyncset.done $0x0  }
0xc6: {  	[sflag:s20] =	ssyncadd.s32 $0xFFFFFFE0  }
0xc7: {  	_ =	swait.ge [sflag:s20], $0x20  }
0xc8: {  	[sflag:s20] =	ssyncset.done $0x0  }
0xc9: {  	[sflag:s20] =	ssyncadd.s32 $0xFFFFFFE0  }
0xca: {  	_ =	swait.ge [sflag:s20], $0x20  }
0xcb: {  	[sflag:s20] =	ssyncset.done $0x0  }
0xcc: {  	[sflag:s20] =	ssyncadd.s32 $0xFFFFFFE0  }
0xcd: {  	_ =	swait.ge [sflag:s20], $0x20  }
0xce: {  	[sflag:s20] =	ssyncset.done $0x0  }
0xcf: {  	[sflag:s20] =	ssyncadd.s32 $0xFFFFFFE0  }
0xd0: {  	_ =	swait.ge [sflag:s20], $0x20  }
0xd1: {  	[sflag:s20] =	ssyncset.done $0x0  }
0xd2: {  	[sflag:s20] =	ssyncadd.s32 $0xFFFFFFE0  }
0xd3: {  	_ =	swait.ge [sflag:s20], $0x20  }
0xd4: {  	[sflag:s20] =	ssyncset.done $0x0  }
0xd5: {  	[sflag:s20] =	ssyncadd.s32 $0xFFFFFFE0  }
0xd6: {  	_ =	swait.ge [sflag:s20], $0x20  }
0xd7: {  	[sflag:s20] =	ssyncset.done $0x0  }
0xd8: {  	[sflag:s20] =	ssyncadd.s32 $0xFFFFFFE0  }
0xd9: {  	_ =	swait.ge [sflag:s20], $0x20  }
0xda: {  	[sflag:s20] =	ssyncset.done $0x0  }
0xdb: {  	[sflag:s20] =	ssyncadd.s32 $0xFFFFFFE0  }
0xdc: {  	_ =	swait.ge [sflag:s20], $0x20  }
0xdd: {  	[sflag:s20] =	ssyncset.done $0x0  }
0xde: {  	[sflag:s20] =	ssyncadd.s32 $0xFFFFFFE0  }
0xdf: {  	_ =	swait.ge [sflag:s20], $0x20  }
0xe0: {  	[sflag:s20] =	ssyncset.done $0x0  }
0xe1: {  	[sflag:s20] =	ssyncadd.s32 $0xFFFFFFE0  }
0xe2: {  	v3 =	vld [tilespmem:$0x0];
	_ =	sdelay $0x3  }
0xe3: {  	v0 =	vld [tilespmem:$0x1FFD0]  }
0xe4: {  	v4 =	vshrl.u32 v3, $0x3  }
0xe5: {  	v1 =	vld [tilespmem:$0x1FFE0];
	v4 =	vmul.u32 $0x50, v4  }
0xe6: {  	v3 =	vand.u32 $0x7, v3  }
0xe7: {  	v3 =	vor.u32 v3, v4  }
0xe8: {  	v4 =	vperm.xlane v3, v0;
	_ =	sdelay $0x1  }
0xe9: {  	v4 =	vadd.s32 v1, v4;
	_ =	sdelay $0x2  }
0xea: {  	v2 =	vld [tilespmem:$0x1FFF0]  }
0xeb: {  	s26 =	simm.s32 $0xB000  }
0xec: {  	[tilespmem:s26], [sflag:$0x1] =	stream.indirect_vreg.gather [hbm4b:s2+s4], $0x80, v4, vm0, $0xb8;
	[tilespmem:$0x1F000] =	vst v63  }
0xed: {  	s28 =	simm.s32 $0xB800  }
0xee: {  	[tilespmem:s28], [sflag:$0x1] =	stream.indirect_vreg.gather [hbm4b:s13+s4], $0x80, v4, vm0, $0xb8;
	[tilespmem:$0x1F000] =	vst v63  }
0xef: {  	s29 =	simm.s32 $0xC000;
	v3 =	vperm.xlane v3, v2  }
0xf0: {  	[tilespmem:s29], [sflag:$0x1] =	stream.indirect_vreg.gather [hbm4b:s14+s4], $0x80, v4, vm0, $0xb8;
	[tilespmem:$0x1F000] =	vst v63  }
0xf1: {  	s30 =	simm.s32 $0xC800;
	v3 =	vadd.s32 v1, v3  }
0xf2: {  	[tilespmem:s30], [sflag:$0x1] =	stream.indirect_vreg.gather [hbm4b:s15+s4], $0x80, v4, vm0, $0xb8;
	[tilespmem:$0x1F000] =	vst v63  }
0xf3: {  	s31 =	simm.s32 $0xD000  }
0xf4: {  	[tilespmem:s31], [sflag:$0x1] =	stream.indirect_vreg.gather [hbm4b:s16+s4], $0x80, v4, vm0, $0xb8;
	[tilespmem:$0x1F000] =	vst v63  }
0xf5: {  	s25 =	simm.s32 $0xD800  }
0xf6: {  	[tilespmem:s25], [sflag:$0x1] =	stream.indirect_vreg.gather [hbm4b:s2+s4], $0x80, v3, vm0, $0xb8;
	[tilespmem:$0x1F000] =	vst v63  }
0xf7: {  	s26 =	simm.s32 $0xE000  }
0xf8: {  	[tilespmem:s26], [sflag:$0x1] =	stream.indirect_vreg.gather [hbm4b:s13+s4], $0x80, v3, vm0, $0xb8;
	[tilespmem:$0x1F000] =	vst v63  }
0xf9: {  	s28 =	simm.s32 $0xE800  }
0xfa: {  	[tilespmem:s28], [sflag:$0x1] =	stream.indirect_vreg.gather [hbm4b:s14+s4], $0x80, v3, vm0, $0xb8;
	[tilespmem:$0x1F000] =	vst v63  }
0xfb: {  	s29 =	simm.s32 $0xF000  }
0xfc: {  	[tilespmem:s29], [sflag:$0x1] =	stream.indirect_vreg.gather [hbm4b:s15+s4], $0x80, v3, vm0, $0xb8;
	[tilespmem:$0x1F000] =	vst v63  }
0xfd: {  	s30 =	simm.s32 $0xF800  }
0xfe: {  	[tilespmem:s30], [sflag:$0x1] =	stream.indirect_vreg.gather [hbm4b:s16+s4], $0x80, v3, vm0, $0xb8;
	[tilespmem:$0x1F000] =	vst v63  }
0xff: {  	v3 =	vld [tilespmem:$0x10];
	_ =	sdelay $0x4  }
0x100: {  	v63 =	vshrl.u32 v3, $0x3  }
0x101: {  	v4 =	vmul.u32 $0x50, v63  }
0x102: {  	v3 =	vand.u32 $0x7, v3  }
0x103: {  	v3 =	vor.u32 v3, v4  }
0x104: {  	v4 =	vperm.xlane v3, v0;
	_ =	sdelay $0x1  }
0x105: {  	v4 =	vadd.s32 v1, v4;
	_ =	sdelay $0x3  }
0x106: {  	s31 =	simm.s32 $0x10000  }
0x107: {  	[tilespmem:s31], [sflag:$0x2] =	stream.indirect_vreg.gather [hbm4b:s2+s4], $0x80, v4, vm0, $0xb8;
	[tilespmem:$0x1F000] =	vst v63  }
0x108: {  	_ = 	snop  }
0x109: {  	[tilespmem:s1], [sflag:$0x2] =	stream.indirect_vreg.gather [hbm4b:s13+s4], $0x80, v4, vm0, $0xb8;
	[tilespmem:$0x1F000] =	vst v63  }
0x10a: {  	v3 =	vperm.xlane v3, v2  }
0x10b: {  	[tilespmem:s6], [sflag:$0x2] =	stream.indirect_vreg.gather [hbm4b:s14+s4], $0x80, v4, vm0, $0xb8;
	[tilespmem:$0x1F000] =	vst v63  }
0x10c: {  	v3 =	vadd.s32 v1, v3  }
0x10d: {  	[tilespmem:s7], [sflag:$0x2] =	stream.indirect_vreg.gather [hbm4b:s15+s4], $0x80, v4, vm0, $0xb8;
	[tilespmem:$0x1F000] =	vst v63  }
0x10e: {  	_ = 	snop  }
0x10f: {  	[tilespmem:s8], [sflag:$0x2] =	stream.indirect_vreg.gather [hbm4b:s16+s4], $0x80, v4, vm0, $0xb8;
	[tilespmem:$0x1F000] =	vst v63  }
0x110: {  	_ = 	snop  }
0x111: {  	[tilespmem:s9], [sflag:$0x2] =	stream.indirect_vreg.gather [hbm4b:s2+s4], $0x80, v3, vm0, $0xb8;
	[tilespmem:$0x1F000] =	vst v63  }
0x112: {  	_ = 	snop  }
0x113: {  	[tilespmem:s10], [sflag:$0x2] =	stream.indirect_vreg.gather [hbm4b:s13+s4], $0x80, v3, vm0, $0xb8;
	[tilespmem:$0x1F000] =	vst v63  }
0x114: {  	_ = 	snop  }
0x115: {  	[tilespmem:s11], [sflag:$0x2] =	stream.indirect_vreg.gather [hbm4b:s14+s4], $0x80, v3, vm0, $0xb8;
	[tilespmem:$0x1F000] =	vst v63  }
0x116: {  	_ = 	snop  }
0x117: {  	[tilespmem:s12], [sflag:$0x2] =	stream.indirect_vreg.gather [hbm4b:s15+s4], $0x80, v3, vm0, $0xb8;
	[tilespmem:$0x1F000] =	vst v63  }
0x118: {  	s25 =	simm.s32 $0x0  }
0x119: {  	[tilespmem:s5], [sflag:$0x2] =	stream.indirect_vreg.gather [hbm4b:s16+s4], $0x80, v3, vm0, $0xb8;
	[tilespmem:$0x1F000] =	vst v63  }
.LBB2_2:
0x11a: {  	_ =	swait.ge [sflag:s19], $0x5000  }
0x11b: {  	p0 =	seq.s32 s25, $0x0;
	[sflag:s19] =	ssyncset.done $0x0  }
0x11c: {  	s28 =	simm.s32 $0x0;
	s26 =	simm.s32 @!p0 $0x3;
	[sflag:s19] =	ssyncadd.s32 $0xFFFFB000  }
0x11d: {  	s29 =	simm.s32 $0x0;
	s28 =	smul.u32 $0x2800, s28;
	_ =	swait.ge @!p0 [sflag:s26], $0x5000  }
0x11e: {  	s29 =	sand.u32 $0x380, s29;
	[sflag:s26] =	ssyncset.done @!p0 $0x0  }
0x11f: {  	[sflag:s26] =	ssyncadd.s32 @!p0 $0xFFFFB000;
	s26 =	sor.u32 s29, s28  }
0x120: {  	v3 =	vld [tilespmem:s26+$0xD470]  }
0x121: {  	v4 =	vld [tilespmem:s26+$0x3470]  }
0x122: {  	v5 =	vld [tilespmem:s26+$0xB000]  }
0x123: {  	v6 =	vld [tilespmem:s26+$0x1000]  }
0x124: {  	v7 =	vld [tilespmem:s26+$0xB010]  }
0x125: {  	v8 =	vld [tilespmem:s26+$0x1010]  }
0x126: {  	v9 =	vld [tilespmem:s26+$0xB020]  }
0x127: {  	v10 =	vld [tilespmem:s26+$0xB030];
	v3 =	vadd.f32 v4, v3  }
0x128: {  	v4 =	vld [tilespmem:s26+$0x1020]  }
0x129: {  	v5 =	vadd.f32 v6, v5;
	[tilespmem:s26+$0x17470] =	vst v3;
	v3 =	vld [tilespmem:s26+$0x1030]  }
0x12a: {  	v6 =	vld [tilespmem:s26+$0xB040]  }
0x12b: {  	[tilespmem:s26+$0x15000] =	vst v5;
	v5 =	vadd.f32 v8, v7;
	v7 =	vld [tilespmem:s26+$0x1040]  }
0x12c: {  	v8 =	vld [tilespmem:s26+$0x1050]  }
0x12d: {  	[tilespmem:s26+$0x15010] =	vst v5;
	v5 =	vld [tilespmem:s26+$0xB050];
	v4 =	vadd.f32 v4, v9  }
0x12e: {  	v9 =	vld [tilespmem:s26+$0x1060];
	v3 =	vadd.f32 v3, v10  }
0x12f: {  	[tilespmem:s26+$0x15020] =	vst v4;
	v4 =	vld [tilespmem:s26+$0xB060]  }
0x130: {  	[tilespmem:s26+$0x15030] =	vst v3;
	v3 =	vadd.f32 v7, v6;
	v6 =	vld [tilespmem:s26+$0xB070]  }
0x131: {  	v7 =	vld [tilespmem:s26+$0x1070]  }
0x132: {  	[tilespmem:s26+$0x15040] =	vst v3;
	v3 =	vadd.f32 v8, v5;
	v5 =	vld [tilespmem:s26+$0xB400]  }
0x133: {  	v8 =	vld [tilespmem:s26+$0x1400]  }
0x134: {  	[tilespmem:s26+$0x15050] =	vst v3;
	v3 =	vadd.f32 v9, v4;
	v4 =	vld [tilespmem:s26+$0xB410]  }
0x135: {  	v9 =	vld [tilespmem:s26+$0x1410]  }
0x136: {  	v10 =	vld [tilespmem:s26+$0x3410]  }
0x137: {  	[tilespmem:s26+$0x15060] =	vst v3;
	v3 =	vadd.f32 v7, v6;
	v6 =	vld [tilespmem:s26+$0xB420]  }
0x138: {  	v7 =	vld [tilespmem:s26+$0x1420]  }
0x139: {  	[tilespmem:s26+$0x15070] =	vst v3;
	v3 =	vadd.f32 v8, v5;
	v5 =	vld [tilespmem:s26+$0xB430]  }
0x13a: {  	v8 =	vld [tilespmem:s26+$0x1430]  }
0x13b: {  	[tilespmem:s26+$0x15400] =	vst v3;
	v3 =	vadd.f32 v9, v4;
	v4 =	vld [tilespmem:s26+$0xB440]  }
0x13c: {  	v9 =	vld [tilespmem:s26+$0x1440]  }
0x13d: {  	[tilespmem:s26+$0x15410] =	vst v3;
	v3 =	vadd.f32 v7, v6;
	v6 =	vld [tilespmem:s26+$0xB450]  }
0x13e: {  	v7 =	vld [tilespmem:s26+$0x1450]  }
0x13f: {  	[tilespmem:s26+$0x15420] =	vst v3;
	v3 =	vadd.f32 v8, v5;
	v5 =	vld [tilespmem:s26+$0xB460]  }
0x140: {  	v8 =	vld [tilespmem:s26+$0x1460]  }
0x141: {  	[tilespmem:s26+$0x15430] =	vst v3;
	v3 =	vadd.f32 v9, v4;
	v4 =	vld [tilespmem:s26+$0xB470]  }
0x142: {  	v9 =	vld [tilespmem:s26+$0x1470]  }
0x143: {  	[tilespmem:s26+$0x15440] =	vst v3;
	v3 =	vadd.f32 v7, v6;
	v6 =	vld [tilespmem:s26+$0xB800]  }
0x144: {  	v7 =	vld [tilespmem:s26+$0x1800]  }
0x145: {  	[tilespmem:s26+$0x15450] =	vst v3;
	v3 =	vadd.f32 v8, v5;
	v5 =	vld [tilespmem:s26+$0xB810]  }
0x146: {  	v8 =	vld [tilespmem:s26+$0x1810]  }
0x147: {  	[tilespmem:s26+$0x15460] =	vst v3;
	v3 =	vadd.f32 v9, v4;
	v4 =	vld [tilespmem:s26+$0xB820]  }
0x148: {  	v9 =	vld [tilespmem:s26+$0x1820]  }
0x149: {  	[tilespmem:s26+$0x15470] =	vst v3;
	v3 =	vadd.f32 v7, v6;
	v6 =	vld [tilespmem:s26+$0xB830]  }
0x14a: {  	v7 =	vld [tilespmem:s26+$0x1830]  }
0x14b: {  	[tilespmem:s26+$0x15800] =	vst v3;
	v3 =	vadd.f32 v8, v5;
	v5 =	vld [tilespmem:s26+$0xB840]  }
0x14c: {  	v8 =	vld [tilespmem:s26+$0x1840]  }
0x14d: {  	[tilespmem:s26+$0x15810] =	vst v3;
	v3 =	vadd.f32 v9, v4;
	v4 =	vld [tilespmem:s26+$0xB850]  }
0x14e: {  	v9 =	vld [tilespmem:s26+$0x1850]  }
0x14f: {  	[tilespmem:s26+$0x15820] =	vst v3;
	v3 =	vadd.f32 v7, v6;
	v6 =	vld [tilespmem:s26+$0xB860]  }
0x150: {  	v7 =	vld [tilespmem:s26+$0x1860]  }
0x151: {  	[tilespmem:s26+$0x15830] =	vst v3;
	v3 =	vadd.f32 v8, v5;
	v5 =	vld [tilespmem:s26+$0xB870]  }
0x152: {  	v8 =	vld [tilespmem:s26+$0x1870]  }
0x153: {  	[tilespmem:s26+$0x15840] =	vst v3;
	v3 =	vadd.f32 v9, v4;
	v4 =	vld [tilespmem:s26+$0xBC00]  }
0x154: {  	v9 =	vld [tilespmem:s26+$0x1C00]  }
0x155: {  	[tilespmem:s26+$0x15850] =	vst v3;
	v3 =	vadd.f32 v7, v6;
	v6 =	vld [tilespmem:s26+$0xBC10]  }
0x156: {  	v7 =	vld [tilespmem:s26+$0x1C10]  }
0x157: {  	[tilespmem:s26+$0x15860] =	vst v3;
	v3 =	vadd.f32 v8, v5;
	v5 =	vld [tilespmem:s26+$0xBC20]  }
0x158: {  	v8 =	vld [tilespmem:s26+$0x1C20]  }
0x159: {  	[tilespmem:s26+$0x15870] =	vst v3;
	v3 =	vadd.f32 v9, v4;
	v4 =	vld [tilespmem:s26+$0xBC30]  }
0x15a: {  	v9 =	vld [tilespmem:s26+$0x1C30]  }
0x15b: {  	[tilespmem:s26+$0x15C00] =	vst v3;
	v3 =	vadd.f32 v7, v6;
	v6 =	vld [tilespmem:s26+$0xBC40]  }
0x15c: {  	v7 =	vld [tilespmem:s26+$0x1C40]  }
0x15d: {  	[tilespmem:s26+$0x15C10] =	vst v3;
	v3 =	vadd.f32 v8, v5;
	v5 =	vld [tilespmem:s26+$0xBC50]  }
0x15e: {  	v8 =	vld [tilespmem:s26+$0x1C50]  }
0x15f: {  	[tilespmem:s26+$0x15C20] =	vst v3;
	v3 =	vadd.f32 v9, v4;
	v4 =	vld [tilespmem:s26+$0xBC60]  }
0x160: {  	v9 =	vld [tilespmem:s26+$0x1C60]  }
0x161: {  	[tilespmem:s26+$0x15C30] =	vst v3;
	v3 =	vadd.f32 v7, v6;
	v6 =	vld [tilespmem:s26+$0xBC70]  }
0x162: {  	v7 =	vld [tilespmem:s26+$0x1C70]  }
0x163: {  	[tilespmem:s26+$0x15C40] =	vst v3;
	v3 =	vadd.f32 v8, v5;
	v5 =	vld [tilespmem:s26+$0xC000]  }
0x164: {  	v8 =	vld [tilespmem:s26+$0x2000]  }
0x165: {  	[tilespmem:s26+$0x15C50] =	vst v3;
	v3 =	vadd.f32 v9, v4;
	v4 =	vld [tilespmem:s26+$0xC010]  }
0x166: {  	v9 =	vld [tilespmem:s26+$0x2010]  }
0x167: {  	[tilespmem:s26+$0x15C60] =	vst v3;
	v3 =	vadd.f32 v7, v6;
	v6 =	vld [tilespmem:s26+$0xC020]  }
0x168: {  	v7 =	vld [tilespmem:s26+$0x2020]  }
0x169: {  	[tilespmem:s26+$0x15C70] =	vst v3;
	v3 =	vadd.f32 v8, v5;
	v5 =	vld [tilespmem:s26+$0xC030]  }
0x16a: {  	v8 =	vld [tilespmem:s26+$0x2030]  }
0x16b: {  	[tilespmem:s26+$0x16000] =	vst v3;
	v3 =	vadd.f32 v9, v4;
	v4 =	vld [tilespmem:s26+$0xC040]  }
0x16c: {  	v9 =	vld [tilespmem:s26+$0x2040]  }
0x16d: {  	[tilespmem:s26+$0x16010] =	vst v3;
	v3 =	vadd.f32 v7, v6;
	v6 =	vld [tilespmem:s26+$0xC050]  }
0x16e: {  	v7 =	vld [tilespmem:s26+$0x2050]  }
0x16f: {  	[tilespmem:s26+$0x16020] =	vst v3;
	v3 =	vadd.f32 v8, v5;
	v5 =	vld [tilespmem:s26+$0xC060]  }
0x170: {  	v8 =	vld [tilespmem:s26+$0x2060]  }
0x171: {  	[tilespmem:s26+$0x16030] =	vst v3;
	v3 =	vadd.f32 v9, v4;
	v4 =	vld [tilespmem:s26+$0xC070]  }
0x172: {  	v9 =	vld [tilespmem:s26+$0x2070]  }
0x173: {  	[tilespmem:s26+$0x16040] =	vst v3;
	v3 =	vadd.f32 v7, v6;
	v6 =	vld [tilespmem:s26+$0xC400]  }
0x174: {  	v7 =	vld [tilespmem:s26+$0x2400]  }
0x175: {  	[tilespmem:s26+$0x16050] =	vst v3;
	v3 =	vadd.f32 v8, v5;
	v5 =	vld [tilespmem:s26+$0xC410]  }
0x176: {  	v8 =	vld [tilespmem:s26+$0x2410]  }
0x177: {  	[tilespmem:s26+$0x16060] =	vst v3;
	v3 =	vadd.f32 v9, v4;
	v4 =	vld [tilespmem:s26+$0xC420]  }
0x178: {  	v9 =	vld [tilespmem:s26+$0x2420]  }
0x179: {  	[tilespmem:s26+$0x16070] =	vst v3;
	v3 =	vadd.f32 v7, v6;
	v6 =	vld [tilespmem:s26+$0xC430]  }
0x17a: {  	v7 =	vld [tilespmem:s26+$0x2430]  }
0x17b: {  	[tilespmem:s26+$0x16400] =	vst v3;
	v3 =	vadd.f32 v8, v5;
	v5 =	vld [tilespmem:s26+$0xC440]  }
0x17c: {  	v8 =	vld [tilespmem:s26+$0x2440]  }
0x17d: {  	[tilespmem:s26+$0x16410] =	vst v3;
	v3 =	vadd.f32 v9, v4;
	v4 =	vld [tilespmem:s26+$0xC450]  }
0x17e: {  	v9 =	vld [tilespmem:s26+$0x2450]  }
0x17f: {  	[tilespmem:s26+$0x16420] =	vst v3;
	v3 =	vadd.f32 v7, v6;
	v6 =	vld [tilespmem:s26+$0xC460]  }
0x180: {  	v7 =	vld [tilespmem:s26+$0x2460]  }
0x181: {  	[tilespmem:s26+$0x16430] =	vst v3;
	v3 =	vadd.f32 v8, v5;
	v5 =	vld [tilespmem:s26+$0xC470]  }
0x182: {  	v8 =	vld [tilespmem:s26+$0x2470]  }
0x183: {  	[tilespmem:s26+$0x16440] =	vst v3;
	v3 =	vadd.f32 v9, v4;
	v4 =	vld [tilespmem:s26+$0xC800]  }
0x184: {  	v9 =	vld [tilespmem:s26+$0x2800]  }
0x185: {  	[tilespmem:s26+$0x16450] =	vst v3;
	v3 =	vadd.f32 v7, v6;
	v6 =	vld [tilespmem:s26+$0xC810]  }
0x186: {  	v7 =	vld [tilespmem:s26+$0x2810]  }
0x187: {  	[tilespmem:s26+$0x16460] =	vst v3;
	v3 =	vadd.f32 v8, v5;
	v5 =	vld [tilespmem:s26+$0xC820]  }
0x188: {  	v8 =	vld [tilespmem:s26+$0x2820]  }
0x189: {  	[tilespmem:s26+$0x16470] =	vst v3;
	v3 =	vadd.f32 v9, v4;
	v4 =	vld [tilespmem:s26+$0xC830]  }
0x18a: {  	v9 =	vld [tilespmem:s26+$0x2830]  }
0x18b: {  	[tilespmem:s26+$0x16800] =	vst v3;
	v3 =	vadd.f32 v7, v6;
	v6 =	vld [tilespmem:s26+$0xC840]  }
0x18c: {  	v7 =	vld [tilespmem:s26+$0x2840]  }
0x18d: {  	[tilespmem:s26+$0x16810] =	vst v3;
	v3 =	vadd.f32 v8, v5;
	v5 =	vld [tilespmem:s26+$0xC850]  }
0x18e: {  	v8 =	vld [tilespmem:s26+$0x2850]  }
0x18f: {  	[tilespmem:s26+$0x16820] =	vst v3;
	v3 =	vadd.f32 v9, v4;
	v4 =	vld [tilespmem:s26+$0xC860]  }
0x190: {  	v9 =	vld [tilespmem:s26+$0x2860]  }
0x191: {  	[tilespmem:s26+$0x16830] =	vst v3;
	v3 =	vadd.f32 v7, v6;
	v6 =	vld [tilespmem:s26+$0xC870]  }
0x192: {  	v7 =	vld [tilespmem:s26+$0x2870]  }
0x193: {  	[tilespmem:s26+$0x16840] =	vst v3;
	v3 =	vadd.f32 v8, v5;
	v5 =	vld [tilespmem:s26+$0xCC00]  }
0x194: {  	v8 =	vld [tilespmem:s26+$0x2C00]  }
0x195: {  	[tilespmem:s26+$0x16850] =	vst v3;
	v3 =	vadd.f32 v9, v4;
	v4 =	vld [tilespmem:s26+$0xCC10]  }
0x196: {  	v9 =	vld [tilespmem:s26+$0x2C10]  }
0x197: {  	[tilespmem:s26+$0x16860] =	vst v3;
	v3 =	vadd.f32 v7, v6;
	v6 =	vld [tilespmem:s26+$0xCC20]  }
0x198: {  	v7 =	vld [tilespmem:s26+$0x2C20]  }
0x199: {  	[tilespmem:s26+$0x16870] =	vst v3;
	v3 =	vadd.f32 v8, v5;
	v5 =	vld [tilespmem:s26+$0xCC30]  }
0x19a: {  	v8 =	vld [tilespmem:s26+$0x2C30]  }
0x19b: {  	[tilespmem:s26+$0x16C00] =	vst v3;
	v3 =	vadd.f32 v9, v4;
	v4 =	vld [tilespmem:s26+$0xCC40]  }
0x19c: {  	v9 =	vld [tilespmem:s26+$0x2C40]  }
0x19d: {  	[tilespmem:s26+$0x16C10] =	vst v3;
	v3 =	vadd.f32 v7, v6;
	v6 =	vld [tilespmem:s26+$0xCC50]  }
0x19e: {  	v7 =	vld [tilespmem:s26+$0x2C50]  }
0x19f: {  	[tilespmem:s26+$0x16C20] =	vst v3;
	v3 =	vadd.f32 v8, v5;
	v5 =	vld [tilespmem:s26+$0xCC60]  }
0x1a0: {  	v8 =	vld [tilespmem:s26+$0x2C60]  }
0x1a1: {  	[tilespmem:s26+$0x16C30] =	vst v3;
	v3 =	vadd.f32 v9, v4;
	v4 =	vld [tilespmem:s26+$0xCC70]  }
0x1a2: {  	v9 =	vld [tilespmem:s26+$0x2C70]  }
0x1a3: {  	[tilespmem:s26+$0x16C40] =	vst v3;
	v3 =	vadd.f32 v7, v6;
	v6 =	vld [tilespmem:s26+$0xD000]  }
0x1a4: {  	v7 =	vld [tilespmem:s26+$0x3000]  }
0x1a5: {  	[tilespmem:s26+$0x16C50] =	vst v3;
	v3 =	vadd.f32 v8, v5;
	v5 =	vld [tilespmem:s26+$0xD010]  }
0x1a6: {  	v8 =	vld [tilespmem:s26+$0x3010]  }
0x1a7: {  	[tilespmem:s26+$0x16C60] =	vst v3;
	v3 =	vadd.f32 v9, v4;
	v4 =	vld [tilespmem:s26+$0xD020]  }
0x1a8: {  	v9 =	vld [tilespmem:s26+$0x3020]  }
0x1a9: {  	[tilespmem:s26+$0x16C70] =	vst v3;
	v3 =	vadd.f32 v7, v6;
	v6 =	vld [tilespmem:s26+$0xD030]  }
0x1aa: {  	v7 =	vld [tilespmem:s26+$0x3030]  }
0x1ab: {  	[tilespmem:s26+$0x17000] =	vst v3;
	v3 =	vadd.f32 v8, v5;
	v5 =	vld [tilespmem:s26+$0xD040]  }
0x1ac: {  	v8 =	vld [tilespmem:s26+$0x3040]  }
0x1ad: {  	[tilespmem:s26+$0x17010] =	vst v3;
	v3 =	vadd.f32 v9, v4;
	v4 =	vld [tilespmem:s26+$0xD050]  }
0x1ae: {  	v9 =	vld [tilespmem:s26+$0x3050]  }
0x1af: {  	[tilespmem:s26+$0x17020] =	vst v3;
	v3 =	vadd.f32 v7, v6;
	v6 =	vld [tilespmem:s26+$0xD060]  }
0x1b0: {  	v7 =	vld [tilespmem:s26+$0x3060]  }
0x1b1: {  	[tilespmem:s26+$0x17030] =	vst v3;
	v3 =	vadd.f32 v8, v5;
	v5 =	vld [tilespmem:s26+$0xD070]  }
0x1b2: {  	v8 =	vld [tilespmem:s26+$0x3070]  }
0x1b3: {  	[tilespmem:s26+$0x17040] =	vst v3;
	v3 =	vadd.f32 v9, v4;
	v4 =	vld [tilespmem:s26+$0xD400]  }
0x1b4: {  	v9 =	vld [tilespmem:s26+$0x3400]  }
0x1b5: {  	[tilespmem:s26+$0x17050] =	vst v3;
	v3 =	vadd.f32 v7, v6;
	v6 =	vld [tilespmem:s26+$0xD410]  }
0x1b6: {  	v11 =	vld [tilespmem:s26+$0x3420]  }
0x1b7: {  	[tilespmem:s26+$0x17060] =	vst v3;
	v3 =	vadd.f32 v8, v5;
	v8 =	vld [tilespmem:s26+$0xD420]  }
0x1b8: {  	v7 =	vld [tilespmem:s26+$0x3430]  }
0x1b9: {  	v5 =	vld [tilespmem:s26+$0xD430];
	[tilespmem:s26+$0x17070] =	vst v3;
	v3 =	vadd.f32 v9, v4  }
0x1ba: {  	v4 =	vadd.f32 v10, v6;
	v6 =	vld [tilespmem:s26+$0x3440]  }
0x1bb: {  	[tilespmem:s26+$0x17400] =	vst v3;
	v3 =	vld [tilespmem:s26+$0xD440]  }
0x1bc: {  	s28 =	simm.s32 $0x0;
	[tilespmem:s26+$0x17410] =	vst v4;
	v4 =	vld [tilespmem:s26+$0xD450];
	v9 =	vadd.f32 v11, v8  }
0x1bd: {  	s29 =	simm.s32 $0x2;
	s30 =	smul.u32 $0x2800, s28;
	s28 =	simm.s32 $0x80;
	v8 =	vld [tilespmem:s26+$0x3450]  }
.LBB2_3:
0x1be: {  	p1 =	sne.s32 s29, $0xF;
	s31 =	sand.u32 $0x380, s28;
	[tilespmem:s26+$0x17420] =	vst v9;
	v5 =	vadd.f32 v7, v5;
	v7 =	vld [tilespmem:s26+$0xD460]  }
0x1bf: {  	s30 =	sor.u32 s31, s30;
	v9 =	vld [tilespmem:s26+$0x3460]  }
0x1c0: {  	v10 =	vld [tilespmem:s30+$0xD470];
	[tilespmem:s26+$0x17430] =	vst v5;
	v3 =	vadd.f32 v6, v3  }
0x1c1: {  	v5 =	vld [tilespmem:s30+$0x3470]  }
0x1c2: {  	v6 =	vld [tilespmem:s30+$0xB000];
	[tilespmem:s26+$0x17440] =	vst v3;
	v3 =	vadd.f32 v8, v4  }
0x1c3: {  	v4 =	vld [tilespmem:s30+$0x1000]  }
0x1c4: {  	v8 =	vld [tilespmem:s30+$0xB010];
	[tilespmem:s26+$0x17450] =	vst v3;
	v3 =	vadd.f32 v9, v7  }
0x1c5: {  	v7 =	vld [tilespmem:s30+$0x1010]  }
0x1c6: {  	v9 =	vld [tilespmem:s30+$0xB020];
	v5 =	vadd.f32 v5, v10;
	[tilespmem:s26+$0x17460] =	vst v3;
	s26 =	smov.u32 s30  }
0x1c7: {  	v3 =	vld [tilespmem:s26+$0x1020]  }
0x1c8: {  	v4 =	vadd.f32 v4, v6;
	v6 =	vld [tilespmem:s26+$0xB030];
	[tilespmem:s26+$0x17470] =	vst v5  }
0x1c9: {  	v5 =	vld [tilespmem:s26+$0x1030]  }
0x1ca: {  	[tilespmem:s26+$0x15000] =	vst v4;
	v4 =	vadd.f32 v7, v8;
	v7 =	vld [tilespmem:s26+$0xB040]  }
0x1cb: {  	v8 =	vld [tilespmem:s26+$0x1040]  }
0x1cc: {  	[tilespmem:s26+$0x15010] =	vst v4;
	v3 =	vadd.f32 v3, v9;
	v4 =	vld [tilespmem:s26+$0xB050]  }
0x1cd: {  	v9 =	vld [tilespmem:s26+$0x1050]  }
0x1ce: {  	[tilespmem:s26+$0x15020] =	vst v3;
	v3 =	vadd.f32 v5, v6;
	v5 =	vld [tilespmem:s26+$0xB060]  }
0x1cf: {  	v6 =	vld [tilespmem:s26+$0x1060]  }
0x1d0: {  	[tilespmem:s26+$0x15030] =	vst v3;
	v3 =	vadd.f32 v8, v7;
	v7 =	vld [tilespmem:s26+$0xB070]  }
0x1d1: {  	v8 =	vld [tilespmem:s26+$0x1070]  }
0x1d2: {  	[tilespmem:s26+$0x15040] =	vst v3;
	v3 =	vadd.f32 v9, v4;
	v4 =	vld [tilespmem:s26+$0xB400]  }
0x1d3: {  	v9 =	vld [tilespmem:s26+$0x1400]  }
0x1d4: {  	[tilespmem:s26+$0x15050] =	vst v3;
	v3 =	vadd.f32 v6, v5;
	v5 =	vld [tilespmem:s26+$0xB410]  }
0x1d5: {  	v6 =	vld [tilespmem:s26+$0x1410]  }
0x1d6: {  	[tilespmem:s26+$0x15060] =	vst v3;
	v3 =	vadd.f32 v8, v7;
	v7 =	vld [tilespmem:s26+$0xB420]  }
0x1d7: {  	v8 =	vld [tilespmem:s26+$0x1420]  }
0x1d8: {  	[tilespmem:s26+$0x15070] =	vst v3;
	v3 =	vadd.f32 v9, v4;
	v4 =	vld [tilespmem:s26+$0xB430]  }
0x1d9: {  	v9 =	vld [tilespmem:s26+$0x1430]  }
0x1da: {  	[tilespmem:s26+$0x15400] =	vst v3;
	v3 =	vadd.f32 v6, v5;
	v5 =	vld [tilespmem:s26+$0xB440]  }
0x1db: {  	v6 =	vld [tilespmem:s26+$0x1440]  }
0x1dc: {  	[tilespmem:s26+$0x15410] =	vst v3;
	v3 =	vadd.f32 v8, v7;
	v7 =	vld [tilespmem:s26+$0xB450]  }
0x1dd: {  	v8 =	vld [tilespmem:s26+$0x1450]  }
0x1de: {  	[tilespmem:s26+$0x15420] =	vst v3;
	v3 =	vadd.f32 v9, v4;
	v4 =	vld [tilespmem:s26+$0xB460]  }
0x1df: {  	v9 =	vld [tilespmem:s26+$0x1460]  }
0x1e0: {  	[tilespmem:s26+$0x15430] =	vst v3;
	v3 =	vadd.f32 v6, v5;
	v5 =	vld [tilespmem:s26+$0xB470]  }
0x1e1: {  	v6 =	vld [tilespmem:s26+$0x1470]  }
0x1e2: {  	[tilespmem:s26+$0x15440] =	vst v3;
	v3 =	vadd.f32 v8, v7;
	v7 =	vld [tilespmem:s26+$0xB800]  }
0x1e3: {  	v8 =	vld [tilespmem:s26+$0x1800]  }
0x1e4: {  	[tilespmem:s26+$0x15450] =	vst v3;
	v3 =	vadd.f32 v9, v4;
	v4 =	vld [tilespmem:s26+$0xB810]  }
0x1e5: {  	v9 =	vld [tilespmem:s26+$0x1810]  }
0x1e6: {  	[tilespmem:s26+$0x15460] =	vst v3;
	v3 =	vadd.f32 v6, v5;
	v5 =	vld [tilespmem:s26+$0xB820]  }
0x1e7: {  	v6 =	vld [tilespmem:s26+$0x1820]  }
0x1e8: {  	[tilespmem:s26+$0x15470] =	vst v3;
	v3 =	vadd.f32 v8, v7;
	v7 =	vld [tilespmem:s26+$0xB830]  }
0x1e9: {  	v8 =	vld [tilespmem:s26+$0x1830]  }
0x1ea: {  	[tilespmem:s26+$0x15800] =	vst v3;
	v3 =	vadd.f32 v9, v4;
	v4 =	vld [tilespmem:s26+$0xB840]  }
0x1eb: {  	v9 =	vld [tilespmem:s26+$0x1840]  }
0x1ec: {  	[tilespmem:s26+$0x15810] =	vst v3;
	v3 =	vadd.f32 v6, v5;
	v5 =	vld [tilespmem:s26+$0xB850]  }
0x1ed: {  	v6 =	vld [tilespmem:s26+$0x1850]  }
0x1ee: {  	[tilespmem:s26+$0x15820] =	vst v3;
	v3 =	vadd.f32 v8, v7;
	v7 =	vld [tilespmem:s26+$0xB860]  }
0x1ef: {  	v8 =	vld [tilespmem:s26+$0x1860]  }
0x1f0: {  	[tilespmem:s26+$0x15830] =	vst v3;
	v3 =	vadd.f32 v9, v4;
	v4 =	vld [tilespmem:s26+$0xB870]  }
0x1f1: {  	v9 =	vld [tilespmem:s26+$0x1870]  }
0x1f2: {  	[tilespmem:s26+$0x15840] =	vst v3;
	v3 =	vadd.f32 v6, v5;
	v5 =	vld [tilespmem:s26+$0xBC00]  }
0x1f3: {  	v6 =	vld [tilespmem:s26+$0x1C00]  }
0x1f4: {  	[tilespmem:s26+$0x15850] =	vst v3;
	v3 =	vadd.f32 v8, v7;
	v7 =	vld [tilespmem:s26+$0xBC10]  }
0x1f5: {  	v8 =	vld [tilespmem:s26+$0x1C10]  }
0x1f6: {  	[tilespmem:s26+$0x15860] =	vst v3;
	v3 =	vadd.f32 v9, v4;
	v4 =	vld [tilespmem:s26+$0xBC20]  }
0x1f7: {  	v9 =	vld [tilespmem:s26+$0x1C20]  }
0x1f8: {  	[tilespmem:s26+$0x15870] =	vst v3;
	v3 =	vadd.f32 v6, v5;
	v5 =	vld [tilespmem:s26+$0xBC30]  }
0x1f9: {  	v6 =	vld [tilespmem:s26+$0x1C30]  }
0x1fa: {  	[tilespmem:s26+$0x15C00] =	vst v3;
	v3 =	vadd.f32 v8, v7;
	v7 =	vld [tilespmem:s26+$0xBC40]  }
0x1fb: {  	v8 =	vld [tilespmem:s26+$0x1C40]  }
0x1fc: {  	[tilespmem:s26+$0x15C10] =	vst v3;
	v3 =	vadd.f32 v9, v4;
	v4 =	vld [tilespmem:s26+$0xBC50]  }
0x1fd: {  	v9 =	vld [tilespmem:s26+$0x1C50]  }
0x1fe: {  	[tilespmem:s26+$0x15C20] =	vst v3;
	v3 =	vadd.f32 v6, v5;
	v5 =	vld [tilespmem:s26+$0xBC60]  }
0x1ff: {  	v6 =	vld [tilespmem:s26+$0x1C60]  }
0x200: {  	[tilespmem:s26+$0x15C30] =	vst v3;
	v3 =	vadd.f32 v8, v7;
	v7 =	vld [tilespmem:s26+$0xBC70]  }
0x201: {  	v8 =	vld [tilespmem:s26+$0x1C70]  }
0x202: {  	[tilespmem:s26+$0x15C40] =	vst v3;
	v3 =	vadd.f32 v9, v4;
	v4 =	vld [tilespmem:s26+$0xC000]  }
0x203: {  	v9 =	vld [tilespmem:s26+$0x2000]  }
0x204: {  	[tilespmem:s26+$0x15C50] =	vst v3;
	v3 =	vadd.f32 v6, v5;
	v5 =	vld [tilespmem:s26+$0xC010]  }
0x205: {  	v6 =	vld [tilespmem:s26+$0x2010]  }
0x206: {  	[tilespmem:s26+$0x15C60] =	vst v3;
	v3 =	vadd.f32 v8, v7;
	v7 =	vld [tilespmem:s26+$0xC020]  }
0x207: {  	v8 =	vld [tilespmem:s26+$0x2020]  }
0x208: {  	[tilespmem:s26+$0x15C70] =	vst v3;
	v3 =	vadd.f32 v9, v4;
	v4 =	vld [tilespmem:s26+$0xC030]  }
0x209: {  	v9 =	vld [tilespmem:s26+$0x2030]  }
0x20a: {  	[tilespmem:s26+$0x16000] =	vst v3;
	v3 =	vadd.f32 v6, v5;
	v5 =	vld [tilespmem:s26+$0xC040]  }
0x20b: {  	v6 =	vld [tilespmem:s26+$0x2040]  }
0x20c: {  	[tilespmem:s26+$0x16010] =	vst v3;
	v3 =	vadd.f32 v8, v7;
	v7 =	vld [tilespmem:s26+$0xC050]  }
0x20d: {  	v8 =	vld [tilespmem:s26+$0x2050]  }
0x20e: {  	[tilespmem:s26+$0x16020] =	vst v3;
	v3 =	vadd.f32 v9, v4;
	v4 =	vld [tilespmem:s26+$0xC060]  }
0x20f: {  	v9 =	vld [tilespmem:s26+$0x2060]  }
0x210: {  	[tilespmem:s26+$0x16030] =	vst v3;
	v3 =	vadd.f32 v6, v5;
	v5 =	vld [tilespmem:s26+$0xC070]  }
0x211: {  	v6 =	vld [tilespmem:s26+$0x2070]  }
0x212: {  	[tilespmem:s26+$0x16040] =	vst v3;
	v3 =	vadd.f32 v8, v7;
	v7 =	vld [tilespmem:s26+$0xC400]  }
0x213: {  	v8 =	vld [tilespmem:s26+$0x2400]  }
0x214: {  	[tilespmem:s26+$0x16050] =	vst v3;
	v3 =	vadd.f32 v9, v4;
	v4 =	vld [tilespmem:s26+$0xC410]  }
0x215: {  	v9 =	vld [tilespmem:s26+$0x2410]  }
0x216: {  	[tilespmem:s26+$0x16060] =	vst v3;
	v3 =	vadd.f32 v6, v5;
	v5 =	vld [tilespmem:s26+$0xC420]  }
0x217: {  	v6 =	vld [tilespmem:s26+$0x2420]  }
0x218: {  	[tilespmem:s26+$0x16070] =	vst v3;
	v3 =	vadd.f32 v8, v7;
	v7 =	vld [tilespmem:s26+$0xC430]  }
0x219: {  	v8 =	vld [tilespmem:s26+$0x2430]  }
0x21a: {  	[tilespmem:s26+$0x16400] =	vst v3;
	v3 =	vadd.f32 v9, v4;
	v4 =	vld [tilespmem:s26+$0xC440]  }
0x21b: {  	v9 =	vld [tilespmem:s26+$0x2440]  }
0x21c: {  	[tilespmem:s26+$0x16410] =	vst v3;
	v3 =	vadd.f32 v6, v5;
	v5 =	vld [tilespmem:s26+$0xC450]  }
0x21d: {  	v6 =	vld [tilespmem:s26+$0x2450]  }
0x21e: {  	[tilespmem:s26+$0x16420] =	vst v3;
	v3 =	vadd.f32 v8, v7;
	v7 =	vld [tilespmem:s26+$0xC460]  }
0x21f: {  	v8 =	vld [tilespmem:s26+$0x2460]  }
0x220: {  	[tilespmem:s26+$0x16430] =	vst v3;
	v3 =	vadd.f32 v9, v4;
	v4 =	vld [tilespmem:s26+$0xC470]  }
0x221: {  	v9 =	vld [tilespmem:s26+$0x2470]  }
0x222: {  	[tilespmem:s26+$0x16440] =	vst v3;
	v3 =	vadd.f32 v6, v5;
	v5 =	vld [tilespmem:s26+$0xC800]  }
0x223: {  	v6 =	vld [tilespmem:s26+$0x2800]  }
0x224: {  	[tilespmem:s26+$0x16450] =	vst v3;
	v3 =	vadd.f32 v8, v7;
	v7 =	vld [tilespmem:s26+$0xC810]  }
0x225: {  	v8 =	vld [tilespmem:s26+$0x2810]  }
0x226: {  	[tilespmem:s26+$0x16460] =	vst v3;
	v3 =	vadd.f32 v9, v4;
	v4 =	vld [tilespmem:s26+$0xC820]  }
0x227: {  	v9 =	vld [tilespmem:s26+$0x2820]  }
0x228: {  	[tilespmem:s26+$0x16470] =	vst v3;
	v3 =	vadd.f32 v6, v5;
	v5 =	vld [tilespmem:s26+$0xC830]  }
0x229: {  	v6 =	vld [tilespmem:s26+$0x2830]  }
0x22a: {  	[tilespmem:s26+$0x16800] =	vst v3;
	v3 =	vadd.f32 v8, v7;
	v7 =	vld [tilespmem:s26+$0xC840]  }
0x22b: {  	v8 =	vld [tilespmem:s26+$0x2840]  }
0x22c: {  	[tilespmem:s26+$0x16810] =	vst v3;
	v3 =	vadd.f32 v9, v4;
	v4 =	vld [tilespmem:s26+$0xC850]  }
0x22d: {  	v9 =	vld [tilespmem:s26+$0x2850]  }
0x22e: {  	[tilespmem:s26+$0x16820] =	vst v3;
	v3 =	vadd.f32 v6, v5;
	v5 =	vld [tilespmem:s26+$0xC860]  }
0x22f: {  	v6 =	vld [tilespmem:s26+$0x2860]  }
0x230: {  	[tilespmem:s26+$0x16830] =	vst v3;
	v3 =	vadd.f32 v8, v7;
	v7 =	vld [tilespmem:s26+$0xC870]  }
0x231: {  	v8 =	vld [tilespmem:s26+$0x2870]  }
0x232: {  	[tilespmem:s26+$0x16840] =	vst v3;
	v3 =	vadd.f32 v9, v4;
	v4 =	vld [tilespmem:s26+$0xCC00]  }
0x233: {  	v9 =	vld [tilespmem:s26+$0x2C00]  }
0x234: {  	[tilespmem:s26+$0x16850] =	vst v3;
	v3 =	vadd.f32 v6, v5;
	v5 =	vld [tilespmem:s26+$0xCC10]  }
0x235: {  	v6 =	vld [tilespmem:s26+$0x2C10]  }
0x236: {  	[tilespmem:s26+$0x16860] =	vst v3;
	v3 =	vadd.f32 v8, v7;
	v7 =	vld [tilespmem:s26+$0xCC20]  }
0x237: {  	v8 =	vld [tilespmem:s26+$0x2C20]  }
0x238: {  	[tilespmem:s26+$0x16870] =	vst v3;
	v3 =	vadd.f32 v9, v4;
	v4 =	vld [tilespmem:s26+$0xCC30]  }
0x239: {  	v9 =	vld [tilespmem:s26+$0x2C30]  }
0x23a: {  	[tilespmem:s26+$0x16C00] =	vst v3;
	v3 =	vadd.f32 v6, v5;
	v5 =	vld [tilespmem:s26+$0xCC40]  }
0x23b: {  	v6 =	vld [tilespmem:s26+$0x2C40]  }
0x23c: {  	[tilespmem:s26+$0x16C10] =	vst v3;
	v3 =	vadd.f32 v8, v7;
	v7 =	vld [tilespmem:s26+$0xCC50]  }
0x23d: {  	v8 =	vld [tilespmem:s26+$0x2C50]  }
0x23e: {  	[tilespmem:s26+$0x16C20] =	vst v3;
	v3 =	vadd.f32 v9, v4;
	v4 =	vld [tilespmem:s26+$0xCC60]  }
0x23f: {  	v9 =	vld [tilespmem:s26+$0x2C60]  }
0x240: {  	[tilespmem:s26+$0x16C30] =	vst v3;
	v3 =	vadd.f32 v6, v5;
	v5 =	vld [tilespmem:s26+$0xCC70]  }
0x241: {  	v6 =	vld [tilespmem:s26+$0x2C70]  }
0x242: {  	[tilespmem:s26+$0x16C40] =	vst v3;
	v3 =	vadd.f32 v8, v7;
	v7 =	vld [tilespmem:s26+$0xD000]  }
0x243: {  	v8 =	vld [tilespmem:s26+$0x3000]  }
0x244: {  	[tilespmem:s26+$0x16C50] =	vst v3;
	v3 =	vadd.f32 v9, v4;
	v4 =	vld [tilespmem:s26+$0xD010]  }
0x245: {  	v9 =	vld [tilespmem:s26+$0x3010]  }
0x246: {  	[tilespmem:s26+$0x16C60] =	vst v3;
	v3 =	vadd.f32 v6, v5;
	v5 =	vld [tilespmem:s26+$0xD020]  }
0x247: {  	v6 =	vld [tilespmem:s26+$0x3020]  }
0x248: {  	[tilespmem:s26+$0x16C70] =	vst v3;
	v3 =	vadd.f32 v8, v7;
	v7 =	vld [tilespmem:s26+$0xD030]  }
0x249: {  	v8 =	vld [tilespmem:s26+$0x3030]  }
0x24a: {  	[tilespmem:s26+$0x17000] =	vst v3;
	v3 =	vadd.f32 v9, v4;
	v4 =	vld [tilespmem:s26+$0xD040]  }
0x24b: {  	v9 =	vld [tilespmem:s26+$0x3040]  }
0x24c: {  	[tilespmem:s26+$0x17010] =	vst v3;
	v3 =	vadd.f32 v6, v5;
	v5 =	vld [tilespmem:s26+$0xD050]  }
0x24d: {  	v6 =	vld [tilespmem:s26+$0x3050]  }
0x24e: {  	[tilespmem:s26+$0x17020] =	vst v3;
	v3 =	vadd.f32 v8, v7;
	v7 =	vld [tilespmem:s26+$0xD060]  }
0x24f: {  	v8 =	vld [tilespmem:s26+$0x3060]  }
0x250: {  	[tilespmem:s26+$0x17030] =	vst v3;
	v3 =	vadd.f32 v9, v4;
	v4 =	vld [tilespmem:s26+$0xD070]  }
0x251: {  	v9 =	vld [tilespmem:s26+$0x3070]  }
0x252: {  	[tilespmem:s26+$0x17040] =	vst v3;
	v3 =	vadd.f32 v6, v5;
	v5 =	vld [tilespmem:s26+$0xD400]  }
0x253: {  	v6 =	vld [tilespmem:s26+$0x3400]  }
0x254: {  	[tilespmem:s26+$0x17050] =	vst v3;
	v3 =	vadd.f32 v8, v7;
	v8 =	vld [tilespmem:s26+$0xD410]  }
0x255: {  	v10 =	vld [tilespmem:s26+$0x3410]  }
0x256: {  	[tilespmem:s26+$0x17060] =	vst v3;
	v3 =	vadd.f32 v9, v4;
	v4 =	vld [tilespmem:s26+$0xD420]  }
0x257: {  	v9 =	vld [tilespmem:s26+$0x3420]  }
0x258: {  	[tilespmem:s26+$0x17070] =	vst v3;
	v3 =	vadd.f32 v6, v5;
	v5 =	vld [tilespmem:s26+$0xD430]  }
.Ltmp2:
0x259: {  	v7 =	vld [tilespmem:s26+$0x3430];
	(pc) =	sbr.rel @p1 .LBB2_3-.Ltmp2, $4  }
0x25a: {  	[tilespmem:s26+$0x17400] =	vst v3;
	v8 =	vadd.f32 v10, v8;
	v3 =	vld [tilespmem:s26+$0xD440]  }
0x25b: {  	v6 =	vld [tilespmem:s26+$0x3440]  }
0x25c: {  	s30 =	sshrl.u32 s29, $0x3;
	[tilespmem:s26+$0x17410] =	vst v8;
	v9 =	vadd.f32 v9, v4;
	v4 =	vld [tilespmem:s26+$0xD450]  }
0x25d: {  	s28 =	sadd.s32 $0x80, s28;
	s29 =	sadd.s32 $0x1, s29;
	s30 =	smul.u32 $0x2800, s30;
	v8 =	vld [tilespmem:s26+$0x3450]  }
0x25e: {  	s28 =	sand.u32 $0x380, s28;
	v60 =	vld [tilespmem:s26+$0xD460];
	v5 =	vadd.f32 v7, v5  }
0x25f: {  	[tilespmem:s26+$0x17420] =	vst v9;
	v61 =	vld [tilespmem:s26+$0x3460];
	s28 =	sor.u32 s28, s30  }
0x260: {  	v10 =	vld [tilespmem:s28+$0xD470];
	[tilespmem:s26+$0x17430] =	vst v5;
	v3 =	vadd.f32 v6, v3  }
0x261: {  	v5 =	vld [tilespmem:s28+$0x3470]  }
0x262: {  	v6 =	vld [tilespmem:s28+$0xB000];
	[tilespmem:s26+$0x17440] =	vst v3;
	v62 =	vadd.f32 v8, v4  }
0x263: {  	v4 =	vld [tilespmem:s28+$0x1000]  }
0x264: {  	v8 =	vld [tilespmem:s28+$0xB010];
	v63 =	vadd.f32 v61, v60;
	[tilespmem:s26+$0x17450] =	vst v62  }
0x265: {  	v7 =	vld [tilespmem:s28+$0x1010]  }
0x266: {  	v9 =	vld [tilespmem:s28+$0xB020];
	[tilespmem:s26+$0x17460] =	vst v63  }
0x267: {  	v3 =	vld [tilespmem:s28+$0x1020]  }
0x268: {  	v11 =	vld [tilespmem:s28+$0xB030]  }
0x269: {  	v12 =	vld [tilespmem:s28+$0x1030]  }
0x26a: {  	v13 =	vld [tilespmem:s28+$0xB040]  }
0x26b: {  	v14 =	vld [tilespmem:s28+$0x1040]  }
0x26c: {  	v15 =	vld [tilespmem:s28+$0xB050]  }
0x26d: {  	v16 =	vld [tilespmem:s28+$0x1050]  }
0x26e: {  	v17 =	vld [tilespmem:s28+$0xB060]  }
0x26f: {  	v18 =	vld [tilespmem:s28+$0x1060]  }
0x270: {  	v19 =	vld [tilespmem:s28+$0xB070]  }
0x271: {  	v20 =	vld [tilespmem:s28+$0x1070]  }
0x272: {  	v21 =	vld [tilespmem:s28+$0xB400]  }
0x273: {  	v22 =	vld [tilespmem:s28+$0x1400]  }
0x274: {  	v23 =	vld [tilespmem:s28+$0xB410]  }
0x275: {  	v24 =	vld [tilespmem:s28+$0x1410]  }
0x276: {  	v25 =	vld [tilespmem:s28+$0xB420]  }
0x277: {  	v26 =	vld [tilespmem:s28+$0x1420]  }
0x278: {  	v27 =	vld [tilespmem:s28+$0xB430]  }
0x279: {  	v28 =	vld [tilespmem:s28+$0x1430]  }
0x27a: {  	v29 =	vld [tilespmem:s28+$0xB440]  }
0x27b: {  	v30 =	vld [tilespmem:s28+$0x1440]  }
0x27c: {  	v31 =	vld [tilespmem:s28+$0xB450]  }
0x27d: {  	v32 =	vld [tilespmem:s28+$0x1450]  }
0x27e: {  	v33 =	vld [tilespmem:s28+$0xB460]  }
0x27f: {  	v34 =	vld [tilespmem:s28+$0x1460]  }
0x280: {  	v35 =	vld [tilespmem:s28+$0xB470]  }
0x281: {  	v36 =	vld [tilespmem:s28+$0x1470]  }
0x282: {  	v37 =	vld [tilespmem:s28+$0xB800]  }
0x283: {  	v38 =	vld [tilespmem:s28+$0x1800]  }
0x284: {  	v39 =	vld [tilespmem:s28+$0xB810]  }
0x285: {  	v40 =	vld [tilespmem:s28+$0x1810]  }
0x286: {  	v41 =	vld [tilespmem:s28+$0xB820]  }
0x287: {  	v42 =	vld [tilespmem:s28+$0x1820]  }
0x288: {  	v43 =	vld [tilespmem:s28+$0xB830]  }
0x289: {  	v44 =	vld [tilespmem:s28+$0x1830]  }
0x28a: {  	v45 =	vld [tilespmem:s28+$0xB840]  }
0x28b: {  	v46 =	vld [tilespmem:s28+$0x1840]  }
0x28c: {  	v47 =	vld [tilespmem:s28+$0xB850]  }
0x28d: {  	v48 =	vld [tilespmem:s28+$0x1850]  }
0x28e: {  	v49 =	vld [tilespmem:s28+$0xB860]  }
0x28f: {  	v50 =	vld [tilespmem:s28+$0x1860]  }
0x290: {  	v51 =	vld [tilespmem:s28+$0xB870]  }
0x291: {  	v52 =	vld [tilespmem:s28+$0x1870]  }
0x292: {  	v53 =	vld [tilespmem:s28+$0xBC00]  }
0x293: {  	v54 =	vld [tilespmem:s28+$0x1C00]  }
0x294: {  	v55 =	vld [tilespmem:s28+$0xBC10]  }
0x295: {  	v56 =	vld [tilespmem:s28+$0x1C10]  }
0x296: {  	v57 =	vld [tilespmem:s28+$0xBC20]  }
0x297: {  	v58 =	vld [tilespmem:s28+$0x1C20]  }
0x298: {  	v59 =	vld [tilespmem:s28+$0xBC30]  }
0x299: {  	v60 =	vld [tilespmem:s28+$0x1C30]  }
0x29a: {  	v61 =	vld [tilespmem:s28+$0xBC40]  }
0x29b: {  	v62 =	vld [tilespmem:s28+$0x1C40]  }
0x29c: {  	v63 =	vld [tilespmem:s28+$0xBC50]  }
0x29d: {  	v2 =	vld [tilespmem:s28+$0xBC70]  }
0x29e: {  	v0 =	vld [tilespmem:s28+$0x1C50]  }
0x29f: {  	v1 =	vld [tilespmem:s28+$0xBC60]  }
0x2a0: {  	v5 =	vadd.f32 v5, v10;
	v10 =	vld [tilespmem:s28+$0x2410]  }
0x2a1: {  	v4 =	vadd.f32 v4, v6;
	v6 =	vld [tilespmem:s28+$0xC420]  }
0x2a2: {  	[tilespmem:$0x1FE80] =	vst v2;
	v2 =	vld [tilespmem:s28+$0x1C70]  }
0x2a3: {  	[tilespmem:s28+$0x17470] =	vst v5;
	v5 =	vadd.f32 v7, v8;
	v7 =	vld [tilespmem:s28+$0x2420]  }
0x2a4: {  	[tilespmem:s28+$0x15000] =	vst v4;
	v4 =	vld [tilespmem:s28+$0xC430]  }
0x2a5: {  	v8 =	vld [tilespmem:s28+$0x2430]  }
0x2a6: {  	[tilespmem:$0x1FE70] =	vst v1;
	v1 =	vld [tilespmem:s28+$0x1C60]  }
0x2a7: {  	[tilespmem:$0x1FE90] =	vst v2;
	v2 =	vld [tilespmem:s28+$0xC000]  }
0x2a8: {  	v3 =	vadd.f32 v3, v9;
	v9 =	vld [tilespmem:s28+$0xC440]  }
0x2a9: {  	v12 =	vadd.f32 v12, v11;
	v11 =	vld [tilespmem:s28+$0x2440]  }
0x2aa: {  	v14 =	vadd.f32 v14, v13;
	v13 =	vld [tilespmem:s28+$0x2450]  }
0x2ab: {  	v16 =	vadd.f32 v16, v15;
	v15 =	vld [tilespmem:s28+$0x2460]  }
0x2ac: {  	[tilespmem:$0x1FEA0] =	vst v2;
	v2 =	vld [tilespmem:s28+$0x2000]  }
0x2ad: {  	v18 =	vadd.f32 v18, v17;
	v17 =	vld [tilespmem:s28+$0x2470]  }
0x2ae: {  	v20 =	vadd.f32 v20, v19;
	v19 =	vld [tilespmem:s28+$0x2800]  }
0x2af: {  	v22 =	vadd.f32 v22, v21;
	v21 =	vld [tilespmem:s28+$0x2810]  }
0x2b0: {  	v24 =	vadd.f32 v24, v23;
	v23 =	vld [tilespmem:s28+$0x2820]  }
0x2b1: {  	[tilespmem:$0x1FEB0] =	vst v2;
	v2 =	vld [tilespmem:s28+$0xC010]  }
0x2b2: {  	v26 =	vadd.f32 v26, v25;
	v25 =	vld [tilespmem:s28+$0x2830]  }
0x2b3: {  	v28 =	vadd.f32 v28, v27;
	v27 =	vld [tilespmem:s28+$0x2840]  }
0x2b4: {  	v30 =	vadd.f32 v30, v29;
	v29 =	vld [tilespmem:s28+$0x2850]  }
0x2b5: {  	v32 =	vadd.f32 v32, v31;
	v31 =	vld [tilespmem:s28+$0x2860]  }
0x2b6: {  	[tilespmem:$0x1FEC0] =	vst v2;
	v2 =	vld [tilespmem:s28+$0x2010]  }
0x2b7: {  	v34 =	vadd.f32 v34, v33;
	v33 =	vld [tilespmem:s28+$0x2870]  }
0x2b8: {  	v36 =	vadd.f32 v36, v35;
	v35 =	vld [tilespmem:s28+$0xCC20];
	[tilespmem:s28+$0x15010] =	vst v5  }
0x2b9: {  	v5 =	vld [tilespmem:s28+$0x2C00];
	[tilespmem:s28+$0x15020] =	vst v3  }
0x2ba: {  	v40 =	vadd.f32 v40, v39;
	v39 =	vld [tilespmem:$0x1FE70];
	[tilespmem:s28+$0x15030] =	vst v12  }
0x2bb: {  	[tilespmem:$0x1FED0] =	vst v2;
	v2 =	vld [tilespmem:s28+$0xC020]  }
0x2bc: {  	[tilespmem:s28+$0x15040] =	vst v14;
	v12 =	vld [tilespmem:s28+$0xC450]  }
0x2bd: {  	[tilespmem:s28+$0x15050] =	vst v16;
	v14 =	vld [tilespmem:s28+$0xC460]  }
0x2be: {  	[tilespmem:s28+$0x15060] =	vst v18;
	v16 =	vld [tilespmem:s28+$0xC470]  }
0x2bf: {  	[tilespmem:s28+$0x15070] =	vst v20;
	v18 =	vld [tilespmem:s28+$0xC800]  }
0x2c0: {  	[tilespmem:$0x1FEE0] =	vst v2;
	v2 =	vld [tilespmem:s28+$0x2020]  }
0x2c1: {  	[tilespmem:s28+$0x15400] =	vst v22;
	v20 =	vld [tilespmem:s28+$0xC810]  }
0x2c2: {  	[tilespmem:s28+$0x15410] =	vst v24;
	v22 =	vld [tilespmem:s28+$0xC820]  }
0x2c3: {  	[tilespmem:s28+$0x15420] =	vst v26;
	v24 =	vld [tilespmem:s28+$0xC830]  }
0x2c4: {  	[tilespmem:s28+$0x15430] =	vst v28;
	v26 =	vld [tilespmem:s28+$0xC840]  }
0x2c5: {  	[tilespmem:$0x1FEF0] =	vst v2;
	v2 =	vld [tilespmem:s28+$0xC030]  }
0x2c6: {  	[tilespmem:s28+$0x15440] =	vst v30;
	v28 =	vld [tilespmem:s28+$0xC850]  }
0x2c7: {  	[tilespmem:s28+$0x15450] =	vst v32;
	v30 =	vld [tilespmem:s28+$0xC860]  }
0x2c8: {  	[tilespmem:s28+$0x15460] =	vst v34;
	v32 =	vld [tilespmem:s28+$0xC870]  }
0x2c9: {  	[tilespmem:s28+$0x15470] =	vst v36;
	v34 =	vld [tilespmem:s28+$0xCC00]  }
0x2ca: {  	v38 =	vadd.f32 v38, v37;
	[tilespmem:$0x1FF00] =	vst v2;
	v2 =	vld [tilespmem:s28+$0x2030]  }
0x2cb: {  	v37 =	vadd.f32 v60, v59;
	[tilespmem:s28+$0x15810] =	vst v40;
	v40 =	vld [tilespmem:$0x1FE80]  }
0x2cc: {  	[tilespmem:s28+$0x15800] =	vst v38;
	v36 =	vadd.f32 v58, v57;
	v3 =	vld [tilespmem:s28+$0x2C10]  }
0x2cd: {  	[tilespmem:s28+$0x15C30] =	vst v37;
	v37 =	vld [tilespmem:s28+$0xCC30]  }
0x2ce: {  	v38 =	vadd.f32 v62, v61;
	[tilespmem:s28+$0x15C20] =	vst v36;
	v36 =	vld [tilespmem:s28+$0x2C20]  }
0x2cf: {  	[tilespmem:$0x1FF10] =	vst v2;
	v2 =	vld [tilespmem:s28+$0xC040]  }
0x2d0: {  	[tilespmem:s28+$0x15C40] =	vst v38;
	v38 =	vld [tilespmem:s28+$0x2C30]  }
0x2d1: {  	v61 =	vadd.f32 v7, v6;
	v6 =	vld [tilespmem:s28+$0xCC70]  }
0x2d2: {  	v62 =	vadd.f32 v8, v4;
	v4 =	vld [tilespmem:s28+$0x2C70]  }
0x2d3: {  	v7 =	vld [tilespmem:s28+$0xD000]  }
0x2d4: {  	[tilespmem:$0x1FF20] =	vst v2;
	v2 =	vld [tilespmem:s28+$0x2040]  }
0x2d5: {  	v8 =	vld [tilespmem:s28+$0x3000]  }
0x2d6: {  	v42 =	vadd.f32 v42, v41;
	v41 =	vld [tilespmem:$0x1FE90]  }
0x2d7: {  	v1 =	vadd.f32 v1, v39;
	v39 =	vld [tilespmem:s28+$0xCC40]  }
0x2d8: {  	v0 =	vadd.f32 v0, v63;
	v63 =	vadd.f32 v11, v9;
	[tilespmem:s28+$0x16420] =	vst v61;
	v61 =	vld [tilespmem:s28+$0xD050]  }
0x2d9: {  	[tilespmem:$0x1FF30] =	vst v2;
	v2 =	vld [tilespmem:s28+$0xC050]  }
0x2da: {  	[tilespmem:s28+$0x16440] =	vst v63;
	v63 =	vld [tilespmem:s28+$0x3050]  }
0x2db: {  	[tilespmem:s28+$0x16430] =	vst v62;
	v62 =	vadd.f32 v33, v32;
	v32 =	vld [tilespmem:s28+$0xD400]  }
0x2dc: {  	[tilespmem:s28+$0x15820] =	vst v42;
	v42 =	vld [tilespmem:$0x1FEA0]  }
0x2dd: {  	v44 =	vadd.f32 v44, v43;
	v43 =	vld [tilespmem:$0x1FEB0]  }
0x2de: {  	[tilespmem:$0x1FF40] =	vst v2;
	v2 =	vld [tilespmem:s28+$0x2050]  }
0x2df: {  	v46 =	vadd.f32 v46, v45;
	[tilespmem:s28+$0x15C50] =	vst v0;
	v0 =	vadd.f32 v41, v40;
	v40 =	vld [tilespmem:s28+$0x2C40]  }
0x2e0: {  	[tilespmem:s28+$0x15830] =	vst v44;
	v41 =	vld [tilespmem:s28+$0xCC50]  }
0x2e1: {  	[tilespmem:s28+$0x15840] =	vst v46;
	v44 =	vld [tilespmem:$0x1FEC0]  }
0x2e2: {  	v48 =	vadd.f32 v48, v47;
	[tilespmem:s28+$0x15C60] =	vst v1;
	v1 =	vadd.f32 v43, v42;
	v42 =	vld [tilespmem:s28+$0x2C50]  }
0x2e3: {  	v50 =	vadd.f32 v50, v49;
	[tilespmem:$0x1FF50] =	vst v2;
	v2 =	vld [tilespmem:s28+$0xC060]  }
0x2e4: {  	v52 =	vadd.f32 v52, v51;
	[tilespmem:s28+$0x15850] =	vst v48;
	v43 =	vld [tilespmem:s28+$0xCC60]  }
0x2e5: {  	v54 =	vadd.f32 v54, v53;
	[tilespmem:s28+$0x15860] =	vst v50;
	v45 =	vld [tilespmem:$0x1FED0]  }
0x2e6: {  	[tilespmem:s28+$0x15870] =	vst v52;
	v46 =	vld [tilespmem:$0x1FEE0]  }
0x2e7: {  	v56 =	vadd.f32 v56, v55;
	[tilespmem:s28+$0x15C00] =	vst v54;
	v47 =	vld [tilespmem:$0x1FEF0]  }
0x2e8: {  	[tilespmem:$0x1FF60] =	vst v2;
	v2 =	vld [tilespmem:s28+$0x2060]  }
0x2e9: {  	[tilespmem:s28+$0x15C10] =	vst v56;
	v13 =	vadd.f32 v13, v12;
	v33 =	vadd.f32 v42, v41;
	v42 =	vld [tilespmem:s28+$0x3420]  }
0x2ea: {  	[tilespmem:s28+$0x15C70] =	vst v0;
	v0 =	vadd.f32 v45, v44;
	v45 =	vld [tilespmem:s28+$0xD010]  }
0x2eb: {  	[tilespmem:s28+$0x16450] =	vst v13;
	v48 =	vld [tilespmem:$0x1FF00]  }
0x2ec: {  	[tilespmem:s28+$0x16000] =	vst v1;
	v1 =	vadd.f32 v47, v46;
	v47 =	vld [tilespmem:s28+$0x3010]  }
0x2ed: {  	[tilespmem:$0x1FF70] =	vst v2;
	v2 =	vld [tilespmem:s28+$0xC070]  }
0x2ee: {  	[tilespmem:s28+$0x16870] =	vst v62;
	v49 =	vld [tilespmem:$0x1FF10]  }
0x2ef: {  	[tilespmem:s28+$0x16C50] =	vst v33;
	v44 =	vadd.f32 v15, v14;
	v50 =	vld [tilespmem:$0x1FF20]  }
0x2f0: {  	[tilespmem:s28+$0x16010] =	vst v0;
	v51 =	vld [tilespmem:$0x1FF30]  }
0x2f1: {  	[tilespmem:s28+$0x16460] =	vst v44;
	v52 =	vld [tilespmem:$0x1FF40]  }
0x2f2: {  	v46 =	vadd.f32 v17, v16;
	[tilespmem:$0x1FF80] =	vst v2;
	v2 =	vld [tilespmem:s28+$0x2070]  }
0x2f3: {  	[tilespmem:s28+$0x16020] =	vst v1;
	v41 =	vadd.f32 v47, v45;
	v53 =	vld [tilespmem:$0x1FF50]  }
0x2f4: {  	v44 =	vld [tilespmem:s28+$0xD430];
	[tilespmem:s28+$0x16470] =	vst v46;
	v0 =	vadd.f32 v49, v48  }
0x2f5: {  	[tilespmem:s28+$0x17010] =	vst v41;
	v54 =	vld [tilespmem:$0x1FF60]  }
0x2f6: {  	v48 =	vadd.f32 v19, v18;
	[tilespmem:s28+$0x16030] =	vst v0;
	v55 =	vld [tilespmem:$0x1FF70]  }
0x2f7: {  	v1 =	vadd.f32 v51, v50;
	[tilespmem:$0x1FF90] =	vst v2;
	v2 =	vld [tilespmem:s28+$0xC400]  }
0x2f8: {  	[tilespmem:s28+$0x16800] =	vst v48;
	v50 =	vadd.f32 v21, v20;
	v0 =	vadd.f32 v53, v52;
	v53 =	vld [tilespmem:s28+$0xD030]  }
0x2f9: {  	[tilespmem:s28+$0x16040] =	vst v1;
	v52 =	vadd.f32 v23, v22;
	v23 =	vadd.f32 v5, v34;
	v34 =	vld [tilespmem:s28+$0x3400]  }
0x2fa: {  	[tilespmem:s28+$0x16810] =	vst v50;
	v56 =	vld [tilespmem:$0x1FF80]  }
0x2fb: {  	[tilespmem:s28+$0x16050] =	vst v0;
	v1 =	vadd.f32 v55, v54;
	v55 =	vld [tilespmem:s28+$0x3030]  }
0x2fc: {  	[tilespmem:$0x1FFA0] =	vst v2;
	v2 =	vld [tilespmem:s28+$0x2400]  }
0x2fd: {  	[tilespmem:s28+$0x16820] =	vst v52;
	v54 =	vadd.f32 v25, v24;
	v57 =	vld [tilespmem:$0x1FF90]  }
0x2fe: {  	[tilespmem:s28+$0x16C00] =	vst v23;
	v52 =	vld [tilespmem:s28+$0xD450]  }
0x2ff: {  	[tilespmem:s28+$0x16830] =	vst v54;
	v54 =	vld [tilespmem:s28+$0x3450]  }
0x300: {  	[tilespmem:s28+$0x16060] =	vst v1;
	v45 =	vadd.f32 v55, v53;
	v58 =	vld [tilespmem:$0x1FFA0]  }
0x301: {  	v55 =	vadd.f32 v34, v32;
	[tilespmem:$0x1FFB0] =	vst v2;
	v2 =	vld [tilespmem:s28+$0xC410]  }
0x302: {  	[tilespmem:s28+$0x17030] =	vst v45;
	v0 =	vadd.f32 v57, v56;
	v59 =	vld [tilespmem:$0x1FFB0]  }
0x303: {  	v46 =	vld [tilespmem:s28+$0x3430];
	[tilespmem:s28+$0x17400] =	vst v55;
	v56 =	vadd.f32 v27, v26  }
0x304: {  	v49 =	vld [tilespmem:s28+$0xD020];
	[tilespmem:s28+$0x16070] =	vst v0  }
0x305: {  	v48 =	vld [tilespmem:s28+$0xD440];
	v27 =	vadd.f32 v36, v35;
	[tilespmem:s28+$0x16840] =	vst v56  }
0x306: {  	v62 =	vadd.f32 v54, v52;
	[tilespmem:$0x1FFC0] =	vst v2;
	v2 =	vld [tilespmem:s28+$0xCC10]  }
0x307: {  	[tilespmem:s28+$0x16C20] =	vst v27;
	v1 =	vadd.f32 v59, v58;
	v60 =	vld [tilespmem:$0x1FFC0]  }
0x308: {  	v51 =	vld [tilespmem:s28+$0x3020];
	[tilespmem:s28+$0x17450] =	vst v62;
	v58 =	vadd.f32 v29, v28  }
0x309: {  	v57 =	vld [tilespmem:s28+$0xD040];
	v29 =	vadd.f32 v38, v37;
	[tilespmem:s28+$0x16400] =	vst v1  }
0x30a: {  	v36 =	vld [tilespmem:s28+$0xD410];
	v37 =	vadd.f32 v4, v6;
	[tilespmem:s28+$0x16850] =	vst v58  }
0x30b: {  	v59 =	vld [tilespmem:s28+$0x3040];
	[tilespmem:s28+$0x16C30] =	vst v29;
	v25 =	vadd.f32 v3, v2  }
0x30c: {  	v38 =	vld [tilespmem:s28+$0x3410];
	[tilespmem:s28+$0x16C70] =	vst v37;
	v0 =	vadd.f32 v10, v60  }
0x30d: {  	v50 =	vld [tilespmem:s28+$0x3440];
	v60 =	vadd.f32 v31, v30;
	[tilespmem:s28+$0x16C10] =	vst v25  }
0x30e: {  	v10 =	vld [tilespmem:s28+$0x2C60];
	v31 =	vadd.f32 v40, v39;
	[tilespmem:s28+$0x16410] =	vst v0  }
0x30f: {  	v24 =	vld [tilespmem:s28+$0xD060];
	v39 =	vadd.f32 v8, v7;
	[tilespmem:s28+$0x16860] =	vst v60  }
0x310: {  	v26 =	vld [tilespmem:s28+$0x3060];
	v47 =	vadd.f32 v59, v57;
	[tilespmem:s28+$0x16C40] =	vst v31  }
0x311: {  	v28 =	vld [tilespmem:s28+$0xD070];
	v57 =	vadd.f32 v38, v36;
	[tilespmem:s28+$0x17000] =	vst v39  }
0x312: {  	v30 =	vld [tilespmem:s28+$0x3070];
	[tilespmem:s28+$0x17040] =	vst v47;
	v60 =	vadd.f32 v46, v44  }
0x313: {  	v40 =	vld [tilespmem:s28+$0xD420];
	[tilespmem:s28+$0x17410] =	vst v57;
	v35 =	vadd.f32 v10, v43  }
0x314: {  	v56 =	vld [tilespmem:s28+$0xD460];
	[tilespmem:s28+$0x17430] =	vst v60;
	v43 =	vadd.f32 v51, v49  }
0x315: {  	v58 =	vld [tilespmem:s28+$0x3460];
	v49 =	vadd.f32 v63, v61;
	[tilespmem:s28+$0x16C60] =	vst v35  }
0x316: {  	v51 =	vadd.f32 v26, v24;
	[tilespmem:s28+$0x17020] =	vst v43  }
0x317: {  	v53 =	vadd.f32 v30, v28;
	[tilespmem:s28+$0x17050] =	vst v49  }
0x318: {  	p1 =	sne.s32 s25, $0x1F;
	s26 =	smul.u32 $0x140000, s25;
	v59 =	vadd.f32 v42, v40;
	[tilespmem:s28+$0x17060] =	vst v51  }
.Ltmp3:
0x319: {  	v61 =	vadd.f32 v50, v48;
	[tilespmem:s28+$0x17070] =	vst v53;
	(pc) =	sbr.rel @p1 .LBB2_6-.Ltmp3, $4  }
0x31a: {  	s29 =	sadd.s32 s18, s26;
	v63 =	vadd.f32 v58, v56;
	[tilespmem:s28+$0x17420] =	vst v59  }
0x31b: {  	s29 =	sshrl.u32 s29, $0x3;
	[tilespmem:s28+$0x17440] =	vst v61  }
0x31c: {  	s31 =	sadd.s32 s3, s29;
	[tilespmem:s28+$0x17460] =	vst v63  }
0x31d: {  	[hbm4b:s31+s4] =	stream.linear.scatter [tilespmem:s21], [sflag:$0x3], $0x5000, $0x38;
	[tilespmem:$0x1F000] =	vst v63  }
.Ltmp4:
0x31e: {  	(pc) =	sbr.rel .LBB2_7-.Ltmp4, $4  }
0x31f: {  	_ = 	snop  }
0x320: {  	_ =	swait.ge [sflag:s22], $0x5000  }
0x321: {  	[sflag:s22] =	ssyncset.done $0x0  }
0x322: {  	[sflag:s22] =	ssyncadd.s32 $0xFFFFB000  }
.LBB2_6:
0x323: {  	s28 =	sshll.u32 s25, $0x7  }
0x324: {  	s28 =	sand.u32 $0x3FFFFF80, s28  }
0x325: {  	v0 =	vld [tilespmem:s28+$0x80];
	_ =	sdelay $0x3  }
0x326: {  	v63 =	vld [tilespmem:$0x1FFD0]  }
0x327: {  	v1 =	vshrl.u32 v0, $0x3  }
0x328: {  	v2 =	vld [tilespmem:$0x1FFE0];
	v1 =	vmul.u32 $0x50, v1  }
0x329: {  	v0 =	vand.u32 $0x7, v0  }
0x32a: {  	v0 =	vor.u32 v0, v1  }
0x32b: {  	v1 =	vperm.xlane v0, v63;
	_ =	sdelay $0x1  }
0x32c: {  	v1 =	vadd.s32 v2, v1;
	_ =	sdelay $0x2  }
0x32d: {  	v3 =	vld [tilespmem:$0x1FFF0]  }
0x32e: {  	s0 =	simm.s32 $0xB000  }
0x32f: {  	[tilespmem:s0], [sflag:$0x1] =	stream.indirect_vreg.gather [hbm4b:s2+s4], $0x80, v1, vm0, $0xb8;
	[tilespmem:$0x1F000] =	vst v63  }
0x330: {  	s31 =	simm.s32 $0xB800  }
0x331: {  	[tilespmem:s31], [sflag:$0x1] =	stream.indirect_vreg.gather [hbm4b:s13+s4], $0x80, v1, vm0, $0xb8;
	[tilespmem:$0x1F000] =	vst v63  }
0x332: {  	s28 =	simm.s32 $0xC000;
	v0 =	vperm.xlane v0, v3  }
0x333: {  	[tilespmem:s28], [sflag:$0x1] =	stream.indirect_vreg.gather [hbm4b:s14+s4], $0x80, v1, vm0, $0xb8;
	[tilespmem:$0x1F000] =	vst v63  }
0x334: {  	s29 =	simm.s32 $0xC800;
	v0 =	vadd.s32 v2, v0  }
0x335: {  	[tilespmem:s29], [sflag:$0x1] =	stream.indirect_vreg.gather [hbm4b:s15+s4], $0x80, v1, vm0, $0xb8;
	[tilespmem:$0x1F000] =	vst v63  }
0x336: {  	s30 =	simm.s32 $0xD000  }
0x337: {  	[tilespmem:s30], [sflag:$0x1] =	stream.indirect_vreg.gather [hbm4b:s16+s4], $0x80, v1, vm0, $0xb8;
	[tilespmem:$0x1F000] =	vst v63  }
0x338: {  	s31 =	simm.s32 $0xD800  }
0x339: {  	[tilespmem:s31], [sflag:$0x1] =	stream.indirect_vreg.gather [hbm4b:s2+s4], $0x80, v0, vm0, $0xb8;
	[tilespmem:$0x1F000] =	vst v63  }
0x33a: {  	s28 =	simm.s32 $0xE000  }
0x33b: {  	[tilespmem:s28], [sflag:$0x1] =	stream.indirect_vreg.gather [hbm4b:s13+s4], $0x80, v0, vm0, $0xb8;
	[tilespmem:$0x1F000] =	vst v63  }
0x33c: {  	s29 =	simm.s32 $0xE800  }
0x33d: {  	[tilespmem:s29], [sflag:$0x1] =	stream.indirect_vreg.gather [hbm4b:s14+s4], $0x80, v0, vm0, $0xb8;
	[tilespmem:$0x1F000] =	vst v63  }
0x33e: {  	s30 =	simm.s32 $0xF000  }
0x33f: {  	[tilespmem:s30], [sflag:$0x1] =	stream.indirect_vreg.gather [hbm4b:s15+s4], $0x80, v0, vm0, $0xb8;
	[tilespmem:$0x1F000] =	vst v63  }
.Ltmp5:
0x340: {  	s31 =	simm.s32 $0xF800;
	(pc) =	sbr.rel @p0 .LBB2_8-.Ltmp5, $4  }
0x341: {  	[tilespmem:s31], [sflag:$0x1] =	stream.indirect_vreg.gather [hbm4b:s16+s4], $0x80, v0, vm0, $0xb8;
	[tilespmem:$0x1F000] =	vst v63  }
0x342: {  	_ =	swait.ge [sflag:s22], $0x5000  }
0x343: {  	[sflag:s22] =	ssyncset.done $0x0  }
0x344: {  	[sflag:s22] =	ssyncadd.s32 $0xFFFFB000  }
.LBB2_7:
0x345: {  	_ =	swait.ge [sflag:s23], $0x5000  }
0x346: {  	[sflag:s23] =	ssyncset.done $0x0  }
0x347: {  	[sflag:s23] =	ssyncadd.s32 $0xFFFFB000  }
.LBB2_8:
0x348: {  	s28 =	simm.s32 $0x0  }
0x349: {  	s29 =	simm.s32 $0x0;
	s28 =	smul.u32 $0x2800, s28  }
0x34a: {  	s29 =	sand.u32 $0x380, s29  }
0x34b: {  	s28 =	sor.u32 s29, s28  }
0x34c: {  	v0 =	vld [tilespmem:s28+$0x12470]  }
0x34d: {  	v1 =	vld [tilespmem:s28+$0x8470]  }
0x34e: {  	v2 =	vld [tilespmem:s28+$0x10000]  }
0x34f: {  	v3 =	vld [tilespmem:s28+$0x6000]  }
0x350: {  	v4 =	vld [tilespmem:s28+$0x10010]  }
0x351: {  	v5 =	vld [tilespmem:s28+$0x6010]  }
0x352: {  	v6 =	vld [tilespmem:s28+$0x10020]  }
0x353: {  	v7 =	vld [tilespmem:s28+$0x10030];
	v0 =	vadd.f32 v1, v0  }
0x354: {  	v1 =	vld [tilespmem:s28+$0x6020]  }
0x355: {  	v2 =	vadd.f32 v3, v2;
	[tilespmem:s28+$0x1C470] =	vst v0;
	v0 =	vld [tilespmem:s28+$0x6030]  }
0x356: {  	v3 =	vld [tilespmem:s28+$0x10040]  }
0x357: {  	[tilespmem:s28+$0x1A000] =	vst v2;
	v2 =	vadd.f32 v5, v4;
	v4 =	vld [tilespmem:s28+$0x6040]  }
0x358: {  	v5 =	vld [tilespmem:s28+$0x6050]  }
0x359: {  	[tilespmem:s28+$0x1A010] =	vst v2;
	v2 =	vld [tilespmem:s28+$0x10050];
	v1 =	vadd.f32 v1, v6  }
0x35a: {  	v6 =	vld [tilespmem:s28+$0x6060];
	v0 =	vadd.f32 v0, v7  }
0x35b: {  	[tilespmem:s28+$0x1A020] =	vst v1;
	v1 =	vld [tilespmem:s28+$0x10060]  }
0x35c: {  	[tilespmem:s28+$0x1A030] =	vst v0;
	v0 =	vadd.f32 v4, v3;
	v3 =	vld [tilespmem:s28+$0x10070]  }
0x35d: {  	v4 =	vld [tilespmem:s28+$0x6070]  }
0x35e: {  	[tilespmem:s28+$0x1A040] =	vst v0;
	v0 =	vadd.f32 v5, v2;
	v2 =	vld [tilespmem:s28+$0x10400]  }
0x35f: {  	v5 =	vld [tilespmem:s28+$0x6400]  }
0x360: {  	[tilespmem:s28+$0x1A050] =	vst v0;
	v0 =	vadd.f32 v6, v1;
	v1 =	vld [tilespmem:s28+$0x10410]  }
0x361: {  	v6 =	vld [tilespmem:s28+$0x6410]  }
0x362: {  	[tilespmem:s28+$0x1A060] =	vst v0;
	v0 =	vadd.f32 v4, v3;
	v3 =	vld [tilespmem:s28+$0x10420]  }
0x363: {  	v4 =	vld [tilespmem:s28+$0x6420]  }
0x364: {  	v8 =	vld [tilespmem:s28+$0x8420]  }
0x365: {  	[tilespmem:s28+$0x1A070] =	vst v0;
	v0 =	vadd.f32 v5, v2;
	v2 =	vld [tilespmem:s28+$0x10430]  }
0x366: {  	v5 =	vld [tilespmem:s28+$0x6430]  }
0x367: {  	[tilespmem:s28+$0x1A400] =	vst v0;
	v0 =	vadd.f32 v6, v1;
	v1 =	vld [tilespmem:s28+$0x10440]  }
0x368: {  	v6 =	vld [tilespmem:s28+$0x6440]  }
0x369: {  	[tilespmem:s28+$0x1A410] =	vst v0;
	v0 =	vadd.f32 v4, v3;
	v3 =	vld [tilespmem:s28+$0x10450]  }
0x36a: {  	v4 =	vld [tilespmem:s28+$0x6450]  }
0x36b: {  	[tilespmem:s28+$0x1A420] =	vst v0;
	v0 =	vadd.f32 v5, v2;
	v2 =	vld [tilespmem:s28+$0x10460]  }
0x36c: {  	v5 =	vld [tilespmem:s28+$0x6460]  }
0x36d: {  	[tilespmem:s28+$0x1A430] =	vst v0;
	v0 =	vadd.f32 v6, v1;
	v1 =	vld [tilespmem:s28+$0x10470]  }
0x36e: {  	v6 =	vld [tilespmem:s28+$0x6470]  }
0x36f: {  	[tilespmem:s28+$0x1A440] =	vst v0;
	v0 =	vadd.f32 v4, v3;
	v3 =	vld [tilespmem:s28+$0x10800]  }
0x370: {  	v4 =	vld [tilespmem:s28+$0x6800]  }
0x371: {  	[tilespmem:s28+$0x1A450] =	vst v0;
	v0 =	vadd.f32 v5, v2;
	v2 =	vld [tilespmem:s28+$0x10810]  }
0x372: {  	v5 =	vld [tilespmem:s28+$0x6810]  }
0x373: {  	[tilespmem:s28+$0x1A460] =	vst v0;
	v0 =	vadd.f32 v6, v1;
	v1 =	vld [tilespmem:s28+$0x10820]  }
0x374: {  	v6 =	vld [tilespmem:s28+$0x6820]  }
0x375: {  	[tilespmem:s28+$0x1A470] =	vst v0;
	v0 =	vadd.f32 v4, v3;
	v3 =	vld [tilespmem:s28+$0x10830]  }
0x376: {  	v4 =	vld [tilespmem:s28+$0x6830]  }
0x377: {  	[tilespmem:s28+$0x1A800] =	vst v0;
	v0 =	vadd.f32 v5, v2;
	v2 =	vld [tilespmem:s28+$0x10840]  }
0x378: {  	v5 =	vld [tilespmem:s28+$0x6840]  }
0x379: {  	[tilespmem:s28+$0x1A810] =	vst v0;
	v0 =	vadd.f32 v6, v1;
	v1 =	vld [tilespmem:s28+$0x10850]  }
0x37a: {  	v6 =	vld [tilespmem:s28+$0x6850]  }
0x37b: {  	[tilespmem:s28+$0x1A820] =	vst v0;
	v0 =	vadd.f32 v4, v3;
	v3 =	vld [tilespmem:s28+$0x10860]  }
0x37c: {  	v4 =	vld [tilespmem:s28+$0x6860]  }
0x37d: {  	[tilespmem:s28+$0x1A830] =	vst v0;
	v0 =	vadd.f32 v5, v2;
	v2 =	vld [tilespmem:s28+$0x10870]  }
0x37e: {  	v5 =	vld [tilespmem:s28+$0x6870]  }
0x37f: {  	[tilespmem:s28+$0x1A840] =	vst v0;
	v0 =	vadd.f32 v6, v1;
	v1 =	vld [tilespmem:s28+$0x10C00]  }
0x380: {  	v6 =	vld [tilespmem:s28+$0x6C00]  }
0x381: {  	[tilespmem:s28+$0x1A850] =	vst v0;
	v0 =	vadd.f32 v4, v3;
	v3 =	vld [tilespmem:s28+$0x10C10]  }
0x382: {  	v4 =	vld [tilespmem:s28+$0x6C10]  }
0x383: {  	[tilespmem:s28+$0x1A860] =	vst v0;
	v0 =	vadd.f32 v5, v2;
	v2 =	vld [tilespmem:s28+$0x10C20]  }
0x384: {  	v5 =	vld [tilespmem:s28+$0x6C20]  }
0x385: {  	[tilespmem:s28+$0x1A870] =	vst v0;
	v0 =	vadd.f32 v6, v1;
	v1 =	vld [tilespmem:s28+$0x10C30]  }
0x386: {  	v6 =	vld [tilespmem:s28+$0x6C30]  }
0x387: {  	[tilespmem:s28+$0x1AC00] =	vst v0;
	v0 =	vadd.f32 v4, v3;
	v3 =	vld [tilespmem:s28+$0x10C40]  }
0x388: {  	v4 =	vld [tilespmem:s28+$0x6C40]  }
0x389: {  	[tilespmem:s28+$0x1AC10] =	vst v0;
	v0 =	vadd.f32 v5, v2;
	v2 =	vld [tilespmem:s28+$0x10C50]  }
0x38a: {  	v5 =	vld [tilespmem:s28+$0x6C50]  }
0x38b: {  	[tilespmem:s28+$0x1AC20] =	vst v0;
	v0 =	vadd.f32 v6, v1;
	v1 =	vld [tilespmem:s28+$0x10C60]  }
0x38c: {  	v6 =	vld [tilespmem:s28+$0x6C60]  }
0x38d: {  	[tilespmem:s28+$0x1AC30] =	vst v0;
	v0 =	vadd.f32 v4, v3;
	v3 =	vld [tilespmem:s28+$0x10C70]  }
0x38e: {  	v4 =	vld [tilespmem:s28+$0x6C70]  }
0x38f: {  	[tilespmem:s28+$0x1AC40] =	vst v0;
	v0 =	vadd.f32 v5, v2;
	v2 =	vld [tilespmem:s28+$0x11000]  }
0x390: {  	v5 =	vld [tilespmem:s28+$0x7000]  }
0x391: {  	[tilespmem:s28+$0x1AC50] =	vst v0;
	v0 =	vadd.f32 v6, v1;
	v1 =	vld [tilespmem:s28+$0x11010]  }
0x392: {  	v6 =	vld [tilespmem:s28+$0x7010]  }
0x393: {  	[tilespmem:s28+$0x1AC60] =	vst v0;
	v0 =	vadd.f32 v4, v3;
	v3 =	vld [tilespmem:s28+$0x11020]  }
0x394: {  	v4 =	vld [tilespmem:s28+$0x7020]  }
0x395: {  	[tilespmem:s28+$0x1AC70] =	vst v0;
	v0 =	vadd.f32 v5, v2;
	v2 =	vld [tilespmem:s28+$0x11030]  }
0x396: {  	v5 =	vld [tilespmem:s28+$0x7030]  }
0x397: {  	[tilespmem:s28+$0x1B000] =	vst v0;
	v0 =	vadd.f32 v6, v1;
	v1 =	vld [tilespmem:s28+$0x11040]  }
0x398: {  	v6 =	vld [tilespmem:s28+$0x7040]  }
0x399: {  	[tilespmem:s28+$0x1B010] =	vst v0;
	v0 =	vadd.f32 v4, v3;
	v3 =	vld [tilespmem:s28+$0x11050]  }
0x39a: {  	v4 =	vld [tilespmem:s28+$0x7050]  }
0x39b: {  	[tilespmem:s28+$0x1B020] =	vst v0;
	v0 =	vadd.f32 v5, v2;
	v2 =	vld [tilespmem:s28+$0x11060]  }
0x39c: {  	v5 =	vld [tilespmem:s28+$0x7060]  }
0x39d: {  	[tilespmem:s28+$0x1B030] =	vst v0;
	v0 =	vadd.f32 v6, v1;
	v1 =	vld [tilespmem:s28+$0x11070]  }
0x39e: {  	v6 =	vld [tilespmem:s28+$0x7070]  }
0x39f: {  	[tilespmem:s28+$0x1B040] =	vst v0;
	v0 =	vadd.f32 v4, v3;
	v3 =	vld [tilespmem:s28+$0x11400]  }
0x3a0: {  	v4 =	vld [tilespmem:s28+$0x7400]  }
0x3a1: {  	[tilespmem:s28+$0x1B050] =	vst v0;
	v0 =	vadd.f32 v5, v2;
	v2 =	vld [tilespmem:s28+$0x11410]  }
0x3a2: {  	v5 =	vld [tilespmem:s28+$0x7410]  }
0x3a3: {  	[tilespmem:s28+$0x1B060] =	vst v0;
	v0 =	vadd.f32 v6, v1;
	v1 =	vld [tilespmem:s28+$0x11420]  }
0x3a4: {  	v6 =	vld [tilespmem:s28+$0x7420]  }
0x3a5: {  	[tilespmem:s28+$0x1B070] =	vst v0;
	v0 =	vadd.f32 v4, v3;
	v3 =	vld [tilespmem:s28+$0x11430]  }
0x3a6: {  	v4 =	vld [tilespmem:s28+$0x7430]  }
0x3a7: {  	[tilespmem:s28+$0x1B400] =	vst v0;
	v0 =	vadd.f32 v5, v2;
	v2 =	vld [tilespmem:s28+$0x11440]  }
0x3a8: {  	v5 =	vld [tilespmem:s28+$0x7440]  }
0x3a9: {  	[tilespmem:s28+$0x1B410] =	vst v0;
	v0 =	vadd.f32 v6, v1;
	v1 =	vld [tilespmem:s28+$0x11450]  }
0x3aa: {  	v6 =	vld [tilespmem:s28+$0x7450]  }
0x3ab: {  	[tilespmem:s28+$0x1B420] =	vst v0;
	v0 =	vadd.f32 v4, v3;
	v3 =	vld [tilespmem:s28+$0x11460]  }
0x3ac: {  	v4 =	vld [tilespmem:s28+$0x7460]  }
0x3ad: {  	[tilespmem:s28+$0x1B430] =	vst v0;
	v0 =	vadd.f32 v5, v2;
	v2 =	vld [tilespmem:s28+$0x11470]  }
0x3ae: {  	v5 =	vld [tilespmem:s28+$0x7470]  }
0x3af: {  	[tilespmem:s28+$0x1B440] =	vst v0;
	v0 =	vadd.f32 v6, v1;
	v1 =	vld [tilespmem:s28+$0x11800]  }
0x3b0: {  	v6 =	vld [tilespmem:s28+$0x7800]  }
0x3b1: {  	[tilespmem:s28+$0x1B450] =	vst v0;
	v0 =	vadd.f32 v4, v3;
	v3 =	vld [tilespmem:s28+$0x11810]  }
0x3b2: {  	v4 =	vld [tilespmem:s28+$0x7810]  }
0x3b3: {  	[tilespmem:s28+$0x1B460] =	vst v0;
	v0 =	vadd.f32 v5, v2;
	v2 =	vld [tilespmem:s28+$0x11820]  }
0x3b4: {  	v5 =	vld [tilespmem:s28+$0x7820]  }
0x3b5: {  	[tilespmem:s28+$0x1B470] =	vst v0;
	v0 =	vadd.f32 v6, v1;
	v1 =	vld [tilespmem:s28+$0x11830]  }
0x3b6: {  	v6 =	vld [tilespmem:s28+$0x7830]  }
0x3b7: {  	[tilespmem:s28+$0x1B800] =	vst v0;
	v0 =	vadd.f32 v4, v3;
	v3 =	vld [tilespmem:s28+$0x11840]  }
0x3b8: {  	v4 =	vld [tilespmem:s28+$0x7840]  }
0x3b9: {  	[tilespmem:s28+$0x1B810] =	vst v0;
	v0 =	vadd.f32 v5, v2;
	v2 =	vld [tilespmem:s28+$0x11850]  }
0x3ba: {  	v5 =	vld [tilespmem:s28+$0x7850]  }
0x3bb: {  	[tilespmem:s28+$0x1B820] =	vst v0;
	v0 =	vadd.f32 v6, v1;
	v1 =	vld [tilespmem:s28+$0x11860]  }
0x3bc: {  	v6 =	vld [tilespmem:s28+$0x7860]  }
0x3bd: {  	[tilespmem:s28+$0x1B830] =	vst v0;
	v0 =	vadd.f32 v4, v3;
	v3 =	vld [tilespmem:s28+$0x11870]  }
0x3be: {  	v4 =	vld [tilespmem:s28+$0x7870]  }
0x3bf: {  	[tilespmem:s28+$0x1B840] =	vst v0;
	v0 =	vadd.f32 v5, v2;
	v2 =	vld [tilespmem:s28+$0x11C00]  }
0x3c0: {  	v5 =	vld [tilespmem:s28+$0x7C00]  }
0x3c1: {  	[tilespmem:s28+$0x1B850] =	vst v0;
	v0 =	vadd.f32 v6, v1;
	v1 =	vld [tilespmem:s28+$0x11C10]  }
0x3c2: {  	v6 =	vld [tilespmem:s28+$0x7C10]  }
0x3c3: {  	[tilespmem:s28+$0x1B860] =	vst v0;
	v0 =	vadd.f32 v4, v3;
	v3 =	vld [tilespmem:s28+$0x11C20]  }
0x3c4: {  	v4 =	vld [tilespmem:s28+$0x7C20]  }
0x3c5: {  	[tilespmem:s28+$0x1B870] =	vst v0;
	v0 =	vadd.f32 v5, v2;
	v2 =	vld [tilespmem:s28+$0x11C30]  }
0x3c6: {  	v5 =	vld [tilespmem:s28+$0x7C30]  }
0x3c7: {  	[tilespmem:s28+$0x1BC00] =	vst v0;
	v0 =	vadd.f32 v6, v1;
	v1 =	vld [tilespmem:s28+$0x11C40]  }
0x3c8: {  	v6 =	vld [tilespmem:s28+$0x7C40]  }
0x3c9: {  	[tilespmem:s28+$0x1BC10] =	vst v0;
	v0 =	vadd.f32 v4, v3;
	v3 =	vld [tilespmem:s28+$0x11C50]  }
0x3ca: {  	v4 =	vld [tilespmem:s28+$0x7C50]  }
0x3cb: {  	[tilespmem:s28+$0x1BC20] =	vst v0;
	v0 =	vadd.f32 v5, v2;
	v2 =	vld [tilespmem:s28+$0x11C60]  }
0x3cc: {  	v5 =	vld [tilespmem:s28+$0x7C60]  }
0x3cd: {  	[tilespmem:s28+$0x1BC30] =	vst v0;
	v0 =	vadd.f32 v6, v1;
	v1 =	vld [tilespmem:s28+$0x11C70]  }
0x3ce: {  	v6 =	vld [tilespmem:s28+$0x7C70]  }
0x3cf: {  	[tilespmem:s28+$0x1BC40] =	vst v0;
	v0 =	vadd.f32 v4, v3;
	v3 =	vld [tilespmem:s28+$0x12000]  }
0x3d0: {  	v4 =	vld [tilespmem:s28+$0x8000]  }
0x3d1: {  	[tilespmem:s28+$0x1BC50] =	vst v0;
	v0 =	vadd.f32 v5, v2;
	v2 =	vld [tilespmem:s28+$0x12010]  }
0x3d2: {  	v5 =	vld [tilespmem:s28+$0x8010]  }
0x3d3: {  	[tilespmem:s28+$0x1BC60] =	vst v0;
	v0 =	vadd.f32 v6, v1;
	v1 =	vld [tilespmem:s28+$0x12020]  }
0x3d4: {  	v6 =	vld [tilespmem:s28+$0x8020]  }
0x3d5: {  	[tilespmem:s28+$0x1BC70] =	vst v0;
	v0 =	vadd.f32 v4, v3;
	v3 =	vld [tilespmem:s28+$0x12030]  }
0x3d6: {  	v4 =	vld [tilespmem:s28+$0x8030]  }
0x3d7: {  	[tilespmem:s28+$0x1C000] =	vst v0;
	v0 =	vadd.f32 v5, v2;
	v2 =	vld [tilespmem:s28+$0x12040]  }
0x3d8: {  	v5 =	vld [tilespmem:s28+$0x8040]  }
0x3d9: {  	[tilespmem:s28+$0x1C010] =	vst v0;
	v0 =	vadd.f32 v6, v1;
	v1 =	vld [tilespmem:s28+$0x12050]  }
0x3da: {  	v6 =	vld [tilespmem:s28+$0x8050]  }
0x3db: {  	[tilespmem:s28+$0x1C020] =	vst v0;
	v0 =	vadd.f32 v4, v3;
	v3 =	vld [tilespmem:s28+$0x12060]  }
0x3dc: {  	v4 =	vld [tilespmem:s28+$0x8060]  }
0x3dd: {  	[tilespmem:s28+$0x1C030] =	vst v0;
	v0 =	vadd.f32 v5, v2;
	v2 =	vld [tilespmem:s28+$0x12070]  }
0x3de: {  	v5 =	vld [tilespmem:s28+$0x8070]  }
0x3df: {  	[tilespmem:s28+$0x1C040] =	vst v0;
	v0 =	vadd.f32 v6, v1;
	v1 =	vld [tilespmem:s28+$0x12400]  }
0x3e0: {  	v6 =	vld [tilespmem:s28+$0x8400]  }
0x3e1: {  	[tilespmem:s28+$0x1C050] =	vst v0;
	v0 =	vadd.f32 v4, v3;
	v3 =	vld [tilespmem:s28+$0x12410]  }
0x3e2: {  	v4 =	vld [tilespmem:s28+$0x8410]  }
0x3e3: {  	[tilespmem:s28+$0x1C060] =	vst v0;
	v0 =	vadd.f32 v5, v2;
	v2 =	vld [tilespmem:s28+$0x12420]  }
0x3e4: {  	v7 =	vld [tilespmem:s28+$0x8430]  }
0x3e5: {  	v5 =	vld [tilespmem:s28+$0x12430];
	[tilespmem:s28+$0x1C070] =	vst v0;
	v0 =	vadd.f32 v6, v1  }
0x3e6: {  	v6 =	vld [tilespmem:s28+$0x8440]  }
0x3e7: {  	[tilespmem:s28+$0x1C400] =	vst v0;
	v0 =	vadd.f32 v4, v3;
	v3 =	vld [tilespmem:s28+$0x12440]  }
0x3e8: {  	s29 =	simm.s32 $0x0;
	v4 =	vld [tilespmem:s28+$0x12450];
	v9 =	vadd.f32 v8, v2  }
0x3e9: {  	s30 =	simm.s32 $0x2;
	s31 =	smul.u32 $0x2800, s29;
	s29 =	simm.s32 $0x80;
	v8 =	vld [tilespmem:s28+$0x8450];
	[tilespmem:s28+$0x1C410] =	vst v0  }
.LBB2_9:
0x3ea: {  	p0 =	sne.s32 s30, $0xF;
	s0 =	sand.u32 $0x380, s29;
	[tilespmem:s28+$0x1C420] =	vst v9;
	v0 =	vadd.f32 v7, v5;
	v1 =	vld [tilespmem:s28+$0x12460]  }
0x3eb: {  	s0 =	sor.u32 s0, s31;
	v2 =	vld [tilespmem:s28+$0x8460]  }
0x3ec: {  	v5 =	vld [tilespmem:s0+$0x12470];
	[tilespmem:s28+$0x1C430] =	vst v0;
	v0 =	vadd.f32 v6, v3  }
0x3ed: {  	v3 =	vld [tilespmem:s0+$0x8470]  }
0x3ee: {  	v6 =	vld [tilespmem:s0+$0x10000];
	[tilespmem:s28+$0x1C440] =	vst v0;
	v0 =	vadd.f32 v8, v4  }
0x3ef: {  	v4 =	vld [tilespmem:s0+$0x6000]  }
0x3f0: {  	v7 =	vld [tilespmem:s0+$0x10010];
	[tilespmem:s28+$0x1C450] =	vst v0;
	v0 =	vadd.f32 v2, v1  }
0x3f1: {  	v1 =	vld [tilespmem:s0+$0x6010]  }
0x3f2: {  	v2 =	vld [tilespmem:s0+$0x10020];
	v3 =	vadd.f32 v3, v5;
	[tilespmem:s28+$0x1C460] =	vst v0;
	s28 =	smov.u32 s0  }
0x3f3: {  	v0 =	vld [tilespmem:s28+$0x6020]  }
0x3f4: {  	v4 =	vadd.f32 v4, v6;
	v5 =	vld [tilespmem:s28+$0x10030];
	[tilespmem:s28+$0x1C470] =	vst v3  }
0x3f5: {  	v3 =	vld [tilespmem:s28+$0x6030]  }
0x3f6: {  	[tilespmem:s28+$0x1A000] =	vst v4;
	v1 =	vadd.f32 v1, v7;
	v4 =	vld [tilespmem:s28+$0x10040]  }
0x3f7: {  	v6 =	vld [tilespmem:s28+$0x6040]  }
0x3f8: {  	[tilespmem:s28+$0x1A010] =	vst v1;
	v0 =	vadd.f32 v0, v2;
	v1 =	vld [tilespmem:s28+$0x10050]  }
0x3f9: {  	v2 =	vld [tilespmem:s28+$0x6050]  }
0x3fa: {  	[tilespmem:s28+$0x1A020] =	vst v0;
	v0 =	vadd.f32 v3, v5;
	v3 =	vld [tilespmem:s28+$0x10060]  }
0x3fb: {  	v5 =	vld [tilespmem:s28+$0x6060]  }
0x3fc: {  	[tilespmem:s28+$0x1A030] =	vst v0;
	v0 =	vadd.f32 v6, v4;
	v4 =	vld [tilespmem:s28+$0x10070]  }
0x3fd: {  	v6 =	vld [tilespmem:s28+$0x6070]  }
0x3fe: {  	[tilespmem:s28+$0x1A040] =	vst v0;
	v0 =	vadd.f32 v2, v1;
	v1 =	vld [tilespmem:s28+$0x10400]  }
0x3ff: {  	v2 =	vld [tilespmem:s28+$0x6400]  }
0x400: {  	[tilespmem:s28+$0x1A050] =	vst v0;
	v0 =	vadd.f32 v5, v3;
	v3 =	vld [tilespmem:s28+$0x10410]  }
0x401: {  	v5 =	vld [tilespmem:s28+$0x6410]  }
0x402: {  	[tilespmem:s28+$0x1A060] =	vst v0;
	v0 =	vadd.f32 v6, v4;
	v4 =	vld [tilespmem:s28+$0x10420]  }
0x403: {  	v6 =	vld [tilespmem:s28+$0x6420]  }
0x404: {  	[tilespmem:s28+$0x1A070] =	vst v0;
	v0 =	vadd.f32 v2, v1;
	v1 =	vld [tilespmem:s28+$0x10430]  }
0x405: {  	v2 =	vld [tilespmem:s28+$0x6430]  }
0x406: {  	[tilespmem:s28+$0x1A400] =	vst v0;
	v0 =	vadd.f32 v5, v3;
	v3 =	vld [tilespmem:s28+$0x10440]  }
0x407: {  	v5 =	vld [tilespmem:s28+$0x6440]  }
0x408: {  	[tilespmem:s28+$0x1A410] =	vst v0;
	v0 =	vadd.f32 v6, v4;
	v4 =	vld [tilespmem:s28+$0x10450]  }
0x409: {  	v6 =	vld [tilespmem:s28+$0x6450]  }
0x40a: {  	[tilespmem:s28+$0x1A420] =	vst v0;
	v0 =	vadd.f32 v2, v1;
	v1 =	vld [tilespmem:s28+$0x10460]  }
0x40b: {  	v2 =	vld [tilespmem:s28+$0x6460]  }
0x40c: {  	[tilespmem:s28+$0x1A430] =	vst v0;
	v0 =	vadd.f32 v5, v3;
	v3 =	vld [tilespmem:s28+$0x10470]  }
0x40d: {  	v5 =	vld [tilespmem:s28+$0x6470]  }
0x40e: {  	[tilespmem:s28+$0x1A440] =	vst v0;
	v0 =	vadd.f32 v6, v4;
	v4 =	vld [tilespmem:s28+$0x10800]  }
0x40f: {  	v6 =	vld [tilespmem:s28+$0x6800]  }
0x410: {  	[tilespmem:s28+$0x1A450] =	vst v0;
	v0 =	vadd.f32 v2, v1;
	v1 =	vld [tilespmem:s28+$0x10810]  }
0x411: {  	v2 =	vld [tilespmem:s28+$0x6810]  }
0x412: {  	[tilespmem:s28+$0x1A460] =	vst v0;
	v0 =	vadd.f32 v5, v3;
	v3 =	vld [tilespmem:s28+$0x10820]  }
0x413: {  	v5 =	vld [tilespmem:s28+$0x6820]  }
0x414: {  	[tilespmem:s28+$0x1A470] =	vst v0;
	v0 =	vadd.f32 v6, v4;
	v4 =	vld [tilespmem:s28+$0x10830]  }
0x415: {  	v6 =	vld [tilespmem:s28+$0x6830]  }
0x416: {  	[tilespmem:s28+$0x1A800] =	vst v0;
	v0 =	vadd.f32 v2, v1;
	v1 =	vld [tilespmem:s28+$0x10840]  }
0x417: {  	v2 =	vld [tilespmem:s28+$0x6840]  }
0x418: {  	[tilespmem:s28+$0x1A810] =	vst v0;
	v0 =	vadd.f32 v5, v3;
	v3 =	vld [tilespmem:s28+$0x10850]  }
0x419: {  	v5 =	vld [tilespmem:s28+$0x6850]  }
0x41a: {  	[tilespmem:s28+$0x1A820] =	vst v0;
	v0 =	vadd.f32 v6, v4;
	v4 =	vld [tilespmem:s28+$0x10860]  }
0x41b: {  	v6 =	vld [tilespmem:s28+$0x6860]  }
0x41c: {  	[tilespmem:s28+$0x1A830] =	vst v0;
	v0 =	vadd.f32 v2, v1;
	v1 =	vld [tilespmem:s28+$0x10870]  }
0x41d: {  	v2 =	vld [tilespmem:s28+$0x6870]  }
0x41e: {  	[tilespmem:s28+$0x1A840] =	vst v0;
	v0 =	vadd.f32 v5, v3;
	v3 =	vld [tilespmem:s28+$0x10C00]  }
0x41f: {  	v5 =	vld [tilespmem:s28+$0x6C00]  }
0x420: {  	[tilespmem:s28+$0x1A850] =	vst v0;
	v0 =	vadd.f32 v6, v4;
	v4 =	vld [tilespmem:s28+$0x10C10]  }
0x421: {  	v6 =	vld [tilespmem:s28+$0x6C10]  }
0x422: {  	[tilespmem:s28+$0x1A860] =	vst v0;
	v0 =	vadd.f32 v2, v1;
	v1 =	vld [tilespmem:s28+$0x10C20]  }
0x423: {  	v2 =	vld [tilespmem:s28+$0x6C20]  }
0x424: {  	[tilespmem:s28+$0x1A870] =	vst v0;
	v0 =	vadd.f32 v5, v3;
	v3 =	vld [tilespmem:s28+$0x10C30]  }
0x425: {  	v5 =	vld [tilespmem:s28+$0x6C30]  }
0x426: {  	[tilespmem:s28+$0x1AC00] =	vst v0;
	v0 =	vadd.f32 v6, v4;
	v4 =	vld [tilespmem:s28+$0x10C40]  }
0x427: {  	v6 =	vld [tilespmem:s28+$0x6C40]  }
0x428: {  	[tilespmem:s28+$0x1AC10] =	vst v0;
	v0 =	vadd.f32 v2, v1;
	v1 =	vld [tilespmem:s28+$0x10C50]  }
0x429: {  	v2 =	vld [tilespmem:s28+$0x6C50]  }
0x42a: {  	[tilespmem:s28+$0x1AC20] =	vst v0;
	v0 =	vadd.f32 v5, v3;
	v3 =	vld [tilespmem:s28+$0x10C60]  }
0x42b: {  	v5 =	vld [tilespmem:s28+$0x6C60]  }
0x42c: {  	[tilespmem:s28+$0x1AC30] =	vst v0;
	v0 =	vadd.f32 v6, v4;
	v4 =	vld [tilespmem:s28+$0x10C70]  }
0x42d: {  	v6 =	vld [tilespmem:s28+$0x6C70]  }
0x42e: {  	[tilespmem:s28+$0x1AC40] =	vst v0;
	v0 =	vadd.f32 v2, v1;
	v1 =	vld [tilespmem:s28+$0x11000]  }
0x42f: {  	v2 =	vld [tilespmem:s28+$0x7000]  }
0x430: {  	[tilespmem:s28+$0x1AC50] =	vst v0;
	v0 =	vadd.f32 v5, v3;
	v3 =	vld [tilespmem:s28+$0x11010]  }
0x431: {  	v5 =	vld [tilespmem:s28+$0x7010]  }
0x432: {  	[tilespmem:s28+$0x1AC60] =	vst v0;
	v0 =	vadd.f32 v6, v4;
	v4 =	vld [tilespmem:s28+$0x11020]  }
0x433: {  	v6 =	vld [tilespmem:s28+$0x7020]  }
0x434: {  	[tilespmem:s28+$0x1AC70] =	vst v0;
	v0 =	vadd.f32 v2, v1;
	v1 =	vld [tilespmem:s28+$0x11030]  }
0x435: {  	v2 =	vld [tilespmem:s28+$0x7030]  }
0x436: {  	[tilespmem:s28+$0x1B000] =	vst v0;
	v0 =	vadd.f32 v5, v3;
	v3 =	vld [tilespmem:s28+$0x11040]  }
0x437: {  	v5 =	vld [tilespmem:s28+$0x7040]  }
0x438: {  	[tilespmem:s28+$0x1B010] =	vst v0;
	v0 =	vadd.f32 v6, v4;
	v4 =	vld [tilespmem:s28+$0x11050]  }
0x439: {  	v6 =	vld [tilespmem:s28+$0x7050]  }
0x43a: {  	[tilespmem:s28+$0x1B020] =	vst v0;
	v0 =	vadd.f32 v2, v1;
	v1 =	vld [tilespmem:s28+$0x11060]  }
0x43b: {  	v2 =	vld [tilespmem:s28+$0x7060]  }
0x43c: {  	[tilespmem:s28+$0x1B030] =	vst v0;
	v0 =	vadd.f32 v5, v3;
	v3 =	vld [tilespmem:s28+$0x11070]  }
0x43d: {  	v5 =	vld [tilespmem:s28+$0x7070]  }
0x43e: {  	[tilespmem:s28+$0x1B040] =	vst v0;
	v0 =	vadd.f32 v6, v4;
	v4 =	vld [tilespmem:s28+$0x11400]  }
0x43f: {  	v6 =	vld [tilespmem:s28+$0x7400]  }
0x440: {  	[tilespmem:s28+$0x1B050] =	vst v0;
	v0 =	vadd.f32 v2, v1;
	v1 =	vld [tilespmem:s28+$0x11410]  }
0x441: {  	v2 =	vld [tilespmem:s28+$0x7410]  }
0x442: {  	[tilespmem:s28+$0x1B060] =	vst v0;
	v0 =	vadd.f32 v5, v3;
	v3 =	vld [tilespmem:s28+$0x11420]  }
0x443: {  	v5 =	vld [tilespmem:s28+$0x7420]  }
0x444: {  	[tilespmem:s28+$0x1B070] =	vst v0;
	v0 =	vadd.f32 v6, v4;
	v4 =	vld [tilespmem:s28+$0x11430]  }
0x445: {  	v6 =	vld [tilespmem:s28+$0x7430]  }
0x446: {  	[tilespmem:s28+$0x1B400] =	vst v0;
	v0 =	vadd.f32 v2, v1;
	v1 =	vld [tilespmem:s28+$0x11440]  }
0x447: {  	v2 =	vld [tilespmem:s28+$0x7440]  }
0x448: {  	[tilespmem:s28+$0x1B410] =	vst v0;
	v0 =	vadd.f32 v5, v3;
	v3 =	vld [tilespmem:s28+$0x11450]  }
0x449: {  	v5 =	vld [tilespmem:s28+$0x7450]  }
0x44a: {  	[tilespmem:s28+$0x1B420] =	vst v0;
	v0 =	vadd.f32 v6, v4;
	v4 =	vld [tilespmem:s28+$0x11460]  }
0x44b: {  	v6 =	vld [tilespmem:s28+$0x7460]  }
0x44c: {  	[tilespmem:s28+$0x1B430] =	vst v0;
	v0 =	vadd.f32 v2, v1;
	v1 =	vld [tilespmem:s28+$0x11470]  }
0x44d: {  	v2 =	vld [tilespmem:s28+$0x7470]  }
0x44e: {  	[tilespmem:s28+$0x1B440] =	vst v0;
	v0 =	vadd.f32 v5, v3;
	v3 =	vld [tilespmem:s28+$0x11800]  }
0x44f: {  	v5 =	vld [tilespmem:s28+$0x7800]  }
0x450: {  	[tilespmem:s28+$0x1B450] =	vst v0;
	v0 =	vadd.f32 v6, v4;
	v4 =	vld [tilespmem:s28+$0x11810]  }
0x451: {  	v6 =	vld [tilespmem:s28+$0x7810]  }
0x452: {  	[tilespmem:s28+$0x1B460] =	vst v0;
	v0 =	vadd.f32 v2, v1;
	v1 =	vld [tilespmem:s28+$0x11820]  }
0x453: {  	v2 =	vld [tilespmem:s28+$0x7820]  }
0x454: {  	[tilespmem:s28+$0x1B470] =	vst v0;
	v0 =	vadd.f32 v5, v3;
	v3 =	vld [tilespmem:s28+$0x11830]  }
0x455: {  	v5 =	vld [tilespmem:s28+$0x7830]  }
0x456: {  	[tilespmem:s28+$0x1B800] =	vst v0;
	v0 =	vadd.f32 v6, v4;
	v4 =	vld [tilespmem:s28+$0x11840]  }
0x457: {  	v6 =	vld [tilespmem:s28+$0x7840]  }
0x458: {  	[tilespmem:s28+$0x1B810] =	vst v0;
	v0 =	vadd.f32 v2, v1;
	v1 =	vld [tilespmem:s28+$0x11850]  }
0x459: {  	v2 =	vld [tilespmem:s28+$0x7850]  }
0x45a: {  	[tilespmem:s28+$0x1B820] =	vst v0;
	v0 =	vadd.f32 v5, v3;
	v3 =	vld [tilespmem:s28+$0x11860]  }
0x45b: {  	v5 =	vld [tilespmem:s28+$0x7860]  }
0x45c: {  	[tilespmem:s28+$0x1B830] =	vst v0;
	v0 =	vadd.f32 v6, v4;
	v4 =	vld [tilespmem:s28+$0x11870]  }
0x45d: {  	v6 =	vld [tilespmem:s28+$0x7870]  }
0x45e: {  	[tilespmem:s28+$0x1B840] =	vst v0;
	v0 =	vadd.f32 v2, v1;
	v1 =	vld [tilespmem:s28+$0x11C00]  }
0x45f: {  	v2 =	vld [tilespmem:s28+$0x7C00]  }
0x460: {  	[tilespmem:s28+$0x1B850] =	vst v0;
	v0 =	vadd.f32 v5, v3;
	v3 =	vld [tilespmem:s28+$0x11C10]  }
0x461: {  	v5 =	vld [tilespmem:s28+$0x7C10]  }
0x462: {  	[tilespmem:s28+$0x1B860] =	vst v0;
	v0 =	vadd.f32 v6, v4;
	v4 =	vld [tilespmem:s28+$0x11C20]  }
0x463: {  	v6 =	vld [tilespmem:s28+$0x7C20]  }
0x464: {  	[tilespmem:s28+$0x1B870] =	vst v0;
	v0 =	vadd.f32 v2, v1;
	v1 =	vld [tilespmem:s28+$0x11C30]  }
0x465: {  	v2 =	vld [tilespmem:s28+$0x7C30]  }
0x466: {  	[tilespmem:s28+$0x1BC00] =	vst v0;
	v0 =	vadd.f32 v5, v3;
	v3 =	vld [tilespmem:s28+$0x11C40]  }
0x467: {  	v5 =	vld [tilespmem:s28+$0x7C40]  }
0x468: {  	[tilespmem:s28+$0x1BC10] =	vst v0;
	v0 =	vadd.f32 v6, v4;
	v4 =	vld [tilespmem:s28+$0x11C50]  }
0x469: {  	v6 =	vld [tilespmem:s28+$0x7C50]  }
0x46a: {  	[tilespmem:s28+$0x1BC20] =	vst v0;
	v0 =	vadd.f32 v2, v1;
	v1 =	vld [tilespmem:s28+$0x11C60]  }
0x46b: {  	v2 =	vld [tilespmem:s28+$0x7C60]  }
0x46c: {  	[tilespmem:s28+$0x1BC30] =	vst v0;
	v0 =	vadd.f32 v5, v3;
	v3 =	vld [tilespmem:s28+$0x11C70]  }
0x46d: {  	v5 =	vld [tilespmem:s28+$0x7C70]  }
0x46e: {  	[tilespmem:s28+$0x1BC40] =	vst v0;
	v0 =	vadd.f32 v6, v4;
	v4 =	vld [tilespmem:s28+$0x12000]  }
0x46f: {  	v6 =	vld [tilespmem:s28+$0x8000]  }
0x470: {  	[tilespmem:s28+$0x1BC50] =	vst v0;
	v0 =	vadd.f32 v2, v1;
	v1 =	vld [tilespmem:s28+$0x12010]  }
0x471: {  	v2 =	vld [tilespmem:s28+$0x8010]  }
0x472: {  	[tilespmem:s28+$0x1BC60] =	vst v0;
	v0 =	vadd.f32 v5, v3;
	v3 =	vld [tilespmem:s28+$0x12020]  }
0x473: {  	v5 =	vld [tilespmem:s28+$0x8020]  }
0x474: {  	[tilespmem:s28+$0x1BC70] =	vst v0;
	v0 =	vadd.f32 v6, v4;
	v4 =	vld [tilespmem:s28+$0x12030]  }
0x475: {  	v6 =	vld [tilespmem:s28+$0x8030]  }
0x476: {  	[tilespmem:s28+$0x1C000] =	vst v0;
	v0 =	vadd.f32 v2, v1;
	v1 =	vld [tilespmem:s28+$0x12040]  }
0x477: {  	v2 =	vld [tilespmem:s28+$0x8040]  }
0x478: {  	[tilespmem:s28+$0x1C010] =	vst v0;
	v0 =	vadd.f32 v5, v3;
	v3 =	vld [tilespmem:s28+$0x12050]  }
0x479: {  	v5 =	vld [tilespmem:s28+$0x8050]  }
0x47a: {  	[tilespmem:s28+$0x1C020] =	vst v0;
	v0 =	vadd.f32 v6, v4;
	v4 =	vld [tilespmem:s28+$0x12060]  }
0x47b: {  	v6 =	vld [tilespmem:s28+$0x8060]  }
0x47c: {  	[tilespmem:s28+$0x1C030] =	vst v0;
	v0 =	vadd.f32 v2, v1;
	v1 =	vld [tilespmem:s28+$0x12070]  }
0x47d: {  	v2 =	vld [tilespmem:s28+$0x8070]  }
0x47e: {  	[tilespmem:s28+$0x1C040] =	vst v0;
	v0 =	vadd.f32 v5, v3;
	v3 =	vld [tilespmem:s28+$0x12400]  }
0x47f: {  	v5 =	vld [tilespmem:s28+$0x8400]  }
0x480: {  	[tilespmem:s28+$0x1C050] =	vst v0;
	v0 =	vadd.f32 v6, v4;
	v4 =	vld [tilespmem:s28+$0x12410]  }
0x481: {  	v6 =	vld [tilespmem:s28+$0x8410]  }
0x482: {  	[tilespmem:s28+$0x1C060] =	vst v0;
	v0 =	vadd.f32 v2, v1;
	v1 =	vld [tilespmem:s28+$0x12420]  }
0x483: {  	v2 =	vld [tilespmem:s28+$0x8420]  }
0x484: {  	[tilespmem:s28+$0x1C070] =	vst v0;
	v0 =	vadd.f32 v5, v3;
	v5 =	vld [tilespmem:s28+$0x12430]  }
.Ltmp6:
0x485: {  	v7 =	vld [tilespmem:s28+$0x8430];
	(pc) =	sbr.rel @p0 .LBB2_9-.Ltmp6, $4  }
0x486: {  	[tilespmem:s28+$0x1C400] =	vst v0;
	v0 =	vadd.f32 v6, v4;
	v3 =	vld [tilespmem:s28+$0x12440]  }
0x487: {  	v6 =	vld [tilespmem:s28+$0x8440]  }
0x488: {  	s0 =	sshrl.u32 s30, $0x3;
	[tilespmem:s28+$0x1C410] =	vst v0;
	v9 =	vadd.f32 v2, v1;
	v4 =	vld [tilespmem:s28+$0x12450]  }
0x489: {  	s29 =	sadd.s32 $0x80, s29;
	s30 =	sadd.s32 $0x1, s30;
	s31 =	smul.u32 $0x2800, s0;
	v8 =	vld [tilespmem:s28+$0x8450]  }
0x48a: {  	s0 =	sand.u32 $0x380, s29;
	v0 =	vld [tilespmem:s28+$0x12460];
	v1 =	vadd.f32 v7, v5  }
0x48b: {  	[tilespmem:s28+$0x1C420] =	vst v9;
	v2 =	vld [tilespmem:s28+$0x8460];
	s29 =	sor.u32 s0, s31  }
0x48c: {  	v5 =	vld [tilespmem:s29+$0x12470];
	[tilespmem:s28+$0x1C430] =	vst v1;
	v62 =	vadd.f32 v6, v3  }
0x48d: {  	v3 =	vld [tilespmem:s29+$0x8470]  }
0x48e: {  	v6 =	vld [tilespmem:s29+$0x10000];
	[tilespmem:s28+$0x1C440] =	vst v62;
	v63 =	vadd.f32 v8, v4  }
0x48f: {  	v4 =	vld [tilespmem:s29+$0x6000]  }
0x490: {  	v7 =	vld [tilespmem:s29+$0x10010];
	v0 =	vadd.f32 v2, v0;
	[tilespmem:s28+$0x1C450] =	vst v63  }
0x491: {  	v1 =	vld [tilespmem:s29+$0x6010]  }
0x492: {  	v2 =	vld [tilespmem:s29+$0x10020];
	[tilespmem:s28+$0x1C460] =	vst v0  }
0x493: {  	v0 =	vld [tilespmem:s29+$0x6020]  }
0x494: {  	v8 =	vld [tilespmem:s29+$0x10030]  }
0x495: {  	v9 =	vld [tilespmem:s29+$0x6030]  }
0x496: {  	v10 =	vld [tilespmem:s29+$0x10040]  }
0x497: {  	v11 =	vld [tilespmem:s29+$0x6040]  }
0x498: {  	v12 =	vld [tilespmem:s29+$0x10050]  }
0x499: {  	v13 =	vld [tilespmem:s29+$0x6050]  }
0x49a: {  	v14 =	vld [tilespmem:s29+$0x10060]  }
0x49b: {  	v15 =	vld [tilespmem:s29+$0x6060]  }
0x49c: {  	v16 =	vld [tilespmem:s29+$0x10070]  }
0x49d: {  	v17 =	vld [tilespmem:s29+$0x6070]  }
0x49e: {  	v18 =	vld [tilespmem:s29+$0x10400]  }
0x49f: {  	v19 =	vld [tilespmem:s29+$0x6400]  }
0x4a0: {  	v20 =	vld [tilespmem:s29+$0x10410]  }
0x4a1: {  	v21 =	vld [tilespmem:s29+$0x6410]  }
0x4a2: {  	v22 =	vld [tilespmem:s29+$0x10420]  }
0x4a3: {  	v23 =	vld [tilespmem:s29+$0x6420]  }
0x4a4: {  	v24 =	vld [tilespmem:s29+$0x10430]  }
0x4a5: {  	v25 =	vld [tilespmem:s29+$0x6430]  }
0x4a6: {  	v26 =	vld [tilespmem:s29+$0x10440]  }
0x4a7: {  	v27 =	vld [tilespmem:s29+$0x6440]  }
0x4a8: {  	v28 =	vld [tilespmem:s29+$0x10450]  }
0x4a9: {  	v29 =	vld [tilespmem:s29+$0x6450]  }
0x4aa: {  	v30 =	vld [tilespmem:s29+$0x10460]  }
0x4ab: {  	v31 =	vld [tilespmem:s29+$0x6460]  }
0x4ac: {  	v32 =	vld [tilespmem:s29+$0x10470]  }
0x4ad: {  	v33 =	vld [tilespmem:s29+$0x6470]  }
0x4ae: {  	v34 =	vld [tilespmem:s29+$0x10800]  }
0x4af: {  	v35 =	vld [tilespmem:s29+$0x6800]  }
0x4b0: {  	v36 =	vld [tilespmem:s29+$0x10810]  }
0x4b1: {  	v37 =	vld [tilespmem:s29+$0x6810]  }
0x4b2: {  	v38 =	vld [tilespmem:s29+$0x10820]  }
0x4b3: {  	v39 =	vld [tilespmem:s29+$0x6820]  }
0x4b4: {  	v40 =	vld [tilespmem:s29+$0x10830]  }
0x4b5: {  	v41 =	vld [tilespmem:s29+$0x6830]  }
0x4b6: {  	v42 =	vld [tilespmem:s29+$0x10840]  }
0x4b7: {  	v43 =	vld [tilespmem:s29+$0x6840]  }
0x4b8: {  	v44 =	vld [tilespmem:s29+$0x10850]  }
0x4b9: {  	v45 =	vld [tilespmem:s29+$0x6850]  }
0x4ba: {  	v46 =	vld [tilespmem:s29+$0x10860]  }
0x4bb: {  	v62 =	vld [tilespmem:s29+$0x10C60]  }
0x4bc: {  	v47 =	vld [tilespmem:s29+$0x6860]  }
0x4bd: {  	v48 =	vld [tilespmem:s29+$0x10870]  }
0x4be: {  	v49 =	vld [tilespmem:s29+$0x6870]  }
0x4bf: {  	v50 =	vld [tilespmem:s29+$0x10C00]  }
0x4c0: {  	[tilespmem:$0x1FD10] =	vst v62;
	v62 =	vld [tilespmem:s29+$0x10C70]  }
0x4c1: {  	v51 =	vld [tilespmem:s29+$0x6C00]  }
0x4c2: {  	v52 =	vld [tilespmem:s29+$0x10C10]  }
0x4c3: {  	v53 =	vld [tilespmem:s29+$0x6C10]  }
0x4c4: {  	v54 =	vld [tilespmem:s29+$0x10C20]  }
0x4c5: {  	[tilespmem:$0x1FD20] =	vst v62;
	v62 =	vld [tilespmem:s29+$0x6C70]  }
0x4c6: {  	v55 =	vld [tilespmem:s29+$0x6C20]  }
0x4c7: {  	v56 =	vld [tilespmem:s29+$0x10C30]  }
0x4c8: {  	v57 =	vld [tilespmem:s29+$0x6C30]  }
0x4c9: {  	v58 =	vld [tilespmem:s29+$0x10C40]  }
0x4ca: {  	[tilespmem:$0x1FD30] =	vst v62;
	v62 =	vld [tilespmem:s29+$0x11000]  }
0x4cb: {  	v59 =	vld [tilespmem:s29+$0x6C40]  }
0x4cc: {  	v60 =	vld [tilespmem:s29+$0x10C50]  }
0x4cd: {  	v61 =	vld [tilespmem:s29+$0x6C50]  }
0x4ce: {  	v63 =	vld [tilespmem:s29+$0x6C60]  }
0x4cf: {  	[tilespmem:$0x1FD40] =	vst v62;
	v62 =	vld [tilespmem:s29+$0x7000]  }
0x4d0: {  	v3 =	vadd.f32 v3, v5;
	v5 =	vld [tilespmem:s29+$0x7410]  }
0x4d1: {  	v4 =	vadd.f32 v4, v6;
	v6 =	vld [tilespmem:s29+$0x11420]  }
0x4d2: {  	[tilespmem:s29+$0x1C470] =	vst v3;
	v3 =	vld [tilespmem:s29+$0x7420]  }
0x4d3: {  	[tilespmem:s29+$0x1A000] =	vst v4;
	v4 =	vld [tilespmem:s29+$0x7430]  }
0x4d4: {  	[tilespmem:$0x1FD50] =	vst v62;
	v62 =	vld [tilespmem:s29+$0x11010]  }
0x4d5: {  	v1 =	vadd.f32 v1, v7;
	v7 =	vld [tilespmem:s29+$0x11440]  }
0x4d6: {  	v0 =	vadd.f32 v0, v2;
	v2 =	vld [tilespmem:s29+$0x11430]  }
0x4d7: {  	v9 =	vadd.f32 v9, v8;
	v8 =	vld [tilespmem:s29+$0x7440]  }
0x4d8: {  	v13 =	vadd.f32 v13, v12;
	v12 =	vld [tilespmem:s29+$0x7460]  }
0x4d9: {  	v15 =	vadd.f32 v15, v14;
	v16 =	vadd.f32 v17, v16;
	[tilespmem:$0x1FD60] =	vst v62;
	v62 =	vld [tilespmem:s29+$0x7010]  }
0x4da: {  	v17 =	vadd.f32 v19, v18;
	v18 =	vadd.f32 v21, v20;
	v14 =	vld [tilespmem:s29+$0x7470]  }
0x4db: {  	v21 =	vadd.f32 v27, v26;
	v27 =	vadd.f32 v39, v38;
	v39 =	vld [tilespmem:$0x1FD10]  }
0x4dc: {  	[tilespmem:s29+$0x1A030] =	vst v9;
	v9 =	vld [tilespmem:s29+$0x11450]  }
0x4dd: {  	[tilespmem:s29+$0x1A050] =	vst v13;
	v13 =	vld [tilespmem:s29+$0x11470]  }
0x4de: {  	[tilespmem:$0x1FD70] =	vst v62;
	v62 =	vld [tilespmem:s29+$0x11020]  }
0x4df: {  	[tilespmem:s29+$0x1A060] =	vst v15;
	v15 =	vld [tilespmem:s29+$0x11800]  }
0x4e0: {  	[tilespmem:s29+$0x1A070] =	vst v16;
	v16 =	vld [tilespmem:s29+$0x7800]  }
0x4e1: {  	[tilespmem:s29+$0x1A400] =	vst v17;
	v17 =	vld [tilespmem:s29+$0x11810]  }
0x4e2: {  	v19 =	vadd.f32 v23, v22;
	[tilespmem:s29+$0x1A410] =	vst v18;
	v18 =	vld [tilespmem:s29+$0x7810]  }
0x4e3: {  	v20 =	vadd.f32 v25, v24;
	[tilespmem:$0x1FD80] =	vst v62;
	v62 =	vld [tilespmem:s29+$0x7020]  }
0x4e4: {  	[tilespmem:s29+$0x1A420] =	vst v19;
	v19 =	vld [tilespmem:s29+$0x11820]  }
0x4e5: {  	v22 =	vadd.f32 v29, v28;
	[tilespmem:s29+$0x1A430] =	vst v20;
	v20 =	vld [tilespmem:s29+$0x7820]  }
0x4e6: {  	[tilespmem:s29+$0x1A440] =	vst v21;
	v21 =	vld [tilespmem:s29+$0x11830]  }
0x4e7: {  	v23 =	vadd.f32 v31, v30;
	[tilespmem:s29+$0x1A450] =	vst v22;
	v22 =	vld [tilespmem:s29+$0x7830]  }
0x4e8: {  	v24 =	vadd.f32 v33, v32;
	[tilespmem:$0x1FD90] =	vst v62;
	v62 =	vld [tilespmem:s29+$0x11030]  }
0x4e9: {  	v25 =	vadd.f32 v35, v34;
	[tilespmem:s29+$0x1A460] =	vst v23;
	v23 =	vld [tilespmem:s29+$0x11840]  }
0x4ea: {  	v26 =	vadd.f32 v37, v36;
	[tilespmem:s29+$0x1A470] =	vst v24;
	v24 =	vld [tilespmem:s29+$0x7840]  }
0x4eb: {  	[tilespmem:s29+$0x1A800] =	vst v25;
	v25 =	vld [tilespmem:s29+$0x11850]  }
0x4ec: {  	[tilespmem:s29+$0x1A810] =	vst v26;
	v26 =	vld [tilespmem:s29+$0x7850]  }
0x4ed: {  	v28 =	vadd.f32 v41, v40;
	[tilespmem:$0x1FDA0] =	vst v62;
	v62 =	vld [tilespmem:s29+$0x7030]  }
0x4ee: {  	v29 =	vadd.f32 v43, v42;
	[tilespmem:s29+$0x1A820] =	vst v27;
	v27 =	vld [tilespmem:s29+$0x11860]  }
0x4ef: {  	v30 =	vadd.f32 v45, v44;
	[tilespmem:s29+$0x1A830] =	vst v28;
	v28 =	vld [tilespmem:s29+$0x7860]  }
0x4f0: {  	[tilespmem:s29+$0x1A840] =	vst v29;
	v29 =	vld [tilespmem:s29+$0x11870]  }
0x4f1: {  	v31 =	vadd.f32 v47, v46;
	[tilespmem:s29+$0x1A850] =	vst v30;
	v30 =	vld [tilespmem:s29+$0x7870]  }
0x4f2: {  	v32 =	vadd.f32 v49, v48;
	[tilespmem:$0x1FDB0] =	vst v62;
	v62 =	vld [tilespmem:s29+$0x11040]  }
0x4f3: {  	v33 =	vadd.f32 v51, v50;
	[tilespmem:s29+$0x1A860] =	vst v31;
	v31 =	vld [tilespmem:s29+$0x11C00]  }
0x4f4: {  	v34 =	vadd.f32 v53, v52;
	[tilespmem:s29+$0x1A870] =	vst v32;
	v32 =	vld [tilespmem:s29+$0x7C00]  }
0x4f5: {  	[tilespmem:s29+$0x1AC00] =	vst v33;
	v33 =	vld [tilespmem:s29+$0x11C10]  }
0x4f6: {  	v35 =	vadd.f32 v55, v54;
	[tilespmem:s29+$0x1AC10] =	vst v34;
	v34 =	vld [tilespmem:s29+$0x7C10]  }
0x4f7: {  	v36 =	vadd.f32 v57, v56;
	[tilespmem:$0x1FDC0] =	vst v62;
	v62 =	vld [tilespmem:s29+$0x7040]  }
0x4f8: {  	v37 =	vadd.f32 v59, v58;
	[tilespmem:s29+$0x1AC20] =	vst v35;
	v35 =	vld [tilespmem:s29+$0x11C20]  }
0x4f9: {  	v38 =	vadd.f32 v61, v60;
	[tilespmem:s29+$0x1AC30] =	vst v36;
	v36 =	vld [tilespmem:s29+$0x7C20]  }
0x4fa: {  	[tilespmem:s29+$0x1AC40] =	vst v37;
	v37 =	vld [tilespmem:s29+$0x11C30]  }
0x4fb: {  	[tilespmem:s29+$0x1AC50] =	vst v38;
	v38 =	vld [tilespmem:s29+$0x7C30]  }
0x4fc: {  	[tilespmem:$0x1FDD0] =	vst v62;
	v62 =	vld [tilespmem:s29+$0x11050]  }
0x4fd: {  	v61 =	vadd.f32 v3, v6;
	v3 =	vld [tilespmem:s29+$0x11C70]  }
0x4fe: {  	v6 =	vld [tilespmem:s29+$0x8000]  }
0x4ff: {  	[tilespmem:s29+$0x1B420] =	vst v61;
	v61 =	vld [tilespmem:s29+$0x12050]  }
0x500: {  	v40 =	vld [tilespmem:$0x1FD20]  }
0x501: {  	[tilespmem:$0x1FDE0] =	vst v62;
	v62 =	vld [tilespmem:s29+$0x7050]  }
0x502: {  	[tilespmem:s29+$0x1A020] =	vst v0;
	v0 =	vadd.f32 v63, v39;
	v63 =	vadd.f32 v8, v7;
	v41 =	vld [tilespmem:$0x1FD30]  }
0x503: {  	v39 =	vld [tilespmem:s29+$0x11C40]  }
0x504: {  	[tilespmem:s29+$0x1B440] =	vst v63;
	v63 =	vld [tilespmem:s29+$0x8050]  }
0x505: {  	v42 =	vld [tilespmem:$0x1FD40]  }
0x506: {  	[tilespmem:$0x1FDF0] =	vst v62;
	v62 =	vld [tilespmem:s29+$0x11060]  }
0x507: {  	[tilespmem:s29+$0x1A010] =	vst v1;
	v1 =	vadd.f32 v41, v40;
	v40 =	vld [tilespmem:s29+$0x7C40]  }
0x508: {  	v43 =	vld [tilespmem:$0x1FD50]  }
0x509: {  	v41 =	vld [tilespmem:s29+$0x11C50]  }
0x50a: {  	v44 =	vld [tilespmem:$0x1FD60]  }
0x50b: {  	[tilespmem:$0x1FE00] =	vst v62;
	v62 =	vld [tilespmem:s29+$0x7060]  }
0x50c: {  	v45 =	vld [tilespmem:$0x1FD70]  }
0x50d: {  	[tilespmem:s29+$0x1AC60] =	vst v0;
	v0 =	vadd.f32 v43, v42;
	v42 =	vld [tilespmem:s29+$0x7C50]  }
0x50e: {  	v43 =	vld [tilespmem:s29+$0x11C60]  }
0x50f: {  	v46 =	vld [tilespmem:$0x1FD80]  }
0x510: {  	[tilespmem:$0x1FE10] =	vst v62;
	v62 =	vld [tilespmem:s29+$0x11070]  }
0x511: {  	[tilespmem:s29+$0x1AC70] =	vst v1;
	v1 =	vadd.f32 v45, v44;
	v45 =	vld [tilespmem:s29+$0x12010]  }
0x512: {  	v47 =	vld [tilespmem:$0x1FD90]  }
0x513: {  	v48 =	vld [tilespmem:$0x1FDA0]  }
0x514: {  	v49 =	vld [tilespmem:$0x1FDB0]  }
0x515: {  	[tilespmem:$0x1FE20] =	vst v62;
	v62 =	vld [tilespmem:s29+$0x7070]  }
0x516: {  	v50 =	vld [tilespmem:$0x1FDC0]  }
0x517: {  	[tilespmem:s29+$0x1B000] =	vst v0;
	v0 =	vadd.f32 v47, v46;
	v51 =	vld [tilespmem:$0x1FDD0]  }
0x518: {  	[tilespmem:s29+$0x1B010] =	vst v1;
	v52 =	vld [tilespmem:$0x1FDE0]  }
0x519: {  	v46 =	vadd.f32 v14, v13;
	[tilespmem:s29+$0x1B020] =	vst v0;
	v53 =	vld [tilespmem:$0x1FDF0]  }
0x51a: {  	v1 =	vadd.f32 v49, v48;
	[tilespmem:$0x1FE30] =	vst v62;
	v62 =	vld [tilespmem:s29+$0x11400]  }
0x51b: {  	[tilespmem:s29+$0x1B470] =	vst v46;
	v48 =	vadd.f32 v16, v15;
	v54 =	vld [tilespmem:$0x1FE00]  }
0x51c: {  	[tilespmem:s29+$0x1B030] =	vst v1;
	v0 =	vadd.f32 v51, v50;
	v55 =	vld [tilespmem:$0x1FE10]  }
0x51d: {  	[tilespmem:s29+$0x1B800] =	vst v48;
	v56 =	vld [tilespmem:$0x1FE20]  }
0x51e: {  	v50 =	vadd.f32 v18, v17;
	[tilespmem:s29+$0x1B040] =	vst v0;
	v57 =	vld [tilespmem:$0x1FE30]  }
0x51f: {  	v1 =	vadd.f32 v53, v52;
	[tilespmem:$0x1FE40] =	vst v62;
	v62 =	vld [tilespmem:s29+$0x7400]  }
0x520: {  	v47 =	vld [tilespmem:s29+$0x8010];
	[tilespmem:s29+$0x1B810] =	vst v50;
	v52 =	vadd.f32 v20, v19  }
0x521: {  	v46 =	vld [tilespmem:s29+$0x8430];
	[tilespmem:s29+$0x1B050] =	vst v1;
	v0 =	vadd.f32 v55, v54  }
0x522: {  	v49 =	vld [tilespmem:s29+$0x12020];
	[tilespmem:s29+$0x1B820] =	vst v52  }
0x523: {  	v54 =	vadd.f32 v22, v21;
	[tilespmem:s29+$0x1B060] =	vst v0;
	v58 =	vld [tilespmem:$0x1FE40]  }
0x524: {  	v1 =	vadd.f32 v57, v56;
	[tilespmem:$0x1FE50] =	vst v62;
	v62 =	vld [tilespmem:s29+$0x11410]  }
0x525: {  	[tilespmem:s29+$0x1B830] =	vst v54;
	v56 =	vadd.f32 v24, v23;
	v59 =	vld [tilespmem:$0x1FE50]  }
0x526: {  	v48 =	vld [tilespmem:s29+$0x12440];
	v23 =	vadd.f32 v32, v31;
	[tilespmem:s29+$0x1B070] =	vst v1  }
0x527: {  	v51 =	vld [tilespmem:s29+$0x8020];
	[tilespmem:s29+$0x1B840] =	vst v56  }
0x528: {  	v50 =	vld [tilespmem:s29+$0x8440];
	v31 =	vadd.f32 v40, v39;
	[tilespmem:s29+$0x1BC00] =	vst v23  }
0x529: {  	v53 =	vld [tilespmem:s29+$0x12030];
	[tilespmem:$0x1FE60] =	vst v62;
	v62 =	vadd.f32 v11, v10  }
0x52a: {  	v52 =	vld [tilespmem:s29+$0x12450];
	[tilespmem:s29+$0x1BC40] =	vst v31;
	v0 =	vadd.f32 v59, v58  }
0x52b: {  	v55 =	vld [tilespmem:s29+$0x8030];
	v58 =	vadd.f32 v26, v25;
	[tilespmem:s29+$0x1A040] =	vst v62  }
0x52c: {  	v54 =	vld [tilespmem:s29+$0x8450];
	v25 =	vadd.f32 v34, v33;
	[tilespmem:s29+$0x1B400] =	vst v0  }
0x52d: {  	v57 =	vld [tilespmem:s29+$0x12040];
	v33 =	vadd.f32 v42, v41;
	[tilespmem:s29+$0x1B850] =	vst v58  }
0x52e: {  	v10 =	vld [tilespmem:s29+$0x7450];
	v41 =	vadd.f32 v47, v45;
	[tilespmem:s29+$0x1BC10] =	vst v25  }
0x52f: {  	v11 =	vld [tilespmem:s29+$0x11460];
	v62 =	vadd.f32 v4, v2;
	[tilespmem:s29+$0x1BC50] =	vst v33  }
0x530: {  	v60 =	vld [tilespmem:$0x1FE60];
	v45 =	vadd.f32 v55, v53;
	[tilespmem:s29+$0x1C010] =	vst v41  }
0x531: {  	v32 =	vld [tilespmem:s29+$0x12400];
	[tilespmem:s29+$0x1B430] =	vst v62;
	v62 =	vadd.f32 v30, v29  }
0x532: {  	v40 =	vld [tilespmem:s29+$0x12420];
	[tilespmem:s29+$0x1C030] =	vst v45;
	v29 =	vadd.f32 v38, v37  }
0x533: {  	v59 =	vld [tilespmem:s29+$0x8040];
	v10 =	vadd.f32 v10, v9;
	[tilespmem:s29+$0x1B870] =	vst v62  }
0x534: {  	v34 =	vld [tilespmem:s29+$0x8400];
	v44 =	vadd.f32 v12, v11;
	[tilespmem:s29+$0x1BC30] =	vst v29  }
0x535: {  	v42 =	vld [tilespmem:s29+$0x8420];
	v1 =	vadd.f32 v5, v60;
	[tilespmem:s29+$0x1B450] =	vst v10  }
0x536: {  	v24 =	vld [tilespmem:s29+$0x12060];
	v60 =	vadd.f32 v28, v27;
	[tilespmem:s29+$0x1B460] =	vst v44  }
0x537: {  	v2 =	vld [tilespmem:s29+$0x7C70];
	v27 =	vadd.f32 v36, v35;
	[tilespmem:s29+$0x1B410] =	vst v1  }
0x538: {  	v4 =	vld [tilespmem:s29+$0x12000];
	v47 =	vadd.f32 v59, v57;
	[tilespmem:s29+$0x1B860] =	vst v60  }
0x539: {  	v5 =	vld [tilespmem:s29+$0x7C60];
	v55 =	vadd.f32 v34, v32;
	[tilespmem:s29+$0x1BC20] =	vst v27  }
0x53a: {  	v26 =	vld [tilespmem:s29+$0x8060];
	v59 =	vadd.f32 v42, v40;
	[tilespmem:s29+$0x1C040] =	vst v47  }
0x53b: {  	v30 =	vld [tilespmem:s29+$0x8070];
	v62 =	vadd.f32 v54, v52;
	[tilespmem:s29+$0x1C400] =	vst v55  }
0x53c: {  	v38 =	vld [tilespmem:s29+$0x8410];
	v37 =	vadd.f32 v2, v3;
	[tilespmem:s29+$0x1C420] =	vst v59  }
0x53d: {  	v28 =	vld [tilespmem:s29+$0x12070];
	v39 =	vadd.f32 v6, v4;
	[tilespmem:s29+$0x1C450] =	vst v62  }
0x53e: {  	v36 =	vld [tilespmem:s29+$0x12410];
	[tilespmem:s29+$0x1BC70] =	vst v37;
	v35 =	vadd.f32 v5, v43  }
0x53f: {  	v56 =	vld [tilespmem:s29+$0x12460];
	[tilespmem:s29+$0x1C000] =	vst v39;
	v43 =	vadd.f32 v51, v49  }
0x540: {  	v58 =	vld [tilespmem:s29+$0x8460];
	v49 =	vadd.f32 v63, v61;
	[tilespmem:s29+$0x1BC60] =	vst v35  }
0x541: {  	v44 =	vld [tilespmem:s29+$0x12430];
	v51 =	vadd.f32 v26, v24;
	[tilespmem:s29+$0x1C020] =	vst v43  }
0x542: {  	v53 =	vadd.f32 v30, v28;
	[tilespmem:s29+$0x1C050] =	vst v49  }
0x543: {  	v57 =	vadd.f32 v38, v36;
	[tilespmem:s29+$0x1C060] =	vst v51  }
0x544: {  	p0 =	seq.s32 s25, $0x1F;
	v61 =	vadd.f32 v50, v48;
	[tilespmem:s29+$0x1C070] =	vst v53  }
.Ltmp7:
0x545: {  	v63 =	vadd.f32 v58, v56;
	[tilespmem:s29+$0x1C410] =	vst v57;
	(pc) =	sbr.rel @p0 .LBB2_12-.Ltmp7, $4  }
0x546: {  	s31 =	sadd.s32 s26, s17;
	v60 =	vadd.f32 v46, v44;
	[tilespmem:s29+$0x1C440] =	vst v61  }
0x547: {  	s0 =	sshrl.u32 s31, $0x3;
	[tilespmem:s29+$0x1C460] =	vst v63  }
0x548: {  	s0 =	sadd.s32 s3, s0;
	[tilespmem:s29+$0x1C430] =	vst v60  }
0x549: {  	[hbm4b:s0+s4] =	stream.linear.scatter [tilespmem:s24], [sflag:$0x4], $0x5000, $0x38;
	[tilespmem:$0x1F000] =	vst v63  }
0x54a: {  	s0 =	sshll.u32 s25, $0x7  }
0x54b: {  	s0 =	sand.u32 $0x3FFFFF80, s0  }
0x54c: {  	v0 =	vld [tilespmem:s0+$0x90];
	_ =	sdelay $0x3  }
0x54d: {  	v63 =	vld [tilespmem:$0x1FFD0]  }
0x54e: {  	v1 =	vshrl.u32 v0, $0x3  }
0x54f: {  	v2 =	vld [tilespmem:$0x1FFE0];
	v1 =	vmul.u32 $0x50, v1  }
0x550: {  	v0 =	vand.u32 $0x7, v0  }
0x551: {  	v0 =	vor.u32 v0, v1  }
0x552: {  	v1 =	vperm.xlane v0, v63;
	_ =	sdelay $0x1  }
0x553: {  	v1 =	vadd.s32 v2, v1;
	_ =	sdelay $0x2  }
0x554: {  	v3 =	vld [tilespmem:$0x1FFF0]  }
0x555: {  	s31 =	simm.s32 $0x10000  }
0x556: {  	[tilespmem:s31], [sflag:$0x2] =	stream.indirect_vreg.gather [hbm4b:s2+s4], $0x80, v1, vm0, $0xb8;
	[tilespmem:$0x1F000] =	vst v63  }
0x557: {  	_ = 	snop  }
0x558: {  	[tilespmem:s1], [sflag:$0x2] =	stream.indirect_vreg.gather [hbm4b:s13+s4], $0x80, v1, vm0, $0xb8;
	[tilespmem:$0x1F000] =	vst v63  }
0x559: {  	v0 =	vperm.xlane v0, v3  }
0x55a: {  	[tilespmem:s6], [sflag:$0x2] =	stream.indirect_vreg.gather [hbm4b:s14+s4], $0x80, v1, vm0, $0xb8;
	[tilespmem:$0x1F000] =	vst v63  }
0x55b: {  	v0 =	vadd.s32 v2, v0  }
0x55c: {  	[tilespmem:s7], [sflag:$0x2] =	stream.indirect_vreg.gather [hbm4b:s15+s4], $0x80, v1, vm0, $0xb8;
	[tilespmem:$0x1F000] =	vst v63  }
0x55d: {  	_ = 	snop  }
0x55e: {  	[tilespmem:s8], [sflag:$0x2] =	stream.indirect_vreg.gather [hbm4b:s16+s4], $0x80, v1, vm0, $0xb8;
	[tilespmem:$0x1F000] =	vst v63  }
0x55f: {  	_ = 	snop  }
0x560: {  	[tilespmem:s9], [sflag:$0x2] =	stream.indirect_vreg.gather [hbm4b:s2+s4], $0x80, v0, vm0, $0xb8;
	[tilespmem:$0x1F000] =	vst v63  }
0x561: {  	_ = 	snop  }
0x562: {  	[tilespmem:s10], [sflag:$0x2] =	stream.indirect_vreg.gather [hbm4b:s13+s4], $0x80, v0, vm0, $0xb8;
	[tilespmem:$0x1F000] =	vst v63  }
0x563: {  	_ = 	snop  }
0x564: {  	[tilespmem:s11], [sflag:$0x2] =	stream.indirect_vreg.gather [hbm4b:s14+s4], $0x80, v0, vm0, $0xb8;
	[tilespmem:$0x1F000] =	vst v63  }
.Ltmp8:
0x565: {  	_ = 	snop;
	(pc) =	sbr.rel .LBB2_2-.Ltmp8, $4  }
0x566: {  	_ = 	snop  }
0x567: {  	[tilespmem:s12], [sflag:$0x2] =	stream.indirect_vreg.gather [hbm4b:s15+s4], $0x80, v0, vm0, $0xb8;
	[tilespmem:$0x1F000] =	vst v63  }
0x568: {  	s25 =	sadd.s32 $0x1, s25  }
0x569: {  	[tilespmem:s5], [sflag:$0x2] =	stream.indirect_vreg.gather [hbm4b:s16+s4], $0x80, v0, vm0, $0xb8;
	[tilespmem:$0x1F000] =	vst v63  }
.LBB2_13:
0x56a: {  	_ =	sfence.sel $0x180000  }
0x56b: {  	[bflag:$0x0] =	sbarrier.arrive $0xFFFF  }
0x56c: {  	_ =	strace $0x90000047  }
0x56d: {  	s0 =	stileid.u32;
	[bflag:$0x2] =	sbarrier.arrive $0xFFFF  }
0x56e: {  	p0 =	sne.s32 s0, $0x0;
	s0 =	rddreg [dreg:$0x4]  }
0x56f: {  	s0 =	sadd.s32 @!p0 $0x100000, s0  }
0x570: {  	[sflag:s0] =	ssyncadd.tile.s32 @!p0 $0x1;
	_ =	shalt  }
.Lfunc_end2:
_tile_overlayer_lowered:
.L_overlay_start_2:
0x571: {  	(tag) =	ssettag $0x2  }
0x572: {  	s0 =	rddreg [dreg:$0x0];
	s2 =	stileid.u32  }
0x573: {  	s1 =	rddreg [dreg:$0x1];
	p0 =	sne.s32 s2, $0x0  }
0x574: {  	s3 =	rddreg [dreg:$0x2];
	[bflag:$0x3] =	sbarrier.arrive $0xFFFF;
	s2 =	simm.s32 @!p0 $0x1C06  }
0x575: {  	[timem:s3], [sflag:s2] =	dma.local @!p0 [hbm:s0], s1  }
0x576: {  	s0 =	simm.s32 @!p0 $0x6  }
0x577: {  	_ =	swait.ge @!p0 [sflag:s0], s1  }
0x578: {  	s1 =	ssub.s32 @!p0 $0x0, s1;
	[sflag:s0] =	ssyncset.done @!p0 $0x0  }
0x579: {  	[sflag:s0] =	ssyncadd.s32 @!p0 s1  }
0x57a: {  	[bflag:$0x3] =	sbarrier.arrive $0xFFFF  }
0x57b: {  	_ =	shalt  }

</sc_bundles>
